<compile_context>
chip_gen: v7x
topology: tpu7x:2x2x1
jax: 0.10.2.dev20260603
libtpu: 0.0.44.dev20260713+nightly
codegen_flags: <defaults>
</compile_context>

<pallas_src>
import jax
import jax.numpy as jnp
from jax import lax
from jax.experimental import pallas as pl
from jax.experimental.pallas import tpu as pltpu
from jax.experimental.pallas import tpu_sc as plsc

N = 10000
D = 128
E = 320000

NC = 2
NS = 16
NW = NC * NS

CHUNK = 128
CHUNKS_PER_TILE = 80
E_PAD = NW * CHUNKS_PER_TILE * CHUNK
N_PAD = 10112
ROWS_ZERO = N_PAD // NS
ROWS_OUT = ROWS_ZERO
DEG_W = 128

_MESH = plsc.VectorSubcoreMesh(core_axis_name="c", subcore_axis_name="s")



DEG_K = 8


def _sc_degree_body(dst_hbm, ones_hbm, zeros_hbm, out_hbm, dst_v, ones_v,
                    acc_sh, dsem):
    c = lax.axis_index("c")
    s = lax.axis_index("s")
    wid = c * NS + s
    pltpu.sync_copy(zeros_hbm, acc_sh.at[pl.ds(s * ROWS_ZERO, ROWS_ZERO)])
    pltpu.sync_copy(ones_hbm, ones_v)
    pltpu.sync_copy(dst_hbm.at[pl.ds(wid * CHUNKS_PER_TILE, CHUNKS_PER_TILE)], dst_v)
    plsc.subcore_barrier()

    for b in range(DEG_K):
        pltpu.async_copy(ones_v, acc_sh.at[dst_v.at[b]], dsem.at[b], add=True)

    def body(j0, carry):
        for b in range(DEG_K):
            j = j0 * DEG_K + b
            pltpu.make_async_copy(ones_v, acc_sh.at[dst_v.at[j]],
                                  dsem.at[b]).wait()
            pltpu.async_copy(ones_v, acc_sh.at[dst_v.at[j + DEG_K]],
                             dsem.at[b], add=True)
        return carry

    lax.fori_loop(0, CHUNKS_PER_TILE // DEG_K - 1, body, 0)
    for b in range(DEG_K):
        j = CHUNKS_PER_TILE - DEG_K + b
        pltpu.make_async_copy(ones_v, acc_sh.at[dst_v.at[j]], dsem.at[b]).wait()
    plsc.subcore_barrier()
    pltpu.sync_copy(acc_sh.at[pl.ds(s * ROWS_OUT, ROWS_OUT)],
                    out_hbm.at[c, pl.ds(s * ROWS_OUT, ROWS_OUT)])


NBUF = 2
NSPLIT = 2
SUB = CHUNK // NSPLIT
HALF = CHUNKS_PER_TILE // 2
RING_STEPS = HALF // NBUF


def _issue_gathers(z_hbm, src_v, bufs_v, gsem, j, b):
    for h in range(NSPLIT):
        pltpu.async_copy(z_hbm.at[src_v.at[j, pl.ds(h * SUB, SUB)]],
                         bufs_v.at[b, pl.ds(h * SUB, SUB)], gsem.at[b, h])


def _wait_gathers(z_hbm, src_v, bufs_v, gsem, j, b):
    for h in range(NSPLIT):
        pltpu.make_async_copy(z_hbm.at[src_v.at[j, pl.ds(h * SUB, SUB)]],
                              bufs_v.at[b, pl.ds(h * SUB, SUB)],
                              gsem.at[b, h]).wait()


def _ring_phase(z_hbm, acc_sh, src_v, dst_v, bufs_v, gsem, ssem):
    for b in range(NBUF):
        _issue_gathers(z_hbm, src_v, bufs_v, gsem, b, b)

    def body(j0, carry):
        for b in range(NBUF):
            j = j0 * NBUF + b
            _wait_gathers(z_hbm, src_v, bufs_v, gsem, j, b)
            pltpu.async_copy(bufs_v.at[b], acc_sh.at[dst_v.at[j]], ssem.at[b],
                             add=True)
            pltpu.make_async_copy(bufs_v.at[b], acc_sh.at[dst_v.at[j]],
                                  ssem.at[b]).wait()
            _issue_gathers(z_hbm, src_v, bufs_v, gsem, j + NBUF, b)
        return carry

    lax.fori_loop(0, RING_STEPS - 1, body, 0)
    for b in range(NBUF):
        j = (RING_STEPS - 1) * NBUF + b
        _wait_gathers(z_hbm, src_v, bufs_v, gsem, j, b)
        pltpu.async_copy(bufs_v.at[b], acc_sh.at[dst_v.at[j]], ssem.at[b],
                         add=True)
    for b in range(NBUF):
        j = (RING_STEPS - 1) * NBUF + b
        pltpu.make_async_copy(bufs_v.at[b], acc_sh.at[dst_v.at[j]],
                              ssem.at[b]).wait()


def _sc_scatter_body(z_hbm, src_hbm, dst_hbm, zeros_hbm, out_hbm,
                     src_v, dst_v, bufs_v, acc_sh, gsem, ssem):
    c = lax.axis_index("c")
    s = lax.axis_index("s")
    wid = c * NS + s
    pltpu.sync_copy(zeros_hbm, acc_sh.at[pl.ds(s * ROWS_ZERO, ROWS_ZERO)])
    base = wid * CHUNKS_PER_TILE
    pltpu.sync_copy(src_hbm.at[pl.ds(base, HALF)], src_v)
    pltpu.sync_copy(dst_hbm.at[pl.ds(base, HALF)], dst_v)
    plsc.subcore_barrier()
    _ring_phase(z_hbm, acc_sh, src_v, dst_v, bufs_v, gsem, ssem)
    pltpu.sync_copy(src_hbm.at[pl.ds(base + HALF, HALF)], src_v)
    pltpu.sync_copy(dst_hbm.at[pl.ds(base + HALF, HALF)], dst_v)
    _ring_phase(z_hbm, acc_sh, src_v, dst_v, bufs_v, gsem, ssem)
    plsc.subcore_barrier()
    pltpu.sync_copy(acc_sh.at[pl.ds(s * ROWS_OUT, ROWS_OUT)],
                    out_hbm.at[c, pl.ds(s * ROWS_OUT, ROWS_OUT)])


_sc_degree = pl.kernel(
    _sc_degree_body,
    out_type=jax.ShapeDtypeStruct((NC, N_PAD, DEG_W), jnp.float32),
    mesh=_MESH,
    scratch_types=[
        pltpu.VMEM((CHUNKS_PER_TILE, CHUNK), jnp.int32),
        pltpu.VMEM((CHUNK, DEG_W), jnp.float32),
        pltpu.VMEM_SHARED((N_PAD, DEG_W), jnp.float32),
        pltpu.SemaphoreType.DMA((DEG_K,)),
    ],
)

_sc_scatter = pl.kernel(
    _sc_scatter_body,
    out_type=jax.ShapeDtypeStruct((NC, N_PAD, D), jnp.float32),
    mesh=_MESH,
    scratch_types=[
        pltpu.VMEM((HALF, CHUNK), jnp.int32),
        pltpu.VMEM((HALF, CHUNK), jnp.int32),
        pltpu.VMEM((NBUF, CHUNK, D), jnp.float32),
        pltpu.VMEM_SHARED((N_PAD, D), jnp.float32),
        pltpu.SemaphoreType.DMA((NBUF, NSPLIT)),
        pltpu.SemaphoreType.DMA((NBUF,)),
    ],
)



BM = 2000
GRID = N // BM


def _tc1_body(deg_ref, x_ref, w_ref, z_ref, dis_ref):
    deg = deg_ref[0, :, 0:1] + deg_ref[1, :, 0:1] + 1.0
    dis = lax.rsqrt(deg)
    xw = jnp.dot(x_ref[...], w_ref[...], preferred_element_type=jnp.float32)
    z_ref[...] = dis * xw
    dis_ref[...] = dis


def _tc2_body(p_ref, z_ref, dis_ref, b_ref, w_ref, z2_ref):
    agg = p_ref[0] + p_ref[1] + z_ref[...]
    h = jnp.maximum(dis_ref[...] * agg + b_ref[...], 0.0)
    z2_ref[...] = dis_ref[...] * jnp.dot(h, w_ref[...],
                                         preferred_element_type=jnp.float32)


def _tc3_body(p_ref, z_ref, dis_ref, b_ref, out_ref):
    agg = p_ref[0] + p_ref[1] + z_ref[...]
    out_ref[...] = jnp.maximum(dis_ref[...] * agg + b_ref[...], 0.0)


_tc1 = pl.pallas_call(
    _tc1_body,
    grid=(GRID,),
    in_specs=[
        pl.BlockSpec((NC, BM, DEG_W), lambda i: (0, i, 0)),
        pl.BlockSpec((BM, D), lambda i: (i, 0)),
        pl.BlockSpec((D, D), lambda i: (0, 0)),
    ],
    out_specs=[
        pl.BlockSpec((BM, D), lambda i: (i, 0)),
        pl.BlockSpec((BM, 1), lambda i: (i, 0)),
    ],
    out_shape=[
        jax.ShapeDtypeStruct((N, D), jnp.float32),
        jax.ShapeDtypeStruct((N, 1), jnp.float32),
    ],
)

_tc2 = pl.pallas_call(
    _tc2_body,
    grid=(GRID,),
    in_specs=[
        pl.BlockSpec((NC, BM, D), lambda i: (0, i, 0)),
        pl.BlockSpec((BM, D), lambda i: (i, 0)),
        pl.BlockSpec((BM, 1), lambda i: (i, 0)),
        pl.BlockSpec((1, D), lambda i: (0, 0)),
        pl.BlockSpec((D, D), lambda i: (0, 0)),
    ],
    out_specs=pl.BlockSpec((BM, D), lambda i: (i, 0)),
    out_shape=jax.ShapeDtypeStruct((N, D), jnp.float32),
)

_tc3 = pl.pallas_call(
    _tc3_body,
    grid=(GRID,),
    in_specs=[
        pl.BlockSpec((NC, BM, D), lambda i: (0, i, 0)),
        pl.BlockSpec((BM, D), lambda i: (i, 0)),
        pl.BlockSpec((BM, 1), lambda i: (i, 0)),
        pl.BlockSpec((1, D), lambda i: (0, 0)),
    ],
    out_specs=pl.BlockSpec((BM, D), lambda i: (i, 0)),
    out_shape=jax.ShapeDtypeStruct((N, D), jnp.float32),
)


def kernel(x, edge_index, W1, b1, W2, b2):
    src = edge_index[0].astype(jnp.int32)
    dst = edge_index[1].astype(jnp.int32)
    pad = E_PAD - E
    pad_src = jnp.arange(pad, dtype=jnp.int32) % N
    pad_dst = N + jnp.arange(pad, dtype=jnp.int32) % (N_PAD - N)
    src2d = jnp.concatenate([src, pad_src]).reshape(E_PAD // CHUNK, CHUNK)
    dst2d = jnp.concatenate([dst, pad_dst]).reshape(E_PAD // CHUNK, CHUNK)

    ones_deg = jnp.ones((CHUNK, DEG_W), jnp.float32)
    zeros_deg = jnp.zeros((ROWS_ZERO, DEG_W), jnp.float32)
    zeros_row = jnp.zeros((ROWS_ZERO, D), jnp.float32)

    deg_p = _sc_degree(dst2d, ones_deg, zeros_deg)

    z1, dis = _tc1(deg_p, x, W1)
    p1 = _sc_scatter(z1, src2d, dst2d, zeros_row)
    z2 = _tc2(p1, z1, dis, b1.reshape(1, D), W2)
    p2 = _sc_scatter(z2, src2d, dst2d, zeros_row)
    out = _tc3(p2, z2, dis, b2.reshape(1, D))
    return out

# --- scband reference (transcript-rebuilt; emitter-appended) ---
"""Pipeline reference for scband-gcn-31379031065010 (READ-ONLY COPY).

The authoritative reference and input builder live on the scoring server;
editing this copy changes nothing except your own understanding.
"""

import jax, jax.numpy as jnp
import numpy as np

N_NODES = 10000
N_EDGES = 320000
D_IN = 128
D_HID = 128

def setup_inputs(seed: int = 0) -> dict:
    key = jax.random.key(seed)
    k1, k2, k3, k4, k5, k6 = jax.random.split(key, 6)
    x = jax.random.normal(k1, (N_NODES, D_IN), dtype=jnp.float32)
    edge_index = jax.random.randint(k2, (2, N_EDGES), 0, N_NODES, dtype=jnp.int64)
    # GCNConv weights (glorot-ish scaling) and biases
    W1 = jax.random.normal(k3, (D_IN, D_HID), dtype=jnp.float32) * (1.0 / np.sqrt(D_IN))
    b1 = jnp.zeros((D_HID,), dtype=jnp.float32)
    W2 = jax.random.normal(k4, (D_HID, D_HID), dtype=jnp.float32) * (1.0 / np.sqrt(D_HID))
    b2 = jnp.zeros((D_HID,), dtype=jnp.float32)
    return {"x": x, "edge_index": edge_index, "W1": W1, "b1": b1, "W2": W2, "b2": b2}

def _gcn_conv(x, src, dst, W, b, n):
    # symmetric-normalized GCN layer with self-loops (matches PyG GCNConv defaults)
    xw = x @ W
    deg = jnp.zeros((n,), dtype=x.dtype).at[dst].add(1.0)
    deg_inv_sqrt = jnp.where(deg > 0, jax.lax.rsqrt(jnp.maximum(deg, 1e-12)), 0.0)
    norm = deg_inv_sqrt[src] * deg_inv_sqrt[dst]
    msg = norm[:, None] * jnp.take(xw, src, axis=0)
    out = jax.ops.segment_sum(msg, dst, num_segments=n)
    return out + b

def reference(x, edge_index, W1, b1, W2, b2):
    n = x.shape[0]
    loop = jnp.arange(n, dtype=edge_index.dtype)
    src = jnp.concatenate([edge_index[0], loop])
    dst = jnp.concatenate([edge_index[1], loop])
    h = _gcn_conv(x, src, dst, W1, b1, n)
    h = jax.nn.relu(h)
    h = _gcn_conv(h, src, dst, W2, b2, n)
    h = jax.nn.relu(h)
    # classify=True path: return node embeddings directly (conv3/lin not used in forward)
    return h

if __name__ == "__main__":
    import jax
    _d = setup_inputs()
    print(jax.jit(kernel)(*tuple(_d.values())))

</pallas_src>

<mosaic_0001>
#map = affine_map<(d0, d1) -> (0, 0)>
#map1 = affine_map<(d0, d1) -> (0, 0, 0)>
module attributes {stable_mosaic.version = 14 : i64} {
  func.func @_sc_scatter_body(%arg0: i32, %arg1: i32, %arg2: memref<10000x128xf32, #tpu.memory_space<hbm>>, %arg3: memref<2560x128xi32, #tpu.memory_space<hbm>>, %arg4: memref<2560x128xi32, #tpu.memory_space<hbm>>, %arg5: memref<632x128xf32, #tpu.memory_space<hbm>>, %arg6: memref<2x10112x128xf32, #tpu.memory_space<hbm>>, %arg7: memref<40x128xi32, #tpu.memory_space<vmem>>, %arg8: memref<40x128xi32, #tpu.memory_space<vmem>>, %arg9: memref<2x128x128xf32, #tpu.memory_space<vmem>>, %arg10: memref<10112x128xf32, #tpu.memory_space<vmem_shared>>, %arg11: memref<2x2x!tpu.dma_semaphore, #tpu.memory_space<semaphore_mem>>, %arg12: memref<2x!tpu.dma_semaphore, #tpu.memory_space<semaphore_mem>>) attributes {dimension_semantics = [#tpu.dimension_semantics<core_parallel>, #tpu.dimension_semantics<subcore_parallel>], iteration_bounds = array<i64: 2, 16>, scalar_prefetch = 0 : i64, scratch_operands = 6 : i64, tpu.core_type = #tpu.core_type<sc_vector_subcore>, window_params = [{transform_indices = #map}, {transform_indices = #map}, {transform_indices = #map}, {transform_indices = #map}, {transform_indices = #map1}]} {
    %mul3A = arith.constant 16 : i32
    %mul3A_0 = arith.muli %arg0, %mul3A : i32
    %add3A = arith.addi %mul3A_0, %arg1 : i32
    %mul3A_1 = arith.constant 632 : i32
    %mul3A_2 = arith.muli %arg1, %mul3A_1 : i32
    "tpu.region"() ({
      %run_scoped3A = tpu.sem_alloc : memref<!tpu.dma_semaphore, #tpu.memory_space<semaphore_mem>>
      %dma_start3A_399 = arith.constant 0 : i32
      %dma_start3A_400 = tpu.memref_slice %arg10[%mul3A_2, %dma_start3A_399] : memref<10112x128xf32, #tpu.memory_space<vmem_shared>> -> memref<632x128xf32, #tpu.memory_space<vmem_shared>>
      tpu.enqueue_dma source(%arg5 : memref<632x128xf32, #tpu.memory_space<hbm>>) target(%dma_start3A_400 : memref<632x128xf32, #tpu.memory_space<vmem_shared>>) target_semaphore(%run_scoped3A : memref<!tpu.dma_semaphore, #tpu.memory_space<semaphore_mem>>)
      %dma_wait3A_401 = arith.constant 0 : i32
      %dma_wait3A_402 = tpu.memref_slice %arg10[%mul3A_2, %dma_wait3A_401] : memref<10112x128xf32, #tpu.memory_space<vmem_shared>> -> memref<632x128xf32, #tpu.memory_space<vmem_shared>>
      tpu.wait_dma2 semaphore(%run_scoped3A : memref<!tpu.dma_semaphore, #tpu.memory_space<semaphore_mem>>) src(%arg5 : memref<632x128xf32, #tpu.memory_space<hbm>>) dst(%dma_wait3A_402 : memref<632x128xf32, #tpu.memory_space<vmem_shared>>)
      tpu.yield
    }) : () -> ()
    %mul3A_3 = arith.constant 80 : i32
    %mul3A_4 = arith.muli %add3A, %mul3A_3 : i32
    "tpu.region"() ({
      %run_scoped3A = tpu.sem_alloc : memref<!tpu.dma_semaphore, #tpu.memory_space<semaphore_mem>>
      %dma_start3A_399 = arith.constant 0 : i32
      %dma_start3A_400 = tpu.memref_slice %arg3[%mul3A_4, %dma_start3A_399] : memref<2560x128xi32, #tpu.memory_space<hbm>> -> memref<40x128xi32, #tpu.memory_space<hbm>>
      %dma_start3A_401 = arith.constant 0 : i32
      %dma_start3A_402 = tpu.memref_slice %arg3[%mul3A_4, %dma_start3A_401] : memref<2560x128xi32, #tpu.memory_space<hbm>> -> memref<40x128xi32, #tpu.memory_space<hbm>>
      tpu.enqueue_dma source(%dma_start3A_402 : memref<40x128xi32, #tpu.memory_space<hbm>>) target(%arg7 : memref<40x128xi32, #tpu.memory_space<vmem>>) target_semaphore(%run_scoped3A : memref<!tpu.dma_semaphore, #tpu.memory_space<semaphore_mem>>)
      %dma_wait3A_403 = arith.constant 0 : i32
      %dma_wait3A_404 = tpu.memref_slice %arg3[%mul3A_4, %dma_wait3A_403] : memref<2560x128xi32, #tpu.memory_space<hbm>> -> memref<40x128xi32, #tpu.memory_space<hbm>>
      %dma_wait3A_405 = arith.constant 0 : i32
      %dma_wait3A_406 = tpu.memref_slice %arg3[%mul3A_4, %dma_wait3A_405] : memref<2560x128xi32, #tpu.memory_space<hbm>> -> memref<40x128xi32, #tpu.memory_space<hbm>>
      tpu.wait_dma2 semaphore(%run_scoped3A : memref<!tpu.dma_semaphore, #tpu.memory_space<semaphore_mem>>) src(%dma_wait3A_406 : memref<40x128xi32, #tpu.memory_space<hbm>>) dst(%arg7 : memref<40x128xi32, #tpu.memory_space<vmem>>)
      tpu.yield
    }) : () -> ()
    "tpu.region"() ({
      %run_scoped3A = tpu.sem_alloc : memref<!tpu.dma_semaphore, #tpu.memory_space<semaphore_mem>>
      %dma_start3A_399 = arith.constant 0 : i32
      %dma_start3A_400 = tpu.memref_slice %arg4[%mul3A_4, %dma_start3A_399] : memref<2560x128xi32, #tpu.memory_space<hbm>> -> memref<40x128xi32, #tpu.memory_space<hbm>>
      %dma_start3A_401 = arith.constant 0 : i32
      %dma_start3A_402 = tpu.memref_slice %arg4[%mul3A_4, %dma_start3A_401] : memref<2560x128xi32, #tpu.memory_space<hbm>> -> memref<40x128xi32, #tpu.memory_space<hbm>>
      tpu.enqueue_dma source(%dma_start3A_402 : memref<40x128xi32, #tpu.memory_space<hbm>>) target(%arg8 : memref<40x128xi32, #tpu.memory_space<vmem>>) target_semaphore(%run_scoped3A : memref<!tpu.dma_semaphore, #tpu.memory_space<semaphore_mem>>)
      %dma_wait3A_403 = arith.constant 0 : i32
      %dma_wait3A_404 = tpu.memref_slice %arg4[%mul3A_4, %dma_wait3A_403] : memref<2560x128xi32, #tpu.memory_space<hbm>> -> memref<40x128xi32, #tpu.memory_space<hbm>>
      %dma_wait3A_405 = arith.constant 0 : i32
      %dma_wait3A_406 = tpu.memref_slice %arg4[%mul3A_4, %dma_wait3A_405] : memref<2560x128xi32, #tpu.memory_space<hbm>> -> memref<40x128xi32, #tpu.memory_space<hbm>>
      tpu.wait_dma2 semaphore(%run_scoped3A : memref<!tpu.dma_semaphore, #tpu.memory_space<semaphore_mem>>) src(%dma_wait3A_406 : memref<40x128xi32, #tpu.memory_space<hbm>>) dst(%arg8 : memref<40x128xi32, #tpu.memory_space<vmem>>)
      tpu.yield
    }) : () -> ()
    %barrier3A = arith.constant 0 : index
    tpu.barrier barrier_id(%barrier3A)
    %dma_start3A = arith.constant 0 : i32
    %dma_start3A_5 = arith.constant 0 : i32
    %dma_start3A_6 = arith.constant 0 : i32
    %dma_start3A_7 = arith.constant 0 : i32
    %dma_start3A_8 = arith.constant 0 : i32
    %dma_start3A_9 = arith.constant 0 : i32
    %dma_start3A_10 = tpu.memref_slice %arg9[%dma_start3A_5, %dma_start3A_8, %dma_start3A_9] : memref<2x128x128xf32, #tpu.memory_space<vmem>> -> memref<1x64x128xf32, #tpu.memory_space<vmem>>
    %dma_start3A_11 = tpu.memref_squeeze %dma_start3A_10 : memref<1x64x128xf32, #tpu.memory_space<vmem>> -> memref<64x128xf32, #tpu.memory_space<vmem>>
    %dma_start3A_12 = arith.constant 0 : i32
    %dma_start3A_13 = tpu.memref_slice %arg7[%dma_start3A, %dma_start3A_12] : memref<40x128xi32, #tpu.memory_space<vmem>> -> memref<1x64xi32, #tpu.memory_space<vmem>>
    %dma_start3A_14 = tpu.memref_squeeze %dma_start3A_13 : memref<1x64xi32, #tpu.memory_space<vmem>> -> memref<64xi32, #tpu.memory_space<vmem>>
    %dma_start3A_15 = arith.constant 0 : i32
    %dma_start3A_16 = arith.constant 0 : i32
    %dma_start3A_17 = tpu.memref_slice %arg2[%dma_start3A_15, %dma_start3A_16] : memref<10000x128xf32, #tpu.memory_space<hbm>> -> memref<10000x128xf32, #tpu.memory_space<hbm>>
    %dma_start3A_18 = tpu.memref_slice %arg11[%dma_start3A_6, %dma_start3A_7] : memref<2x2x!tpu.dma_semaphore, #tpu.memory_space<semaphore_mem>> -> memref<1x1x!tpu.dma_semaphore, #tpu.memory_space<semaphore_mem>>
    %dma_start3A_19 = tpu.memref_squeeze %dma_start3A_18 : memref<1x1x!tpu.dma_semaphore, #tpu.memory_space<semaphore_mem>> -> memref<!tpu.dma_semaphore, #tpu.memory_space<semaphore_mem>>
    tpu.enqueue_indirect_dma source(%dma_start3A_17 : memref<10000x128xf32, #tpu.memory_space<hbm>>) target(%dma_start3A_11 : memref<64x128xf32, #tpu.memory_space<vmem>>) offsets(%dma_start3A_14 : memref<64xi32, #tpu.memory_space<vmem>>) semaphore(%dma_start3A_19 : memref<!tpu.dma_semaphore, #tpu.memory_space<semaphore_mem>>)
    %dma_start3A_20 = arith.constant 0 : i32
    %dma_start3A_21 = arith.constant 0 : i32
    %dma_start3A_22 = arith.constant 0 : i32
    %dma_start3A_23 = arith.constant 1 : i32
    %dma_start3A_24 = arith.constant 64 : i32
    %dma_start3A_25 = arith.constant 0 : i32
    %dma_start3A_26 = tpu.memref_slice %arg9[%dma_start3A_21, %dma_start3A_24, %dma_start3A_25] : memref<2x128x128xf32, #tpu.memory_space<vmem>> -> memref<1x64x128xf32, #tpu.memory_space<vmem>>
    %dma_start3A_27 = tpu.memref_squeeze %dma_start3A_26 : memref<1x64x128xf32, #tpu.memory_space<vmem>> -> memref<64x128xf32, #tpu.memory_space<vmem>>
    %dma_start3A_28 = arith.constant 64 : i32
    %dma_start3A_29 = tpu.memref_slice %arg7[%dma_start3A_20, %dma_start3A_28] : memref<40x128xi32, #tpu.memory_space<vmem>> -> memref<1x64xi32, #tpu.memory_space<vmem>>
    %dma_start3A_30 = tpu.memref_squeeze %dma_start3A_29 : memref<1x64xi32, #tpu.memory_space<vmem>> -> memref<64xi32, #tpu.memory_space<vmem>>
    %dma_start3A_31 = arith.constant 0 : i32
    %dma_start3A_32 = arith.constant 0 : i32
    %dma_start3A_33 = tpu.memref_slice %arg2[%dma_start3A_31, %dma_start3A_32] : memref<10000x128xf32, #tpu.memory_space<hbm>> -> memref<10000x128xf32, #tpu.memory_space<hbm>>
    %dma_start3A_34 = tpu.memref_slice %arg11[%dma_start3A_22, %dma_start3A_23] : memref<2x2x!tpu.dma_semaphore, #tpu.memory_space<semaphore_mem>> -> memref<1x1x!tpu.dma_semaphore, #tpu.memory_space<semaphore_mem>>
    %dma_start3A_35 = tpu.memref_squeeze %dma_start3A_34 : memref<1x1x!tpu.dma_semaphore, #tpu.memory_space<semaphore_mem>> -> memref<!tpu.dma_semaphore, #tpu.memory_space<semaphore_mem>>
    tpu.enqueue_indirect_dma source(%dma_start3A_33 : memref<10000x128xf32, #tpu.memory_space<hbm>>) target(%dma_start3A_27 : memref<64x128xf32, #tpu.memory_space<vmem>>) offsets(%dma_start3A_30 : memref<64xi32, #tpu.memory_space<vmem>>) semaphore(%dma_start3A_35 : memref<!tpu.dma_semaphore, #tpu.memory_space<semaphore_mem>>)
    %dma_start3A_36 = arith.constant 1 : i32
    %dma_start3A_37 = arith.constant 1 : i32
    %dma_start3A_38 = arith.constant 1 : i32
    %dma_start3A_39 = arith.constant 0 : i32
    %dma_start3A_40 = arith.constant 0 : i32
    %dma_start3A_41 = arith.constant 0 : i32
    %dma_start3A_42 = tpu.memref_slice %arg9[%dma_start3A_37, %dma_start3A_40, %dma_start3A_41] : memref<2x128x128xf32, #tpu.memory_space<vmem>> -> memref<1x64x128xf32, #tpu.memory_space<vmem>>
    %dma_start3A_43 = tpu.memref_squeeze %dma_start3A_42 : memref<1x64x128xf32, #tpu.memory_space<vmem>> -> memref<64x128xf32, #tpu.memory_space<vmem>>
    %dma_start3A_44 = arith.constant 0 : i32
    %dma_start3A_45 = tpu.memref_slice %arg7[%dma_start3A_36, %dma_start3A_44] : memref<40x128xi32, #tpu.memory_space<vmem>> -> memref<1x64xi32, #tpu.memory_space<vmem>>
    %dma_start3A_46 = tpu.memref_squeeze %dma_start3A_45 : memref<1x64xi32, #tpu.memory_space<vmem>> -> memref<64xi32, #tpu.memory_space<vmem>>
    %dma_start3A_47 = arith.constant 0 : i32
    %dma_start3A_48 = arith.constant 0 : i32
    %dma_start3A_49 = tpu.memref_slice %arg2[%dma_start3A_47, %dma_start3A_48] : memref<10000x128xf32, #tpu.memory_space<hbm>> -> memref<10000x128xf32, #tpu.memory_space<hbm>>
    %dma_start3A_50 = tpu.memref_slice %arg11[%dma_start3A_38, %dma_start3A_39] : memref<2x2x!tpu.dma_semaphore, #tpu.memory_space<semaphore_mem>> -> memref<1x1x!tpu.dma_semaphore, #tpu.memory_space<semaphore_mem>>
    %dma_start3A_51 = tpu.memref_squeeze %dma_start3A_50 : memref<1x1x!tpu.dma_semaphore, #tpu.memory_space<semaphore_mem>> -> memref<!tpu.dma_semaphore, #tpu.memory_space<semaphore_mem>>
    tpu.enqueue_indirect_dma source(%dma_start3A_49 : memref<10000x128xf32, #tpu.memory_space<hbm>>) target(%dma_start3A_43 : memref<64x128xf32, #tpu.memory_space<vmem>>) offsets(%dma_start3A_46 : memref<64xi32, #tpu.memory_space<vmem>>) semaphore(%dma_start3A_51 : memref<!tpu.dma_semaphore, #tpu.memory_space<semaphore_mem>>)
    %dma_start3A_52 = arith.constant 1 : i32
    %dma_start3A_53 = arith.constant 1 : i32
    %dma_start3A_54 = arith.constant 1 : i32
    %dma_start3A_55 = arith.constant 1 : i32
    %dma_start3A_56 = arith.constant 64 : i32
    %dma_start3A_57 = arith.constant 0 : i32
    %dma_start3A_58 = tpu.memref_slice %arg9[%dma_start3A_53, %dma_start3A_56, %dma_start3A_57] : memref<2x128x128xf32, #tpu.memory_space<vmem>> -> memref<1x64x128xf32, #tpu.memory_space<vmem>>
    %dma_start3A_59 = tpu.memref_squeeze %dma_start3A_58 : memref<1x64x128xf32, #tpu.memory_space<vmem>> -> memref<64x128xf32, #tpu.memory_space<vmem>>
    %dma_start3A_60 = arith.constant 64 : i32
    %dma_start3A_61 = tpu.memref_slice %arg7[%dma_start3A_52, %dma_start3A_60] : memref<40x128xi32, #tpu.memory_space<vmem>> -> memref<1x64xi32, #tpu.memory_space<vmem>>
    %dma_start3A_62 = tpu.memref_squeeze %dma_start3A_61 : memref<1x64xi32, #tpu.memory_space<vmem>> -> memref<64xi32, #tpu.memory_space<vmem>>
    %dma_start3A_63 = arith.constant 0 : i32
    %dma_start3A_64 = arith.constant 0 : i32
    %dma_start3A_65 = tpu.memref_slice %arg2[%dma_start3A_63, %dma_start3A_64] : memref<10000x128xf32, #tpu.memory_space<hbm>> -> memref<10000x128xf32, #tpu.memory_space<hbm>>
    %dma_start3A_66 = tpu.memref_slice %arg11[%dma_start3A_54, %dma_start3A_55] : memref<2x2x!tpu.dma_semaphore, #tpu.memory_space<semaphore_mem>> -> memref<1x1x!tpu.dma_semaphore, #tpu.memory_space<semaphore_mem>>
    %dma_start3A_67 = tpu.memref_squeeze %dma_start3A_66 : memref<1x1x!tpu.dma_semaphore, #tpu.memory_space<semaphore_mem>> -> memref<!tpu.dma_semaphore, #tpu.memory_space<semaphore_mem>>
    tpu.enqueue_indirect_dma source(%dma_start3A_65 : memref<10000x128xf32, #tpu.memory_space<hbm>>) target(%dma_start3A_59 : memref<64x128xf32, #tpu.memory_space<vmem>>) offsets(%dma_start3A_62 : memref<64xi32, #tpu.memory_space<vmem>>) semaphore(%dma_start3A_67 : memref<!tpu.dma_semaphore, #tpu.memory_space<semaphore_mem>>)
    %scan3A = arith.constant 0 : i32
    %scan3A_68 = arith.constant 0 : i32
    %scan3A_69 = arith.constant 19 : i32
    %scan3A_70 = arith.addi %scan3A_68, %scan3A_69 : i32
    %scan3A_71 = arith.constant 1 : i32
    scf.for %scan3A_399 = %scan3A_68 to %scan3A_70 step %scan3A_71  : i32 {
      %mul3A_400 = arith.constant 2 : i32
      %mul3A_401 = arith.muli %scan3A_399, %mul3A_400 : i32
      %add3A_402 = arith.constant 0 : i32
      %add3A_403 = arith.addi %mul3A_401, %add3A_402 : i32
      %dma_wait3A_404 = arith.constant 0 : i32
      %dma_wait3A_405 = arith.constant 0 : i32
      %dma_wait3A_406 = arith.constant 0 : i32
      %dma_wait3A_407 = arith.constant 0 : i32
      %dma_wait3A_408 = arith.constant 0 : i32
      %dma_wait3A_409 = tpu.memref_slice %arg9[%dma_wait3A_404, %dma_wait3A_407, %dma_wait3A_408] : memref<2x128x128xf32, #tpu.memory_space<vmem>> -> memref<1x64x128xf32, #tpu.memory_space<vmem>>
      %dma_wait3A_410 = tpu.memref_squeeze %dma_wait3A_409 : memref<1x64x128xf32, #tpu.memory_space<vmem>> -> memref<64x128xf32, #tpu.memory_space<vmem>>
      %dma_wait3A_411 = arith.constant 0 : i32
      %dma_wait3A_412 = tpu.memref_slice %arg7[%add3A_403, %dma_wait3A_411] : memref<40x128xi32, #tpu.memory_space<vmem>> -> memref<1x64xi32, #tpu.memory_space<vmem>>
      %dma_wait3A_413 = tpu.memref_squeeze %dma_wait3A_412 : memref<1x64xi32, #tpu.memory_space<vmem>> -> memref<64xi32, #tpu.memory_space<vmem>>
      %dma_wait3A_414 = arith.constant 0 : i32
      %dma_wait3A_415 = arith.constant 0 : i32
      %dma_wait3A_416 = tpu.memref_slice %arg2[%dma_wait3A_414, %dma_wait3A_415] : memref<10000x128xf32, #tpu.memory_space<hbm>> -> memref<10000x128xf32, #tpu.memory_space<hbm>>
      %dma_wait3A_417 = tpu.memref_slice %arg11[%dma_wait3A_405, %dma_wait3A_406] : memref<2x2x!tpu.dma_semaphore, #tpu.memory_space<semaphore_mem>> -> memref<1x1x!tpu.dma_semaphore, #tpu.memory_space<semaphore_mem>>
      %dma_wait3A_418 = tpu.memref_squeeze %dma_wait3A_417 : memref<1x1x!tpu.dma_semaphore, #tpu.memory_space<semaphore_mem>> -> memref<!tpu.dma_semaphore, #tpu.memory_space<semaphore_mem>>
      tpu.wait_indirect_dma semaphore(%dma_wait3A_418 : memref<!tpu.dma_semaphore, #tpu.memory_space<semaphore_mem>>) src(%dma_wait3A_416 : memref<10000x128xf32, #tpu.memory_space<hbm>>) dst(%dma_wait3A_410 : memref<64x128xf32, #tpu.memory_space<vmem>>)
      %dma_wait3A_419 = arith.constant 0 : i32
      %dma_wait3A_420 = arith.constant 0 : i32
      %dma_wait3A_421 = arith.constant 1 : i32
      %dma_wait3A_422 = arith.constant 64 : i32
      %dma_wait3A_423 = arith.constant 0 : i32
      %dma_wait3A_424 = tpu.memref_slice %arg9[%dma_wait3A_419, %dma_wait3A_422, %dma_wait3A_423] : memref<2x128x128xf32, #tpu.memory_space<vmem>> -> memref<1x64x128xf32, #tpu.memory_space<vmem>>
      %dma_wait3A_425 = tpu.memref_squeeze %dma_wait3A_424 : memref<1x64x128xf32, #tpu.memory_space<vmem>> -> memref<64x128xf32, #tpu.memory_space<vmem>>
      %dma_wait3A_426 = arith.constant 64 : i32
      %dma_wait3A_427 = tpu.memref_slice %arg7[%add3A_403, %dma_wait3A_426] : memref<40x128xi32, #tpu.memory_space<vmem>> -> memref<1x64xi32, #tpu.memory_space<vmem>>
      %dma_wait3A_428 = tpu.memref_squeeze %dma_wait3A_427 : memref<1x64xi32, #tpu.memory_space<vmem>> -> memref<64xi32, #tpu.memory_space<vmem>>
      %dma_wait3A_429 = arith.constant 0 : i32
      %dma_wait3A_430 = arith.constant 0 : i32
      %dma_wait3A_431 = tpu.memref_slice %arg2[%dma_wait3A_429, %dma_wait3A_430] : memref<10000x128xf32, #tpu.memory_space<hbm>> -> memref<10000x128xf32, #tpu.memory_space<hbm>>
      %dma_wait3A_432 = tpu.memref_slice %arg11[%dma_wait3A_420, %dma_wait3A_421] : memref<2x2x!tpu.dma_semaphore, #tpu.memory_space<semaphore_mem>> -> memref<1x1x!tpu.dma_semaphore, #tpu.memory_space<semaphore_mem>>
      %dma_wait3A_433 = tpu.memref_squeeze %dma_wait3A_432 : memref<1x1x!tpu.dma_semaphore, #tpu.memory_space<semaphore_mem>> -> memref<!tpu.dma_semaphore, #tpu.memory_space<semaphore_mem>>
      tpu.wait_indirect_dma semaphore(%dma_wait3A_433 : memref<!tpu.dma_semaphore, #tpu.memory_space<semaphore_mem>>) src(%dma_wait3A_431 : memref<10000x128xf32, #tpu.memory_space<hbm>>) dst(%dma_wait3A_425 : memref<64x128xf32, #tpu.memory_space<vmem>>)
      %dma_start3A_434 = arith.constant 0 : i32
      %dma_start3A_435 = arith.constant 0 : i32
      %dma_start3A_436 = arith.constant 0 : i32
      %dma_start3A_437 = arith.constant 0 : i32
      %dma_start3A_438 = tpu.memref_slice %arg9[%dma_start3A_434, %dma_start3A_436, %dma_start3A_437] : memref<2x128x128xf32, #tpu.memory_space<vmem>> -> memref<1x128x128xf32, #tpu.memory_space<vmem>>
      %dma_start3A_439 = tpu.memref_squeeze %dma_start3A_438 : memref<1x128x128xf32, #tpu.memory_space<vmem>> -> memref<128x128xf32, #tpu.memory_space<vmem>>
      %dma_start3A_440 = arith.constant 0 : i32
      %dma_start3A_441 = tpu.memref_slice %arg8[%add3A_403, %dma_start3A_440] : memref<40x128xi32, #tpu.memory_space<vmem>> -> memref<1x128xi32, #tpu.memory_space<vmem>>
      %dma_start3A_442 = tpu.memref_squeeze %dma_start3A_441 : memref<1x128xi32, #tpu.memory_space<vmem>> -> memref<128xi32, #tpu.memory_space<vmem>>
      %dma_start3A_443 = arith.constant 0 : i32
      %dma_start3A_444 = arith.constant 0 : i32
      %dma_start3A_445 = tpu.memref_slice %arg10[%dma_start3A_443, %dma_start3A_444] : memref<10112x128xf32, #tpu.memory_space<vmem_shared>> -> memref<10112x128xf32, #tpu.memory_space<vmem_shared>>
      %dma_start3A_446 = tpu.memref_slice %arg12[%dma_start3A_435] : memref<2x!tpu.dma_semaphore, #tpu.memory_space<semaphore_mem>> -> memref<1x!tpu.dma_semaphore, #tpu.memory_space<semaphore_mem>>
      %dma_start3A_447 = tpu.memref_squeeze %dma_start3A_446 : memref<1x!tpu.dma_semaphore, #tpu.memory_space<semaphore_mem>> -> memref<!tpu.dma_semaphore, #tpu.memory_space<semaphore_mem>>
      tpu.enqueue_indirect_dma source(%dma_start3A_439 : memref<128x128xf32, #tpu.memory_space<vmem>>) target(%dma_start3A_445 : memref<10112x128xf32, #tpu.memory_space<vmem_shared>>) offsets(%dma_start3A_442 : memref<128xi32, #tpu.memory_space<vmem>>) semaphore(%dma_start3A_447 : memref<!tpu.dma_semaphore, #tpu.memory_space<semaphore_mem>>) {add = true}
      %dma_wait3A_448 = arith.constant 0 : i32
      %dma_wait3A_449 = arith.constant 0 : i32
      %dma_wait3A_450 = arith.constant 0 : i32
      %dma_wait3A_451 = arith.constant 0 : i32
      %dma_wait3A_452 = tpu.memref_slice %arg9[%dma_wait3A_448, %dma_wait3A_450, %dma_wait3A_451] : memref<2x128x128xf32, #tpu.memory_space<vmem>> -> memref<1x128x128xf32, #tpu.memory_space<vmem>>
      %dma_wait3A_453 = tpu.memref_squeeze %dma_wait3A_452 : memref<1x128x128xf32, #tpu.memory_space<vmem>> -> memref<128x128xf32, #tpu.memory_space<vmem>>
      %dma_wait3A_454 = arith.constant 0 : i32
      %dma_wait3A_455 = tpu.memref_slice %arg8[%add3A_403, %dma_wait3A_454] : memref<40x128xi32, #tpu.memory_space<vmem>> -> memref<1x128xi32, #tpu.memory_space<vmem>>
      %dma_wait3A_456 = tpu.memref_squeeze %dma_wait3A_455 : memref<1x128xi32, #tpu.memory_space<vmem>> -> memref<128xi32, #tpu.memory_space<vmem>>
      %dma_wait3A_457 = arith.constant 0 : i32
      %dma_wait3A_458 = arith.constant 0 : i32
      %dma_wait3A_459 = tpu.memref_slice %arg10[%dma_wait3A_457, %dma_wait3A_458] : memref<10112x128xf32, #tpu.memory_space<vmem_shared>> -> memref<10112x128xf32, #tpu.memory_space<vmem_shared>>
      %dma_wait3A_460 = tpu.memref_slice %arg12[%dma_wait3A_449] : memref<2x!tpu.dma_semaphore, #tpu.memory_space<semaphore_mem>> -> memref<1x!tpu.dma_semaphore, #tpu.memory_space<semaphore_mem>>
      %dma_wait3A_461 = tpu.memref_squeeze %dma_wait3A_460 : memref<1x!tpu.dma_semaphore, #tpu.memory_space<semaphore_mem>> -> memref<!tpu.dma_semaphore, #tpu.memory_space<semaphore_mem>>
      tpu.wait_indirect_dma semaphore(%dma_wait3A_461 : memref<!tpu.dma_semaphore, #tpu.memory_space<semaphore_mem>>) src(%dma_wait3A_453 : memref<128x128xf32, #tpu.memory_space<vmem>>) dst(%dma_wait3A_459 : memref<10112x128xf32, #tpu.memory_space<vmem_shared>>)
      %add3A_462 = arith.constant 2 : i32
      %add3A_463 = arith.addi %add3A_403, %add3A_462 : i32
      %dma_start3A_464 = arith.constant 0 : i32
      %dma_start3A_465 = arith.constant 0 : i32
      %dma_start3A_466 = arith.constant 0 : i32
      %dma_start3A_467 = arith.constant 0 : i32
      %dma_start3A_468 = arith.constant 0 : i32
      %dma_start3A_469 = tpu.memref_slice %arg9[%dma_start3A_464, %dma_start3A_467, %dma_start3A_468] : memref<2x128x128xf32, #tpu.memory_space<vmem>> -> memref<1x64x128xf32, #tpu.memory_space<vmem>>
      %dma_start3A_470 = tpu.memref_squeeze %dma_start3A_469 : memref<1x64x128xf32, #tpu.memory_space<vmem>> -> memref<64x128xf32, #tpu.memory_space<vmem>>
      %dma_start3A_471 = arith.constant 0 : i32
      %dma_start3A_472 = tpu.memref_slice %arg7[%add3A_463, %dma_start3A_471] : memref<40x128xi32, #tpu.memory_space<vmem>> -> memref<1x64xi32, #tpu.memory_space<vmem>>
      %dma_start3A_473 = tpu.memref_squeeze %dma_start3A_472 : memref<1x64xi32, #tpu.memory_space<vmem>> -> memref<64xi32, #tpu.memory_space<vmem>>
      %dma_start3A_474 = arith.constant 0 : i32
      %dma_start3A_475 = arith.constant 0 : i32
      %dma_start3A_476 = tpu.memref_slice %arg2[%dma_start3A_474, %dma_start3A_475] : memref<10000x128xf32, #tpu.memory_space<hbm>> -> memref<10000x128xf32, #tpu.memory_space<hbm>>
      %dma_start3A_477 = tpu.memref_slice %arg11[%dma_start3A_465, %dma_start3A_466] : memref<2x2x!tpu.dma_semaphore, #tpu.memory_space<semaphore_mem>> -> memref<1x1x!tpu.dma_semaphore, #tpu.memory_space<semaphore_mem>>
      %dma_start3A_478 = tpu.memref_squeeze %dma_start3A_477 : memref<1x1x!tpu.dma_semaphore, #tpu.memory_space<semaphore_mem>> -> memref<!tpu.dma_semaphore, #tpu.memory_space<semaphore_mem>>
      tpu.enqueue_indirect_dma source(%dma_start3A_476 : memref<10000x128xf32, #tpu.memory_space<hbm>>) target(%dma_start3A_470 : memref<64x128xf32, #tpu.memory_space<vmem>>) offsets(%dma_start3A_473 : memref<64xi32, #tpu.memory_space<vmem>>) semaphore(%dma_start3A_478 : memref<!tpu.dma_semaphore, #tpu.memory_space<semaphore_mem>>)
      %dma_start3A_479 = arith.constant 0 : i32
      %dma_start3A_480 = arith.constant 0 : i32
      %dma_start3A_481 = arith.constant 1 : i32
      %dma_start3A_482 = arith.constant 64 : i32
      %dma_start3A_483 = arith.constant 0 : i32
      %dma_start3A_484 = tpu.memref_slice %arg9[%dma_start3A_479, %dma_start3A_482, %dma_start3A_483] : memref<2x128x128xf32, #tpu.memory_space<vmem>> -> memref<1x64x128xf32, #tpu.memory_space<vmem>>
      %dma_start3A_485 = tpu.memref_squeeze %dma_start3A_484 : memref<1x64x128xf32, #tpu.memory_space<vmem>> -> memref<64x128xf32, #tpu.memory_space<vmem>>
      %dma_start3A_486 = arith.constant 64 : i32
      %dma_start3A_487 = tpu.memref_slice %arg7[%add3A_463, %dma_start3A_486] : memref<40x128xi32, #tpu.memory_space<vmem>> -> memref<1x64xi32, #tpu.memory_space<vmem>>
      %dma_start3A_488 = tpu.memref_squeeze %dma_start3A_487 : memref<1x64xi32, #tpu.memory_space<vmem>> -> memref<64xi32, #tpu.memory_space<vmem>>
      %dma_start3A_489 = arith.constant 0 : i32
      %dma_start3A_490 = arith.constant 0 : i32
      %dma_start3A_491 = tpu.memref_slice %arg2[%dma_start3A_489, %dma_start3A_490] : memref<10000x128xf32, #tpu.memory_space<hbm>> -> memref<10000x128xf32, #tpu.memory_space<hbm>>
      %dma_start3A_492 = tpu.memref_slice %arg11[%dma_start3A_480, %dma_start3A_481] : memref<2x2x!tpu.dma_semaphore, #tpu.memory_space<semaphore_mem>> -> memref<1x1x!tpu.dma_semaphore, #tpu.memory_space<semaphore_mem>>
      %dma_start3A_493 = tpu.memref_squeeze %dma_start3A_492 : memref<1x1x!tpu.dma_semaphore, #tpu.memory_space<semaphore_mem>> -> memref<!tpu.dma_semaphore, #tpu.memory_space<semaphore_mem>>
      tpu.enqueue_indirect_dma source(%dma_start3A_491 : memref<10000x128xf32, #tpu.memory_space<hbm>>) target(%dma_start3A_485 : memref<64x128xf32, #tpu.memory_space<vmem>>) offsets(%dma_start3A_488 : memref<64xi32, #tpu.memory_space<vmem>>) semaphore(%dma_start3A_493 : memref<!tpu.dma_semaphore, #tpu.memory_space<semaphore_mem>>)
      %mul3A_494 = arith.constant 2 : i32
      %mul3A_495 = arith.muli %scan3A_399, %mul3A_494 : i32
      %add3A_496 = arith.constant 1 : i32
      %add3A_497 = arith.addi %mul3A_495, %add3A_496 : i32
      %dma_wait3A_498 = arith.constant 1 : i32
      %dma_wait3A_499 = arith.constant 1 : i32
      %dma_wait3A_500 = arith.constant 0 : i32
      %dma_wait3A_501 = arith.constant 0 : i32
      %dma_wait3A_502 = arith.constant 0 : i32
      %dma_wait3A_503 = tpu.memref_slice %arg9[%dma_wait3A_498, %dma_wait3A_501, %dma_wait3A_502] : memref<2x128x128xf32, #tpu.memory_space<vmem>> -> memref<1x64x128xf32, #tpu.memory_space<vmem>>
      %dma_wait3A_504 = tpu.memref_squeeze %dma_wait3A_503 : memref<1x64x128xf32, #tpu.memory_space<vmem>> -> memref<64x128xf32, #tpu.memory_space<vmem>>
      %dma_wait3A_505 = arith.constant 0 : i32
      %dma_wait3A_506 = tpu.memref_slice %arg7[%add3A_497, %dma_wait3A_505] : memref<40x128xi32, #tpu.memory_space<vmem>> -> memref<1x64xi32, #tpu.memory_space<vmem>>
      %dma_wait3A_507 = tpu.memref_squeeze %dma_wait3A_506 : memref<1x64xi32, #tpu.memory_space<vmem>> -> memref<64xi32, #tpu.memory_space<vmem>>
      %dma_wait3A_508 = arith.constant 0 : i32
      %dma_wait3A_509 = arith.constant 0 : i32
      %dma_wait3A_510 = tpu.memref_slice %arg2[%dma_wait3A_508, %dma_wait3A_509] : memref<10000x128xf32, #tpu.memory_space<hbm>> -> memref<10000x128xf32, #tpu.memory_space<hbm>>
      %dma_wait3A_511 = tpu.memref_slice %arg11[%dma_wait3A_499, %dma_wait3A_500] : memref<2x2x!tpu.dma_semaphore, #tpu.memory_space<semaphore_mem>> -> memref<1x1x!tpu.dma_semaphore, #tpu.memory_space<semaphore_mem>>
      %dma_wait3A_512 = tpu.memref_squeeze %dma_wait3A_511 : memref<1x1x!tpu.dma_semaphore, #tpu.memory_space<semaphore_mem>> -> memref<!tpu.dma_semaphore, #tpu.memory_space<semaphore_mem>>
      tpu.wait_indirect_dma semaphore(%dma_wait3A_512 : memref<!tpu.dma_semaphore, #tpu.memory_space<semaphore_mem>>) src(%dma_wait3A_510 : memref<10000x128xf32, #tpu.memory_space<hbm>>) dst(%dma_wait3A_504 : memref<64x128xf32, #tpu.memory_space<vmem>>)
      %dma_wait3A_513 = arith.constant 1 : i32
      %dma_wait3A_514 = arith.constant 1 : i32
      %dma_wait3A_515 = arith.constant 1 : i32
      %dma_wait3A_516 = arith.constant 64 : i32
      %dma_wait3A_517 = arith.constant 0 : i32
      %dma_wait3A_518 = tpu.memref_slice %arg9[%dma_wait3A_513, %dma_wait3A_516, %dma_wait3A_517] : memref<2x128x128xf32, #tpu.memory_space<vmem>> -> memref<1x64x128xf32, #tpu.memory_space<vmem>>
      %dma_wait3A_519 = tpu.memref_squeeze %dma_wait3A_518 : memref<1x64x128xf32, #tpu.memory_space<vmem>> -> memref<64x128xf32, #tpu.memory_space<vmem>>
      %dma_wait3A_520 = arith.constant 64 : i32
      %dma_wait3A_521 = tpu.memref_slice %arg7[%add3A_497, %dma_wait3A_520] : memref<40x128xi32, #tpu.memory_space<vmem>> -> memref<1x64xi32, #tpu.memory_space<vmem>>
      %dma_wait3A_522 = tpu.memref_squeeze %dma_wait3A_521 : memref<1x64xi32, #tpu.memory_space<vmem>> -> memref<64xi32, #tpu.memory_space<vmem>>
      %dma_wait3A_523 = arith.constant 0 : i32
      %dma_wait3A_524 = arith.constant 0 : i32
      %dma_wait3A_525 = tpu.memref_slice %arg2[%dma_wait3A_523, %dma_wait3A_524] : memref<10000x128xf32, #tpu.memory_space<hbm>> -> memref<10000x128xf32, #tpu.memory_space<hbm>>
      %dma_wait3A_526 = tpu.memref_slice %arg11[%dma_wait3A_514, %dma_wait3A_515] : memref<2x2x!tpu.dma_semaphore, #tpu.memory_space<semaphore_mem>> -> memref<1x1x!tpu.dma_semaphore, #tpu.memory_space<semaphore_mem>>
      %dma_wait3A_527 = tpu.memref_squeeze %dma_wait3A_526 : memref<1x1x!tpu.dma_semaphore, #tpu.memory_space<semaphore_mem>> -> memref<!tpu.dma_semaphore, #tpu.memory_space<semaphore_mem>>
      tpu.wait_indirect_dma semaphore(%dma_wait3A_527 : memref<!tpu.dma_semaphore, #tpu.memory_space<semaphore_mem>>) src(%dma_wait3A_525 : memref<10000x128xf32, #tpu.memory_space<hbm>>) dst(%dma_wait3A_519 : memref<64x128xf32, #tpu.memory_space<vmem>>)
      %dma_start3A_528 = arith.constant 1 : i32
      %dma_start3A_529 = arith.constant 1 : i32
      %dma_start3A_530 = arith.constant 0 : i32
      %dma_start3A_531 = arith.constant 0 : i32
      %dma_start3A_532 = tpu.memref_slice %arg9[%dma_start3A_528, %dma_start3A_530, %dma_start3A_531] : memref<2x128x128xf32, #tpu.memory_space<vmem>> -> memref<1x128x128xf32, #tpu.memory_space<vmem>>
      %dma_start3A_533 = tpu.memref_squeeze %dma_start3A_532 : memref<1x128x128xf32, #tpu.memory_space<vmem>> -> memref<128x128xf32, #tpu.memory_space<vmem>>
      %dma_start3A_534 = arith.constant 0 : i32
      %dma_start3A_535 = tpu.memref_slice %arg8[%add3A_497, %dma_start3A_534] : memref<40x128xi32, #tpu.memory_space<vmem>> -> memref<1x128xi32, #tpu.memory_space<vmem>>
      %dma_start3A_536 = tpu.memref_squeeze %dma_start3A_535 : memref<1x128xi32, #tpu.memory_space<vmem>> -> memref<128xi32, #tpu.memory_space<vmem>>
      %dma_start3A_537 = arith.constant 0 : i32
      %dma_start3A_538 = arith.constant 0 : i32
      %dma_start3A_539 = tpu.memref_slice %arg10[%dma_start3A_537, %dma_start3A_538] : memref<10112x128xf32, #tpu.memory_space<vmem_shared>> -> memref<10112x128xf32, #tpu.memory_space<vmem_shared>>
      %dma_start3A_540 = tpu.memref_slice %arg12[%dma_start3A_529] : memref<2x!tpu.dma_semaphore, #tpu.memory_space<semaphore_mem>> -> memref<1x!tpu.dma_semaphore, #tpu.memory_space<semaphore_mem>>
      %dma_start3A_541 = tpu.memref_squeeze %dma_start3A_540 : memref<1x!tpu.dma_semaphore, #tpu.memory_space<semaphore_mem>> -> memref<!tpu.dma_semaphore, #tpu.memory_space<semaphore_mem>>
      tpu.enqueue_indirect_dma source(%dma_start3A_533 : memref<128x128xf32, #tpu.memory_space<vmem>>) target(%dma_start3A_539 : memref<10112x128xf32, #tpu.memory_space<vmem_shared>>) offsets(%dma_start3A_536 : memref<128xi32, #tpu.memory_space<vmem>>) semaphore(%dma_start3A_541 : memref<!tpu.dma_semaphore, #tpu.memory_space<semaphore_mem>>) {add = true}
      %dma_wait3A_542 = arith.constant 1 : i32
      %dma_wait3A_543 = arith.constant 1 : i32
      %dma_wait3A_544 = arith.constant 0 : i32
      %dma_wait3A_545 = arith.constant 0 : i32
      %dma_wait3A_546 = tpu.memref_slice %arg9[%dma_wait3A_542, %dma_wait3A_544, %dma_wait3A_545] : memref<2x128x128xf32, #tpu.memory_space<vmem>> -> memref<1x128x128xf32, #tpu.memory_space<vmem>>
      %dma_wait3A_547 = tpu.memref_squeeze %dma_wait3A_546 : memref<1x128x128xf32, #tpu.memory_space<vmem>> -> memref<128x128xf32, #tpu.memory_space<vmem>>
      %dma_wait3A_548 = arith.constant 0 : i32
      %dma_wait3A_549 = tpu.memref_slice %arg8[%add3A_497, %dma_wait3A_548] : memref<40x128xi32, #tpu.memory_space<vmem>> -> memref<1x128xi32, #tpu.memory_space<vmem>>
      %dma_wait3A_550 = tpu.memref_squeeze %dma_wait3A_549 : memref<1x128xi32, #tpu.memory_space<vmem>> -> memref<128xi32, #tpu.memory_space<vmem>>
      %dma_wait3A_551 = arith.constant 0 : i32
      %dma_wait3A_552 = arith.constant 0 : i32
      %dma_wait3A_553 = tpu.memref_slice %arg10[%dma_wait3A_551, %dma_wait3A_552] : memref<10112x128xf32, #tpu.memory_space<vmem_shared>> -> memref<10112x128xf32, #tpu.memory_space<vmem_shared>>
      %dma_wait3A_554 = tpu.memref_slice %arg12[%dma_wait3A_543] : memref<2x!tpu.dma_semaphore, #tpu.memory_space<semaphore_mem>> -> memref<1x!tpu.dma_semaphore, #tpu.memory_space<semaphore_mem>>
      %dma_wait3A_555 = tpu.memref_squeeze %dma_wait3A_554 : memref<1x!tpu.dma_semaphore, #tpu.memory_space<semaphore_mem>> -> memref<!tpu.dma_semaphore, #tpu.memory_space<semaphore_mem>>
      tpu.wait_indirect_dma semaphore(%dma_wait3A_555 : memref<!tpu.dma_semaphore, #tpu.memory_space<semaphore_mem>>) src(%dma_wait3A_547 : memref<128x128xf32, #tpu.memory_space<vmem>>) dst(%dma_wait3A_553 : memref<10112x128xf32, #tpu.memory_space<vmem_shared>>)
      %add3A_556 = arith.constant 2 : i32
      %add3A_557 = arith.addi %add3A_497, %add3A_556 : i32
      %dma_start3A_558 = arith.constant 1 : i32
      %dma_start3A_559 = arith.constant 1 : i32
      %dma_start3A_560 = arith.constant 0 : i32
      %dma_start3A_561 = arith.constant 0 : i32
      %dma_start3A_562 = arith.constant 0 : i32
      %dma_start3A_563 = tpu.memref_slice %arg9[%dma_start3A_558, %dma_start3A_561, %dma_start3A_562] : memref<2x128x128xf32, #tpu.memory_space<vmem>> -> memref<1x64x128xf32, #tpu.memory_space<vmem>>
      %dma_start3A_564 = tpu.memref_squeeze %dma_start3A_563 : memref<1x64x128xf32, #tpu.memory_space<vmem>> -> memref<64x128xf32, #tpu.memory_space<vmem>>
      %dma_start3A_565 = arith.constant 0 : i32
      %dma_start3A_566 = tpu.memref_slice %arg7[%add3A_557, %dma_start3A_565] : memref<40x128xi32, #tpu.memory_space<vmem>> -> memref<1x64xi32, #tpu.memory_space<vmem>>
      %dma_start3A_567 = tpu.memref_squeeze %dma_start3A_566 : memref<1x64xi32, #tpu.memory_space<vmem>> -> memref<64xi32, #tpu.memory_space<vmem>>
      %dma_start3A_568 = arith.constant 0 : i32
      %dma_start3A_569 = arith.constant 0 : i32
      %dma_start3A_570 = tpu.memref_slice %arg2[%dma_start3A_568, %dma_start3A_569] : memref<10000x128xf32, #tpu.memory_space<hbm>> -> memref<10000x128xf32, #tpu.memory_space<hbm>>
      %dma_start3A_571 = tpu.memref_slice %arg11[%dma_start3A_559, %dma_start3A_560] : memref<2x2x!tpu.dma_semaphore, #tpu.memory_space<semaphore_mem>> -> memref<1x1x!tpu.dma_semaphore, #tpu.memory_space<semaphore_mem>>
      %dma_start3A_572 = tpu.memref_squeeze %dma_start3A_571 : memref<1x1x!tpu.dma_semaphore, #tpu.memory_space<semaphore_mem>> -> memref<!tpu.dma_semaphore, #tpu.memory_space<semaphore_mem>>
      tpu.enqueue_indirect_dma source(%dma_start3A_570 : memref<10000x128xf32, #tpu.memory_space<hbm>>) target(%dma_start3A_564 : memref<64x128xf32, #tpu.memory_space<vmem>>) offsets(%dma_start3A_567 : memref<64xi32, #tpu.memory_space<vmem>>) semaphore(%dma_start3A_572 : memref<!tpu.dma_semaphore, #tpu.memory_space<semaphore_mem>>)
      %dma_start3A_573 = arith.constant 1 : i32
      %dma_start3A_574 = arith.constant 1 : i32
      %dma_start3A_575 = arith.constant 1 : i32
      %dma_start3A_576 = arith.constant 64 : i32
      %dma_start3A_577 = arith.constant 0 : i32
      %dma_start3A_578 = tpu.memref_slice %arg9[%dma_start3A_573, %dma_start3A_576, %dma_start3A_577] : memref<2x128x128xf32, #tpu.memory_space<vmem>> -> memref<1x64x128xf32, #tpu.memory_space<vmem>>
      %dma_start3A_579 = tpu.memref_squeeze %dma_start3A_578 : memref<1x64x128xf32, #tpu.memory_space<vmem>> -> memref<64x128xf32, #tpu.memory_space<vmem>>
      %dma_start3A_580 = arith.constant 64 : i32
      %dma_start3A_581 = tpu.memref_slice %arg7[%add3A_557, %dma_start3A_580] : memref<40x128xi32, #tpu.memory_space<vmem>> -> memref<1x64xi32, #tpu.memory_space<vmem>>
      %dma_start3A_582 = tpu.memref_squeeze %dma_start3A_581 : memref<1x64xi32, #tpu.memory_space<vmem>> -> memref<64xi32, #tpu.memory_space<vmem>>
      %dma_start3A_583 = arith.constant 0 : i32
      %dma_start3A_584 = arith.constant 0 : i32
      %dma_start3A_585 = tpu.memref_slice %arg2[%dma_start3A_583, %dma_start3A_584] : memref<10000x128xf32, #tpu.memory_space<hbm>> -> memref<10000x128xf32, #tpu.memory_space<hbm>>
      %dma_start3A_586 = tpu.memref_slice %arg11[%dma_start3A_574, %dma_start3A_575] : memref<2x2x!tpu.dma_semaphore, #tpu.memory_space<semaphore_mem>> -> memref<1x1x!tpu.dma_semaphore, #tpu.memory_space<semaphore_mem>>
      %dma_start3A_587 = tpu.memref_squeeze %dma_start3A_586 : memref<1x1x!tpu.dma_semaphore, #tpu.memory_space<semaphore_mem>> -> memref<!tpu.dma_semaphore, #tpu.memory_space<semaphore_mem>>
      tpu.enqueue_indirect_dma source(%dma_start3A_585 : memref<10000x128xf32, #tpu.memory_space<hbm>>) target(%dma_start3A_579 : memref<64x128xf32, #tpu.memory_space<vmem>>) offsets(%dma_start3A_582 : memref<64xi32, #tpu.memory_space<vmem>>) semaphore(%dma_start3A_587 : memref<!tpu.dma_semaphore, #tpu.memory_space<semaphore_mem>>)
    }
    %scan3A_72 = arith.constant 19 : i32
    %dma_wait3A = arith.constant 38 : i32
    %dma_wait3A_73 = arith.constant 0 : i32
    %dma_wait3A_74 = arith.constant 0 : i32
    %dma_wait3A_75 = arith.constant 0 : i32
    %dma_wait3A_76 = arith.constant 0 : i32
    %dma_wait3A_77 = arith.constant 0 : i32
    %dma_wait3A_78 = tpu.memref_slice %arg9[%dma_wait3A_73, %dma_wait3A_76, %dma_wait3A_77] : memref<2x128x128xf32, #tpu.memory_space<vmem>> -> memref<1x64x128xf32, #tpu.memory_space<vmem>>
    %dma_wait3A_79 = tpu.memref_squeeze %dma_wait3A_78 : memref<1x64x128xf32, #tpu.memory_space<vmem>> -> memref<64x128xf32, #tpu.memory_space<vmem>>
    %dma_wait3A_80 = arith.constant 0 : i32
    %dma_wait3A_81 = tpu.memref_slice %arg7[%dma_wait3A, %dma_wait3A_80] : memref<40x128xi32, #tpu.memory_space<vmem>> -> memref<1x64xi32, #tpu.memory_space<vmem>>
    %dma_wait3A_82 = tpu.memref_squeeze %dma_wait3A_81 : memref<1x64xi32, #tpu.memory_space<vmem>> -> memref<64xi32, #tpu.memory_space<vmem>>
    %dma_wait3A_83 = arith.constant 0 : i32
    %dma_wait3A_84 = arith.constant 0 : i32
    %dma_wait3A_85 = tpu.memref_slice %arg2[%dma_wait3A_83, %dma_wait3A_84] : memref<10000x128xf32, #tpu.memory_space<hbm>> -> memref<10000x128xf32, #tpu.memory_space<hbm>>
    %dma_wait3A_86 = tpu.memref_slice %arg11[%dma_wait3A_74, %dma_wait3A_75] : memref<2x2x!tpu.dma_semaphore, #tpu.memory_space<semaphore_mem>> -> memref<1x1x!tpu.dma_semaphore, #tpu.memory_space<semaphore_mem>>
    %dma_wait3A_87 = tpu.memref_squeeze %dma_wait3A_86 : memref<1x1x!tpu.dma_semaphore, #tpu.memory_space<semaphore_mem>> -> memref<!tpu.dma_semaphore, #tpu.memory_space<semaphore_mem>>
    tpu.wait_indirect_dma semaphore(%dma_wait3A_87 : memref<!tpu.dma_semaphore, #tpu.memory_space<semaphore_mem>>) src(%dma_wait3A_85 : memref<10000x128xf32, #tpu.memory_space<hbm>>) dst(%dma_wait3A_79 : memref<64x128xf32, #tpu.memory_space<vmem>>)
    %dma_wait3A_88 = arith.constant 38 : i32
    %dma_wait3A_89 = arith.constant 0 : i32
    %dma_wait3A_90 = arith.constant 0 : i32
    %dma_wait3A_91 = arith.constant 1 : i32
    %dma_wait3A_92 = arith.constant 64 : i32
    %dma_wait3A_93 = arith.constant 0 : i32
    %dma_wait3A_94 = tpu.memref_slice %arg9[%dma_wait3A_89, %dma_wait3A_92, %dma_wait3A_93] : memref<2x128x128xf32, #tpu.memory_space<vmem>> -> memref<1x64x128xf32, #tpu.memory_space<vmem>>
    %dma_wait3A_95 = tpu.memref_squeeze %dma_wait3A_94 : memref<1x64x128xf32, #tpu.memory_space<vmem>> -> memref<64x128xf32, #tpu.memory_space<vmem>>
    %dma_wait3A_96 = arith.constant 64 : i32
    %dma_wait3A_97 = tpu.memref_slice %arg7[%dma_wait3A_88, %dma_wait3A_96] : memref<40x128xi32, #tpu.memory_space<vmem>> -> memref<1x64xi32, #tpu.memory_space<vmem>>
    %dma_wait3A_98 = tpu.memref_squeeze %dma_wait3A_97 : memref<1x64xi32, #tpu.memory_space<vmem>> -> memref<64xi32, #tpu.memory_space<vmem>>
    %dma_wait3A_99 = arith.constant 0 : i32
    %dma_wait3A_100 = arith.constant 0 : i32
    %dma_wait3A_101 = tpu.memref_slice %arg2[%dma_wait3A_99, %dma_wait3A_100] : memref<10000x128xf32, #tpu.memory_space<hbm>> -> memref<10000x128xf32, #tpu.memory_space<hbm>>
    %dma_wait3A_102 = tpu.memref_slice %arg11[%dma_wait3A_90, %dma_wait3A_91] : memref<2x2x!tpu.dma_semaphore, #tpu.memory_space<semaphore_mem>> -> memref<1x1x!tpu.dma_semaphore, #tpu.memory_space<semaphore_mem>>
    %dma_wait3A_103 = tpu.memref_squeeze %dma_wait3A_102 : memref<1x1x!tpu.dma_semaphore, #tpu.memory_space<semaphore_mem>> -> memref<!tpu.dma_semaphore, #tpu.memory_space<semaphore_mem>>
    tpu.wait_indirect_dma semaphore(%dma_wait3A_103 : memref<!tpu.dma_semaphore, #tpu.memory_space<semaphore_mem>>) src(%dma_wait3A_101 : memref<10000x128xf32, #tpu.memory_space<hbm>>) dst(%dma_wait3A_95 : memref<64x128xf32, #tpu.memory_space<vmem>>)
    %dma_start3A_104 = arith.constant 0 : i32
    %dma_start3A_105 = arith.constant 38 : i32
    %dma_start3A_106 = arith.constant 0 : i32
    %dma_start3A_107 = arith.constant 0 : i32
    %dma_start3A_108 = arith.constant 0 : i32
    %dma_start3A_109 = tpu.memref_slice %arg9[%dma_start3A_104, %dma_start3A_107, %dma_start3A_108] : memref<2x128x128xf32, #tpu.memory_space<vmem>> -> memref<1x128x128xf32, #tpu.memory_space<vmem>>
    %dma_start3A_110 = tpu.memref_squeeze %dma_start3A_109 : memref<1x128x128xf32, #tpu.memory_space<vmem>> -> memref<128x128xf32, #tpu.memory_space<vmem>>
    %dma_start3A_111 = arith.constant 0 : i32
    %dma_start3A_112 = tpu.memref_slice %arg8[%dma_start3A_105, %dma_start3A_111] : memref<40x128xi32, #tpu.memory_space<vmem>> -> memref<1x128xi32, #tpu.memory_space<vmem>>
    %dma_start3A_113 = tpu.memref_squeeze %dma_start3A_112 : memref<1x128xi32, #tpu.memory_space<vmem>> -> memref<128xi32, #tpu.memory_space<vmem>>
    %dma_start3A_114 = arith.constant 0 : i32
    %dma_start3A_115 = arith.constant 0 : i32
    %dma_start3A_116 = tpu.memref_slice %arg10[%dma_start3A_114, %dma_start3A_115] : memref<10112x128xf32, #tpu.memory_space<vmem_shared>> -> memref<10112x128xf32, #tpu.memory_space<vmem_shared>>
    %dma_start3A_117 = tpu.memref_slice %arg12[%dma_start3A_106] : memref<2x!tpu.dma_semaphore, #tpu.memory_space<semaphore_mem>> -> memref<1x!tpu.dma_semaphore, #tpu.memory_space<semaphore_mem>>
    %dma_start3A_118 = tpu.memref_squeeze %dma_start3A_117 : memref<1x!tpu.dma_semaphore, #tpu.memory_space<semaphore_mem>> -> memref<!tpu.dma_semaphore, #tpu.memory_space<semaphore_mem>>
    tpu.enqueue_indirect_dma source(%dma_start3A_110 : memref<128x128xf32, #tpu.memory_space<vmem>>) target(%dma_start3A_116 : memref<10112x128xf32, #tpu.memory_space<vmem_shared>>) offsets(%dma_start3A_113 : memref<128xi32, #tpu.memory_space<vmem>>) semaphore(%dma_start3A_118 : memref<!tpu.dma_semaphore, #tpu.memory_space<semaphore_mem>>) {add = true}
    %dma_wait3A_119 = arith.constant 39 : i32
    %dma_wait3A_120 = arith.constant 1 : i32
    %dma_wait3A_121 = arith.constant 1 : i32
    %dma_wait3A_122 = arith.constant 0 : i32
    %dma_wait3A_123 = arith.constant 0 : i32
    %dma_wait3A_124 = arith.constant 0 : i32
    %dma_wait3A_125 = tpu.memref_slice %arg9[%dma_wait3A_120, %dma_wait3A_123, %dma_wait3A_124] : memref<2x128x128xf32, #tpu.memory_space<vmem>> -> memref<1x64x128xf32, #tpu.memory_space<vmem>>
    %dma_wait3A_126 = tpu.memref_squeeze %dma_wait3A_125 : memref<1x64x128xf32, #tpu.memory_space<vmem>> -> memref<64x128xf32, #tpu.memory_space<vmem>>
    %dma_wait3A_127 = arith.constant 0 : i32
    %dma_wait3A_128 = tpu.memref_slice %arg7[%dma_wait3A_119, %dma_wait3A_127] : memref<40x128xi32, #tpu.memory_space<vmem>> -> memref<1x64xi32, #tpu.memory_space<vmem>>
    %dma_wait3A_129 = tpu.memref_squeeze %dma_wait3A_128 : memref<1x64xi32, #tpu.memory_space<vmem>> -> memref<64xi32, #tpu.memory_space<vmem>>
    %dma_wait3A_130 = arith.constant 0 : i32
    %dma_wait3A_131 = arith.constant 0 : i32
    %dma_wait3A_132 = tpu.memref_slice %arg2[%dma_wait3A_130, %dma_wait3A_131] : memref<10000x128xf32, #tpu.memory_space<hbm>> -> memref<10000x128xf32, #tpu.memory_space<hbm>>
    %dma_wait3A_133 = tpu.memref_slice %arg11[%dma_wait3A_121, %dma_wait3A_122] : memref<2x2x!tpu.dma_semaphore, #tpu.memory_space<semaphore_mem>> -> memref<1x1x!tpu.dma_semaphore, #tpu.memory_space<semaphore_mem>>
    %dma_wait3A_134 = tpu.memref_squeeze %dma_wait3A_133 : memref<1x1x!tpu.dma_semaphore, #tpu.memory_space<semaphore_mem>> -> memref<!tpu.dma_semaphore, #tpu.memory_space<semaphore_mem>>
    tpu.wait_indirect_dma semaphore(%dma_wait3A_134 : memref<!tpu.dma_semaphore, #tpu.memory_space<semaphore_mem>>) src(%dma_wait3A_132 : memref<10000x128xf32, #tpu.memory_space<hbm>>) dst(%dma_wait3A_126 : memref<64x128xf32, #tpu.memory_space<vmem>>)
    %dma_wait3A_135 = arith.constant 39 : i32
    %dma_wait3A_136 = arith.constant 1 : i32
    %dma_wait3A_137 = arith.constant 1 : i32
    %dma_wait3A_138 = arith.constant 1 : i32
    %dma_wait3A_139 = arith.constant 64 : i32
    %dma_wait3A_140 = arith.constant 0 : i32
    %dma_wait3A_141 = tpu.memref_slice %arg9[%dma_wait3A_136, %dma_wait3A_139, %dma_wait3A_140] : memref<2x128x128xf32, #tpu.memory_space<vmem>> -> memref<1x64x128xf32, #tpu.memory_space<vmem>>
    %dma_wait3A_142 = tpu.memref_squeeze %dma_wait3A_141 : memref<1x64x128xf32, #tpu.memory_space<vmem>> -> memref<64x128xf32, #tpu.memory_space<vmem>>
    %dma_wait3A_143 = arith.constant 64 : i32
    %dma_wait3A_144 = tpu.memref_slice %arg7[%dma_wait3A_135, %dma_wait3A_143] : memref<40x128xi32, #tpu.memory_space<vmem>> -> memref<1x64xi32, #tpu.memory_space<vmem>>
    %dma_wait3A_145 = tpu.memref_squeeze %dma_wait3A_144 : memref<1x64xi32, #tpu.memory_space<vmem>> -> memref<64xi32, #tpu.memory_space<vmem>>
    %dma_wait3A_146 = arith.constant 0 : i32
    %dma_wait3A_147 = arith.constant 0 : i32
    %dma_wait3A_148 = tpu.memref_slice %arg2[%dma_wait3A_146, %dma_wait3A_147] : memref<10000x128xf32, #tpu.memory_space<hbm>> -> memref<10000x128xf32, #tpu.memory_space<hbm>>
    %dma_wait3A_149 = tpu.memref_slice %arg11[%dma_wait3A_137, %dma_wait3A_138] : memref<2x2x!tpu.dma_semaphore, #tpu.memory_space<semaphore_mem>> -> memref<1x1x!tpu.dma_semaphore, #tpu.memory_space<semaphore_mem>>
    %dma_wait3A_150 = tpu.memref_squeeze %dma_wait3A_149 : memref<1x1x!tpu.dma_semaphore, #tpu.memory_space<semaphore_mem>> -> memref<!tpu.dma_semaphore, #tpu.memory_space<semaphore_mem>>
    tpu.wait_indirect_dma semaphore(%dma_wait3A_150 : memref<!tpu.dma_semaphore, #tpu.memory_space<semaphore_mem>>) src(%dma_wait3A_148 : memref<10000x128xf32, #tpu.memory_space<hbm>>) dst(%dma_wait3A_142 : memref<64x128xf32, #tpu.memory_space<vmem>>)
    %dma_start3A_151 = arith.constant 1 : i32
    %dma_start3A_152 = arith.constant 39 : i32
    %dma_start3A_153 = arith.constant 1 : i32
    %dma_start3A_154 = arith.constant 0 : i32
    %dma_start3A_155 = arith.constant 0 : i32
    %dma_start3A_156 = tpu.memref_slice %arg9[%dma_start3A_151, %dma_start3A_154, %dma_start3A_155] : memref<2x128x128xf32, #tpu.memory_space<vmem>> -> memref<1x128x128xf32, #tpu.memory_space<vmem>>
    %dma_start3A_157 = tpu.memref_squeeze %dma_start3A_156 : memref<1x128x128xf32, #tpu.memory_space<vmem>> -> memref<128x128xf32, #tpu.memory_space<vmem>>
    %dma_start3A_158 = arith.constant 0 : i32
    %dma_start3A_159 = tpu.memref_slice %arg8[%dma_start3A_152, %dma_start3A_158] : memref<40x128xi32, #tpu.memory_space<vmem>> -> memref<1x128xi32, #tpu.memory_space<vmem>>
    %dma_start3A_160 = tpu.memref_squeeze %dma_start3A_159 : memref<1x128xi32, #tpu.memory_space<vmem>> -> memref<128xi32, #tpu.memory_space<vmem>>
    %dma_start3A_161 = arith.constant 0 : i32
    %dma_start3A_162 = arith.constant 0 : i32
    %dma_start3A_163 = tpu.memref_slice %arg10[%dma_start3A_161, %dma_start3A_162] : memref<10112x128xf32, #tpu.memory_space<vmem_shared>> -> memref<10112x128xf32, #tpu.memory_space<vmem_shared>>
    %dma_start3A_164 = tpu.memref_slice %arg12[%dma_start3A_153] : memref<2x!tpu.dma_semaphore, #tpu.memory_space<semaphore_mem>> -> memref<1x!tpu.dma_semaphore, #tpu.memory_space<semaphore_mem>>
    %dma_start3A_165 = tpu.memref_squeeze %dma_start3A_164 : memref<1x!tpu.dma_semaphore, #tpu.memory_space<semaphore_mem>> -> memref<!tpu.dma_semaphore, #tpu.memory_space<semaphore_mem>>
    tpu.enqueue_indirect_dma source(%dma_start3A_157 : memref<128x128xf32, #tpu.memory_space<vmem>>) target(%dma_start3A_163 : memref<10112x128xf32, #tpu.memory_space<vmem_shared>>) offsets(%dma_start3A_160 : memref<128xi32, #tpu.memory_space<vmem>>) semaphore(%dma_start3A_165 : memref<!tpu.dma_semaphore, #tpu.memory_space<semaphore_mem>>) {add = true}
    %dma_wait3A_166 = arith.constant 0 : i32
    %dma_wait3A_167 = arith.constant 38 : i32
    %dma_wait3A_168 = arith.constant 0 : i32
    %dma_wait3A_169 = arith.constant 0 : i32
    %dma_wait3A_170 = arith.constant 0 : i32
    %dma_wait3A_171 = tpu.memref_slice %arg9[%dma_wait3A_166, %dma_wait3A_169, %dma_wait3A_170] : memref<2x128x128xf32, #tpu.memory_space<vmem>> -> memref<1x128x128xf32, #tpu.memory_space<vmem>>
    %dma_wait3A_172 = tpu.memref_squeeze %dma_wait3A_171 : memref<1x128x128xf32, #tpu.memory_space<vmem>> -> memref<128x128xf32, #tpu.memory_space<vmem>>
    %dma_wait3A_173 = arith.constant 0 : i32
    %dma_wait3A_174 = tpu.memref_slice %arg8[%dma_wait3A_167, %dma_wait3A_173] : memref<40x128xi32, #tpu.memory_space<vmem>> -> memref<1x128xi32, #tpu.memory_space<vmem>>
    %dma_wait3A_175 = tpu.memref_squeeze %dma_wait3A_174 : memref<1x128xi32, #tpu.memory_space<vmem>> -> memref<128xi32, #tpu.memory_space<vmem>>
    %dma_wait3A_176 = arith.constant 0 : i32
    %dma_wait3A_177 = arith.constant 0 : i32
    %dma_wait3A_178 = tpu.memref_slice %arg10[%dma_wait3A_176, %dma_wait3A_177] : memref<10112x128xf32, #tpu.memory_space<vmem_shared>> -> memref<10112x128xf32, #tpu.memory_space<vmem_shared>>
    %dma_wait3A_179 = tpu.memref_slice %arg12[%dma_wait3A_168] : memref<2x!tpu.dma_semaphore, #tpu.memory_space<semaphore_mem>> -> memref<1x!tpu.dma_semaphore, #tpu.memory_space<semaphore_mem>>
    %dma_wait3A_180 = tpu.memref_squeeze %dma_wait3A_179 : memref<1x!tpu.dma_semaphore, #tpu.memory_space<semaphore_mem>> -> memref<!tpu.dma_semaphore, #tpu.memory_space<semaphore_mem>>
    tpu.wait_indirect_dma semaphore(%dma_wait3A_180 : memref<!tpu.dma_semaphore, #tpu.memory_space<semaphore_mem>>) src(%dma_wait3A_172 : memref<128x128xf32, #tpu.memory_space<vmem>>) dst(%dma_wait3A_178 : memref<10112x128xf32, #tpu.memory_space<vmem_shared>>)
    %dma_wait3A_181 = arith.constant 1 : i32
    %dma_wait3A_182 = arith.constant 39 : i32
    %dma_wait3A_183 = arith.constant 1 : i32
    %dma_wait3A_184 = arith.constant 0 : i32
    %dma_wait3A_185 = arith.constant 0 : i32
    %dma_wait3A_186 = tpu.memref_slice %arg9[%dma_wait3A_181, %dma_wait3A_184, %dma_wait3A_185] : memref<2x128x128xf32, #tpu.memory_space<vmem>> -> memref<1x128x128xf32, #tpu.memory_space<vmem>>
    %dma_wait3A_187 = tpu.memref_squeeze %dma_wait3A_186 : memref<1x128x128xf32, #tpu.memory_space<vmem>> -> memref<128x128xf32, #tpu.memory_space<vmem>>
    %dma_wait3A_188 = arith.constant 0 : i32
    %dma_wait3A_189 = tpu.memref_slice %arg8[%dma_wait3A_182, %dma_wait3A_188] : memref<40x128xi32, #tpu.memory_space<vmem>> -> memref<1x128xi32, #tpu.memory_space<vmem>>
    %dma_wait3A_190 = tpu.memref_squeeze %dma_wait3A_189 : memref<1x128xi32, #tpu.memory_space<vmem>> -> memref<128xi32, #tpu.memory_space<vmem>>
    %dma_wait3A_191 = arith.constant 0 : i32
    %dma_wait3A_192 = arith.constant 0 : i32
    %dma_wait3A_193 = tpu.memref_slice %arg10[%dma_wait3A_191, %dma_wait3A_192] : memref<10112x128xf32, #tpu.memory_space<vmem_shared>> -> memref<10112x128xf32, #tpu.memory_space<vmem_shared>>
    %dma_wait3A_194 = tpu.memref_slice %arg12[%dma_wait3A_183] : memref<2x!tpu.dma_semaphore, #tpu.memory_space<semaphore_mem>> -> memref<1x!tpu.dma_semaphore, #tpu.memory_space<semaphore_mem>>
    %dma_wait3A_195 = tpu.memref_squeeze %dma_wait3A_194 : memref<1x!tpu.dma_semaphore, #tpu.memory_space<semaphore_mem>> -> memref<!tpu.dma_semaphore, #tpu.memory_space<semaphore_mem>>
    tpu.wait_indirect_dma semaphore(%dma_wait3A_195 : memref<!tpu.dma_semaphore, #tpu.memory_space<semaphore_mem>>) src(%dma_wait3A_187 : memref<128x128xf32, #tpu.memory_space<vmem>>) dst(%dma_wait3A_193 : memref<10112x128xf32, #tpu.memory_space<vmem_shared>>)
    %add3A_196 = arith.constant 40 : i32
    %add3A_197 = arith.addi %mul3A_4, %add3A_196 : i32
    "tpu.region"() ({
      %run_scoped3A = tpu.sem_alloc : memref<!tpu.dma_semaphore, #tpu.memory_space<semaphore_mem>>
      %dma_start3A_399 = arith.constant 0 : i32
      %dma_start3A_400 = tpu.memref_slice %arg3[%add3A_197, %dma_start3A_399] : memref<2560x128xi32, #tpu.memory_space<hbm>> -> memref<40x128xi32, #tpu.memory_space<hbm>>
      %dma_start3A_401 = arith.constant 0 : i32
      %dma_start3A_402 = tpu.memref_slice %arg3[%add3A_197, %dma_start3A_401] : memref<2560x128xi32, #tpu.memory_space<hbm>> -> memref<40x128xi32, #tpu.memory_space<hbm>>
      tpu.enqueue_dma source(%dma_start3A_402 : memref<40x128xi32, #tpu.memory_space<hbm>>) target(%arg7 : memref<40x128xi32, #tpu.memory_space<vmem>>) target_semaphore(%run_scoped3A : memref<!tpu.dma_semaphore, #tpu.memory_space<semaphore_mem>>)
      %dma_wait3A_403 = arith.constant 0 : i32
      %dma_wait3A_404 = tpu.memref_slice %arg3[%add3A_197, %dma_wait3A_403] : memref<2560x128xi32, #tpu.memory_space<hbm>> -> memref<40x128xi32, #tpu.memory_space<hbm>>
      %dma_wait3A_405 = arith.constant 0 : i32
      %dma_wait3A_406 = tpu.memref_slice %arg3[%add3A_197, %dma_wait3A_405] : memref<2560x128xi32, #tpu.memory_space<hbm>> -> memref<40x128xi32, #tpu.memory_space<hbm>>
      tpu.wait_dma2 semaphore(%run_scoped3A : memref<!tpu.dma_semaphore, #tpu.memory_space<semaphore_mem>>) src(%dma_wait3A_406 : memref<40x128xi32, #tpu.memory_space<hbm>>) dst(%arg7 : memref<40x128xi32, #tpu.memory_space<vmem>>)
      tpu.yield
    }) : () -> ()
    %add3A_198 = arith.constant 40 : i32
    %add3A_199 = arith.addi %mul3A_4, %add3A_198 : i32
    "tpu.region"() ({
      %run_scoped3A = tpu.sem_alloc : memref<!tpu.dma_semaphore, #tpu.memory_space<semaphore_mem>>
      %dma_start3A_399 = arith.constant 0 : i32
      %dma_start3A_400 = tpu.memref_slice %arg4[%add3A_199, %dma_start3A_399] : memref<2560x128xi32, #tpu.memory_space<hbm>> -> memref<40x128xi32, #tpu.memory_space<hbm>>
      %dma_start3A_401 = arith.constant 0 : i32
      %dma_start3A_402 = tpu.memref_slice %arg4[%add3A_199, %dma_start3A_401] : memref<2560x128xi32, #tpu.memory_space<hbm>> -> memref<40x128xi32, #tpu.memory_space<hbm>>
      tpu.enqueue_dma source(%dma_start3A_402 : memref<40x128xi32, #tpu.memory_space<hbm>>) target(%arg8 : memref<40x128xi32, #tpu.memory_space<vmem>>) target_semaphore(%run_scoped3A : memref<!tpu.dma_semaphore, #tpu.memory_space<semaphore_mem>>)
      %dma_wait3A_403 = arith.constant 0 : i32
      %dma_wait3A_404 = tpu.memref_slice %arg4[%add3A_199, %dma_wait3A_403] : memref<2560x128xi32, #tpu.memory_space<hbm>> -> memref<40x128xi32, #tpu.memory_space<hbm>>
      %dma_wait3A_405 = arith.constant 0 : i32
      %dma_wait3A_406 = tpu.memref_slice %arg4[%add3A_199, %dma_wait3A_405] : memref<2560x128xi32, #tpu.memory_space<hbm>> -> memref<40x128xi32, #tpu.memory_space<hbm>>
      tpu.wait_dma2 semaphore(%run_scoped3A : memref<!tpu.dma_semaphore, #tpu.memory_space<semaphore_mem>>) src(%dma_wait3A_406 : memref<40x128xi32, #tpu.memory_space<hbm>>) dst(%arg8 : memref<40x128xi32, #tpu.memory_space<vmem>>)
      tpu.yield
    }) : () -> ()
    %dma_start3A_200 = arith.constant 0 : i32
    %dma_start3A_201 = arith.constant 0 : i32
    %dma_start3A_202 = arith.constant 0 : i32
    %dma_start3A_203 = arith.constant 0 : i32
    %dma_start3A_204 = arith.constant 0 : i32
    %dma_start3A_205 = arith.constant 0 : i32
    %dma_start3A_206 = tpu.memref_slice %arg9[%dma_start3A_201, %dma_start3A_204, %dma_start3A_205] : memref<2x128x128xf32, #tpu.memory_space<vmem>> -> memref<1x64x128xf32, #tpu.memory_space<vmem>>
    %dma_start3A_207 = tpu.memref_squeeze %dma_start3A_206 : memref<1x64x128xf32, #tpu.memory_space<vmem>> -> memref<64x128xf32, #tpu.memory_space<vmem>>
    %dma_start3A_208 = arith.constant 0 : i32
    %dma_start3A_209 = tpu.memref_slice %arg7[%dma_start3A_200, %dma_start3A_208] : memref<40x128xi32, #tpu.memory_space<vmem>> -> memref<1x64xi32, #tpu.memory_space<vmem>>
    %dma_start3A_210 = tpu.memref_squeeze %dma_start3A_209 : memref<1x64xi32, #tpu.memory_space<vmem>> -> memref<64xi32, #tpu.memory_space<vmem>>
    %dma_start3A_211 = arith.constant 0 : i32
    %dma_start3A_212 = arith.constant 0 : i32
    %dma_start3A_213 = tpu.memref_slice %arg2[%dma_start3A_211, %dma_start3A_212] : memref<10000x128xf32, #tpu.memory_space<hbm>> -> memref<10000x128xf32, #tpu.memory_space<hbm>>
    %dma_start3A_214 = tpu.memref_slice %arg11[%dma_start3A_202, %dma_start3A_203] : memref<2x2x!tpu.dma_semaphore, #tpu.memory_space<semaphore_mem>> -> memref<1x1x!tpu.dma_semaphore, #tpu.memory_space<semaphore_mem>>
    %dma_start3A_215 = tpu.memref_squeeze %dma_start3A_214 : memref<1x1x!tpu.dma_semaphore, #tpu.memory_space<semaphore_mem>> -> memref<!tpu.dma_semaphore, #tpu.memory_space<semaphore_mem>>
    tpu.enqueue_indirect_dma source(%dma_start3A_213 : memref<10000x128xf32, #tpu.memory_space<hbm>>) target(%dma_start3A_207 : memref<64x128xf32, #tpu.memory_space<vmem>>) offsets(%dma_start3A_210 : memref<64xi32, #tpu.memory_space<vmem>>) semaphore(%dma_start3A_215 : memref<!tpu.dma_semaphore, #tpu.memory_space<semaphore_mem>>)
    %dma_start3A_216 = arith.constant 0 : i32
    %dma_start3A_217 = arith.constant 0 : i32
    %dma_start3A_218 = arith.constant 0 : i32
    %dma_start3A_219 = arith.constant 1 : i32
    %dma_start3A_220 = arith.constant 64 : i32
    %dma_start3A_221 = arith.constant 0 : i32
    %dma_start3A_222 = tpu.memref_slice %arg9[%dma_start3A_217, %dma_start3A_220, %dma_start3A_221] : memref<2x128x128xf32, #tpu.memory_space<vmem>> -> memref<1x64x128xf32, #tpu.memory_space<vmem>>
    %dma_start3A_223 = tpu.memref_squeeze %dma_start3A_222 : memref<1x64x128xf32, #tpu.memory_space<vmem>> -> memref<64x128xf32, #tpu.memory_space<vmem>>
    %dma_start3A_224 = arith.constant 64 : i32
    %dma_start3A_225 = tpu.memref_slice %arg7[%dma_start3A_216, %dma_start3A_224] : memref<40x128xi32, #tpu.memory_space<vmem>> -> memref<1x64xi32, #tpu.memory_space<vmem>>
    %dma_start3A_226 = tpu.memref_squeeze %dma_start3A_225 : memref<1x64xi32, #tpu.memory_space<vmem>> -> memref<64xi32, #tpu.memory_space<vmem>>
    %dma_start3A_227 = arith.constant 0 : i32
    %dma_start3A_228 = arith.constant 0 : i32
    %dma_start3A_229 = tpu.memref_slice %arg2[%dma_start3A_227, %dma_start3A_228] : memref<10000x128xf32, #tpu.memory_space<hbm>> -> memref<10000x128xf32, #tpu.memory_space<hbm>>
    %dma_start3A_230 = tpu.memref_slice %arg11[%dma_start3A_218, %dma_start3A_219] : memref<2x2x!tpu.dma_semaphore, #tpu.memory_space<semaphore_mem>> -> memref<1x1x!tpu.dma_semaphore, #tpu.memory_space<semaphore_mem>>
    %dma_start3A_231 = tpu.memref_squeeze %dma_start3A_230 : memref<1x1x!tpu.dma_semaphore, #tpu.memory_space<semaphore_mem>> -> memref<!tpu.dma_semaphore, #tpu.memory_space<semaphore_mem>>
    tpu.enqueue_indirect_dma source(%dma_start3A_229 : memref<10000x128xf32, #tpu.memory_space<hbm>>) target(%dma_start3A_223 : memref<64x128xf32, #tpu.memory_space<vmem>>) offsets(%dma_start3A_226 : memref<64xi32, #tpu.memory_space<vmem>>) semaphore(%dma_start3A_231 : memref<!tpu.dma_semaphore, #tpu.memory_space<semaphore_mem>>)
    %dma_start3A_232 = arith.constant 1 : i32
    %dma_start3A_233 = arith.constant 1 : i32
    %dma_start3A_234 = arith.constant 1 : i32
    %dma_start3A_235 = arith.constant 0 : i32
    %dma_start3A_236 = arith.constant 0 : i32
    %dma_start3A_237 = arith.constant 0 : i32
    %dma_start3A_238 = tpu.memref_slice %arg9[%dma_start3A_233, %dma_start3A_236, %dma_start3A_237] : memref<2x128x128xf32, #tpu.memory_space<vmem>> -> memref<1x64x128xf32, #tpu.memory_space<vmem>>
    %dma_start3A_239 = tpu.memref_squeeze %dma_start3A_238 : memref<1x64x128xf32, #tpu.memory_space<vmem>> -> memref<64x128xf32, #tpu.memory_space<vmem>>
    %dma_start3A_240 = arith.constant 0 : i32
    %dma_start3A_241 = tpu.memref_slice %arg7[%dma_start3A_232, %dma_start3A_240] : memref<40x128xi32, #tpu.memory_space<vmem>> -> memref<1x64xi32, #tpu.memory_space<vmem>>
    %dma_start3A_242 = tpu.memref_squeeze %dma_start3A_241 : memref<1x64xi32, #tpu.memory_space<vmem>> -> memref<64xi32, #tpu.memory_space<vmem>>
    %dma_start3A_243 = arith.constant 0 : i32
    %dma_start3A_244 = arith.constant 0 : i32
    %dma_start3A_245 = tpu.memref_slice %arg2[%dma_start3A_243, %dma_start3A_244] : memref<10000x128xf32, #tpu.memory_space<hbm>> -> memref<10000x128xf32, #tpu.memory_space<hbm>>
    %dma_start3A_246 = tpu.memref_slice %arg11[%dma_start3A_234, %dma_start3A_235] : memref<2x2x!tpu.dma_semaphore, #tpu.memory_space<semaphore_mem>> -> memref<1x1x!tpu.dma_semaphore, #tpu.memory_space<semaphore_mem>>
    %dma_start3A_247 = tpu.memref_squeeze %dma_start3A_246 : memref<1x1x!tpu.dma_semaphore, #tpu.memory_space<semaphore_mem>> -> memref<!tpu.dma_semaphore, #tpu.memory_space<semaphore_mem>>
    tpu.enqueue_indirect_dma source(%dma_start3A_245 : memref<10000x128xf32, #tpu.memory_space<hbm>>) target(%dma_start3A_239 : memref<64x128xf32, #tpu.memory_space<vmem>>) offsets(%dma_start3A_242 : memref<64xi32, #tpu.memory_space<vmem>>) semaphore(%dma_start3A_247 : memref<!tpu.dma_semaphore, #tpu.memory_space<semaphore_mem>>)
    %dma_start3A_248 = arith.constant 1 : i32
    %dma_start3A_249 = arith.constant 1 : i32
    %dma_start3A_250 = arith.constant 1 : i32
    %dma_start3A_251 = arith.constant 1 : i32
    %dma_start3A_252 = arith.constant 64 : i32
    %dma_start3A_253 = arith.constant 0 : i32
    %dma_start3A_254 = tpu.memref_slice %arg9[%dma_start3A_249, %dma_start3A_252, %dma_start3A_253] : memref<2x128x128xf32, #tpu.memory_space<vmem>> -> memref<1x64x128xf32, #tpu.memory_space<vmem>>
    %dma_start3A_255 = tpu.memref_squeeze %dma_start3A_254 : memref<1x64x128xf32, #tpu.memory_space<vmem>> -> memref<64x128xf32, #tpu.memory_space<vmem>>
    %dma_start3A_256 = arith.constant 64 : i32
    %dma_start3A_257 = tpu.memref_slice %arg7[%dma_start3A_248, %dma_start3A_256] : memref<40x128xi32, #tpu.memory_space<vmem>> -> memref<1x64xi32, #tpu.memory_space<vmem>>
    %dma_start3A_258 = tpu.memref_squeeze %dma_start3A_257 : memref<1x64xi32, #tpu.memory_space<vmem>> -> memref<64xi32, #tpu.memory_space<vmem>>
    %dma_start3A_259 = arith.constant 0 : i32
    %dma_start3A_260 = arith.constant 0 : i32
    %dma_start3A_261 = tpu.memref_slice %arg2[%dma_start3A_259, %dma_start3A_260] : memref<10000x128xf32, #tpu.memory_space<hbm>> -> memref<10000x128xf32, #tpu.memory_space<hbm>>
    %dma_start3A_262 = tpu.memref_slice %arg11[%dma_start3A_250, %dma_start3A_251] : memref<2x2x!tpu.dma_semaphore, #tpu.memory_space<semaphore_mem>> -> memref<1x1x!tpu.dma_semaphore, #tpu.memory_space<semaphore_mem>>
    %dma_start3A_263 = tpu.memref_squeeze %dma_start3A_262 : memref<1x1x!tpu.dma_semaphore, #tpu.memory_space<semaphore_mem>> -> memref<!tpu.dma_semaphore, #tpu.memory_space<semaphore_mem>>
    tpu.enqueue_indirect_dma source(%dma_start3A_261 : memref<10000x128xf32, #tpu.memory_space<hbm>>) target(%dma_start3A_255 : memref<64x128xf32, #tpu.memory_space<vmem>>) offsets(%dma_start3A_258 : memref<64xi32, #tpu.memory_space<vmem>>) semaphore(%dma_start3A_263 : memref<!tpu.dma_semaphore, #tpu.memory_space<semaphore_mem>>)
    %scan3A_264 = arith.constant 0 : i32
    %scan3A_265 = arith.constant 0 : i32
    %scan3A_266 = arith.constant 19 : i32
    %scan3A_267 = arith.addi %scan3A_265, %scan3A_266 : i32
    %scan3A_268 = arith.constant 1 : i32
    scf.for %scan3A_399 = %scan3A_265 to %scan3A_267 step %scan3A_268  : i32 {
      %mul3A_400 = arith.constant 2 : i32
      %mul3A_401 = arith.muli %scan3A_399, %mul3A_400 : i32
      %add3A_402 = arith.constant 0 : i32
      %add3A_403 = arith.addi %mul3A_401, %add3A_402 : i32
      %dma_wait3A_404 = arith.constant 0 : i32
      %dma_wait3A_405 = arith.constant 0 : i32
      %dma_wait3A_406 = arith.constant 0 : i32
      %dma_wait3A_407 = arith.constant 0 : i32
      %dma_wait3A_408 = arith.constant 0 : i32
      %dma_wait3A_409 = tpu.memref_slice %arg9[%dma_wait3A_404, %dma_wait3A_407, %dma_wait3A_408] : memref<2x128x128xf32, #tpu.memory_space<vmem>> -> memref<1x64x128xf32, #tpu.memory_space<vmem>>
      %dma_wait3A_410 = tpu.memref_squeeze %dma_wait3A_409 : memref<1x64x128xf32, #tpu.memory_space<vmem>> -> memref<64x128xf32, #tpu.memory_space<vmem>>
      %dma_wait3A_411 = arith.constant 0 : i32
      %dma_wait3A_412 = tpu.memref_slice %arg7[%add3A_403, %dma_wait3A_411] : memref<40x128xi32, #tpu.memory_space<vmem>> -> memref<1x64xi32, #tpu.memory_space<vmem>>
      %dma_wait3A_413 = tpu.memref_squeeze %dma_wait3A_412 : memref<1x64xi32, #tpu.memory_space<vmem>> -> memref<64xi32, #tpu.memory_space<vmem>>
      %dma_wait3A_414 = arith.constant 0 : i32
      %dma_wait3A_415 = arith.constant 0 : i32
      %dma_wait3A_416 = tpu.memref_slice %arg2[%dma_wait3A_414, %dma_wait3A_415] : memref<10000x128xf32, #tpu.memory_space<hbm>> -> memref<10000x128xf32, #tpu.memory_space<hbm>>
      %dma_wait3A_417 = tpu.memref_slice %arg11[%dma_wait3A_405, %dma_wait3A_406] : memref<2x2x!tpu.dma_semaphore, #tpu.memory_space<semaphore_mem>> -> memref<1x1x!tpu.dma_semaphore, #tpu.memory_space<semaphore_mem>>
      %dma_wait3A_418 = tpu.memref_squeeze %dma_wait3A_417 : memref<1x1x!tpu.dma_semaphore, #tpu.memory_space<semaphore_mem>> -> memref<!tpu.dma_semaphore, #tpu.memory_space<semaphore_mem>>
      tpu.wait_indirect_dma semaphore(%dma_wait3A_418 : memref<!tpu.dma_semaphore, #tpu.memory_space<semaphore_mem>>) src(%dma_wait3A_416 : memref<10000x128xf32, #tpu.memory_space<hbm>>) dst(%dma_wait3A_410 : memref<64x128xf32, #tpu.memory_space<vmem>>)
      %dma_wait3A_419 = arith.constant 0 : i32
      %dma_wait3A_420 = arith.constant 0 : i32
      %dma_wait3A_421 = arith.constant 1 : i32
      %dma_wait3A_422 = arith.constant 64 : i32
      %dma_wait3A_423 = arith.constant 0 : i32
      %dma_wait3A_424 = tpu.memref_slice %arg9[%dma_wait3A_419, %dma_wait3A_422, %dma_wait3A_423] : memref<2x128x128xf32, #tpu.memory_space<vmem>> -> memref<1x64x128xf32, #tpu.memory_space<vmem>>
      %dma_wait3A_425 = tpu.memref_squeeze %dma_wait3A_424 : memref<1x64x128xf32, #tpu.memory_space<vmem>> -> memref<64x128xf32, #tpu.memory_space<vmem>>
      %dma_wait3A_426 = arith.constant 64 : i32
      %dma_wait3A_427 = tpu.memref_slice %arg7[%add3A_403, %dma_wait3A_426] : memref<40x128xi32, #tpu.memory_space<vmem>> -> memref<1x64xi32, #tpu.memory_space<vmem>>
      %dma_wait3A_428 = tpu.memref_squeeze %dma_wait3A_427 : memref<1x64xi32, #tpu.memory_space<vmem>> -> memref<64xi32, #tpu.memory_space<vmem>>
      %dma_wait3A_429 = arith.constant 0 : i32
      %dma_wait3A_430 = arith.constant 0 : i32
      %dma_wait3A_431 = tpu.memref_slice %arg2[%dma_wait3A_429, %dma_wait3A_430] : memref<10000x128xf32, #tpu.memory_space<hbm>> -> memref<10000x128xf32, #tpu.memory_space<hbm>>
      %dma_wait3A_432 = tpu.memref_slice %arg11[%dma_wait3A_420, %dma_wait3A_421] : memref<2x2x!tpu.dma_semaphore, #tpu.memory_space<semaphore_mem>> -> memref<1x1x!tpu.dma_semaphore, #tpu.memory_space<semaphore_mem>>
      %dma_wait3A_433 = tpu.memref_squeeze %dma_wait3A_432 : memref<1x1x!tpu.dma_semaphore, #tpu.memory_space<semaphore_mem>> -> memref<!tpu.dma_semaphore, #tpu.memory_space<semaphore_mem>>
      tpu.wait_indirect_dma semaphore(%dma_wait3A_433 : memref<!tpu.dma_semaphore, #tpu.memory_space<semaphore_mem>>) src(%dma_wait3A_431 : memref<10000x128xf32, #tpu.memory_space<hbm>>) dst(%dma_wait3A_425 : memref<64x128xf32, #tpu.memory_space<vmem>>)
      %dma_start3A_434 = arith.constant 0 : i32
      %dma_start3A_435 = arith.constant 0 : i32
      %dma_start3A_436 = arith.constant 0 : i32
      %dma_start3A_437 = arith.constant 0 : i32
      %dma_start3A_438 = tpu.memref_slice %arg9[%dma_start3A_434, %dma_start3A_436, %dma_start3A_437] : memref<2x128x128xf32, #tpu.memory_space<vmem>> -> memref<1x128x128xf32, #tpu.memory_space<vmem>>
      %dma_start3A_439 = tpu.memref_squeeze %dma_start3A_438 : memref<1x128x128xf32, #tpu.memory_space<vmem>> -> memref<128x128xf32, #tpu.memory_space<vmem>>
      %dma_start3A_440 = arith.constant 0 : i32
      %dma_start3A_441 = tpu.memref_slice %arg8[%add3A_403, %dma_start3A_440] : memref<40x128xi32, #tpu.memory_space<vmem>> -> memref<1x128xi32, #tpu.memory_space<vmem>>
      %dma_start3A_442 = tpu.memref_squeeze %dma_start3A_441 : memref<1x128xi32, #tpu.memory_space<vmem>> -> memref<128xi32, #tpu.memory_space<vmem>>
      %dma_start3A_443 = arith.constant 0 : i32
      %dma_start3A_444 = arith.constant 0 : i32
      %dma_start3A_445 = tpu.memref_slice %arg10[%dma_start3A_443, %dma_start3A_444] : memref<10112x128xf32, #tpu.memory_space<vmem_shared>> -> memref<10112x128xf32, #tpu.memory_space<vmem_shared>>
      %dma_start3A_446 = tpu.memref_slice %arg12[%dma_start3A_435] : memref<2x!tpu.dma_semaphore, #tpu.memory_space<semaphore_mem>> -> memref<1x!tpu.dma_semaphore, #tpu.memory_space<semaphore_mem>>
      %dma_start3A_447 = tpu.memref_squeeze %dma_start3A_446 : memref<1x!tpu.dma_semaphore, #tpu.memory_space<semaphore_mem>> -> memref<!tpu.dma_semaphore, #tpu.memory_space<semaphore_mem>>
      tpu.enqueue_indirect_dma source(%dma_start3A_439 : memref<128x128xf32, #tpu.memory_space<vmem>>) target(%dma_start3A_445 : memref<10112x128xf32, #tpu.memory_space<vmem_shared>>) offsets(%dma_start3A_442 : memref<128xi32, #tpu.memory_space<vmem>>) semaphore(%dma_start3A_447 : memref<!tpu.dma_semaphore, #tpu.memory_space<semaphore_mem>>) {add = true}
      %dma_wait3A_448 = arith.constant 0 : i32
      %dma_wait3A_449 = arith.constant 0 : i32
      %dma_wait3A_450 = arith.constant 0 : i32
      %dma_wait3A_451 = arith.constant 0 : i32
      %dma_wait3A_452 = tpu.memref_slice %arg9[%dma_wait3A_448, %dma_wait3A_450, %dma_wait3A_451] : memref<2x128x128xf32, #tpu.memory_space<vmem>> -> memref<1x128x128xf32, #tpu.memory_space<vmem>>
      %dma_wait3A_453 = tpu.memref_squeeze %dma_wait3A_452 : memref<1x128x128xf32, #tpu.memory_space<vmem>> -> memref<128x128xf32, #tpu.memory_space<vmem>>
      %dma_wait3A_454 = arith.constant 0 : i32
      %dma_wait3A_455 = tpu.memref_slice %arg8[%add3A_403, %dma_wait3A_454] : memref<40x128xi32, #tpu.memory_space<vmem>> -> memref<1x128xi32, #tpu.memory_space<vmem>>
      %dma_wait3A_456 = tpu.memref_squeeze %dma_wait3A_455 : memref<1x128xi32, #tpu.memory_space<vmem>> -> memref<128xi32, #tpu.memory_space<vmem>>
      %dma_wait3A_457 = arith.constant 0 : i32
      %dma_wait3A_458 = arith.constant 0 : i32
      %dma_wait3A_459 = tpu.memref_slice %arg10[%dma_wait3A_457, %dma_wait3A_458] : memref<10112x128xf32, #tpu.memory_space<vmem_shared>> -> memref<10112x128xf32, #tpu.memory_space<vmem_shared>>
      %dma_wait3A_460 = tpu.memref_slice %arg12[%dma_wait3A_449] : memref<2x!tpu.dma_semaphore, #tpu.memory_space<semaphore_mem>> -> memref<1x!tpu.dma_semaphore, #tpu.memory_space<semaphore_mem>>
      %dma_wait3A_461 = tpu.memref_squeeze %dma_wait3A_460 : memref<1x!tpu.dma_semaphore, #tpu.memory_space<semaphore_mem>> -> memref<!tpu.dma_semaphore, #tpu.memory_space<semaphore_mem>>
      tpu.wait_indirect_dma semaphore(%dma_wait3A_461 : memref<!tpu.dma_semaphore, #tpu.memory_space<semaphore_mem>>) src(%dma_wait3A_453 : memref<128x128xf32, #tpu.memory_space<vmem>>) dst(%dma_wait3A_459 : memref<10112x128xf32, #tpu.memory_space<vmem_shared>>)
      %add3A_462 = arith.constant 2 : i32
      %add3A_463 = arith.addi %add3A_403, %add3A_462 : i32
      %dma_start3A_464 = arith.constant 0 : i32
      %dma_start3A_465 = arith.constant 0 : i32
      %dma_start3A_466 = arith.constant 0 : i32
      %dma_start3A_467 = arith.constant 0 : i32
      %dma_start3A_468 = arith.constant 0 : i32
      %dma_start3A_469 = tpu.memref_slice %arg9[%dma_start3A_464, %dma_start3A_467, %dma_start3A_468] : memref<2x128x128xf32, #tpu.memory_space<vmem>> -> memref<1x64x128xf32, #tpu.memory_space<vmem>>
      %dma_start3A_470 = tpu.memref_squeeze %dma_start3A_469 : memref<1x64x128xf32, #tpu.memory_space<vmem>> -> memref<64x128xf32, #tpu.memory_space<vmem>>
      %dma_start3A_471 = arith.constant 0 : i32
      %dma_start3A_472 = tpu.memref_slice %arg7[%add3A_463, %dma_start3A_471] : memref<40x128xi32, #tpu.memory_space<vmem>> -> memref<1x64xi32, #tpu.memory_space<vmem>>
      %dma_start3A_473 = tpu.memref_squeeze %dma_start3A_472 : memref<1x64xi32, #tpu.memory_space<vmem>> -> memref<64xi32, #tpu.memory_space<vmem>>
      %dma_start3A_474 = arith.constant 0 : i32
      %dma_start3A_475 = arith.constant 0 : i32
      %dma_start3A_476 = tpu.memref_slice %arg2[%dma_start3A_474, %dma_start3A_475] : memref<10000x128xf32, #tpu.memory_space<hbm>> -> memref<10000x128xf32, #tpu.memory_space<hbm>>
      %dma_start3A_477 = tpu.memref_slice %arg11[%dma_start3A_465, %dma_start3A_466] : memref<2x2x!tpu.dma_semaphore, #tpu.memory_space<semaphore_mem>> -> memref<1x1x!tpu.dma_semaphore, #tpu.memory_space<semaphore_mem>>
      %dma_start3A_478 = tpu.memref_squeeze %dma_start3A_477 : memref<1x1x!tpu.dma_semaphore, #tpu.memory_space<semaphore_mem>> -> memref<!tpu.dma_semaphore, #tpu.memory_space<semaphore_mem>>
      tpu.enqueue_indirect_dma source(%dma_start3A_476 : memref<10000x128xf32, #tpu.memory_space<hbm>>) target(%dma_start3A_470 : memref<64x128xf32, #tpu.memory_space<vmem>>) offsets(%dma_start3A_473 : memref<64xi32, #tpu.memory_space<vmem>>) semaphore(%dma_start3A_478 : memref<!tpu.dma_semaphore, #tpu.memory_space<semaphore_mem>>)
      %dma_start3A_479 = arith.constant 0 : i32
      %dma_start3A_480 = arith.constant 0 : i32
      %dma_start3A_481 = arith.constant 1 : i32
      %dma_start3A_482 = arith.constant 64 : i32
      %dma_start3A_483 = arith.constant 0 : i32
      %dma_start3A_484 = tpu.memref_slice %arg9[%dma_start3A_479, %dma_start3A_482, %dma_start3A_483] : memref<2x128x128xf32, #tpu.memory_space<vmem>> -> memref<1x64x128xf32, #tpu.memory_space<vmem>>
      %dma_start3A_485 = tpu.memref_squeeze %dma_start3A_484 : memref<1x64x128xf32, #tpu.memory_space<vmem>> -> memref<64x128xf32, #tpu.memory_space<vmem>>
      %dma_start3A_486 = arith.constant 64 : i32
      %dma_start3A_487 = tpu.memref_slice %arg7[%add3A_463, %dma_start3A_486] : memref<40x128xi32, #tpu.memory_space<vmem>> -> memref<1x64xi32, #tpu.memory_space<vmem>>
      %dma_start3A_488 = tpu.memref_squeeze %dma_start3A_487 : memref<1x64xi32, #tpu.memory_space<vmem>> -> memref<64xi32, #tpu.memory_space<vmem>>
      %dma_start3A_489 = arith.constant 0 : i32
      %dma_start3A_490 = arith.constant 0 : i32
      %dma_start3A_491 = tpu.memref_slice %arg2[%dma_start3A_489, %dma_start3A_490] : memref<10000x128xf32, #tpu.memory_space<hbm>> -> memref<10000x128xf32, #tpu.memory_space<hbm>>
      %dma_start3A_492 = tpu.memref_slice %arg11[%dma_start3A_480, %dma_start3A_481] : memref<2x2x!tpu.dma_semaphore, #tpu.memory_space<semaphore_mem>> -> memref<1x1x!tpu.dma_semaphore, #tpu.memory_space<semaphore_mem>>
      %dma_start3A_493 = tpu.memref_squeeze %dma_start3A_492 : memref<1x1x!tpu.dma_semaphore, #tpu.memory_space<semaphore_mem>> -> memref<!tpu.dma_semaphore, #tpu.memory_space<semaphore_mem>>
      tpu.enqueue_indirect_dma source(%dma_start3A_491 : memref<10000x128xf32, #tpu.memory_space<hbm>>) target(%dma_start3A_485 : memref<64x128xf32, #tpu.memory_space<vmem>>) offsets(%dma_start3A_488 : memref<64xi32, #tpu.memory_space<vmem>>) semaphore(%dma_start3A_493 : memref<!tpu.dma_semaphore, #tpu.memory_space<semaphore_mem>>)
      %mul3A_494 = arith.constant 2 : i32
      %mul3A_495 = arith.muli %scan3A_399, %mul3A_494 : i32
      %add3A_496 = arith.constant 1 : i32
      %add3A_497 = arith.addi %mul3A_495, %add3A_496 : i32
      %dma_wait3A_498 = arith.constant 1 : i32
      %dma_wait3A_499 = arith.constant 1 : i32
      %dma_wait3A_500 = arith.constant 0 : i32
      %dma_wait3A_501 = arith.constant 0 : i32
      %dma_wait3A_502 = arith.constant 0 : i32
      %dma_wait3A_503 = tpu.memref_slice %arg9[%dma_wait3A_498, %dma_wait3A_501, %dma_wait3A_502] : memref<2x128x128xf32, #tpu.memory_space<vmem>> -> memref<1x64x128xf32, #tpu.memory_space<vmem>>
      %dma_wait3A_504 = tpu.memref_squeeze %dma_wait3A_503 : memref<1x64x128xf32, #tpu.memory_space<vmem>> -> memref<64x128xf32, #tpu.memory_space<vmem>>
      %dma_wait3A_505 = arith.constant 0 : i32
      %dma_wait3A_506 = tpu.memref_slice %arg7[%add3A_497, %dma_wait3A_505] : memref<40x128xi32, #tpu.memory_space<vmem>> -> memref<1x64xi32, #tpu.memory_space<vmem>>
      %dma_wait3A_507 = tpu.memref_squeeze %dma_wait3A_506 : memref<1x64xi32, #tpu.memory_space<vmem>> -> memref<64xi32, #tpu.memory_space<vmem>>
      %dma_wait3A_508 = arith.constant 0 : i32
      %dma_wait3A_509 = arith.constant 0 : i32
      %dma_wait3A_510 = tpu.memref_slice %arg2[%dma_wait3A_508, %dma_wait3A_509] : memref<10000x128xf32, #tpu.memory_space<hbm>> -> memref<10000x128xf32, #tpu.memory_space<hbm>>
      %dma_wait3A_511 = tpu.memref_slice %arg11[%dma_wait3A_499, %dma_wait3A_500] : memref<2x2x!tpu.dma_semaphore, #tpu.memory_space<semaphore_mem>> -> memref<1x1x!tpu.dma_semaphore, #tpu.memory_space<semaphore_mem>>
      %dma_wait3A_512 = tpu.memref_squeeze %dma_wait3A_511 : memref<1x1x!tpu.dma_semaphore, #tpu.memory_space<semaphore_mem>> -> memref<!tpu.dma_semaphore, #tpu.memory_space<semaphore_mem>>
      tpu.wait_indirect_dma semaphore(%dma_wait3A_512 : memref<!tpu.dma_semaphore, #tpu.memory_space<semaphore_mem>>) src(%dma_wait3A_510 : memref<10000x128xf32, #tpu.memory_space<hbm>>) dst(%dma_wait3A_504 : memref<64x128xf32, #tpu.memory_space<vmem>>)
      %dma_wait3A_513 = arith.constant 1 : i32
      %dma_wait3A_514 = arith.constant 1 : i32
      %dma_wait3A_515 = arith.constant 1 : i32
      %dma_wait3A_516 = arith.constant 64 : i32
      %dma_wait3A_517 = arith.constant 0 : i32
      %dma_wait3A_518 = tpu.memref_slice %arg9[%dma_wait3A_513, %dma_wait3A_516, %dma_wait3A_517] : memref<2x128x128xf32, #tpu.memory_space<vmem>> -> memref<1x64x128xf32, #tpu.memory_space<vmem>>
      %dma_wait3A_519 = tpu.memref_squeeze %dma_wait3A_518 : memref<1x64x128xf32, #tpu.memory_space<vmem>> -> memref<64x128xf32, #tpu.memory_space<vmem>>
      %dma_wait3A_520 = arith.constant 64 : i32
      %dma_wait3A_521 = tpu.memref_slice %arg7[%add3A_497, %dma_wait3A_520] : memref<40x128xi32, #tpu.memory_space<vmem>> -> memref<1x64xi32, #tpu.memory_space<vmem>>
      %dma_wait3A_522 = tpu.memref_squeeze %dma_wait3A_521 : memref<1x64xi32, #tpu.memory_space<vmem>> -> memref<64xi32, #tpu.memory_space<vmem>>
      %dma_wait3A_523 = arith.constant 0 : i32
      %dma_wait3A_524 = arith.constant 0 : i32
      %dma_wait3A_525 = tpu.memref_slice %arg2[%dma_wait3A_523, %dma_wait3A_524] : memref<10000x128xf32, #tpu.memory_space<hbm>> -> memref<10000x128xf32, #tpu.memory_space<hbm>>
      %dma_wait3A_526 = tpu.memref_slice %arg11[%dma_wait3A_514, %dma_wait3A_515] : memref<2x2x!tpu.dma_semaphore, #tpu.memory_space<semaphore_mem>> -> memref<1x1x!tpu.dma_semaphore, #tpu.memory_space<semaphore_mem>>
      %dma_wait3A_527 = tpu.memref_squeeze %dma_wait3A_526 : memref<1x1x!tpu.dma_semaphore, #tpu.memory_space<semaphore_mem>> -> memref<!tpu.dma_semaphore, #tpu.memory_space<semaphore_mem>>
      tpu.wait_indirect_dma semaphore(%dma_wait3A_527 : memref<!tpu.dma_semaphore, #tpu.memory_space<semaphore_mem>>) src(%dma_wait3A_525 : memref<10000x128xf32, #tpu.memory_space<hbm>>) dst(%dma_wait3A_519 : memref<64x128xf32, #tpu.memory_space<vmem>>)
      %dma_start3A_528 = arith.constant 1 : i32
      %dma_start3A_529 = arith.constant 1 : i32
      %dma_start3A_530 = arith.constant 0 : i32
      %dma_start3A_531 = arith.constant 0 : i32
      %dma_start3A_532 = tpu.memref_slice %arg9[%dma_start3A_528, %dma_start3A_530, %dma_start3A_531] : memref<2x128x128xf32, #tpu.memory_space<vmem>> -> memref<1x128x128xf32, #tpu.memory_space<vmem>>
      %dma_start3A_533 = tpu.memref_squeeze %dma_start3A_532 : memref<1x128x128xf32, #tpu.memory_space<vmem>> -> memref<128x128xf32, #tpu.memory_space<vmem>>
      %dma_start3A_534 = arith.constant 0 : i32
      %dma_start3A_535 = tpu.memref_slice %arg8[%add3A_497, %dma_start3A_534] : memref<40x128xi32, #tpu.memory_space<vmem>> -> memref<1x128xi32, #tpu.memory_space<vmem>>
      %dma_start3A_536 = tpu.memref_squeeze %dma_start3A_535 : memref<1x128xi32, #tpu.memory_space<vmem>> -> memref<128xi32, #tpu.memory_space<vmem>>
      %dma_start3A_537 = arith.constant 0 : i32
      %dma_start3A_538 = arith.constant 0 : i32
      %dma_start3A_539 = tpu.memref_slice %arg10[%dma_start3A_537, %dma_start3A_538] : memref<10112x128xf32, #tpu.memory_space<vmem_shared>> -> memref<10112x128xf32, #tpu.memory_space<vmem_shared>>
      %dma_start3A_540 = tpu.memref_slice %arg12[%dma_start3A_529] : memref<2x!tpu.dma_semaphore, #tpu.memory_space<semaphore_mem>> -> memref<1x!tpu.dma_semaphore, #tpu.memory_space<semaphore_mem>>
      %dma_start3A_541 = tpu.memref_squeeze %dma_start3A_540 : memref<1x!tpu.dma_semaphore, #tpu.memory_space<semaphore_mem>> -> memref<!tpu.dma_semaphore, #tpu.memory_space<semaphore_mem>>
      tpu.enqueue_indirect_dma source(%dma_start3A_533 : memref<128x128xf32, #tpu.memory_space<vmem>>) target(%dma_start3A_539 : memref<10112x128xf32, #tpu.memory_space<vmem_shared>>) offsets(%dma_start3A_536 : memref<128xi32, #tpu.memory_space<vmem>>) semaphore(%dma_start3A_541 : memref<!tpu.dma_semaphore, #tpu.memory_space<semaphore_mem>>) {add = true}
      %dma_wait3A_542 = arith.constant 1 : i32
      %dma_wait3A_543 = arith.constant 1 : i32
      %dma_wait3A_544 = arith.constant 0 : i32
      %dma_wait3A_545 = arith.constant 0 : i32
      %dma_wait3A_546 = tpu.memref_slice %arg9[%dma_wait3A_542, %dma_wait3A_544, %dma_wait3A_545] : memref<2x128x128xf32, #tpu.memory_space<vmem>> -> memref<1x128x128xf32, #tpu.memory_space<vmem>>
      %dma_wait3A_547 = tpu.memref_squeeze %dma_wait3A_546 : memref<1x128x128xf32, #tpu.memory_space<vmem>> -> memref<128x128xf32, #tpu.memory_space<vmem>>
      %dma_wait3A_548 = arith.constant 0 : i32
      %dma_wait3A_549 = tpu.memref_slice %arg8[%add3A_497, %dma_wait3A_548] : memref<40x128xi32, #tpu.memory_space<vmem>> -> memref<1x128xi32, #tpu.memory_space<vmem>>
      %dma_wait3A_550 = tpu.memref_squeeze %dma_wait3A_549 : memref<1x128xi32, #tpu.memory_space<vmem>> -> memref<128xi32, #tpu.memory_space<vmem>>
      %dma_wait3A_551 = arith.constant 0 : i32
      %dma_wait3A_552 = arith.constant 0 : i32
      %dma_wait3A_553 = tpu.memref_slice %arg10[%dma_wait3A_551, %dma_wait3A_552] : memref<10112x128xf32, #tpu.memory_space<vmem_shared>> -> memref<10112x128xf32, #tpu.memory_space<vmem_shared>>
      %dma_wait3A_554 = tpu.memref_slice %arg12[%dma_wait3A_543] : memref<2x!tpu.dma_semaphore, #tpu.memory_space<semaphore_mem>> -> memref<1x!tpu.dma_semaphore, #tpu.memory_space<semaphore_mem>>
      %dma_wait3A_555 = tpu.memref_squeeze %dma_wait3A_554 : memref<1x!tpu.dma_semaphore, #tpu.memory_space<semaphore_mem>> -> memref<!tpu.dma_semaphore, #tpu.memory_space<semaphore_mem>>
      tpu.wait_indirect_dma semaphore(%dma_wait3A_555 : memref<!tpu.dma_semaphore, #tpu.memory_space<semaphore_mem>>) src(%dma_wait3A_547 : memref<128x128xf32, #tpu.memory_space<vmem>>) dst(%dma_wait3A_553 : memref<10112x128xf32, #tpu.memory_space<vmem_shared>>)
      %add3A_556 = arith.constant 2 : i32
      %add3A_557 = arith.addi %add3A_497, %add3A_556 : i32
      %dma_start3A_558 = arith.constant 1 : i32
      %dma_start3A_559 = arith.constant 1 : i32
      %dma_start3A_560 = arith.constant 0 : i32
      %dma_start3A_561 = arith.constant 0 : i32
      %dma_start3A_562 = arith.constant 0 : i32
      %dma_start3A_563 = tpu.memref_slice %arg9[%dma_start3A_558, %dma_start3A_561, %dma_start3A_562] : memref<2x128x128xf32, #tpu.memory_space<vmem>> -> memref<1x64x128xf32, #tpu.memory_space<vmem>>
      %dma_start3A_564 = tpu.memref_squeeze %dma_start3A_563 : memref<1x64x128xf32, #tpu.memory_space<vmem>> -> memref<64x128xf32, #tpu.memory_space<vmem>>
      %dma_start3A_565 = arith.constant 0 : i32
      %dma_start3A_566 = tpu.memref_slice %arg7[%add3A_557, %dma_start3A_565] : memref<40x128xi32, #tpu.memory_space<vmem>> -> memref<1x64xi32, #tpu.memory_space<vmem>>
      %dma_start3A_567 = tpu.memref_squeeze %dma_start3A_566 : memref<1x64xi32, #tpu.memory_space<vmem>> -> memref<64xi32, #tpu.memory_space<vmem>>
      %dma_start3A_568 = arith.constant 0 : i32
      %dma_start3A_569 = arith.constant 0 : i32
      %dma_start3A_570 = tpu.memref_slice %arg2[%dma_start3A_568, %dma_start3A_569] : memref<10000x128xf32, #tpu.memory_space<hbm>> -> memref<10000x128xf32, #tpu.memory_space<hbm>>
      %dma_start3A_571 = tpu.memref_slice %arg11[%dma_start3A_559, %dma_start3A_560] : memref<2x2x!tpu.dma_semaphore, #tpu.memory_space<semaphore_mem>> -> memref<1x1x!tpu.dma_semaphore, #tpu.memory_space<semaphore_mem>>
      %dma_start3A_572 = tpu.memref_squeeze %dma_start3A_571 : memref<1x1x!tpu.dma_semaphore, #tpu.memory_space<semaphore_mem>> -> memref<!tpu.dma_semaphore, #tpu.memory_space<semaphore_mem>>
      tpu.enqueue_indirect_dma source(%dma_start3A_570 : memref<10000x128xf32, #tpu.memory_space<hbm>>) target(%dma_start3A_564 : memref<64x128xf32, #tpu.memory_space<vmem>>) offsets(%dma_start3A_567 : memref<64xi32, #tpu.memory_space<vmem>>) semaphore(%dma_start3A_572 : memref<!tpu.dma_semaphore, #tpu.memory_space<semaphore_mem>>)
      %dma_start3A_573 = arith.constant 1 : i32
      %dma_start3A_574 = arith.constant 1 : i32
      %dma_start3A_575 = arith.constant 1 : i32
      %dma_start3A_576 = arith.constant 64 : i32
      %dma_start3A_577 = arith.constant 0 : i32
      %dma_start3A_578 = tpu.memref_slice %arg9[%dma_start3A_573, %dma_start3A_576, %dma_start3A_577] : memref<2x128x128xf32, #tpu.memory_space<vmem>> -> memref<1x64x128xf32, #tpu.memory_space<vmem>>
      %dma_start3A_579 = tpu.memref_squeeze %dma_start3A_578 : memref<1x64x128xf32, #tpu.memory_space<vmem>> -> memref<64x128xf32, #tpu.memory_space<vmem>>
      %dma_start3A_580 = arith.constant 64 : i32
      %dma_start3A_581 = tpu.memref_slice %arg7[%add3A_557, %dma_start3A_580] : memref<40x128xi32, #tpu.memory_space<vmem>> -> memref<1x64xi32, #tpu.memory_space<vmem>>
      %dma_start3A_582 = tpu.memref_squeeze %dma_start3A_581 : memref<1x64xi32, #tpu.memory_space<vmem>> -> memref<64xi32, #tpu.memory_space<vmem>>
      %dma_start3A_583 = arith.constant 0 : i32
      %dma_start3A_584 = arith.constant 0 : i32
      %dma_start3A_585 = tpu.memref_slice %arg2[%dma_start3A_583, %dma_start3A_584] : memref<10000x128xf32, #tpu.memory_space<hbm>> -> memref<10000x128xf32, #tpu.memory_space<hbm>>
      %dma_start3A_586 = tpu.memref_slice %arg11[%dma_start3A_574, %dma_start3A_575] : memref<2x2x!tpu.dma_semaphore, #tpu.memory_space<semaphore_mem>> -> memref<1x1x!tpu.dma_semaphore, #tpu.memory_space<semaphore_mem>>
      %dma_start3A_587 = tpu.memref_squeeze %dma_start3A_586 : memref<1x1x!tpu.dma_semaphore, #tpu.memory_space<semaphore_mem>> -> memref<!tpu.dma_semaphore, #tpu.memory_space<semaphore_mem>>
      tpu.enqueue_indirect_dma source(%dma_start3A_585 : memref<10000x128xf32, #tpu.memory_space<hbm>>) target(%dma_start3A_579 : memref<64x128xf32, #tpu.memory_space<vmem>>) offsets(%dma_start3A_582 : memref<64xi32, #tpu.memory_space<vmem>>) semaphore(%dma_start3A_587 : memref<!tpu.dma_semaphore, #tpu.memory_space<semaphore_mem>>)
    }
    %scan3A_269 = arith.constant 19 : i32
    %dma_wait3A_270 = arith.constant 38 : i32
    %dma_wait3A_271 = arith.constant 0 : i32
    %dma_wait3A_272 = arith.constant 0 : i32
    %dma_wait3A_273 = arith.constant 0 : i32
    %dma_wait3A_274 = arith.constant 0 : i32
    %dma_wait3A_275 = arith.constant 0 : i32
    %dma_wait3A_276 = tpu.memref_slice %arg9[%dma_wait3A_271, %dma_wait3A_274, %dma_wait3A_275] : memref<2x128x128xf32, #tpu.memory_space<vmem>> -> memref<1x64x128xf32, #tpu.memory_space<vmem>>
    %dma_wait3A_277 = tpu.memref_squeeze %dma_wait3A_276 : memref<1x64x128xf32, #tpu.memory_space<vmem>> -> memref<64x128xf32, #tpu.memory_space<vmem>>
    %dma_wait3A_278 = arith.constant 0 : i32
    %dma_wait3A_279 = tpu.memref_slice %arg7[%dma_wait3A_270, %dma_wait3A_278] : memref<40x128xi32, #tpu.memory_space<vmem>> -> memref<1x64xi32, #tpu.memory_space<vmem>>
    %dma_wait3A_280 = tpu.memref_squeeze %dma_wait3A_279 : memref<1x64xi32, #tpu.memory_space<vmem>> -> memref<64xi32, #tpu.memory_space<vmem>>
    %dma_wait3A_281 = arith.constant 0 : i32
    %dma_wait3A_282 = arith.constant 0 : i32
    %dma_wait3A_283 = tpu.memref_slice %arg2[%dma_wait3A_281, %dma_wait3A_282] : memref<10000x128xf32, #tpu.memory_space<hbm>> -> memref<10000x128xf32, #tpu.memory_space<hbm>>
    %dma_wait3A_284 = tpu.memref_slice %arg11[%dma_wait3A_272, %dma_wait3A_273] : memref<2x2x!tpu.dma_semaphore, #tpu.memory_space<semaphore_mem>> -> memref<1x1x!tpu.dma_semaphore, #tpu.memory_space<semaphore_mem>>
    %dma_wait3A_285 = tpu.memref_squeeze %dma_wait3A_284 : memref<1x1x!tpu.dma_semaphore, #tpu.memory_space<semaphore_mem>> -> memref<!tpu.dma_semaphore, #tpu.memory_space<semaphore_mem>>
    tpu.wait_indirect_dma semaphore(%dma_wait3A_285 : memref<!tpu.dma_semaphore, #tpu.memory_space<semaphore_mem>>) src(%dma_wait3A_283 : memref<10000x128xf32, #tpu.memory_space<hbm>>) dst(%dma_wait3A_277 : memref<64x128xf32, #tpu.memory_space<vmem>>)
    %dma_wait3A_286 = arith.constant 38 : i32
    %dma_wait3A_287 = arith.constant 0 : i32
    %dma_wait3A_288 = arith.constant 0 : i32
    %dma_wait3A_289 = arith.constant 1 : i32
    %dma_wait3A_290 = arith.constant 64 : i32
    %dma_wait3A_291 = arith.constant 0 : i32
    %dma_wait3A_292 = tpu.memref_slice %arg9[%dma_wait3A_287, %dma_wait3A_290, %dma_wait3A_291] : memref<2x128x128xf32, #tpu.memory_space<vmem>> -> memref<1x64x128xf32, #tpu.memory_space<vmem>>
    %dma_wait3A_293 = tpu.memref_squeeze %dma_wait3A_292 : memref<1x64x128xf32, #tpu.memory_space<vmem>> -> memref<64x128xf32, #tpu.memory_space<vmem>>
    %dma_wait3A_294 = arith.constant 64 : i32
    %dma_wait3A_295 = tpu.memref_slice %arg7[%dma_wait3A_286, %dma_wait3A_294] : memref<40x128xi32, #tpu.memory_space<vmem>> -> memref<1x64xi32, #tpu.memory_space<vmem>>
    %dma_wait3A_296 = tpu.memref_squeeze %dma_wait3A_295 : memref<1x64xi32, #tpu.memory_space<vmem>> -> memref<64xi32, #tpu.memory_space<vmem>>
    %dma_wait3A_297 = arith.constant 0 : i32
    %dma_wait3A_298 = arith.constant 0 : i32
    %dma_wait3A_299 = tpu.memref_slice %arg2[%dma_wait3A_297, %dma_wait3A_298] : memref<10000x128xf32, #tpu.memory_space<hbm>> -> memref<10000x128xf32, #tpu.memory_space<hbm>>
    %dma_wait3A_300 = tpu.memref_slice %arg11[%dma_wait3A_288, %dma_wait3A_289] : memref<2x2x!tpu.dma_semaphore, #tpu.memory_space<semaphore_mem>> -> memref<1x1x!tpu.dma_semaphore, #tpu.memory_space<semaphore_mem>>
    %dma_wait3A_301 = tpu.memref_squeeze %dma_wait3A_300 : memref<1x1x!tpu.dma_semaphore, #tpu.memory_space<semaphore_mem>> -> memref<!tpu.dma_semaphore, #tpu.memory_space<semaphore_mem>>
    tpu.wait_indirect_dma semaphore(%dma_wait3A_301 : memref<!tpu.dma_semaphore, #tpu.memory_space<semaphore_mem>>) src(%dma_wait3A_299 : memref<10000x128xf32, #tpu.memory_space<hbm>>) dst(%dma_wait3A_293 : memref<64x128xf32, #tpu.memory_space<vmem>>)
    %dma_start3A_302 = arith.constant 0 : i32
    %dma_start3A_303 = arith.constant 38 : i32
    %dma_start3A_304 = arith.constant 0 : i32
    %dma_start3A_305 = arith.constant 0 : i32
    %dma_start3A_306 = arith.constant 0 : i32
    %dma_start3A_307 = tpu.memref_slice %arg9[%dma_start3A_302, %dma_start3A_305, %dma_start3A_306] : memref<2x128x128xf32, #tpu.memory_space<vmem>> -> memref<1x128x128xf32, #tpu.memory_space<vmem>>
    %dma_start3A_308 = tpu.memref_squeeze %dma_start3A_307 : memref<1x128x128xf32, #tpu.memory_space<vmem>> -> memref<128x128xf32, #tpu.memory_space<vmem>>
    %dma_start3A_309 = arith.constant 0 : i32
    %dma_start3A_310 = tpu.memref_slice %arg8[%dma_start3A_303, %dma_start3A_309] : memref<40x128xi32, #tpu.memory_space<vmem>> -> memref<1x128xi32, #tpu.memory_space<vmem>>
    %dma_start3A_311 = tpu.memref_squeeze %dma_start3A_310 : memref<1x128xi32, #tpu.memory_space<vmem>> -> memref<128xi32, #tpu.memory_space<vmem>>
    %dma_start3A_312 = arith.constant 0 : i32
    %dma_start3A_313 = arith.constant 0 : i32
    %dma_start3A_314 = tpu.memref_slice %arg10[%dma_start3A_312, %dma_start3A_313] : memref<10112x128xf32, #tpu.memory_space<vmem_shared>> -> memref<10112x128xf32, #tpu.memory_space<vmem_shared>>
    %dma_start3A_315 = tpu.memref_slice %arg12[%dma_start3A_304] : memref<2x!tpu.dma_semaphore, #tpu.memory_space<semaphore_mem>> -> memref<1x!tpu.dma_semaphore, #tpu.memory_space<semaphore_mem>>
    %dma_start3A_316 = tpu.memref_squeeze %dma_start3A_315 : memref<1x!tpu.dma_semaphore, #tpu.memory_space<semaphore_mem>> -> memref<!tpu.dma_semaphore, #tpu.memory_space<semaphore_mem>>
    tpu.enqueue_indirect_dma source(%dma_start3A_308 : memref<128x128xf32, #tpu.memory_space<vmem>>) target(%dma_start3A_314 : memref<10112x128xf32, #tpu.memory_space<vmem_shared>>) offsets(%dma_start3A_311 : memref<128xi32, #tpu.memory_space<vmem>>) semaphore(%dma_start3A_316 : memref<!tpu.dma_semaphore, #tpu.memory_space<semaphore_mem>>) {add = true}
    %dma_wait3A_317 = arith.constant 39 : i32
    %dma_wait3A_318 = arith.constant 1 : i32
    %dma_wait3A_319 = arith.constant 1 : i32
    %dma_wait3A_320 = arith.constant 0 : i32
    %dma_wait3A_321 = arith.constant 0 : i32
    %dma_wait3A_322 = arith.constant 0 : i32
    %dma_wait3A_323 = tpu.memref_slice %arg9[%dma_wait3A_318, %dma_wait3A_321, %dma_wait3A_322] : memref<2x128x128xf32, #tpu.memory_space<vmem>> -> memref<1x64x128xf32, #tpu.memory_space<vmem>>
    %dma_wait3A_324 = tpu.memref_squeeze %dma_wait3A_323 : memref<1x64x128xf32, #tpu.memory_space<vmem>> -> memref<64x128xf32, #tpu.memory_space<vmem>>
    %dma_wait3A_325 = arith.constant 0 : i32
    %dma_wait3A_326 = tpu.memref_slice %arg7[%dma_wait3A_317, %dma_wait3A_325] : memref<40x128xi32, #tpu.memory_space<vmem>> -> memref<1x64xi32, #tpu.memory_space<vmem>>
    %dma_wait3A_327 = tpu.memref_squeeze %dma_wait3A_326 : memref<1x64xi32, #tpu.memory_space<vmem>> -> memref<64xi32, #tpu.memory_space<vmem>>
    %dma_wait3A_328 = arith.constant 0 : i32
    %dma_wait3A_329 = arith.constant 0 : i32
    %dma_wait3A_330 = tpu.memref_slice %arg2[%dma_wait3A_328, %dma_wait3A_329] : memref<10000x128xf32, #tpu.memory_space<hbm>> -> memref<10000x128xf32, #tpu.memory_space<hbm>>
    %dma_wait3A_331 = tpu.memref_slice %arg11[%dma_wait3A_319, %dma_wait3A_320] : memref<2x2x!tpu.dma_semaphore, #tpu.memory_space<semaphore_mem>> -> memref<1x1x!tpu.dma_semaphore, #tpu.memory_space<semaphore_mem>>
    %dma_wait3A_332 = tpu.memref_squeeze %dma_wait3A_331 : memref<1x1x!tpu.dma_semaphore, #tpu.memory_space<semaphore_mem>> -> memref<!tpu.dma_semaphore, #tpu.memory_space<semaphore_mem>>
    tpu.wait_indirect_dma semaphore(%dma_wait3A_332 : memref<!tpu.dma_semaphore, #tpu.memory_space<semaphore_mem>>) src(%dma_wait3A_330 : memref<10000x128xf32, #tpu.memory_space<hbm>>) dst(%dma_wait3A_324 : memref<64x128xf32, #tpu.memory_space<vmem>>)
    %dma_wait3A_333 = arith.constant 39 : i32
    %dma_wait3A_334 = arith.constant 1 : i32
    %dma_wait3A_335 = arith.constant 1 : i32
    %dma_wait3A_336 = arith.constant 1 : i32
    %dma_wait3A_337 = arith.constant 64 : i32
    %dma_wait3A_338 = arith.constant 0 : i32
    %dma_wait3A_339 = tpu.memref_slice %arg9[%dma_wait3A_334, %dma_wait3A_337, %dma_wait3A_338] : memref<2x128x128xf32, #tpu.memory_space<vmem>> -> memref<1x64x128xf32, #tpu.memory_space<vmem>>
    %dma_wait3A_340 = tpu.memref_squeeze %dma_wait3A_339 : memref<1x64x128xf32, #tpu.memory_space<vmem>> -> memref<64x128xf32, #tpu.memory_space<vmem>>
    %dma_wait3A_341 = arith.constant 64 : i32
    %dma_wait3A_342 = tpu.memref_slice %arg7[%dma_wait3A_333, %dma_wait3A_341] : memref<40x128xi32, #tpu.memory_space<vmem>> -> memref<1x64xi32, #tpu.memory_space<vmem>>
    %dma_wait3A_343 = tpu.memref_squeeze %dma_wait3A_342 : memref<1x64xi32, #tpu.memory_space<vmem>> -> memref<64xi32, #tpu.memory_space<vmem>>
    %dma_wait3A_344 = arith.constant 0 : i32
    %dma_wait3A_345 = arith.constant 0 : i32
    %dma_wait3A_346 = tpu.memref_slice %arg2[%dma_wait3A_344, %dma_wait3A_345] : memref<10000x128xf32, #tpu.memory_space<hbm>> -> memref<10000x128xf32, #tpu.memory_space<hbm>>
    %dma_wait3A_347 = tpu.memref_slice %arg11[%dma_wait3A_335, %dma_wait3A_336] : memref<2x2x!tpu.dma_semaphore, #tpu.memory_space<semaphore_mem>> -> memref<1x1x!tpu.dma_semaphore, #tpu.memory_space<semaphore_mem>>
    %dma_wait3A_348 = tpu.memref_squeeze %dma_wait3A_347 : memref<1x1x!tpu.dma_semaphore, #tpu.memory_space<semaphore_mem>> -> memref<!tpu.dma_semaphore, #tpu.memory_space<semaphore_mem>>
    tpu.wait_indirect_dma semaphore(%dma_wait3A_348 : memref<!tpu.dma_semaphore, #tpu.memory_space<semaphore_mem>>) src(%dma_wait3A_346 : memref<10000x128xf32, #tpu.memory_space<hbm>>) dst(%dma_wait3A_340 : memref<64x128xf32, #tpu.memory_space<vmem>>)
    %dma_start3A_349 = arith.constant 1 : i32
    %dma_start3A_350 = arith.constant 39 : i32
    %dma_start3A_351 = arith.constant 1 : i32
    %dma_start3A_352 = arith.constant 0 : i32
    %dma_start3A_353 = arith.constant 0 : i32
    %dma_start3A_354 = tpu.memref_slice %arg9[%dma_start3A_349, %dma_start3A_352, %dma_start3A_353] : memref<2x128x128xf32, #tpu.memory_space<vmem>> -> memref<1x128x128xf32, #tpu.memory_space<vmem>>
    %dma_start3A_355 = tpu.memref_squeeze %dma_start3A_354 : memref<1x128x128xf32, #tpu.memory_space<vmem>> -> memref<128x128xf32, #tpu.memory_space<vmem>>
    %dma_start3A_356 = arith.constant 0 : i32
    %dma_start3A_357 = tpu.memref_slice %arg8[%dma_start3A_350, %dma_start3A_356] : memref<40x128xi32, #tpu.memory_space<vmem>> -> memref<1x128xi32, #tpu.memory_space<vmem>>
    %dma_start3A_358 = tpu.memref_squeeze %dma_start3A_357 : memref<1x128xi32, #tpu.memory_space<vmem>> -> memref<128xi32, #tpu.memory_space<vmem>>
    %dma_start3A_359 = arith.constant 0 : i32
    %dma_start3A_360 = arith.constant 0 : i32
    %dma_start3A_361 = tpu.memref_slice %arg10[%dma_start3A_359, %dma_start3A_360] : memref<10112x128xf32, #tpu.memory_space<vmem_shared>> -> memref<10112x128xf32, #tpu.memory_space<vmem_shared>>
    %dma_start3A_362 = tpu.memref_slice %arg12[%dma_start3A_351] : memref<2x!tpu.dma_semaphore, #tpu.memory_space<semaphore_mem>> -> memref<1x!tpu.dma_semaphore, #tpu.memory_space<semaphore_mem>>
    %dma_start3A_363 = tpu.memref_squeeze %dma_start3A_362 : memref<1x!tpu.dma_semaphore, #tpu.memory_space<semaphore_mem>> -> memref<!tpu.dma_semaphore, #tpu.memory_space<semaphore_mem>>
    tpu.enqueue_indirect_dma source(%dma_start3A_355 : memref<128x128xf32, #tpu.memory_space<vmem>>) target(%dma_start3A_361 : memref<10112x128xf32, #tpu.memory_space<vmem_shared>>) offsets(%dma_start3A_358 : memref<128xi32, #tpu.memory_space<vmem>>) semaphore(%dma_start3A_363 : memref<!tpu.dma_semaphore, #tpu.memory_space<semaphore_mem>>) {add = true}
    %dma_wait3A_364 = arith.constant 0 : i32
    %dma_wait3A_365 = arith.constant 38 : i32
    %dma_wait3A_366 = arith.constant 0 : i32
    %dma_wait3A_367 = arith.constant 0 : i32
    %dma_wait3A_368 = arith.constant 0 : i32
    %dma_wait3A_369 = tpu.memref_slice %arg9[%dma_wait3A_364, %dma_wait3A_367, %dma_wait3A_368] : memref<2x128x128xf32, #tpu.memory_space<vmem>> -> memref<1x128x128xf32, #tpu.memory_space<vmem>>
    %dma_wait3A_370 = tpu.memref_squeeze %dma_wait3A_369 : memref<1x128x128xf32, #tpu.memory_space<vmem>> -> memref<128x128xf32, #tpu.memory_space<vmem>>
    %dma_wait3A_371 = arith.constant 0 : i32
    %dma_wait3A_372 = tpu.memref_slice %arg8[%dma_wait3A_365, %dma_wait3A_371] : memref<40x128xi32, #tpu.memory_space<vmem>> -> memref<1x128xi32, #tpu.memory_space<vmem>>
    %dma_wait3A_373 = tpu.memref_squeeze %dma_wait3A_372 : memref<1x128xi32, #tpu.memory_space<vmem>> -> memref<128xi32, #tpu.memory_space<vmem>>
    %dma_wait3A_374 = arith.constant 0 : i32
    %dma_wait3A_375 = arith.constant 0 : i32
    %dma_wait3A_376 = tpu.memref_slice %arg10[%dma_wait3A_374, %dma_wait3A_375] : memref<10112x128xf32, #tpu.memory_space<vmem_shared>> -> memref<10112x128xf32, #tpu.memory_space<vmem_shared>>
    %dma_wait3A_377 = tpu.memref_slice %arg12[%dma_wait3A_366] : memref<2x!tpu.dma_semaphore, #tpu.memory_space<semaphore_mem>> -> memref<1x!tpu.dma_semaphore, #tpu.memory_space<semaphore_mem>>
    %dma_wait3A_378 = tpu.memref_squeeze %dma_wait3A_377 : memref<1x!tpu.dma_semaphore, #tpu.memory_space<semaphore_mem>> -> memref<!tpu.dma_semaphore, #tpu.memory_space<semaphore_mem>>
    tpu.wait_indirect_dma semaphore(%dma_wait3A_378 : memref<!tpu.dma_semaphore, #tpu.memory_space<semaphore_mem>>) src(%dma_wait3A_370 : memref<128x128xf32, #tpu.memory_space<vmem>>) dst(%dma_wait3A_376 : memref<10112x128xf32, #tpu.memory_space<vmem_shared>>)
    %dma_wait3A_379 = arith.constant 1 : i32
    %dma_wait3A_380 = arith.constant 39 : i32
    %dma_wait3A_381 = arith.constant 1 : i32
    %dma_wait3A_382 = arith.constant 0 : i32
    %dma_wait3A_383 = arith.constant 0 : i32
    %dma_wait3A_384 = tpu.memref_slice %arg9[%dma_wait3A_379, %dma_wait3A_382, %dma_wait3A_383] : memref<2x128x128xf32, #tpu.memory_space<vmem>> -> memref<1x128x128xf32, #tpu.memory_space<vmem>>
    %dma_wait3A_385 = tpu.memref_squeeze %dma_wait3A_384 : memref<1x128x128xf32, #tpu.memory_space<vmem>> -> memref<128x128xf32, #tpu.memory_space<vmem>>
    %dma_wait3A_386 = arith.constant 0 : i32
    %dma_wait3A_387 = tpu.memref_slice %arg8[%dma_wait3A_380, %dma_wait3A_386] : memref<40x128xi32, #tpu.memory_space<vmem>> -> memref<1x128xi32, #tpu.memory_space<vmem>>
    %dma_wait3A_388 = tpu.memref_squeeze %dma_wait3A_387 : memref<1x128xi32, #tpu.memory_space<vmem>> -> memref<128xi32, #tpu.memory_space<vmem>>
    %dma_wait3A_389 = arith.constant 0 : i32
    %dma_wait3A_390 = arith.constant 0 : i32
    %dma_wait3A_391 = tpu.memref_slice %arg10[%dma_wait3A_389, %dma_wait3A_390] : memref<10112x128xf32, #tpu.memory_space<vmem_shared>> -> memref<10112x128xf32, #tpu.memory_space<vmem_shared>>
    %dma_wait3A_392 = tpu.memref_slice %arg12[%dma_wait3A_381] : memref<2x!tpu.dma_semaphore, #tpu.memory_space<semaphore_mem>> -> memref<1x!tpu.dma_semaphore, #tpu.memory_space<semaphore_mem>>
    %dma_wait3A_393 = tpu.memref_squeeze %dma_wait3A_392 : memref<1x!tpu.dma_semaphore, #tpu.memory_space<semaphore_mem>> -> memref<!tpu.dma_semaphore, #tpu.memory_space<semaphore_mem>>
    tpu.wait_indirect_dma semaphore(%dma_wait3A_393 : memref<!tpu.dma_semaphore, #tpu.memory_space<semaphore_mem>>) src(%dma_wait3A_385 : memref<128x128xf32, #tpu.memory_space<vmem>>) dst(%dma_wait3A_391 : memref<10112x128xf32, #tpu.memory_space<vmem_shared>>)
    %barrier3A_394 = arith.constant 0 : index
    tpu.barrier barrier_id(%barrier3A_394)
    %mul3A_395 = arith.constant 632 : i32
    %mul3A_396 = arith.muli %arg1, %mul3A_395 : i32
    %mul3A_397 = arith.constant 632 : i32
    %mul3A_398 = arith.muli %arg1, %mul3A_397 : i32
    "tpu.region"() ({
      %run_scoped3A = tpu.sem_alloc : memref<!tpu.dma_semaphore, #tpu.memory_space<semaphore_mem>>
      %dma_start3A_399 = arith.constant 0 : i32
      %dma_start3A_400 = tpu.memref_slice %arg6[%arg0, %mul3A_398, %dma_start3A_399] : memref<2x10112x128xf32, #tpu.memory_space<hbm>> -> memref<1x632x128xf32, #tpu.memory_space<hbm>>
      %dma_start3A_401 = tpu.memref_squeeze %dma_start3A_400 : memref<1x632x128xf32, #tpu.memory_space<hbm>> -> memref<632x128xf32, #tpu.memory_space<hbm>>
      %dma_start3A_402 = arith.constant 0 : i32
      %dma_start3A_403 = tpu.memref_slice %arg10[%mul3A_396, %dma_start3A_402] : memref<10112x128xf32, #tpu.memory_space<vmem_shared>> -> memref<632x128xf32, #tpu.memory_space<vmem_shared>>
      tpu.enqueue_dma source(%dma_start3A_403 : memref<632x128xf32, #tpu.memory_space<vmem_shared>>) target(%dma_start3A_401 : memref<632x128xf32, #tpu.memory_space<hbm>>) target_semaphore(%run_scoped3A : memref<!tpu.dma_semaphore, #tpu.memory_space<semaphore_mem>>)
      %dma_wait3A_404 = arith.constant 0 : i32
      %dma_wait3A_405 = tpu.memref_slice %arg6[%arg0, %mul3A_398, %dma_wait3A_404] : memref<2x10112x128xf32, #tpu.memory_space<hbm>> -> memref<1x632x128xf32, #tpu.memory_space<hbm>>
      %dma_wait3A_406 = tpu.memref_squeeze %dma_wait3A_405 : memref<1x632x128xf32, #tpu.memory_space<hbm>> -> memref<632x128xf32, #tpu.memory_space<hbm>>
      %dma_wait3A_407 = arith.constant 0 : i32
      %dma_wait3A_408 = tpu.memref_slice %arg10[%mul3A_396, %dma_wait3A_407] : memref<10112x128xf32, #tpu.memory_space<vmem_shared>> -> memref<632x128xf32, #tpu.memory_space<vmem_shared>>
      tpu.wait_dma2 semaphore(%run_scoped3A : memref<!tpu.dma_semaphore, #tpu.memory_space<semaphore_mem>>) src(%dma_wait3A_408 : memref<632x128xf32, #tpu.memory_space<vmem_shared>>) dst(%dma_wait3A_406 : memref<632x128xf32, #tpu.memory_space<hbm>>)
      tpu.yield
    }) : () -> ()
    return
  }
}

#map = affine_map<(d0, d1) -> (0, 0)>
#map1 = affine_map<(d0, d1) -> (0, 0, 0)>
module attributes {stable_mosaic.version = 14 : i64} {
  func.func @_sc_scatter_body(%arg0: i32, %arg1: i32, %arg2: memref<10000x128xf32, #tpu.memory_space<hbm>>, %arg3: memref<2560x128xi32, #tpu.memory_space<hbm>>, %arg4: memref<2560x128xi32, #tpu.memory_space<hbm>>, %arg5: memref<632x128xf32, #tpu.memory_space<hbm>>, %arg6: memref<2x10112x128xf32, #tpu.memory_space<hbm>>, %arg7: memref<40x128xi32, #tpu.memory_space<vmem>>, %arg8: memref<40x128xi32, #tpu.memory_space<vmem>>, %arg9: memref<2x128x128xf32, #tpu.memory_space<vmem>>, %arg10: memref<10112x128xf32, #tpu.memory_space<vmem_shared>>, %arg11: memref<2x2x!tpu.dma_semaphore, #tpu.memory_space<semaphore_mem>>, %arg12: memref<2x!tpu.dma_semaphore, #tpu.memory_space<semaphore_mem>>) attributes {dimension_semantics = [#tpu.dimension_semantics<core_parallel>, #tpu.dimension_semantics<subcore_parallel>], iteration_bounds = array<i64: 2, 16>, scalar_prefetch = 0 : i64, scratch_operands = 6 : i64, tpu.core_type = #tpu.core_type<sc_vector_subcore>, window_params = [{transform_indices = #map}, {transform_indices = #map}, {transform_indices = #map}, {transform_indices = #map}, {transform_indices = #map1}]} {
    %mul3A = arith.constant 16 : i32
    %mul3A_0 = arith.muli %arg0, %mul3A : i32
    %add3A = arith.addi %mul3A_0, %arg1 : i32
    %mul3A_1 = arith.constant 632 : i32
    %mul3A_2 = arith.muli %arg1, %mul3A_1 : i32
    "tpu.region"() ({
      %run_scoped3A = tpu.sem_alloc : memref<!tpu.dma_semaphore, #tpu.memory_space<semaphore_mem>>
      %dma_start3A_399 = arith.constant 0 : i32
      %dma_start3A_400 = tpu.memref_slice %arg10[%mul3A_2, %dma_start3A_399] : memref<10112x128xf32, #tpu.memory_space<vmem_shared>> -> memref<632x128xf32, #tpu.memory_space<vmem_shared>>
      tpu.enqueue_dma source(%arg5 : memref<632x128xf32, #tpu.memory_space<hbm>>) target(%dma_start3A_400 : memref<632x128xf32, #tpu.memory_space<vmem_shared>>) target_semaphore(%run_scoped3A : memref<!tpu.dma_semaphore, #tpu.memory_space<semaphore_mem>>)
      %dma_wait3A_401 = arith.constant 0 : i32
      %dma_wait3A_402 = tpu.memref_slice %arg10[%mul3A_2, %dma_wait3A_401] : memref<10112x128xf32, #tpu.memory_space<vmem_shared>> -> memref<632x128xf32, #tpu.memory_space<vmem_shared>>
      tpu.wait_dma2 semaphore(%run_scoped3A : memref<!tpu.dma_semaphore, #tpu.memory_space<semaphore_mem>>) src(%arg5 : memref<632x128xf32, #tpu.memory_space<hbm>>) dst(%dma_wait3A_402 : memref<632x128xf32, #tpu.memory_space<vmem_shared>>)
      tpu.yield
    }) : () -> ()
    %mul3A_3 = arith.constant 80 : i32
    %mul3A_4 = arith.muli %add3A, %mul3A_3 : i32
    "tpu.region"() ({
      %run_scoped3A = tpu.sem_alloc : memref<!tpu.dma_semaphore, #tpu.memory_space<semaphore_mem>>
      %dma_start3A_399 = arith.constant 0 : i32
      %dma_start3A_400 = tpu.memref_slice %arg3[%mul3A_4, %dma_start3A_399] : memref<2560x128xi32, #tpu.memory_space<hbm>> -> memref<40x128xi32, #tpu.memory_space<hbm>>
      %dma_start3A_401 = arith.constant 0 : i32
      %dma_start3A_402 = tpu.memref_slice %arg3[%mul3A_4, %dma_start3A_401] : memref<2560x128xi32, #tpu.memory_space<hbm>> -> memref<40x128xi32, #tpu.memory_space<hbm>>
      tpu.enqueue_dma source(%dma_start3A_402 : memref<40x128xi32, #tpu.memory_space<hbm>>) target(%arg7 : memref<40x128xi32, #tpu.memory_space<vmem>>) target_semaphore(%run_scoped3A : memref<!tpu.dma_semaphore, #tpu.memory_space<semaphore_mem>>)
      %dma_wait3A_403 = arith.constant 0 : i32
      %dma_wait3A_404 = tpu.memref_slice %arg3[%mul3A_4, %dma_wait3A_403] : memref<2560x128xi32, #tpu.memory_space<hbm>> -> memref<40x128xi32, #tpu.memory_space<hbm>>
      %dma_wait3A_405 = arith.constant 0 : i32
      %dma_wait3A_406 = tpu.memref_slice %arg3[%mul3A_4, %dma_wait3A_405] : memref<2560x128xi32, #tpu.memory_space<hbm>> -> memref<40x128xi32, #tpu.memory_space<hbm>>
      tpu.wait_dma2 semaphore(%run_scoped3A : memref<!tpu.dma_semaphore, #tpu.memory_space<semaphore_mem>>) src(%dma_wait3A_406 : memref<40x128xi32, #tpu.memory_space<hbm>>) dst(%arg7 : memref<40x128xi32, #tpu.memory_space<vmem>>)
      tpu.yield
    }) : () -> ()
    "tpu.region"() ({
      %run_scoped3A = tpu.sem_alloc : memref<!tpu.dma_semaphore, #tpu.memory_space<semaphore_mem>>
      %dma_start3A_399 = arith.constant 0 : i32
      %dma_start3A_400 = tpu.memref_slice %arg4[%mul3A_4, %dma_start3A_399] : memref<2560x128xi32, #tpu.memory_space<hbm>> -> memref<40x128xi32, #tpu.memory_space<hbm>>
      %dma_start3A_401 = arith.constant 0 : i32
      %dma_start3A_402 = tpu.memref_slice %arg4[%mul3A_4, %dma_start3A_401] : memref<2560x128xi32, #tpu.memory_space<hbm>> -> memref<40x128xi32, #tpu.memory_space<hbm>>
      tpu.enqueue_dma source(%dma_start3A_402 : memref<40x128xi32, #tpu.memory_space<hbm>>) target(%arg8 : memref<40x128xi32, #tpu.memory_space<vmem>>) target_semaphore(%run_scoped3A : memref<!tpu.dma_semaphore, #tpu.memory_space<semaphore_mem>>)
      %dma_wait3A_403 = arith.constant 0 : i32
      %dma_wait3A_404 = tpu.memref_slice %arg4[%mul3A_4, %dma_wait3A_403] : memref<2560x128xi32, #tpu.memory_space<hbm>> -> memref<40x128xi32, #tpu.memory_space<hbm>>
      %dma_wait3A_405 = arith.constant 0 : i32
      %dma_wait3A_406 = tpu.memref_slice %arg4[%mul3A_4, %dma_wait3A_405] : memref<2560x128xi32, #tpu.memory_space<hbm>> -> memref<40x128xi32, #tpu.memory_space<hbm>>
      tpu.wait_dma2 semaphore(%run_scoped3A : memref<!tpu.dma_semaphore, #tpu.memory_space<semaphore_mem>>) src(%dma_wait3A_406 : memref<40x128xi32, #tpu.memory_space<hbm>>) dst(%arg8 : memref<40x128xi32, #tpu.memory_space<vmem>>)
      tpu.yield
    }) : () -> ()
    %barrier3A = arith.constant 0 : index
    tpu.barrier barrier_id(%barrier3A)
    %dma_start3A = arith.constant 0 : i32
    %dma_start3A_5 = arith.constant 0 : i32
    %dma_start3A_6 = arith.constant 0 : i32
    %dma_start3A_7 = arith.constant 0 : i32
    %dma_start3A_8 = arith.constant 0 : i32
    %dma_start3A_9 = arith.constant 0 : i32
    %dma_start3A_10 = tpu.memref_slice %arg9[%dma_start3A_5, %dma_start3A_8, %dma_start3A_9] : memref<2x128x128xf32, #tpu.memory_space<vmem>> -> memref<1x64x128xf32, #tpu.memory_space<vmem>>
    %dma_start3A_11 = tpu.memref_squeeze %dma_start3A_10 : memref<1x64x128xf32, #tpu.memory_space<vmem>> -> memref<64x128xf32, #tpu.memory_space<vmem>>
    %dma_start3A_12 = arith.constant 0 : i32
    %dma_start3A_13 = tpu.memref_slice %arg7[%dma_start3A, %dma_start3A_12] : memref<40x128xi32, #tpu.memory_space<vmem>> -> memref<1x64xi32, #tpu.memory_space<vmem>>
    %dma_start3A_14 = tpu.memref_squeeze %dma_start3A_13 : memref<1x64xi32, #tpu.memory_space<vmem>> -> memref<64xi32, #tpu.memory_space<vmem>>
    %dma_start3A_15 = arith.constant 0 : i32
    %dma_start3A_16 = arith.constant 0 : i32
    %dma_start3A_17 = tpu.memref_slice %arg2[%dma_start3A_15, %dma_start3A_16] : memref<10000x128xf32, #tpu.memory_space<hbm>> -> memref<10000x128xf32, #tpu.memory_space<hbm>>
    %dma_start3A_18 = tpu.memref_slice %arg11[%dma_start3A_6, %dma_start3A_7] : memref<2x2x!tpu.dma_semaphore, #tpu.memory_space<semaphore_mem>> -> memref<1x1x!tpu.dma_semaphore, #tpu.memory_space<semaphore_mem>>
    %dma_start3A_19 = tpu.memref_squeeze %dma_start3A_18 : memref<1x1x!tpu.dma_semaphore, #tpu.memory_space<semaphore_mem>> -> memref<!tpu.dma_semaphore, #tpu.memory_space<semaphore_mem>>
    tpu.enqueue_indirect_dma source(%dma_start3A_17 : memref<10000x128xf32, #tpu.memory_space<hbm>>) target(%dma_start3A_11 : memref<64x128xf32, #tpu.memory_space<vmem>>) offsets(%dma_start3A_14 : memref<64xi32, #tpu.memory_space<vmem>>) semaphore(%dma_start3A_19 : memref<!tpu.dma_semaphore, #tpu.memory_space<semaphore_mem>>)
    %dma_start3A_20 = arith.constant 0 : i32
    %dma_start3A_21 = arith.constant 0 : i32
    %dma_start3A_22 = arith.constant 0 : i32
    %dma_start3A_23 = arith.constant 1 : i32
    %dma_start3A_24 = arith.constant 64 : i32
    %dma_start3A_25 = arith.constant 0 : i32
    %dma_start3A_26 = tpu.memref_slice %arg9[%dma_start3A_21, %dma_start3A_24, %dma_start3A_25] : memref<2x128x128xf32, #tpu.memory_space<vmem>> -> memref<1x64x128xf32, #tpu.memory_space<vmem>>
    %dma_start3A_27 = tpu.memref_squeeze %dma_start3A_26 : memref<1x64x128xf32, #tpu.memory_space<vmem>> -> memref<64x128xf32, #tpu.memory_space<vmem>>
    %dma_start3A_28 = arith.constant 64 : i32
    %dma_start3A_29 = tpu.memref_slice %arg7[%dma_start3A_20, %dma_start3A_28] : memref<40x128xi32, #tpu.memory_space<vmem>> -> memref<1x64xi32, #tpu.memory_space<vmem>>
    %dma_start3A_30 = tpu.memref_squeeze %dma_start3A_29 : memref<1x64xi32, #tpu.memory_space<vmem>> -> memref<64xi32, #tpu.memory_space<vmem>>
    %dma_start3A_31 = arith.constant 0 : i32
    %dma_start3A_32 = arith.constant 0 : i32
    %dma_start3A_33 = tpu.memref_slice %arg2[%dma_start3A_31, %dma_start3A_32] : memref<10000x128xf32, #tpu.memory_space<hbm>> -> memref<10000x128xf32, #tpu.memory_space<hbm>>
    %dma_start3A_34 = tpu.memref_slice %arg11[%dma_start3A_22, %dma_start3A_23] : memref<2x2x!tpu.dma_semaphore, #tpu.memory_space<semaphore_mem>> -> memref<1x1x!tpu.dma_semaphore, #tpu.memory_space<semaphore_mem>>
    %dma_start3A_35 = tpu.memref_squeeze %dma_start3A_34 : memref<1x1x!tpu.dma_semaphore, #tpu.memory_space<semaphore_mem>> -> memref<!tpu.dma_semaphore, #tpu.memory_space<semaphore_mem>>
    tpu.enqueue_indirect_dma source(%dma_start3A_33 : memref<10000x128xf32, #tpu.memory_space<hbm>>) target(%dma_start3A_27 : memref<64x128xf32, #tpu.memory_space<vmem>>) offsets(%dma_start3A_30 : memref<64xi32, #tpu.memory_space<vmem>>) semaphore(%dma_start3A_35 : memref<!tpu.dma_semaphore, #tpu.memory_space<semaphore_mem>>)
    %dma_start3A_36 = arith.constant 1 : i32
    %dma_start3A_37 = arith.constant 1 : i32
    %dma_start3A_38 = arith.constant 1 : i32
    %dma_start3A_39 = arith.constant 0 : i32
    %dma_start3A_40 = arith.constant 0 : i32
    %dma_start3A_41 = arith.constant 0 : i32
    %dma_start3A_42 = tpu.memref_slice %arg9[%dma_start3A_37, %dma_start3A_40, %dma_start3A_41] : memref<2x128x128xf32, #tpu.memory_space<vmem>> -> memref<1x64x128xf32, #tpu.memory_space<vmem>>
    %dma_start3A_43 = tpu.memref_squeeze %dma_start3A_42 : memref<1x64x128xf32, #tpu.memory_space<vmem>> -> memref<64x128xf32, #tpu.memory_space<vmem>>
    %dma_start3A_44 = arith.constant 0 : i32
    %dma_start3A_45 = tpu.memref_slice %arg7[%dma_start3A_36, %dma_start3A_44] : memref<40x128xi32, #tpu.memory_space<vmem>> -> memref<1x64xi32, #tpu.memory_space<vmem>>
    %dma_start3A_46 = tpu.memref_squeeze %dma_start3A_45 : memref<1x64xi32, #tpu.memory_space<vmem>> -> memref<64xi32, #tpu.memory_space<vmem>>
    %dma_start3A_47 = arith.constant 0 : i32
    %dma_start3A_48 = arith.constant 0 : i32
    %dma_start3A_49 = tpu.memref_slice %arg2[%dma_start3A_47, %dma_start3A_48] : memref<10000x128xf32, #tpu.memory_space<hbm>> -> memref<10000x128xf32, #tpu.memory_space<hbm>>
    %dma_start3A_50 = tpu.memref_slice %arg11[%dma_start3A_38, %dma_start3A_39] : memref<2x2x!tpu.dma_semaphore, #tpu.memory_space<semaphore_mem>> -> memref<1x1x!tpu.dma_semaphore, #tpu.memory_space<semaphore_mem>>
    %dma_start3A_51 = tpu.memref_squeeze %dma_start3A_50 : memref<1x1x!tpu.dma_semaphore, #tpu.memory_space<semaphore_mem>> -> memref<!tpu.dma_semaphore, #tpu.memory_space<semaphore_mem>>
    tpu.enqueue_indirect_dma source(%dma_start3A_49 : memref<10000x128xf32, #tpu.memory_space<hbm>>) target(%dma_start3A_43 : memref<64x128xf32, #tpu.memory_space<vmem>>) offsets(%dma_start3A_46 : memref<64xi32, #tpu.memory_space<vmem>>) semaphore(%dma_start3A_51 : memref<!tpu.dma_semaphore, #tpu.memory_space<semaphore_mem>>)
    %dma_start3A_52 = arith.constant 1 : i32
    %dma_start3A_53 = arith.constant 1 : i32
    %dma_start3A_54 = arith.constant 1 : i32
    %dma_start3A_55 = arith.constant 1 : i32
    %dma_start3A_56 = arith.constant 64 : i32
    %dma_start3A_57 = arith.constant 0 : i32
    %dma_start3A_58 = tpu.memref_slice %arg9[%dma_start3A_53, %dma_start3A_56, %dma_start3A_57] : memref<2x128x128xf32, #tpu.memory_space<vmem>> -> memref<1x64x128xf32, #tpu.memory_space<vmem>>
    %dma_start3A_59 = tpu.memref_squeeze %dma_start3A_58 : memref<1x64x128xf32, #tpu.memory_space<vmem>> -> memref<64x128xf32, #tpu.memory_space<vmem>>
    %dma_start3A_60 = arith.constant 64 : i32
    %dma_start3A_61 = tpu.memref_slice %arg7[%dma_start3A_52, %dma_start3A_60] : memref<40x128xi32, #tpu.memory_space<vmem>> -> memref<1x64xi32, #tpu.memory_space<vmem>>
    %dma_start3A_62 = tpu.memref_squeeze %dma_start3A_61 : memref<1x64xi32, #tpu.memory_space<vmem>> -> memref<64xi32, #tpu.memory_space<vmem>>
    %dma_start3A_63 = arith.constant 0 : i32
    %dma_start3A_64 = arith.constant 0 : i32
    %dma_start3A_65 = tpu.memref_slice %arg2[%dma_start3A_63, %dma_start3A_64] : memref<10000x128xf32, #tpu.memory_space<hbm>> -> memref<10000x128xf32, #tpu.memory_space<hbm>>
    %dma_start3A_66 = tpu.memref_slice %arg11[%dma_start3A_54, %dma_start3A_55] : memref<2x2x!tpu.dma_semaphore, #tpu.memory_space<semaphore_mem>> -> memref<1x1x!tpu.dma_semaphore, #tpu.memory_space<semaphore_mem>>
    %dma_start3A_67 = tpu.memref_squeeze %dma_start3A_66 : memref<1x1x!tpu.dma_semaphore, #tpu.memory_space<semaphore_mem>> -> memref<!tpu.dma_semaphore, #tpu.memory_space<semaphore_mem>>
    tpu.enqueue_indirect_dma source(%dma_start3A_65 : memref<10000x128xf32, #tpu.memory_space<hbm>>) target(%dma_start3A_59 : memref<64x128xf32, #tpu.memory_space<vmem>>) offsets(%dma_start3A_62 : memref<64xi32, #tpu.memory_space<vmem>>) semaphore(%dma_start3A_67 : memref<!tpu.dma_semaphore, #tpu.memory_space<semaphore_mem>>)
    %scan3A = arith.constant 0 : i32
    %scan3A_68 = arith.constant 0 : i32
    %scan3A_69 = arith.constant 19 : i32
    %scan3A_70 = arith.addi %scan3A_68, %scan3A_69 : i32
    %scan3A_71 = arith.constant 1 : i32
    scf.for %scan3A_399 = %scan3A_68 to %scan3A_70 step %scan3A_71  : i32 {
      %mul3A_400 = arith.constant 2 : i32
      %mul3A_401 = arith.muli %scan3A_399, %mul3A_400 : i32
      %add3A_402 = arith.constant 0 : i32
      %add3A_403 = arith.addi %mul3A_401, %add3A_402 : i32
      %dma_wait3A_404 = arith.constant 0 : i32
      %dma_wait3A_405 = arith.constant 0 : i32
      %dma_wait3A_406 = arith.constant 0 : i32
      %dma_wait3A_407 = arith.constant 0 : i32
      %dma_wait3A_408 = arith.constant 0 : i32
      %dma_wait3A_409 = tpu.memref_slice %arg9[%dma_wait3A_404, %dma_wait3A_407, %dma_wait3A_408] : memref<2x128x128xf32, #tpu.memory_space<vmem>> -> memref<1x64x128xf32, #tpu.memory_space<vmem>>
      %dma_wait3A_410 = tpu.memref_squeeze %dma_wait3A_409 : memref<1x64x128xf32, #tpu.memory_space<vmem>> -> memref<64x128xf32, #tpu.memory_space<vmem>>
      %dma_wait3A_411 = arith.constant 0 : i32
      %dma_wait3A_412 = tpu.memref_slice %arg7[%add3A_403, %dma_wait3A_411] : memref<40x128xi32, #tpu.memory_space<vmem>> -> memref<1x64xi32, #tpu.memory_space<vmem>>
      %dma_wait3A_413 = tpu.memref_squeeze %dma_wait3A_412 : memref<1x64xi32, #tpu.memory_space<vmem>> -> memref<64xi32, #tpu.memory_space<vmem>>
      %dma_wait3A_414 = arith.constant 0 : i32
      %dma_wait3A_415 = arith.constant 0 : i32
      %dma_wait3A_416 = tpu.memref_slice %arg2[%dma_wait3A_414, %dma_wait3A_415] : memref<10000x128xf32, #tpu.memory_space<hbm>> -> memref<10000x128xf32, #tpu.memory_space<hbm>>
      %dma_wait3A_417 = tpu.memref_slice %arg11[%dma_wait3A_405, %dma_wait3A_406] : memref<2x2x!tpu.dma_semaphore, #tpu.memory_space<semaphore_mem>> -> memref<1x1x!tpu.dma_semaphore, #tpu.memory_space<semaphore_mem>>
      %dma_wait3A_418 = tpu.memref_squeeze %dma_wait3A_417 : memref<1x1x!tpu.dma_semaphore, #tpu.memory_space<semaphore_mem>> -> memref<!tpu.dma_semaphore, #tpu.memory_space<semaphore_mem>>
      tpu.wait_indirect_dma semaphore(%dma_wait3A_418 : memref<!tpu.dma_semaphore, #tpu.memory_space<semaphore_mem>>) src(%dma_wait3A_416 : memref<10000x128xf32, #tpu.memory_space<hbm>>) dst(%dma_wait3A_410 : memref<64x128xf32, #tpu.memory_space<vmem>>)
      %dma_wait3A_419 = arith.constant 0 : i32
      %dma_wait3A_420 = arith.constant 0 : i32
      %dma_wait3A_421 = arith.constant 1 : i32
      %dma_wait3A_422 = arith.constant 64 : i32
      %dma_wait3A_423 = arith.constant 0 : i32
      %dma_wait3A_424 = tpu.memref_slice %arg9[%dma_wait3A_419, %dma_wait3A_422, %dma_wait3A_423] : memref<2x128x128xf32, #tpu.memory_space<vmem>> -> memref<1x64x128xf32, #tpu.memory_space<vmem>>
      %dma_wait3A_425 = tpu.memref_squeeze %dma_wait3A_424 : memref<1x64x128xf32, #tpu.memory_space<vmem>> -> memref<64x128xf32, #tpu.memory_space<vmem>>
      %dma_wait3A_426 = arith.constant 64 : i32
      %dma_wait3A_427 = tpu.memref_slice %arg7[%add3A_403, %dma_wait3A_426] : memref<40x128xi32, #tpu.memory_space<vmem>> -> memref<1x64xi32, #tpu.memory_space<vmem>>
      %dma_wait3A_428 = tpu.memref_squeeze %dma_wait3A_427 : memref<1x64xi32, #tpu.memory_space<vmem>> -> memref<64xi32, #tpu.memory_space<vmem>>
      %dma_wait3A_429 = arith.constant 0 : i32
      %dma_wait3A_430 = arith.constant 0 : i32
      %dma_wait3A_431 = tpu.memref_slice %arg2[%dma_wait3A_429, %dma_wait3A_430] : memref<10000x128xf32, #tpu.memory_space<hbm>> -> memref<10000x128xf32, #tpu.memory_space<hbm>>
      %dma_wait3A_432 = tpu.memref_slice %arg11[%dma_wait3A_420, %dma_wait3A_421] : memref<2x2x!tpu.dma_semaphore, #tpu.memory_space<semaphore_mem>> -> memref<1x1x!tpu.dma_semaphore, #tpu.memory_space<semaphore_mem>>
      %dma_wait3A_433 = tpu.memref_squeeze %dma_wait3A_432 : memref<1x1x!tpu.dma_semaphore, #tpu.memory_space<semaphore_mem>> -> memref<!tpu.dma_semaphore, #tpu.memory_space<semaphore_mem>>
      tpu.wait_indirect_dma semaphore(%dma_wait3A_433 : memref<!tpu.dma_semaphore, #tpu.memory_space<semaphore_mem>>) src(%dma_wait3A_431 : memref<10000x128xf32, #tpu.memory_space<hbm>>) dst(%dma_wait3A_425 : memref<64x128xf32, #tpu.memory_space<vmem>>)
      %dma_start3A_434 = arith.constant 0 : i32
      %dma_start3A_435 = arith.constant 0 : i32
      %dma_start3A_436 = arith.constant 0 : i32
      %dma_start3A_437 = arith.constant 0 : i32
      %dma_start3A_438 = tpu.memref_slice %arg9[%dma_start3A_434, %dma_start3A_436, %dma_start3A_437] : memref<2x128x128xf32, #tpu.memory_space<vmem>> -> memref<1x128x128xf32, #tpu.memory_space<vmem>>
      %dma_start3A_439 = tpu.memref_squeeze %dma_start3A_438 : memref<1x128x128xf32, #tpu.memory_space<vmem>> -> memref<128x128xf32, #tpu.memory_space<vmem>>
      %dma_start3A_440 = arith.constant 0 : i32
      %dma_start3A_441 = tpu.memref_slice %arg8[%add3A_403, %dma_start3A_440] : memref<40x128xi32, #tpu.memory_space<vmem>> -> memref<1x128xi32, #tpu.memory_space<vmem>>
      %dma_start3A_442 = tpu.memref_squeeze %dma_start3A_441 : memref<1x128xi32, #tpu.memory_space<vmem>> -> memref<128xi32, #tpu.memory_space<vmem>>
      %dma_start3A_443 = arith.constant 0 : i32
      %dma_start3A_444 = arith.constant 0 : i32
      %dma_start3A_445 = tpu.memref_slice %arg10[%dma_start3A_443, %dma_start3A_444] : memref<10112x128xf32, #tpu.memory_space<vmem_shared>> -> memref<10112x128xf32, #tpu.memory_space<vmem_shared>>
      %dma_start3A_446 = tpu.memref_slice %arg12[%dma_start3A_435] : memref<2x!tpu.dma_semaphore, #tpu.memory_space<semaphore_mem>> -> memref<1x!tpu.dma_semaphore, #tpu.memory_space<semaphore_mem>>
      %dma_start3A_447 = tpu.memref_squeeze %dma_start3A_446 : memref<1x!tpu.dma_semaphore, #tpu.memory_space<semaphore_mem>> -> memref<!tpu.dma_semaphore, #tpu.memory_space<semaphore_mem>>
      tpu.enqueue_indirect_dma source(%dma_start3A_439 : memref<128x128xf32, #tpu.memory_space<vmem>>) target(%dma_start3A_445 : memref<10112x128xf32, #tpu.memory_space<vmem_shared>>) offsets(%dma_start3A_442 : memref<128xi32, #tpu.memory_space<vmem>>) semaphore(%dma_start3A_447 : memref<!tpu.dma_semaphore, #tpu.memory_space<semaphore_mem>>) {add = true}
      %dma_wait3A_448 = arith.constant 0 : i32
      %dma_wait3A_449 = arith.constant 0 : i32
      %dma_wait3A_450 = arith.constant 0 : i32
      %dma_wait3A_451 = arith.constant 0 : i32
      %dma_wait3A_452 = tpu.memref_slice %arg9[%dma_wait3A_448, %dma_wait3A_450, %dma_wait3A_451] : memref<2x128x128xf32, #tpu.memory_space<vmem>> -> memref<1x128x128xf32, #tpu.memory_space<vmem>>
      %dma_wait3A_453 = tpu.memref_squeeze %dma_wait3A_452 : memref<1x128x128xf32, #tpu.memory_space<vmem>> -> memref<128x128xf32, #tpu.memory_space<vmem>>
      %dma_wait3A_454 = arith.constant 0 : i32
      %dma_wait3A_455 = tpu.memref_slice %arg8[%add3A_403, %dma_wait3A_454] : memref<40x128xi32, #tpu.memory_space<vmem>> -> memref<1x128xi32, #tpu.memory_space<vmem>>
      %dma_wait3A_456 = tpu.memref_squeeze %dma_wait3A_455 : memref<1x128xi32, #tpu.memory_space<vmem>> -> memref<128xi32, #tpu.memory_space<vmem>>
      %dma_wait3A_457 = arith.constant 0 : i32
      %dma_wait3A_458 = arith.constant 0 : i32
      %dma_wait3A_459 = tpu.memref_slice %arg10[%dma_wait3A_457, %dma_wait3A_458] : memref<10112x128xf32, #tpu.memory_space<vmem_shared>> -> memref<10112x128xf32, #tpu.memory_space<vmem_shared>>
      %dma_wait3A_460 = tpu.memref_slice %arg12[%dma_wait3A_449] : memref<2x!tpu.dma_semaphore, #tpu.memory_space<semaphore_mem>> -> memref<1x!tpu.dma_semaphore, #tpu.memory_space<semaphore_mem>>
      %dma_wait3A_461 = tpu.memref_squeeze %dma_wait3A_460 : memref<1x!tpu.dma_semaphore, #tpu.memory_space<semaphore_mem>> -> memref<!tpu.dma_semaphore, #tpu.memory_space<semaphore_mem>>
      tpu.wait_indirect_dma semaphore(%dma_wait3A_461 : memref<!tpu.dma_semaphore, #tpu.memory_space<semaphore_mem>>) src(%dma_wait3A_453 : memref<128x128xf32, #tpu.memory_space<vmem>>) dst(%dma_wait3A_459 : memref<10112x128xf32, #tpu.memory_space<vmem_shared>>)
      %add3A_462 = arith.constant 2 : i32
      %add3A_463 = arith.addi %add3A_403, %add3A_462 : i32
      %dma_start3A_464 = arith.constant 0 : i32
      %dma_start3A_465 = arith.constant 0 : i32
      %dma_start3A_466 = arith.constant 0 : i32
      %dma_start3A_467 = arith.constant 0 : i32
      %dma_start3A_468 = arith.constant 0 : i32
      %dma_start3A_469 = tpu.memref_slice %arg9[%dma_start3A_464, %dma_start3A_467, %dma_start3A_468] : memref<2x128x128xf32, #tpu.memory_space<vmem>> -> memref<1x64x128xf32, #tpu.memory_space<vmem>>
      %dma_start3A_470 = tpu.memref_squeeze %dma_start3A_469 : memref<1x64x128xf32, #tpu.memory_space<vmem>> -> memref<64x128xf32, #tpu.memory_space<vmem>>
      %dma_start3A_471 = arith.constant 0 : i32
      %dma_start3A_472 = tpu.memref_slice %arg7[%add3A_463, %dma_start3A_471] : memref<40x128xi32, #tpu.memory_space<vmem>> -> memref<1x64xi32, #tpu.memory_space<vmem>>
      %dma_start3A_473 = tpu.memref_squeeze %dma_start3A_472 : memref<1x64xi32, #tpu.memory_space<vmem>> -> memref<64xi32, #tpu.memory_space<vmem>>
      %dma_start3A_474 = arith.constant 0 : i32
      %dma_start3A_475 = arith.constant 0 : i32
      %dma_start3A_476 = tpu.memref_slice %arg2[%dma_start3A_474, %dma_start3A_475] : memref<10000x128xf32, #tpu.memory_space<hbm>> -> memref<10000x128xf32, #tpu.memory_space<hbm>>
      %dma_start3A_477 = tpu.memref_slice %arg11[%dma_start3A_465, %dma_start3A_466] : memref<2x2x!tpu.dma_semaphore, #tpu.memory_space<semaphore_mem>> -> memref<1x1x!tpu.dma_semaphore, #tpu.memory_space<semaphore_mem>>
      %dma_start3A_478 = tpu.memref_squeeze %dma_start3A_477 : memref<1x1x!tpu.dma_semaphore, #tpu.memory_space<semaphore_mem>> -> memref<!tpu.dma_semaphore, #tpu.memory_space<semaphore_mem>>
      tpu.enqueue_indirect_dma source(%dma_start3A_476 : memref<10000x128xf32, #tpu.memory_space<hbm>>) target(%dma_start3A_470 : memref<64x128xf32, #tpu.memory_space<vmem>>) offsets(%dma_start3A_473 : memref<64xi32, #tpu.memory_space<vmem>>) semaphore(%dma_start3A_478 : memref<!tpu.dma_semaphore, #tpu.memory_space<semaphore_mem>>)
      %dma_start3A_479 = arith.constant 0 : i32
      %dma_start3A_480 = arith.constant 0 : i32
      %dma_start3A_481 = arith.constant 1 : i32
      %dma_start3A_482 = arith.constant 64 : i32
      %dma_start3A_483 = arith.constant 0 : i32
      %dma_start3A_484 = tpu.memref_slice %arg9[%dma_start3A_479, %dma_start3A_482, %dma_start3A_483] : memref<2x128x128xf32, #tpu.memory_space<vmem>> -> memref<1x64x128xf32, #tpu.memory_space<vmem>>
      %dma_start3A_485 = tpu.memref_squeeze %dma_start3A_484 : memref<1x64x128xf32, #tpu.memory_space<vmem>> -> memref<64x128xf32, #tpu.memory_space<vmem>>
      %dma_start3A_486 = arith.constant 64 : i32
      %dma_start3A_487 = tpu.memref_slice %arg7[%add3A_463, %dma_start3A_486] : memref<40x128xi32, #tpu.memory_space<vmem>> -> memref<1x64xi32, #tpu.memory_space<vmem>>
      %dma_start3A_488 = tpu.memref_squeeze %dma_start3A_487 : memref<1x64xi32, #tpu.memory_space<vmem>> -> memref<64xi32, #tpu.memory_space<vmem>>
      %dma_start3A_489 = arith.constant 0 : i32
      %dma_start3A_490 = arith.constant 0 : i32
      %dma_start3A_491 = tpu.memref_slice %arg2[%dma_start3A_489, %dma_start3A_490] : memref<10000x128xf32, #tpu.memory_space<hbm>> -> memref<10000x128xf32, #tpu.memory_space<hbm>>
      %dma_start3A_492 = tpu.memref_slice %arg11[%dma_start3A_480, %dma_start3A_481] : memref<2x2x!tpu.dma_semaphore, #tpu.memory_space<semaphore_mem>> -> memref<1x1x!tpu.dma_semaphore, #tpu.memory_space<semaphore_mem>>
      %dma_start3A_493 = tpu.memref_squeeze %dma_start3A_492 : memref<1x1x!tpu.dma_semaphore, #tpu.memory_space<semaphore_mem>> -> memref<!tpu.dma_semaphore, #tpu.memory_space<semaphore_mem>>
      tpu.enqueue_indirect_dma source(%dma_start3A_491 : memref<10000x128xf32, #tpu.memory_space<hbm>>) target(%dma_start3A_485 : memref<64x128xf32, #tpu.memory_space<vmem>>) offsets(%dma_start3A_488 : memref<64xi32, #tpu.memory_space<vmem>>) semaphore(%dma_start3A_493 : memref<!tpu.dma_semaphore, #tpu.memory_space<semaphore_mem>>)
      %mul3A_494 = arith.constant 2 : i32
      %mul3A_495 = arith.muli %scan3A_399, %mul3A_494 : i32
      %add3A_496 = arith.constant 1 : i32
      %add3A_497 = arith.addi %mul3A_495, %add3A_496 : i32
      %dma_wait3A_498 = arith.constant 1 : i32
      %dma_wait3A_499 = arith.constant 1 : i32
      %dma_wait3A_500 = arith.constant 0 : i32
      %dma_wait3A_501 = arith.constant 0 : i32
      %dma_wait3A_502 = arith.constant 0 : i32
      %dma_wait3A_503 = tpu.memref_slice %arg9[%dma_wait3A_498, %dma_wait3A_501, %dma_wait3A_502] : memref<2x128x128xf32, #tpu.memory_space<vmem>> -> memref<1x64x128xf32, #tpu.memory_space<vmem>>
      %dma_wait3A_504 = tpu.memref_squeeze %dma_wait3A_503 : memref<1x64x128xf32, #tpu.memory_space<vmem>> -> memref<64x128xf32, #tpu.memory_space<vmem>>
      %dma_wait3A_505 = arith.constant 0 : i32
      %dma_wait3A_506 = tpu.memref_slice %arg7[%add3A_497, %dma_wait3A_505] : memref<40x128xi32, #tpu.memory_space<vmem>> -> memref<1x64xi32, #tpu.memory_space<vmem>>
      %dma_wait3A_507 = tpu.memref_squeeze %dma_wait3A_506 : memref<1x64xi32, #tpu.memory_space<vmem>> -> memref<64xi32, #tpu.memory_space<vmem>>
      %dma_wait3A_508 = arith.constant 0 : i32
      %dma_wait3A_509 = arith.constant 0 : i32
      %dma_wait3A_510 = tpu.memref_slice %arg2[%dma_wait3A_508, %dma_wait3A_509] : memref<10000x128xf32, #tpu.memory_space<hbm>> -> memref<10000x128xf32, #tpu.memory_space<hbm>>
      %dma_wait3A_511 = tpu.memref_slice %arg11[%dma_wait3A_499, %dma_wait3A_500] : memref<2x2x!tpu.dma_semaphore, #tpu.memory_space<semaphore_mem>> -> memref<1x1x!tpu.dma_semaphore, #tpu.memory_space<semaphore_mem>>
      %dma_wait3A_512 = tpu.memref_squeeze %dma_wait3A_511 : memref<1x1x!tpu.dma_semaphore, #tpu.memory_space<semaphore_mem>> -> memref<!tpu.dma_semaphore, #tpu.memory_space<semaphore_mem>>
      tpu.wait_indirect_dma semaphore(%dma_wait3A_512 : memref<!tpu.dma_semaphore, #tpu.memory_space<semaphore_mem>>) src(%dma_wait3A_510 : memref<10000x128xf32, #tpu.memory_space<hbm>>) dst(%dma_wait3A_504 : memref<64x128xf32, #tpu.memory_space<vmem>>)
      %dma_wait3A_513 = arith.constant 1 : i32
      %dma_wait3A_514 = arith.constant 1 : i32
      %dma_wait3A_515 = arith.constant 1 : i32
      %dma_wait3A_516 = arith.constant 64 : i32
      %dma_wait3A_517 = arith.constant 0 : i32
      %dma_wait3A_518 = tpu.memref_slice %arg9[%dma_wait3A_513, %dma_wait3A_516, %dma_wait3A_517] : memref<2x128x128xf32, #tpu.memory_space<vmem>> -> memref<1x64x128xf32, #tpu.memory_space<vmem>>
      %dma_wait3A_519 = tpu.memref_squeeze %dma_wait3A_518 : memref<1x64x128xf32, #tpu.memory_space<vmem>> -> memref<64x128xf32, #tpu.memory_space<vmem>>
      %dma_wait3A_520 = arith.constant 64 : i32
      %dma_wait3A_521 = tpu.memref_slice %arg7[%add3A_497, %dma_wait3A_520] : memref<40x128xi32, #tpu.memory_space<vmem>> -> memref<1x64xi32, #tpu.memory_space<vmem>>
      %dma_wait3A_522 = tpu.memref_squeeze %dma_wait3A_521 : memref<1x64xi32, #tpu.memory_space<vmem>> -> memref<64xi32, #tpu.memory_space<vmem>>
      %dma_wait3A_523 = arith.constant 0 : i32
      %dma_wait3A_524 = arith.constant 0 : i32
      %dma_wait3A_525 = tpu.memref_slice %arg2[%dma_wait3A_523, %dma_wait3A_524] : memref<10000x128xf32, #tpu.memory_space<hbm>> -> memref<10000x128xf32, #tpu.memory_space<hbm>>
      %dma_wait3A_526 = tpu.memref_slice %arg11[%dma_wait3A_514, %dma_wait3A_515] : memref<2x2x!tpu.dma_semaphore, #tpu.memory_space<semaphore_mem>> -> memref<1x1x!tpu.dma_semaphore, #tpu.memory_space<semaphore_mem>>
      %dma_wait3A_527 = tpu.memref_squeeze %dma_wait3A_526 : memref<1x1x!tpu.dma_semaphore, #tpu.memory_space<semaphore_mem>> -> memref<!tpu.dma_semaphore, #tpu.memory_space<semaphore_mem>>
      tpu.wait_indirect_dma semaphore(%dma_wait3A_527 : memref<!tpu.dma_semaphore, #tpu.memory_space<semaphore_mem>>) src(%dma_wait3A_525 : memref<10000x128xf32, #tpu.memory_space<hbm>>) dst(%dma_wait3A_519 : memref<64x128xf32, #tpu.memory_space<vmem>>)
      %dma_start3A_528 = arith.constant 1 : i32
      %dma_start3A_529 = arith.constant 1 : i32
      %dma_start3A_530 = arith.constant 0 : i32
      %dma_start3A_531 = arith.constant 0 : i32
      %dma_start3A_532 = tpu.memref_slice %arg9[%dma_start3A_528, %dma_start3A_530, %dma_start3A_531] : memref<2x128x128xf32, #tpu.memory_space<vmem>> -> memref<1x128x128xf32, #tpu.memory_space<vmem>>
      %dma_start3A_533 = tpu.memref_squeeze %dma_start3A_532 : memref<1x128x128xf32, #tpu.memory_space<vmem>> -> memref<128x128xf32, #tpu.memory_space<vmem>>
      %dma_start3A_534 = arith.constant 0 : i32
      %dma_start3A_535 = tpu.memref_slice %arg8[%add3A_497, %dma_start3A_534] : memref<40x128xi32, #tpu.memory_space<vmem>> -> memref<1x128xi32, #tpu.memory_space<vmem>>
      %dma_start3A_536 = tpu.memref_squeeze %dma_start3A_535 : memref<1x128xi32, #tpu.memory_space<vmem>> -> memref<128xi32, #tpu.memory_space<vmem>>
      %dma_start3A_537 = arith.constant 0 : i32
      %dma_start3A_538 = arith.constant 0 : i32
      %dma_start3A_539 = tpu.memref_slice %arg10[%dma_start3A_537, %dma_start3A_538] : memref<10112x128xf32, #tpu.memory_space<vmem_shared>> -> memref<10112x128xf32, #tpu.memory_space<vmem_shared>>
      %dma_start3A_540 = tpu.memref_slice %arg12[%dma_start3A_529] : memref<2x!tpu.dma_semaphore, #tpu.memory_space<semaphore_mem>> -> memref<1x!tpu.dma_semaphore, #tpu.memory_space<semaphore_mem>>
      %dma_start3A_541 = tpu.memref_squeeze %dma_start3A_540 : memref<1x!tpu.dma_semaphore, #tpu.memory_space<semaphore_mem>> -> memref<!tpu.dma_semaphore, #tpu.memory_space<semaphore_mem>>
      tpu.enqueue_indirect_dma source(%dma_start3A_533 : memref<128x128xf32, #tpu.memory_space<vmem>>) target(%dma_start3A_539 : memref<10112x128xf32, #tpu.memory_space<vmem_shared>>) offsets(%dma_start3A_536 : memref<128xi32, #tpu.memory_space<vmem>>) semaphore(%dma_start3A_541 : memref<!tpu.dma_semaphore, #tpu.memory_space<semaphore_mem>>) {add = true}
      %dma_wait3A_542 = arith.constant 1 : i32
      %dma_wait3A_543 = arith.constant 1 : i32
      %dma_wait3A_544 = arith.constant 0 : i32
      %dma_wait3A_545 = arith.constant 0 : i32
      %dma_wait3A_546 = tpu.memref_slice %arg9[%dma_wait3A_542, %dma_wait3A_544, %dma_wait3A_545] : memref<2x128x128xf32, #tpu.memory_space<vmem>> -> memref<1x128x128xf32, #tpu.memory_space<vmem>>
      %dma_wait3A_547 = tpu.memref_squeeze %dma_wait3A_546 : memref<1x128x128xf32, #tpu.memory_space<vmem>> -> memref<128x128xf32, #tpu.memory_space<vmem>>
      %dma_wait3A_548 = arith.constant 0 : i32
      %dma_wait3A_549 = tpu.memref_slice %arg8[%add3A_497, %dma_wait3A_548] : memref<40x128xi32, #tpu.memory_space<vmem>> -> memref<1x128xi32, #tpu.memory_space<vmem>>
      %dma_wait3A_550 = tpu.memref_squeeze %dma_wait3A_549 : memref<1x128xi32, #tpu.memory_space<vmem>> -> memref<128xi32, #tpu.memory_space<vmem>>
      %dma_wait3A_551 = arith.constant 0 : i32
      %dma_wait3A_552 = arith.constant 0 : i32
      %dma_wait3A_553 = tpu.memref_slice %arg10[%dma_wait3A_551, %dma_wait3A_552] : memref<10112x128xf32, #tpu.memory_space<vmem_shared>> -> memref<10112x128xf32, #tpu.memory_space<vmem_shared>>
      %dma_wait3A_554 = tpu.memref_slice %arg12[%dma_wait3A_543] : memref<2x!tpu.dma_semaphore, #tpu.memory_space<semaphore_mem>> -> memref<1x!tpu.dma_semaphore, #tpu.memory_space<semaphore_mem>>
      %dma_wait3A_555 = tpu.memref_squeeze %dma_wait3A_554 : memref<1x!tpu.dma_semaphore, #tpu.memory_space<semaphore_mem>> -> memref<!tpu.dma_semaphore, #tpu.memory_space<semaphore_mem>>
      tpu.wait_indirect_dma semaphore(%dma_wait3A_555 : memref<!tpu.dma_semaphore, #tpu.memory_space<semaphore_mem>>) src(%dma_wait3A_547 : memref<128x128xf32, #tpu.memory_space<vmem>>) dst(%dma_wait3A_553 : memref<10112x128xf32, #tpu.memory_space<vmem_shared>>)
      %add3A_556 = arith.constant 2 : i32
      %add3A_557 = arith.addi %add3A_497, %add3A_556 : i32
      %dma_start3A_558 = arith.constant 1 : i32
      %dma_start3A_559 = arith.constant 1 : i32
      %dma_start3A_560 = arith.constant 0 : i32
      %dma_start3A_561 = arith.constant 0 : i32
      %dma_start3A_562 = arith.constant 0 : i32
      %dma_start3A_563 = tpu.memref_slice %arg9[%dma_start3A_558, %dma_start3A_561, %dma_start3A_562] : memref<2x128x128xf32, #tpu.memory_space<vmem>> -> memref<1x64x128xf32, #tpu.memory_space<vmem>>
      %dma_start3A_564 = tpu.memref_squeeze %dma_start3A_563 : memref<1x64x128xf32, #tpu.memory_space<vmem>> -> memref<64x128xf32, #tpu.memory_space<vmem>>
      %dma_start3A_565 = arith.constant 0 : i32
      %dma_start3A_566 = tpu.memref_slice %arg7[%add3A_557, %dma_start3A_565] : memref<40x128xi32, #tpu.memory_space<vmem>> -> memref<1x64xi32, #tpu.memory_space<vmem>>
      %dma_start3A_567 = tpu.memref_squeeze %dma_start3A_566 : memref<1x64xi32, #tpu.memory_space<vmem>> -> memref<64xi32, #tpu.memory_space<vmem>>
      %dma_start3A_568 = arith.constant 0 : i32
      %dma_start3A_569 = arith.constant 0 : i32
      %dma_start3A_570 = tpu.memref_slice %arg2[%dma_start3A_568, %dma_start3A_569] : memref<10000x128xf32, #tpu.memory_space<hbm>> -> memref<10000x128xf32, #tpu.memory_space<hbm>>
      %dma_start3A_571 = tpu.memref_slice %arg11[%dma_start3A_559, %dma_start3A_560] : memref<2x2x!tpu.dma_semaphore, #tpu.memory_space<semaphore_mem>> -> memref<1x1x!tpu.dma_semaphore, #tpu.memory_space<semaphore_mem>>
      %dma_start3A_572 = tpu.memref_squeeze %dma_start3A_571 : memref<1x1x!tpu.dma_semaphore, #tpu.memory_space<semaphore_mem>> -> memref<!tpu.dma_semaphore, #tpu.memory_space<semaphore_mem>>
      tpu.enqueue_indirect_dma source(%dma_start3A_570 : memref<10000x128xf32, #tpu.memory_space<hbm>>) target(%dma_start3A_564 : memref<64x128xf32, #tpu.memory_space<vmem>>) offsets(%dma_start3A_567 : memref<64xi32, #tpu.memory_space<vmem>>) semaphore(%dma_start3A_572 : memref<!tpu.dma_semaphore, #tpu.memory_space<semaphore_mem>>)
      %dma_start3A_573 = arith.constant 1 : i32
      %dma_start3A_574 = arith.constant 1 : i32
      %dma_start3A_575 = arith.constant 1 : i32
      %dma_start3A_576 = arith.constant 64 : i32
      %dma_start3A_577 = arith.constant 0 : i32
      %dma_start3A_578 = tpu.memref_slice %arg9[%dma_start3A_573, %dma_start3A_576, %dma_start3A_577] : memref<2x128x128xf32, #tpu.memory_space<vmem>> -> memref<1x64x128xf32, #tpu.memory_space<vmem>>
      %dma_start3A_579 = tpu.memref_squeeze %dma_start3A_578 : memref<1x64x128xf32, #tpu.memory_space<vmem>> -> memref<64x128xf32, #tpu.memory_space<vmem>>
      %dma_start3A_580 = arith.constant 64 : i32
      %dma_start3A_581 = tpu.memref_slice %arg7[%add3A_557, %dma_start3A_580] : memref<40x128xi32, #tpu.memory_space<vmem>> -> memref<1x64xi32, #tpu.memory_space<vmem>>
      %dma_start3A_582 = tpu.memref_squeeze %dma_start3A_581 : memref<1x64xi32, #tpu.memory_space<vmem>> -> memref<64xi32, #tpu.memory_space<vmem>>
      %dma_start3A_583 = arith.constant 0 : i32
      %dma_start3A_584 = arith.constant 0 : i32
      %dma_start3A_585 = tpu.memref_slice %arg2[%dma_start3A_583, %dma_start3A_584] : memref<10000x128xf32, #tpu.memory_space<hbm>> -> memref<10000x128xf32, #tpu.memory_space<hbm>>
      %dma_start3A_586 = tpu.memref_slice %arg11[%dma_start3A_574, %dma_start3A_575] : memref<2x2x!tpu.dma_semaphore, #tpu.memory_space<semaphore_mem>> -> memref<1x1x!tpu.dma_semaphore, #tpu.memory_space<semaphore_mem>>
      %dma_start3A_587 = tpu.memref_squeeze %dma_start3A_586 : memref<1x1x!tpu.dma_semaphore, #tpu.memory_space<semaphore_mem>> -> memref<!tpu.dma_semaphore, #tpu.memory_space<semaphore_mem>>
      tpu.enqueue_indirect_dma source(%dma_start3A_585 : memref<10000x128xf32, #tpu.memory_space<hbm>>) target(%dma_start3A_579 : memref<64x128xf32, #tpu.memory_space<vmem>>) offsets(%dma_start3A_582 : memref<64xi32, #tpu.memory_space<vmem>>) semaphore(%dma_start3A_587 : memref<!tpu.dma_semaphore, #tpu.memory_space<semaphore_mem>>)
    }
    %scan3A_72 = arith.constant 19 : i32
    %dma_wait3A = arith.constant 38 : i32
    %dma_wait3A_73 = arith.constant 0 : i32
    %dma_wait3A_74 = arith.constant 0 : i32
    %dma_wait3A_75 = arith.constant 0 : i32
    %dma_wait3A_76 = arith.constant 0 : i32
    %dma_wait3A_77 = arith.constant 0 : i32
    %dma_wait3A_78 = tpu.memref_slice %arg9[%dma_wait3A_73, %dma_wait3A_76, %dma_wait3A_77] : memref<2x128x128xf32, #tpu.memory_space<vmem>> -> memref<1x64x128xf32, #tpu.memory_space<vmem>>
    %dma_wait3A_79 = tpu.memref_squeeze %dma_wait3A_78 : memref<1x64x128xf32, #tpu.memory_space<vmem>> -> memref<64x128xf32, #tpu.memory_space<vmem>>
    %dma_wait3A_80 = arith.constant 0 : i32
    %dma_wait3A_81 = tpu.memref_slice %arg7[%dma_wait3A, %dma_wait3A_80] : memref<40x128xi32, #tpu.memory_space<vmem>> -> memref<1x64xi32, #tpu.memory_space<vmem>>
    %dma_wait3A_82 = tpu.memref_squeeze %dma_wait3A_81 : memref<1x64xi32, #tpu.memory_space<vmem>> -> memref<64xi32, #tpu.memory_space<vmem>>
    %dma_wait3A_83 = arith.constant 0 : i32
    %dma_wait3A_84 = arith.constant 0 : i32
    %dma_wait3A_85 = tpu.memref_slice %arg2[%dma_wait3A_83, %dma_wait3A_84] : memref<10000x128xf32, #tpu.memory_space<hbm>> -> memref<10000x128xf32, #tpu.memory_space<hbm>>
    %dma_wait3A_86 = tpu.memref_slice %arg11[%dma_wait3A_74, %dma_wait3A_75] : memref<2x2x!tpu.dma_semaphore, #tpu.memory_space<semaphore_mem>> -> memref<1x1x!tpu.dma_semaphore, #tpu.memory_space<semaphore_mem>>
    %dma_wait3A_87 = tpu.memref_squeeze %dma_wait3A_86 : memref<1x1x!tpu.dma_semaphore, #tpu.memory_space<semaphore_mem>> -> memref<!tpu.dma_semaphore, #tpu.memory_space<semaphore_mem>>
    tpu.wait_indirect_dma semaphore(%dma_wait3A_87 : memref<!tpu.dma_semaphore, #tpu.memory_space<semaphore_mem>>) src(%dma_wait3A_85 : memref<10000x128xf32, #tpu.memory_space<hbm>>) dst(%dma_wait3A_79 : memref<64x128xf32, #tpu.memory_space<vmem>>)
    %dma_wait3A_88 = arith.constant 38 : i32
    %dma_wait3A_89 = arith.constant 0 : i32
    %dma_wait3A_90 = arith.constant 0 : i32
    %dma_wait3A_91 = arith.constant 1 : i32
    %dma_wait3A_92 = arith.constant 64 : i32
    %dma_wait3A_93 = arith.constant 0 : i32
    %dma_wait3A_94 = tpu.memref_slice %arg9[%dma_wait3A_89, %dma_wait3A_92, %dma_wait3A_93] : memref<2x128x128xf32, #tpu.memory_space<vmem>> -> memref<1x64x128xf32, #tpu.memory_space<vmem>>
    %dma_wait3A_95 = tpu.memref_squeeze %dma_wait3A_94 : memref<1x64x128xf32, #tpu.memory_space<vmem>> -> memref<64x128xf32, #tpu.memory_space<vmem>>
    %dma_wait3A_96 = arith.constant 64 : i32
    %dma_wait3A_97 = tpu.memref_slice %arg7[%dma_wait3A_88, %dma_wait3A_96] : memref<40x128xi32, #tpu.memory_space<vmem>> -> memref<1x64xi32, #tpu.memory_space<vmem>>
    %dma_wait3A_98 = tpu.memref_squeeze %dma_wait3A_97 : memref<1x64xi32, #tpu.memory_space<vmem>> -> memref<64xi32, #tpu.memory_space<vmem>>
    %dma_wait3A_99 = arith.constant 0 : i32
    %dma_wait3A_100 = arith.constant 0 : i32
    %dma_wait3A_101 = tpu.memref_slice %arg2[%dma_wait3A_99, %dma_wait3A_100] : memref<10000x128xf32, #tpu.memory_space<hbm>> -> memref<10000x128xf32, #tpu.memory_space<hbm>>
    %dma_wait3A_102 = tpu.memref_slice %arg11[%dma_wait3A_90, %dma_wait3A_91] : memref<2x2x!tpu.dma_semaphore, #tpu.memory_space<semaphore_mem>> -> memref<1x1x!tpu.dma_semaphore, #tpu.memory_space<semaphore_mem>>
    %dma_wait3A_103 = tpu.memref_squeeze %dma_wait3A_102 : memref<1x1x!tpu.dma_semaphore, #tpu.memory_space<semaphore_mem>> -> memref<!tpu.dma_semaphore, #tpu.memory_space<semaphore_mem>>
    tpu.wait_indirect_dma semaphore(%dma_wait3A_103 : memref<!tpu.dma_semaphore, #tpu.memory_space<semaphore_mem>>) src(%dma_wait3A_101 : memref<10000x128xf32, #tpu.memory_space<hbm>>) dst(%dma_wait3A_95 : memref<64x128xf32, #tpu.memory_space<vmem>>)
    %dma_start3A_104 = arith.constant 0 : i32
    %dma_start3A_105 = arith.constant 38 : i32
    %dma_start3A_106 = arith.constant 0 : i32
    %dma_start3A_107 = arith.constant 0 : i32
    %dma_start3A_108 = arith.constant 0 : i32
    %dma_start3A_109 = tpu.memref_slice %arg9[%dma_start3A_104, %dma_start3A_107, %dma_start3A_108] : memref<2x128x128xf32, #tpu.memory_space<vmem>> -> memref<1x128x128xf32, #tpu.memory_space<vmem>>
    %dma_start3A_110 = tpu.memref_squeeze %dma_start3A_109 : memref<1x128x128xf32, #tpu.memory_space<vmem>> -> memref<128x128xf32, #tpu.memory_space<vmem>>
    %dma_start3A_111 = arith.constant 0 : i32
    %dma_start3A_112 = tpu.memref_slice %arg8[%dma_start3A_105, %dma_start3A_111] : memref<40x128xi32, #tpu.memory_space<vmem>> -> memref<1x128xi32, #tpu.memory_space<vmem>>
    %dma_start3A_113 = tpu.memref_squeeze %dma_start3A_112 : memref<1x128xi32, #tpu.memory_space<vmem>> -> memref<128xi32, #tpu.memory_space<vmem>>
    %dma_start3A_114 = arith.constant 0 : i32
    %dma_start3A_115 = arith.constant 0 : i32
    %dma_start3A_116 = tpu.memref_slice %arg10[%dma_start3A_114, %dma_start3A_115] : memref<10112x128xf32, #tpu.memory_space<vmem_shared>> -> memref<10112x128xf32, #tpu.memory_space<vmem_shared>>
    %dma_start3A_117 = tpu.memref_slice %arg12[%dma_start3A_106] : memref<2x!tpu.dma_semaphore, #tpu.memory_space<semaphore_mem>> -> memref<1x!tpu.dma_semaphore, #tpu.memory_space<semaphore_mem>>
    %dma_start3A_118 = tpu.memref_squeeze %dma_start3A_117 : memref<1x!tpu.dma_semaphore, #tpu.memory_space<semaphore_mem>> -> memref<!tpu.dma_semaphore, #tpu.memory_space<semaphore_mem>>
    tpu.enqueue_indirect_dma source(%dma_start3A_110 : memref<128x128xf32, #tpu.memory_space<vmem>>) target(%dma_start3A_116 : memref<10112x128xf32, #tpu.memory_space<vmem_shared>>) offsets(%dma_start3A_113 : memref<128xi32, #tpu.memory_space<vmem>>) semaphore(%dma_start3A_118 : memref<!tpu.dma_semaphore, #tpu.memory_space<semaphore_mem>>) {add = true}
    %dma_wait3A_119 = arith.constant 39 : i32
    %dma_wait3A_120 = arith.constant 1 : i32
    %dma_wait3A_121 = arith.constant 1 : i32
    %dma_wait3A_122 = arith.constant 0 : i32
    %dma_wait3A_123 = arith.constant 0 : i32
    %dma_wait3A_124 = arith.constant 0 : i32
    %dma_wait3A_125 = tpu.memref_slice %arg9[%dma_wait3A_120, %dma_wait3A_123, %dma_wait3A_124] : memref<2x128x128xf32, #tpu.memory_space<vmem>> -> memref<1x64x128xf32, #tpu.memory_space<vmem>>
    %dma_wait3A_126 = tpu.memref_squeeze %dma_wait3A_125 : memref<1x64x128xf32, #tpu.memory_space<vmem>> -> memref<64x128xf32, #tpu.memory_space<vmem>>
    %dma_wait3A_127 = arith.constant 0 : i32
    %dma_wait3A_128 = tpu.memref_slice %arg7[%dma_wait3A_119, %dma_wait3A_127] : memref<40x128xi32, #tpu.memory_space<vmem>> -> memref<1x64xi32, #tpu.memory_space<vmem>>
    %dma_wait3A_129 = tpu.memref_squeeze %dma_wait3A_128 : memref<1x64xi32, #tpu.memory_space<vmem>> -> memref<64xi32, #tpu.memory_space<vmem>>
    %dma_wait3A_130 = arith.constant 0 : i32
    %dma_wait3A_131 = arith.constant 0 : i32
    %dma_wait3A_132 = tpu.memref_slice %arg2[%dma_wait3A_130, %dma_wait3A_131] : memref<10000x128xf32, #tpu.memory_space<hbm>> -> memref<10000x128xf32, #tpu.memory_space<hbm>>
    %dma_wait3A_133 = tpu.memref_slice %arg11[%dma_wait3A_121, %dma_wait3A_122] : memref<2x2x!tpu.dma_semaphore, #tpu.memory_space<semaphore_mem>> -> memref<1x1x!tpu.dma_semaphore, #tpu.memory_space<semaphore_mem>>
    %dma_wait3A_134 = tpu.memref_squeeze %dma_wait3A_133 : memref<1x1x!tpu.dma_semaphore, #tpu.memory_space<semaphore_mem>> -> memref<!tpu.dma_semaphore, #tpu.memory_space<semaphore_mem>>
    tpu.wait_indirect_dma semaphore(%dma_wait3A_134 : memref<!tpu.dma_semaphore, #tpu.memory_space<semaphore_mem>>) src(%dma_wait3A_132 : memref<10000x128xf32, #tpu.memory_space<hbm>>) dst(%dma_wait3A_126 : memref<64x128xf32, #tpu.memory_space<vmem>>)
    %dma_wait3A_135 = arith.constant 39 : i32
    %dma_wait3A_136 = arith.constant 1 : i32
    %dma_wait3A_137 = arith.constant 1 : i32
    %dma_wait3A_138 = arith.constant 1 : i32
    %dma_wait3A_139 = arith.constant 64 : i32
    %dma_wait3A_140 = arith.constant 0 : i32
    %dma_wait3A_141 = tpu.memref_slice %arg9[%dma_wait3A_136, %dma_wait3A_139, %dma_wait3A_140] : memref<2x128x128xf32, #tpu.memory_space<vmem>> -> memref<1x64x128xf32, #tpu.memory_space<vmem>>
    %dma_wait3A_142 = tpu.memref_squeeze %dma_wait3A_141 : memref<1x64x128xf32, #tpu.memory_space<vmem>> -> memref<64x128xf32, #tpu.memory_space<vmem>>
    %dma_wait3A_143 = arith.constant 64 : i32
    %dma_wait3A_144 = tpu.memref_slice %arg7[%dma_wait3A_135, %dma_wait3A_143] : memref<40x128xi32, #tpu.memory_space<vmem>> -> memref<1x64xi32, #tpu.memory_space<vmem>>
    %dma_wait3A_145 = tpu.memref_squeeze %dma_wait3A_144 : memref<1x64xi32, #tpu.memory_space<vmem>> -> memref<64xi32, #tpu.memory_space<vmem>>
    %dma_wait3A_146 = arith.constant 0 : i32
    %dma_wait3A_147 = arith.constant 0 : i32
    %dma_wait3A_148 = tpu.memref_slice %arg2[%dma_wait3A_146, %dma_wait3A_147] : memref<10000x128xf32, #tpu.memory_space<hbm>> -> memref<10000x128xf32, #tpu.memory_space<hbm>>
    %dma_wait3A_149 = tpu.memref_slice %arg11[%dma_wait3A_137, %dma_wait3A_138] : memref<2x2x!tpu.dma_semaphore, #tpu.memory_space<semaphore_mem>> -> memref<1x1x!tpu.dma_semaphore, #tpu.memory_space<semaphore_mem>>
    %dma_wait3A_150 = tpu.memref_squeeze %dma_wait3A_149 : memref<1x1x!tpu.dma_semaphore, #tpu.memory_space<semaphore_mem>> -> memref<!tpu.dma_semaphore, #tpu.memory_space<semaphore_mem>>
    tpu.wait_indirect_dma semaphore(%dma_wait3A_150 : memref<!tpu.dma_semaphore, #tpu.memory_space<semaphore_mem>>) src(%dma_wait3A_148 : memref<10000x128xf32, #tpu.memory_space<hbm>>) dst(%dma_wait3A_142 : memref<64x128xf32, #tpu.memory_space<vmem>>)
    %dma_start3A_151 = arith.constant 1 : i32
    %dma_start3A_152 = arith.constant 39 : i32
    %dma_start3A_153 = arith.constant 1 : i32
    %dma_start3A_154 = arith.constant 0 : i32
    %dma_start3A_155 = arith.constant 0 : i32
    %dma_start3A_156 = tpu.memref_slice %arg9[%dma_start3A_151, %dma_start3A_154, %dma_start3A_155] : memref<2x128x128xf32, #tpu.memory_space<vmem>> -> memref<1x128x128xf32, #tpu.memory_space<vmem>>
    %dma_start3A_157 = tpu.memref_squeeze %dma_start3A_156 : memref<1x128x128xf32, #tpu.memory_space<vmem>> -> memref<128x128xf32, #tpu.memory_space<vmem>>
    %dma_start3A_158 = arith.constant 0 : i32
    %dma_start3A_159 = tpu.memref_slice %arg8[%dma_start3A_152, %dma_start3A_158] : memref<40x128xi32, #tpu.memory_space<vmem>> -> memref<1x128xi32, #tpu.memory_space<vmem>>
    %dma_start3A_160 = tpu.memref_squeeze %dma_start3A_159 : memref<1x128xi32, #tpu.memory_space<vmem>> -> memref<128xi32, #tpu.memory_space<vmem>>
    %dma_start3A_161 = arith.constant 0 : i32
    %dma_start3A_162 = arith.constant 0 : i32
    %dma_start3A_163 = tpu.memref_slice %arg10[%dma_start3A_161, %dma_start3A_162] : memref<10112x128xf32, #tpu.memory_space<vmem_shared>> -> memref<10112x128xf32, #tpu.memory_space<vmem_shared>>
    %dma_start3A_164 = tpu.memref_slice %arg12[%dma_start3A_153] : memref<2x!tpu.dma_semaphore, #tpu.memory_space<semaphore_mem>> -> memref<1x!tpu.dma_semaphore, #tpu.memory_space<semaphore_mem>>
    %dma_start3A_165 = tpu.memref_squeeze %dma_start3A_164 : memref<1x!tpu.dma_semaphore, #tpu.memory_space<semaphore_mem>> -> memref<!tpu.dma_semaphore, #tpu.memory_space<semaphore_mem>>
    tpu.enqueue_indirect_dma source(%dma_start3A_157 : memref<128x128xf32, #tpu.memory_space<vmem>>) target(%dma_start3A_163 : memref<10112x128xf32, #tpu.memory_space<vmem_shared>>) offsets(%dma_start3A_160 : memref<128xi32, #tpu.memory_space<vmem>>) semaphore(%dma_start3A_165 : memref<!tpu.dma_semaphore, #tpu.memory_space<semaphore_mem>>) {add = true}
    %dma_wait3A_166 = arith.constant 0 : i32
    %dma_wait3A_167 = arith.constant 38 : i32
    %dma_wait3A_168 = arith.constant 0 : i32
    %dma_wait3A_169 = arith.constant 0 : i32
    %dma_wait3A_170 = arith.constant 0 : i32
    %dma_wait3A_171 = tpu.memref_slice %arg9[%dma_wait3A_166, %dma_wait3A_169, %dma_wait3A_170] : memref<2x128x128xf32, #tpu.memory_space<vmem>> -> memref<1x128x128xf32, #tpu.memory_space<vmem>>
    %dma_wait3A_172 = tpu.memref_squeeze %dma_wait3A_171 : memref<1x128x128xf32, #tpu.memory_space<vmem>> -> memref<128x128xf32, #tpu.memory_space<vmem>>
    %dma_wait3A_173 = arith.constant 0 : i32
    %dma_wait3A_174 = tpu.memref_slice %arg8[%dma_wait3A_167, %dma_wait3A_173] : memref<40x128xi32, #tpu.memory_space<vmem>> -> memref<1x128xi32, #tpu.memory_space<vmem>>
    %dma_wait3A_175 = tpu.memref_squeeze %dma_wait3A_174 : memref<1x128xi32, #tpu.memory_space<vmem>> -> memref<128xi32, #tpu.memory_space<vmem>>
    %dma_wait3A_176 = arith.constant 0 : i32
    %dma_wait3A_177 = arith.constant 0 : i32
    %dma_wait3A_178 = tpu.memref_slice %arg10[%dma_wait3A_176, %dma_wait3A_177] : memref<10112x128xf32, #tpu.memory_space<vmem_shared>> -> memref<10112x128xf32, #tpu.memory_space<vmem_shared>>
    %dma_wait3A_179 = tpu.memref_slice %arg12[%dma_wait3A_168] : memref<2x!tpu.dma_semaphore, #tpu.memory_space<semaphore_mem>> -> memref<1x!tpu.dma_semaphore, #tpu.memory_space<semaphore_mem>>
    %dma_wait3A_180 = tpu.memref_squeeze %dma_wait3A_179 : memref<1x!tpu.dma_semaphore, #tpu.memory_space<semaphore_mem>> -> memref<!tpu.dma_semaphore, #tpu.memory_space<semaphore_mem>>
    tpu.wait_indirect_dma semaphore(%dma_wait3A_180 : memref<!tpu.dma_semaphore, #tpu.memory_space<semaphore_mem>>) src(%dma_wait3A_172 : memref<128x128xf32, #tpu.memory_space<vmem>>) dst(%dma_wait3A_178 : memref<10112x128xf32, #tpu.memory_space<vmem_shared>>)
    %dma_wait3A_181 = arith.constant 1 : i32
    %dma_wait3A_182 = arith.constant 39 : i32
    %dma_wait3A_183 = arith.constant 1 : i32
    %dma_wait3A_184 = arith.constant 0 : i32
    %dma_wait3A_185 = arith.constant 0 : i32
    %dma_wait3A_186 = tpu.memref_slice %arg9[%dma_wait3A_181, %dma_wait3A_184, %dma_wait3A_185] : memref<2x128x128xf32, #tpu.memory_space<vmem>> -> memref<1x128x128xf32, #tpu.memory_space<vmem>>
    %dma_wait3A_187 = tpu.memref_squeeze %dma_wait3A_186 : memref<1x128x128xf32, #tpu.memory_space<vmem>> -> memref<128x128xf32, #tpu.memory_space<vmem>>
    %dma_wait3A_188 = arith.constant 0 : i32
    %dma_wait3A_189 = tpu.memref_slice %arg8[%dma_wait3A_182, %dma_wait3A_188] : memref<40x128xi32, #tpu.memory_space<vmem>> -> memref<1x128xi32, #tpu.memory_space<vmem>>
    %dma_wait3A_190 = tpu.memref_squeeze %dma_wait3A_189 : memref<1x128xi32, #tpu.memory_space<vmem>> -> memref<128xi32, #tpu.memory_space<vmem>>
    %dma_wait3A_191 = arith.constant 0 : i32
    %dma_wait3A_192 = arith.constant 0 : i32
    %dma_wait3A_193 = tpu.memref_slice %arg10[%dma_wait3A_191, %dma_wait3A_192] : memref<10112x128xf32, #tpu.memory_space<vmem_shared>> -> memref<10112x128xf32, #tpu.memory_space<vmem_shared>>
    %dma_wait3A_194 = tpu.memref_slice %arg12[%dma_wait3A_183] : memref<2x!tpu.dma_semaphore, #tpu.memory_space<semaphore_mem>> -> memref<1x!tpu.dma_semaphore, #tpu.memory_space<semaphore_mem>>
    %dma_wait3A_195 = tpu.memref_squeeze %dma_wait3A_194 : memref<1x!tpu.dma_semaphore, #tpu.memory_space<semaphore_mem>> -> memref<!tpu.dma_semaphore, #tpu.memory_space<semaphore_mem>>
    tpu.wait_indirect_dma semaphore(%dma_wait3A_195 : memref<!tpu.dma_semaphore, #tpu.memory_space<semaphore_mem>>) src(%dma_wait3A_187 : memref<128x128xf32, #tpu.memory_space<vmem>>) dst(%dma_wait3A_193 : memref<10112x128xf32, #tpu.memory_space<vmem_shared>>)
    %add3A_196 = arith.constant 40 : i32
    %add3A_197 = arith.addi %mul3A_4, %add3A_196 : i32
    "tpu.region"() ({
      %run_scoped3A = tpu.sem_alloc : memref<!tpu.dma_semaphore, #tpu.memory_space<semaphore_mem>>
      %dma_start3A_399 = arith.constant 0 : i32
      %dma_start3A_400 = tpu.memref_slice %arg3[%add3A_197, %dma_start3A_399] : memref<2560x128xi32, #tpu.memory_space<hbm>> -> memref<40x128xi32, #tpu.memory_space<hbm>>
      %dma_start3A_401 = arith.constant 0 : i32
      %dma_start3A_402 = tpu.memref_slice %arg3[%add3A_197, %dma_start3A_401] : memref<2560x128xi32, #tpu.memory_space<hbm>> -> memref<40x128xi32, #tpu.memory_space<hbm>>
      tpu.enqueue_dma source(%dma_start3A_402 : memref<40x128xi32, #tpu.memory_space<hbm>>) target(%arg7 : memref<40x128xi32, #tpu.memory_space<vmem>>) target_semaphore(%run_scoped3A : memref<!tpu.dma_semaphore, #tpu.memory_space<semaphore_mem>>)
      %dma_wait3A_403 = arith.constant 0 : i32
      %dma_wait3A_404 = tpu.memref_slice %arg3[%add3A_197, %dma_wait3A_403] : memref<2560x128xi32, #tpu.memory_space<hbm>> -> memref<40x128xi32, #tpu.memory_space<hbm>>
      %dma_wait3A_405 = arith.constant 0 : i32
      %dma_wait3A_406 = tpu.memref_slice %arg3[%add3A_197, %dma_wait3A_405] : memref<2560x128xi32, #tpu.memory_space<hbm>> -> memref<40x128xi32, #tpu.memory_space<hbm>>
      tpu.wait_dma2 semaphore(%run_scoped3A : memref<!tpu.dma_semaphore, #tpu.memory_space<semaphore_mem>>) src(%dma_wait3A_406 : memref<40x128xi32, #tpu.memory_space<hbm>>) dst(%arg7 : memref<40x128xi32, #tpu.memory_space<vmem>>)
      tpu.yield
    }) : () -> ()
    %add3A_198 = arith.constant 40 : i32
    %add3A_199 = arith.addi %mul3A_4, %add3A_198 : i32
    "tpu.region"() ({
      %run_scoped3A = tpu.sem_alloc : memref<!tpu.dma_semaphore, #tpu.memory_space<semaphore_mem>>
      %dma_start3A_399 = arith.constant 0 : i32
      %dma_start3A_400 = tpu.memref_slice %arg4[%add3A_199, %dma_start3A_399] : memref<2560x128xi32, #tpu.memory_space<hbm>> -> memref<40x128xi32, #tpu.memory_space<hbm>>
      %dma_start3A_401 = arith.constant 0 : i32
      %dma_start3A_402 = tpu.memref_slice %arg4[%add3A_199, %dma_start3A_401] : memref<2560x128xi32, #tpu.memory_space<hbm>> -> memref<40x128xi32, #tpu.memory_space<hbm>>
      tpu.enqueue_dma source(%dma_start3A_402 : memref<40x128xi32, #tpu.memory_space<hbm>>) target(%arg8 : memref<40x128xi32, #tpu.memory_space<vmem>>) target_semaphore(%run_scoped3A : memref<!tpu.dma_semaphore, #tpu.memory_space<semaphore_mem>>)
      %dma_wait3A_403 = arith.constant 0 : i32
      %dma_wait3A_404 = tpu.memref_slice %arg4[%add3A_199, %dma_wait3A_403] : memref<2560x128xi32, #tpu.memory_space<hbm>> -> memref<40x128xi32, #tpu.memory_space<hbm>>
      %dma_wait3A_405 = arith.constant 0 : i32
      %dma_wait3A_406 = tpu.memref_slice %arg4[%add3A_199, %dma_wait3A_405] : memref<2560x128xi32, #tpu.memory_space<hbm>> -> memref<40x128xi32, #tpu.memory_space<hbm>>
      tpu.wait_dma2 semaphore(%run_scoped3A : memref<!tpu.dma_semaphore, #tpu.memory_space<semaphore_mem>>) src(%dma_wait3A_406 : memref<40x128xi32, #tpu.memory_space<hbm>>) dst(%arg8 : memref<40x128xi32, #tpu.memory_space<vmem>>)
      tpu.yield
    }) : () -> ()
    %dma_start3A_200 = arith.constant 0 : i32
    %dma_start3A_201 = arith.constant 0 : i32
    %dma_start3A_202 = arith.constant 0 : i32
    %dma_start3A_203 = arith.constant 0 : i32
    %dma_start3A_204 = arith.constant 0 : i32
    %dma_start3A_205 = arith.constant 0 : i32
    %dma_start3A_206 = tpu.memref_slice %arg9[%dma_start3A_201, %dma_start3A_204, %dma_start3A_205] : memref<2x128x128xf32, #tpu.memory_space<vmem>> -> memref<1x64x128xf32, #tpu.memory_space<vmem>>
    %dma_start3A_207 = tpu.memref_squeeze %dma_start3A_206 : memref<1x64x128xf32, #tpu.memory_space<vmem>> -> memref<64x128xf32, #tpu.memory_space<vmem>>
    %dma_start3A_208 = arith.constant 0 : i32
    %dma_start3A_209 = tpu.memref_slice %arg7[%dma_start3A_200, %dma_start3A_208] : memref<40x128xi32, #tpu.memory_space<vmem>> -> memref<1x64xi32, #tpu.memory_space<vmem>>
    %dma_start3A_210 = tpu.memref_squeeze %dma_start3A_209 : memref<1x64xi32, #tpu.memory_space<vmem>> -> memref<64xi32, #tpu.memory_space<vmem>>
    %dma_start3A_211 = arith.constant 0 : i32
    %dma_start3A_212 = arith.constant 0 : i32
    %dma_start3A_213 = tpu.memref_slice %arg2[%dma_start3A_211, %dma_start3A_212] : memref<10000x128xf32, #tpu.memory_space<hbm>> -> memref<10000x128xf32, #tpu.memory_space<hbm>>
    %dma_start3A_214 = tpu.memref_slice %arg11[%dma_start3A_202, %dma_start3A_203] : memref<2x2x!tpu.dma_semaphore, #tpu.memory_space<semaphore_mem>> -> memref<1x1x!tpu.dma_semaphore, #tpu.memory_space<semaphore_mem>>
    %dma_start3A_215 = tpu.memref_squeeze %dma_start3A_214 : memref<1x1x!tpu.dma_semaphore, #tpu.memory_space<semaphore_mem>> -> memref<!tpu.dma_semaphore, #tpu.memory_space<semaphore_mem>>
    tpu.enqueue_indirect_dma source(%dma_start3A_213 : memref<10000x128xf32, #tpu.memory_space<hbm>>) target(%dma_start3A_207 : memref<64x128xf32, #tpu.memory_space<vmem>>) offsets(%dma_start3A_210 : memref<64xi32, #tpu.memory_space<vmem>>) semaphore(%dma_start3A_215 : memref<!tpu.dma_semaphore, #tpu.memory_space<semaphore_mem>>)
    %dma_start3A_216 = arith.constant 0 : i32
    %dma_start3A_217 = arith.constant 0 : i32
    %dma_start3A_218 = arith.constant 0 : i32
    %dma_start3A_219 = arith.constant 1 : i32
    %dma_start3A_220 = arith.constant 64 : i32
    %dma_start3A_221 = arith.constant 0 : i32
    %dma_start3A_222 = tpu.memref_slice %arg9[%dma_start3A_217, %dma_start3A_220, %dma_start3A_221] : memref<2x128x128xf32, #tpu.memory_space<vmem>> -> memref<1x64x128xf32, #tpu.memory_space<vmem>>
    %dma_start3A_223 = tpu.memref_squeeze %dma_start3A_222 : memref<1x64x128xf32, #tpu.memory_space<vmem>> -> memref<64x128xf32, #tpu.memory_space<vmem>>
    %dma_start3A_224 = arith.constant 64 : i32
    %dma_start3A_225 = tpu.memref_slice %arg7[%dma_start3A_216, %dma_start3A_224] : memref<40x128xi32, #tpu.memory_space<vmem>> -> memref<1x64xi32, #tpu.memory_space<vmem>>
    %dma_start3A_226 = tpu.memref_squeeze %dma_start3A_225 : memref<1x64xi32, #tpu.memory_space<vmem>> -> memref<64xi32, #tpu.memory_space<vmem>>
    %dma_start3A_227 = arith.constant 0 : i32
    %dma_start3A_228 = arith.constant 0 : i32
    %dma_start3A_229 = tpu.memref_slice %arg2[%dma_start3A_227, %dma_start3A_228] : memref<10000x128xf32, #tpu.memory_space<hbm>> -> memref<10000x128xf32, #tpu.memory_space<hbm>>
    %dma_start3A_230 = tpu.memref_slice %arg11[%dma_start3A_218, %dma_start3A_219] : memref<2x2x!tpu.dma_semaphore, #tpu.memory_space<semaphore_mem>> -> memref<1x1x!tpu.dma_semaphore, #tpu.memory_space<semaphore_mem>>
    %dma_start3A_231 = tpu.memref_squeeze %dma_start3A_230 : memref<1x1x!tpu.dma_semaphore, #tpu.memory_space<semaphore_mem>> -> memref<!tpu.dma_semaphore, #tpu.memory_space<semaphore_mem>>
    tpu.enqueue_indirect_dma source(%dma_start3A_229 : memref<10000x128xf32, #tpu.memory_space<hbm>>) target(%dma_start3A_223 : memref<64x128xf32, #tpu.memory_space<vmem>>) offsets(%dma_start3A_226 : memref<64xi32, #tpu.memory_space<vmem>>) semaphore(%dma_start3A_231 : memref<!tpu.dma_semaphore, #tpu.memory_space<semaphore_mem>>)
    %dma_start3A_232 = arith.constant 1 : i32
    %dma_start3A_233 = arith.constant 1 : i32
    %dma_start3A_234 = arith.constant 1 : i32
    %dma_start3A_235 = arith.constant 0 : i32
    %dma_start3A_236 = arith.constant 0 : i32
    %dma_start3A_237 = arith.constant 0 : i32
    %dma_start3A_238 = tpu.memref_slice %arg9[%dma_start3A_233, %dma_start3A_236, %dma_start3A_237] : memref<2x128x128xf32, #tpu.memory_space<vmem>> -> memref<1x64x128xf32, #tpu.memory_space<vmem>>
    %dma_start3A_239 = tpu.memref_squeeze %dma_start3A_238 : memref<1x64x128xf32, #tpu.memory_space<vmem>> -> memref<64x128xf32, #tpu.memory_space<vmem>>
    %dma_start3A_240 = arith.constant 0 : i32
    %dma_start3A_241 = tpu.memref_slice %arg7[%dma_start3A_232, %dma_start3A_240] : memref<40x128xi32, #tpu.memory_space<vmem>> -> memref<1x64xi32, #tpu.memory_space<vmem>>
    %dma_start3A_242 = tpu.memref_squeeze %dma_start3A_241 : memref<1x64xi32, #tpu.memory_space<vmem>> -> memref<64xi32, #tpu.memory_space<vmem>>
    %dma_start3A_243 = arith.constant 0 : i32
    %dma_start3A_244 = arith.constant 0 : i32
    %dma_start3A_245 = tpu.memref_slice %arg2[%dma_start3A_243, %dma_start3A_244] : memref<10000x128xf32, #tpu.memory_space<hbm>> -> memref<10000x128xf32, #tpu.memory_space<hbm>>
    %dma_start3A_246 = tpu.memref_slice %arg11[%dma_start3A_234, %dma_start3A_235] : memref<2x2x!tpu.dma_semaphore, #tpu.memory_space<semaphore_mem>> -> memref<1x1x!tpu.dma_semaphore, #tpu.memory_space<semaphore_mem>>
    %dma_start3A_247 = tpu.memref_squeeze %dma_start3A_246 : memref<1x1x!tpu.dma_semaphore, #tpu.memory_space<semaphore_mem>> -> memref<!tpu.dma_semaphore, #tpu.memory_space<semaphore_mem>>
    tpu.enqueue_indirect_dma source(%dma_start3A_245 : memref<10000x128xf32, #tpu.memory_space<hbm>>) target(%dma_start3A_239 : memref<64x128xf32, #tpu.memory_space<vmem>>) offsets(%dma_start3A_242 : memref<64xi32, #tpu.memory_space<vmem>>) semaphore(%dma_start3A_247 : memref<!tpu.dma_semaphore, #tpu.memory_space<semaphore_mem>>)
    %dma_start3A_248 = arith.constant 1 : i32
    %dma_start3A_249 = arith.constant 1 : i32
    %dma_start3A_250 = arith.constant 1 : i32
    %dma_start3A_251 = arith.constant 1 : i32
    %dma_start3A_252 = arith.constant 64 : i32
    %dma_start3A_253 = arith.constant 0 : i32
    %dma_start3A_254 = tpu.memref_slice %arg9[%dma_start3A_249, %dma_start3A_252, %dma_start3A_253] : memref<2x128x128xf32, #tpu.memory_space<vmem>> -> memref<1x64x128xf32, #tpu.memory_space<vmem>>
    %dma_start3A_255 = tpu.memref_squeeze %dma_start3A_254 : memref<1x64x128xf32, #tpu.memory_space<vmem>> -> memref<64x128xf32, #tpu.memory_space<vmem>>
    %dma_start3A_256 = arith.constant 64 : i32
    %dma_start3A_257 = tpu.memref_slice %arg7[%dma_start3A_248, %dma_start3A_256] : memref<40x128xi32, #tpu.memory_space<vmem>> -> memref<1x64xi32, #tpu.memory_space<vmem>>
    %dma_start3A_258 = tpu.memref_squeeze %dma_start3A_257 : memref<1x64xi32, #tpu.memory_space<vmem>> -> memref<64xi32, #tpu.memory_space<vmem>>
    %dma_start3A_259 = arith.constant 0 : i32
    %dma_start3A_260 = arith.constant 0 : i32
    %dma_start3A_261 = tpu.memref_slice %arg2[%dma_start3A_259, %dma_start3A_260] : memref<10000x128xf32, #tpu.memory_space<hbm>> -> memref<10000x128xf32, #tpu.memory_space<hbm>>
    %dma_start3A_262 = tpu.memref_slice %arg11[%dma_start3A_250, %dma_start3A_251] : memref<2x2x!tpu.dma_semaphore, #tpu.memory_space<semaphore_mem>> -> memref<1x1x!tpu.dma_semaphore, #tpu.memory_space<semaphore_mem>>
    %dma_start3A_263 = tpu.memref_squeeze %dma_start3A_262 : memref<1x1x!tpu.dma_semaphore, #tpu.memory_space<semaphore_mem>> -> memref<!tpu.dma_semaphore, #tpu.memory_space<semaphore_mem>>
    tpu.enqueue_indirect_dma source(%dma_start3A_261 : memref<10000x128xf32, #tpu.memory_space<hbm>>) target(%dma_start3A_255 : memref<64x128xf32, #tpu.memory_space<vmem>>) offsets(%dma_start3A_258 : memref<64xi32, #tpu.memory_space<vmem>>) semaphore(%dma_start3A_263 : memref<!tpu.dma_semaphore, #tpu.memory_space<semaphore_mem>>)
    %scan3A_264 = arith.constant 0 : i32
    %scan3A_265 = arith.constant 0 : i32
    %scan3A_266 = arith.constant 19 : i32
    %scan3A_267 = arith.addi %scan3A_265, %scan3A_266 : i32
    %scan3A_268 = arith.constant 1 : i32
    scf.for %scan3A_399 = %scan3A_265 to %scan3A_267 step %scan3A_268  : i32 {
      %mul3A_400 = arith.constant 2 : i32
      %mul3A_401 = arith.muli %scan3A_399, %mul3A_400 : i32
      %add3A_402 = arith.constant 0 : i32
      %add3A_403 = arith.addi %mul3A_401, %add3A_402 : i32
      %dma_wait3A_404 = arith.constant 0 : i32
      %dma_wait3A_405 = arith.constant 0 : i32
      %dma_wait3A_406 = arith.constant 0 : i32
      %dma_wait3A_407 = arith.constant 0 : i32
      %dma_wait3A_408 = arith.constant 0 : i32
      %dma_wait3A_409 = tpu.memref_slice %arg9[%dma_wait3A_404, %dma_wait3A_407, %dma_wait3A_408] : memref<2x128x128xf32, #tpu.memory_space<vmem>> -> memref<1x64x128xf32, #tpu.memory_space<vmem>>
      %dma_wait3A_410 = tpu.memref_squeeze %dma_wait3A_409 : memref<1x64x128xf32, #tpu.memory_space<vmem>> -> memref<64x128xf32, #tpu.memory_space<vmem>>
      %dma_wait3A_411 = arith.constant 0 : i32
      %dma_wait3A_412 = tpu.memref_slice %arg7[%add3A_403, %dma_wait3A_411] : memref<40x128xi32, #tpu.memory_space<vmem>> -> memref<1x64xi32, #tpu.memory_space<vmem>>
      %dma_wait3A_413 = tpu.memref_squeeze %dma_wait3A_412 : memref<1x64xi32, #tpu.memory_space<vmem>> -> memref<64xi32, #tpu.memory_space<vmem>>
      %dma_wait3A_414 = arith.constant 0 : i32
      %dma_wait3A_415 = arith.constant 0 : i32
      %dma_wait3A_416 = tpu.memref_slice %arg2[%dma_wait3A_414, %dma_wait3A_415] : memref<10000x128xf32, #tpu.memory_space<hbm>> -> memref<10000x128xf32, #tpu.memory_space<hbm>>
      %dma_wait3A_417 = tpu.memref_slice %arg11[%dma_wait3A_405, %dma_wait3A_406] : memref<2x2x!tpu.dma_semaphore, #tpu.memory_space<semaphore_mem>> -> memref<1x1x!tpu.dma_semaphore, #tpu.memory_space<semaphore_mem>>
      %dma_wait3A_418 = tpu.memref_squeeze %dma_wait3A_417 : memref<1x1x!tpu.dma_semaphore, #tpu.memory_space<semaphore_mem>> -> memref<!tpu.dma_semaphore, #tpu.memory_space<semaphore_mem>>
      tpu.wait_indirect_dma semaphore(%dma_wait3A_418 : memref<!tpu.dma_semaphore, #tpu.memory_space<semaphore_mem>>) src(%dma_wait3A_416 : memref<10000x128xf32, #tpu.memory_space<hbm>>) dst(%dma_wait3A_410 : memref<64x128xf32, #tpu.memory_space<vmem>>)
      %dma_wait3A_419 = arith.constant 0 : i32
      %dma_wait3A_420 = arith.constant 0 : i32
      %dma_wait3A_421 = arith.constant 1 : i32
      %dma_wait3A_422 = arith.constant 64 : i32
      %dma_wait3A_423 = arith.constant 0 : i32
      %dma_wait3A_424 = tpu.memref_slice %arg9[%dma_wait3A_419, %dma_wait3A_422, %dma_wait3A_423] : memref<2x128x128xf32, #tpu.memory_space<vmem>> -> memref<1x64x128xf32, #tpu.memory_space<vmem>>
      %dma_wait3A_425 = tpu.memref_squeeze %dma_wait3A_424 : memref<1x64x128xf32, #tpu.memory_space<vmem>> -> memref<64x128xf32, #tpu.memory_space<vmem>>
      %dma_wait3A_426 = arith.constant 64 : i32
      %dma_wait3A_427 = tpu.memref_slice %arg7[%add3A_403, %dma_wait3A_426] : memref<40x128xi32, #tpu.memory_space<vmem>> -> memref<1x64xi32, #tpu.memory_space<vmem>>
      %dma_wait3A_428 = tpu.memref_squeeze %dma_wait3A_427 : memref<1x64xi32, #tpu.memory_space<vmem>> -> memref<64xi32, #tpu.memory_space<vmem>>
      %dma_wait3A_429 = arith.constant 0 : i32
      %dma_wait3A_430 = arith.constant 0 : i32
      %dma_wait3A_431 = tpu.memref_slice %arg2[%dma_wait3A_429, %dma_wait3A_430] : memref<10000x128xf32, #tpu.memory_space<hbm>> -> memref<10000x128xf32, #tpu.memory_space<hbm>>
      %dma_wait3A_432 = tpu.memref_slice %arg11[%dma_wait3A_420, %dma_wait3A_421] : memref<2x2x!tpu.dma_semaphore, #tpu.memory_space<semaphore_mem>> -> memref<1x1x!tpu.dma_semaphore, #tpu.memory_space<semaphore_mem>>
      %dma_wait3A_433 = tpu.memref_squeeze %dma_wait3A_432 : memref<1x1x!tpu.dma_semaphore, #tpu.memory_space<semaphore_mem>> -> memref<!tpu.dma_semaphore, #tpu.memory_space<semaphore_mem>>
      tpu.wait_indirect_dma semaphore(%dma_wait3A_433 : memref<!tpu.dma_semaphore, #tpu.memory_space<semaphore_mem>>) src(%dma_wait3A_431 : memref<10000x128xf32, #tpu.memory_space<hbm>>) dst(%dma_wait3A_425 : memref<64x128xf32, #tpu.memory_space<vmem>>)
      %dma_start3A_434 = arith.constant 0 : i32
      %dma_start3A_435 = arith.constant 0 : i32
      %dma_start3A_436 = arith.constant 0 : i32
      %dma_start3A_437 = arith.constant 0 : i32
      %dma_start3A_438 = tpu.memref_slice %arg9[%dma_start3A_434, %dma_start3A_436, %dma_start3A_437] : memref<2x128x128xf32, #tpu.memory_space<vmem>> -> memref<1x128x128xf32, #tpu.memory_space<vmem>>
      %dma_start3A_439 = tpu.memref_squeeze %dma_start3A_438 : memref<1x128x128xf32, #tpu.memory_space<vmem>> -> memref<128x128xf32, #tpu.memory_space<vmem>>
      %dma_start3A_440 = arith.constant 0 : i32
      %dma_start3A_441 = tpu.memref_slice %arg8[%add3A_403, %dma_start3A_440] : memref<40x128xi32, #tpu.memory_space<vmem>> -> memref<1x128xi32, #tpu.memory_space<vmem>>
      %dma_start3A_442 = tpu.memref_squeeze %dma_start3A_441 : memref<1x128xi32, #tpu.memory_space<vmem>> -> memref<128xi32, #tpu.memory_space<vmem>>
      %dma_start3A_443 = arith.constant 0 : i32
      %dma_start3A_444 = arith.constant 0 : i32
      %dma_start3A_445 = tpu.memref_slice %arg10[%dma_start3A_443, %dma_start3A_444] : memref<10112x128xf32, #tpu.memory_space<vmem_shared>> -> memref<10112x128xf32, #tpu.memory_space<vmem_shared>>
      %dma_start3A_446 = tpu.memref_slice %arg12[%dma_start3A_435] : memref<2x!tpu.dma_semaphore, #tpu.memory_space<semaphore_mem>> -> memref<1x!tpu.dma_semaphore, #tpu.memory_space<semaphore_mem>>
      %dma_start3A_447 = tpu.memref_squeeze %dma_start3A_446 : memref<1x!tpu.dma_semaphore, #tpu.memory_space<semaphore_mem>> -> memref<!tpu.dma_semaphore, #tpu.memory_space<semaphore_mem>>
      tpu.enqueue_indirect_dma source(%dma_start3A_439 : memref<128x128xf32, #tpu.memory_space<vmem>>) target(%dma_start3A_445 : memref<10112x128xf32, #tpu.memory_space<vmem_shared>>) offsets(%dma_start3A_442 : memref<128xi32, #tpu.memory_space<vmem>>) semaphore(%dma_start3A_447 : memref<!tpu.dma_semaphore, #tpu.memory_space<semaphore_mem>>) {add = true}
      %dma_wait3A_448 = arith.constant 0 : i32
      %dma_wait3A_449 = arith.constant 0 : i32
      %dma_wait3A_450 = arith.constant 0 : i32
      %dma_wait3A_451 = arith.constant 0 : i32
      %dma_wait3A_452 = tpu.memref_slice %arg9[%dma_wait3A_448, %dma_wait3A_450, %dma_wait3A_451] : memref<2x128x128xf32, #tpu.memory_space<vmem>> -> memref<1x128x128xf32, #tpu.memory_space<vmem>>
      %dma_wait3A_453 = tpu.memref_squeeze %dma_wait3A_452 : memref<1x128x128xf32, #tpu.memory_space<vmem>> -> memref<128x128xf32, #tpu.memory_space<vmem>>
      %dma_wait3A_454 = arith.constant 0 : i32
      %dma_wait3A_455 = tpu.memref_slice %arg8[%add3A_403, %dma_wait3A_454] : memref<40x128xi32, #tpu.memory_space<vmem>> -> memref<1x128xi32, #tpu.memory_space<vmem>>
      %dma_wait3A_456 = tpu.memref_squeeze %dma_wait3A_455 : memref<1x128xi32, #tpu.memory_space<vmem>> -> memref<128xi32, #tpu.memory_space<vmem>>
      %dma_wait3A_457 = arith.constant 0 : i32
      %dma_wait3A_458 = arith.constant 0 : i32
      %dma_wait3A_459 = tpu.memref_slice %arg10[%dma_wait3A_457, %dma_wait3A_458] : memref<10112x128xf32, #tpu.memory_space<vmem_shared>> -> memref<10112x128xf32, #tpu.memory_space<vmem_shared>>
      %dma_wait3A_460 = tpu.memref_slice %arg12[%dma_wait3A_449] : memref<2x!tpu.dma_semaphore, #tpu.memory_space<semaphore_mem>> -> memref<1x!tpu.dma_semaphore, #tpu.memory_space<semaphore_mem>>
      %dma_wait3A_461 = tpu.memref_squeeze %dma_wait3A_460 : memref<1x!tpu.dma_semaphore, #tpu.memory_space<semaphore_mem>> -> memref<!tpu.dma_semaphore, #tpu.memory_space<semaphore_mem>>
      tpu.wait_indirect_dma semaphore(%dma_wait3A_461 : memref<!tpu.dma_semaphore, #tpu.memory_space<semaphore_mem>>) src(%dma_wait3A_453 : memref<128x128xf32, #tpu.memory_space<vmem>>) dst(%dma_wait3A_459 : memref<10112x128xf32, #tpu.memory_space<vmem_shared>>)
      %add3A_462 = arith.constant 2 : i32
      %add3A_463 = arith.addi %add3A_403, %add3A_462 : i32
      %dma_start3A_464 = arith.constant 0 : i32
      %dma_start3A_465 = arith.constant 0 : i32
      %dma_start3A_466 = arith.constant 0 : i32
      %dma_start3A_467 = arith.constant 0 : i32
      %dma_start3A_468 = arith.constant 0 : i32
      %dma_start3A_469 = tpu.memref_slice %arg9[%dma_start3A_464, %dma_start3A_467, %dma_start3A_468] : memref<2x128x128xf32, #tpu.memory_space<vmem>> -> memref<1x64x128xf32, #tpu.memory_space<vmem>>
      %dma_start3A_470 = tpu.memref_squeeze %dma_start3A_469 : memref<1x64x128xf32, #tpu.memory_space<vmem>> -> memref<64x128xf32, #tpu.memory_space<vmem>>
      %dma_start3A_471 = arith.constant 0 : i32
      %dma_start3A_472 = tpu.memref_slice %arg7[%add3A_463, %dma_start3A_471] : memref<40x128xi32, #tpu.memory_space<vmem>> -> memref<1x64xi32, #tpu.memory_space<vmem>>
      %dma_start3A_473 = tpu.memref_squeeze %dma_start3A_472 : memref<1x64xi32, #tpu.memory_space<vmem>> -> memref<64xi32, #tpu.memory_space<vmem>>
      %dma_start3A_474 = arith.constant 0 : i32
      %dma_start3A_475 = arith.constant 0 : i32
      %dma_start3A_476 = tpu.memref_slice %arg2[%dma_start3A_474, %dma_start3A_475] : memref<10000x128xf32, #tpu.memory_space<hbm>> -> memref<10000x128xf32, #tpu.memory_space<hbm>>
      %dma_start3A_477 = tpu.memref_slice %arg11[%dma_start3A_465, %dma_start3A_466] : memref<2x2x!tpu.dma_semaphore, #tpu.memory_space<semaphore_mem>> -> memref<1x1x!tpu.dma_semaphore, #tpu.memory_space<semaphore_mem>>
      %dma_start3A_478 = tpu.memref_squeeze %dma_start3A_477 : memref<1x1x!tpu.dma_semaphore, #tpu.memory_space<semaphore_mem>> -> memref<!tpu.dma_semaphore, #tpu.memory_space<semaphore_mem>>
      tpu.enqueue_indirect_dma source(%dma_start3A_476 : memref<10000x128xf32, #tpu.memory_space<hbm>>) target(%dma_start3A_470 : memref<64x128xf32, #tpu.memory_space<vmem>>) offsets(%dma_start3A_473 : memref<64xi32, #tpu.memory_space<vmem>>) semaphore(%dma_start3A_478 : memref<!tpu.dma_semaphore, #tpu.memory_space<semaphore_mem>>)
      %dma_start3A_479 = arith.constant 0 : i32
      %dma_start3A_480 = arith.constant 0 : i32
      %dma_start3A_481 = arith.constant 1 : i32
      %dma_start3A_482 = arith.constant 64 : i32
      %dma_start3A_483 = arith.constant 0 : i32
      %dma_start3A_484 = tpu.memref_slice %arg9[%dma_start3A_479, %dma_start3A_482, %dma_start3A_483] : memref<2x128x128xf32, #tpu.memory_space<vmem>> -> memref<1x64x128xf32, #tpu.memory_space<vmem>>
      %dma_start3A_485 = tpu.memref_squeeze %dma_start3A_484 : memref<1x64x128xf32, #tpu.memory_space<vmem>> -> memref<64x128xf32, #tpu.memory_space<vmem>>
      %dma_start3A_486 = arith.constant 64 : i32
      %dma_start3A_487 = tpu.memref_slice %arg7[%add3A_463, %dma_start3A_486] : memref<40x128xi32, #tpu.memory_space<vmem>> -> memref<1x64xi32, #tpu.memory_space<vmem>>
      %dma_start3A_488 = tpu.memref_squeeze %dma_start3A_487 : memref<1x64xi32, #tpu.memory_space<vmem>> -> memref<64xi32, #tpu.memory_space<vmem>>
      %dma_start3A_489 = arith.constant 0 : i32
      %dma_start3A_490 = arith.constant 0 : i32
      %dma_start3A_491 = tpu.memref_slice %arg2[%dma_start3A_489, %dma_start3A_490] : memref<10000x128xf32, #tpu.memory_space<hbm>> -> memref<10000x128xf32, #tpu.memory_space<hbm>>
      %dma_start3A_492 = tpu.memref_slice %arg11[%dma_start3A_480, %dma_start3A_481] : memref<2x2x!tpu.dma_semaphore, #tpu.memory_space<semaphore_mem>> -> memref<1x1x!tpu.dma_semaphore, #tpu.memory_space<semaphore_mem>>
      %dma_start3A_493 = tpu.memref_squeeze %dma_start3A_492 : memref<1x1x!tpu.dma_semaphore, #tpu.memory_space<semaphore_mem>> -> memref<!tpu.dma_semaphore, #tpu.memory_space<semaphore_mem>>
      tpu.enqueue_indirect_dma source(%dma_start3A_491 : memref<10000x128xf32, #tpu.memory_space<hbm>>) target(%dma_start3A_485 : memref<64x128xf32, #tpu.memory_space<vmem>>) offsets(%dma_start3A_488 : memref<64xi32, #tpu.memory_space<vmem>>) semaphore(%dma_start3A_493 : memref<!tpu.dma_semaphore, #tpu.memory_space<semaphore_mem>>)
      %mul3A_494 = arith.constant 2 : i32
      %mul3A_495 = arith.muli %scan3A_399, %mul3A_494 : i32
      %add3A_496 = arith.constant 1 : i32
      %add3A_497 = arith.addi %mul3A_495, %add3A_496 : i32
      %dma_wait3A_498 = arith.constant 1 : i32
      %dma_wait3A_499 = arith.constant 1 : i32
      %dma_wait3A_500 = arith.constant 0 : i32
      %dma_wait3A_501 = arith.constant 0 : i32
      %dma_wait3A_502 = arith.constant 0 : i32
      %dma_wait3A_503 = tpu.memref_slice %arg9[%dma_wait3A_498, %dma_wait3A_501, %dma_wait3A_502] : memref<2x128x128xf32, #tpu.memory_space<vmem>> -> memref<1x64x128xf32, #tpu.memory_space<vmem>>
      %dma_wait3A_504 = tpu.memref_squeeze %dma_wait3A_503 : memref<1x64x128xf32, #tpu.memory_space<vmem>> -> memref<64x128xf32, #tpu.memory_space<vmem>>
      %dma_wait3A_505 = arith.constant 0 : i32
      %dma_wait3A_506 = tpu.memref_slice %arg7[%add3A_497, %dma_wait3A_505] : memref<40x128xi32, #tpu.memory_space<vmem>> -> memref<1x64xi32, #tpu.memory_space<vmem>>
      %dma_wait3A_507 = tpu.memref_squeeze %dma_wait3A_506 : memref<1x64xi32, #tpu.memory_space<vmem>> -> memref<64xi32, #tpu.memory_space<vmem>>
      %dma_wait3A_508 = arith.constant 0 : i32
      %dma_wait3A_509 = arith.constant 0 : i32
      %dma_wait3A_510 = tpu.memref_slice %arg2[%dma_wait3A_508, %dma_wait3A_509] : memref<10000x128xf32, #tpu.memory_space<hbm>> -> memref<10000x128xf32, #tpu.memory_space<hbm>>
      %dma_wait3A_511 = tpu.memref_slice %arg11[%dma_wait3A_499, %dma_wait3A_500] : memref<2x2x!tpu.dma_semaphore, #tpu.memory_space<semaphore_mem>> -> memref<1x1x!tpu.dma_semaphore, #tpu.memory_space<semaphore_mem>>
      %dma_wait3A_512 = tpu.memref_squeeze %dma_wait3A_511 : memref<1x1x!tpu.dma_semaphore, #tpu.memory_space<semaphore_mem>> -> memref<!tpu.dma_semaphore, #tpu.memory_space<semaphore_mem>>
      tpu.wait_indirect_dma semaphore(%dma_wait3A_512 : memref<!tpu.dma_semaphore, #tpu.memory_space<semaphore_mem>>) src(%dma_wait3A_510 : memref<10000x128xf32, #tpu.memory_space<hbm>>) dst(%dma_wait3A_504 : memref<64x128xf32, #tpu.memory_space<vmem>>)
      %dma_wait3A_513 = arith.constant 1 : i32
      %dma_wait3A_514 = arith.constant 1 : i32
      %dma_wait3A_515 = arith.constant 1 : i32
      %dma_wait3A_516 = arith.constant 64 : i32
      %dma_wait3A_517 = arith.constant 0 : i32
      %dma_wait3A_518 = tpu.memref_slice %arg9[%dma_wait3A_513, %dma_wait3A_516, %dma_wait3A_517] : memref<2x128x128xf32, #tpu.memory_space<vmem>> -> memref<1x64x128xf32, #tpu.memory_space<vmem>>
      %dma_wait3A_519 = tpu.memref_squeeze %dma_wait3A_518 : memref<1x64x128xf32, #tpu.memory_space<vmem>> -> memref<64x128xf32, #tpu.memory_space<vmem>>
      %dma_wait3A_520 = arith.constant 64 : i32
      %dma_wait3A_521 = tpu.memref_slice %arg7[%add3A_497, %dma_wait3A_520] : memref<40x128xi32, #tpu.memory_space<vmem>> -> memref<1x64xi32, #tpu.memory_space<vmem>>
      %dma_wait3A_522 = tpu.memref_squeeze %dma_wait3A_521 : memref<1x64xi32, #tpu.memory_space<vmem>> -> memref<64xi32, #tpu.memory_space<vmem>>
      %dma_wait3A_523 = arith.constant 0 : i32
      %dma_wait3A_524 = arith.constant 0 : i32
      %dma_wait3A_525 = tpu.memref_slice %arg2[%dma_wait3A_523, %dma_wait3A_524] : memref<10000x128xf32, #tpu.memory_space<hbm>> -> memref<10000x128xf32, #tpu.memory_space<hbm>>
      %dma_wait3A_526 = tpu.memref_slice %arg11[%dma_wait3A_514, %dma_wait3A_515] : memref<2x2x!tpu.dma_semaphore, #tpu.memory_space<semaphore_mem>> -> memref<1x1x!tpu.dma_semaphore, #tpu.memory_space<semaphore_mem>>
      %dma_wait3A_527 = tpu.memref_squeeze %dma_wait3A_526 : memref<1x1x!tpu.dma_semaphore, #tpu.memory_space<semaphore_mem>> -> memref<!tpu.dma_semaphore, #tpu.memory_space<semaphore_mem>>
      tpu.wait_indirect_dma semaphore(%dma_wait3A_527 : memref<!tpu.dma_semaphore, #tpu.memory_space<semaphore_mem>>) src(%dma_wait3A_525 : memref<10000x128xf32, #tpu.memory_space<hbm>>) dst(%dma_wait3A_519 : memref<64x128xf32, #tpu.memory_space<vmem>>)
      %dma_start3A_528 = arith.constant 1 : i32
      %dma_start3A_529 = arith.constant 1 : i32
      %dma_start3A_530 = arith.constant 0 : i32
      %dma_start3A_531 = arith.constant 0 : i32
      %dma_start3A_532 = tpu.memref_slice %arg9[%dma_start3A_528, %dma_start3A_530, %dma_start3A_531] : memref<2x128x128xf32, #tpu.memory_space<vmem>> -> memref<1x128x128xf32, #tpu.memory_space<vmem>>
      %dma_start3A_533 = tpu.memref_squeeze %dma_start3A_532 : memref<1x128x128xf32, #tpu.memory_space<vmem>> -> memref<128x128xf32, #tpu.memory_space<vmem>>
      %dma_start3A_534 = arith.constant 0 : i32
      %dma_start3A_535 = tpu.memref_slice %arg8[%add3A_497, %dma_start3A_534] : memref<40x128xi32, #tpu.memory_space<vmem>> -> memref<1x128xi32, #tpu.memory_space<vmem>>
      %dma_start3A_536 = tpu.memref_squeeze %dma_start3A_535 : memref<1x128xi32, #tpu.memory_space<vmem>> -> memref<128xi32, #tpu.memory_space<vmem>>
      %dma_start3A_537 = arith.constant 0 : i32
      %dma_start3A_538 = arith.constant 0 : i32
      %dma_start3A_539 = tpu.memref_slice %arg10[%dma_start3A_537, %dma_start3A_538] : memref<10112x128xf32, #tpu.memory_space<vmem_shared>> -> memref<10112x128xf32, #tpu.memory_space<vmem_shared>>
      %dma_start3A_540 = tpu.memref_slice %arg12[%dma_start3A_529] : memref<2x!tpu.dma_semaphore, #tpu.memory_space<semaphore_mem>> -> memref<1x!tpu.dma_semaphore, #tpu.memory_space<semaphore_mem>>
      %dma_start3A_541 = tpu.memref_squeeze %dma_start3A_540 : memref<1x!tpu.dma_semaphore, #tpu.memory_space<semaphore_mem>> -> memref<!tpu.dma_semaphore, #tpu.memory_space<semaphore_mem>>
      tpu.enqueue_indirect_dma source(%dma_start3A_533 : memref<128x128xf32, #tpu.memory_space<vmem>>) target(%dma_start3A_539 : memref<10112x128xf32, #tpu.memory_space<vmem_shared>>) offsets(%dma_start3A_536 : memref<128xi32, #tpu.memory_space<vmem>>) semaphore(%dma_start3A_541 : memref<!tpu.dma_semaphore, #tpu.memory_space<semaphore_mem>>) {add = true}
      %dma_wait3A_542 = arith.constant 1 : i32
      %dma_wait3A_543 = arith.constant 1 : i32
      %dma_wait3A_544 = arith.constant 0 : i32
      %dma_wait3A_545 = arith.constant 0 : i32
      %dma_wait3A_546 = tpu.memref_slice %arg9[%dma_wait3A_542, %dma_wait3A_544, %dma_wait3A_545] : memref<2x128x128xf32, #tpu.memory_space<vmem>> -> memref<1x128x128xf32, #tpu.memory_space<vmem>>
      %dma_wait3A_547 = tpu.memref_squeeze %dma_wait3A_546 : memref<1x128x128xf32, #tpu.memory_space<vmem>> -> memref<128x128xf32, #tpu.memory_space<vmem>>
      %dma_wait3A_548 = arith.constant 0 : i32
      %dma_wait3A_549 = tpu.memref_slice %arg8[%add3A_497, %dma_wait3A_548] : memref<40x128xi32, #tpu.memory_space<vmem>> -> memref<1x128xi32, #tpu.memory_space<vmem>>
      %dma_wait3A_550 = tpu.memref_squeeze %dma_wait3A_549 : memref<1x128xi32, #tpu.memory_space<vmem>> -> memref<128xi32, #tpu.memory_space<vmem>>
      %dma_wait3A_551 = arith.constant 0 : i32
      %dma_wait3A_552 = arith.constant 0 : i32
      %dma_wait3A_553 = tpu.memref_slice %arg10[%dma_wait3A_551, %dma_wait3A_552] : memref<10112x128xf32, #tpu.memory_space<vmem_shared>> -> memref<10112x128xf32, #tpu.memory_space<vmem_shared>>
      %dma_wait3A_554 = tpu.memref_slice %arg12[%dma_wait3A_543] : memref<2x!tpu.dma_semaphore, #tpu.memory_space<semaphore_mem>> -> memref<1x!tpu.dma_semaphore, #tpu.memory_space<semaphore_mem>>
      %dma_wait3A_555 = tpu.memref_squeeze %dma_wait3A_554 : memref<1x!tpu.dma_semaphore, #tpu.memory_space<semaphore_mem>> -> memref<!tpu.dma_semaphore, #tpu.memory_space<semaphore_mem>>
      tpu.wait_indirect_dma semaphore(%dma_wait3A_555 : memref<!tpu.dma_semaphore, #tpu.memory_space<semaphore_mem>>) src(%dma_wait3A_547 : memref<128x128xf32, #tpu.memory_space<vmem>>) dst(%dma_wait3A_553 : memref<10112x128xf32, #tpu.memory_space<vmem_shared>>)
      %add3A_556 = arith.constant 2 : i32
      %add3A_557 = arith.addi %add3A_497, %add3A_556 : i32
      %dma_start3A_558 = arith.constant 1 : i32
      %dma_start3A_559 = arith.constant 1 : i32
      %dma_start3A_560 = arith.constant 0 : i32
      %dma_start3A_561 = arith.constant 0 : i32
      %dma_start3A_562 = arith.constant 0 : i32
      %dma_start3A_563 = tpu.memref_slice %arg9[%dma_start3A_558, %dma_start3A_561, %dma_start3A_562] : memref<2x128x128xf32, #tpu.memory_space<vmem>> -> memref<1x64x128xf32, #tpu.memory_space<vmem>>
      %dma_start3A_564 = tpu.memref_squeeze %dma_start3A_563 : memref<1x64x128xf32, #tpu.memory_space<vmem>> -> memref<64x128xf32, #tpu.memory_space<vmem>>
      %dma_start3A_565 = arith.constant 0 : i32
      %dma_start3A_566 = tpu.memref_slice %arg7[%add3A_557, %dma_start3A_565] : memref<40x128xi32, #tpu.memory_space<vmem>> -> memref<1x64xi32, #tpu.memory_space<vmem>>
      %dma_start3A_567 = tpu.memref_squeeze %dma_start3A_566 : memref<1x64xi32, #tpu.memory_space<vmem>> -> memref<64xi32, #tpu.memory_space<vmem>>
      %dma_start3A_568 = arith.constant 0 : i32
      %dma_start3A_569 = arith.constant 0 : i32
      %dma_start3A_570 = tpu.memref_slice %arg2[%dma_start3A_568, %dma_start3A_569] : memref<10000x128xf32, #tpu.memory_space<hbm>> -> memref<10000x128xf32, #tpu.memory_space<hbm>>
      %dma_start3A_571 = tpu.memref_slice %arg11[%dma_start3A_559, %dma_start3A_560] : memref<2x2x!tpu.dma_semaphore, #tpu.memory_space<semaphore_mem>> -> memref<1x1x!tpu.dma_semaphore, #tpu.memory_space<semaphore_mem>>
      %dma_start3A_572 = tpu.memref_squeeze %dma_start3A_571 : memref<1x1x!tpu.dma_semaphore, #tpu.memory_space<semaphore_mem>> -> memref<!tpu.dma_semaphore, #tpu.memory_space<semaphore_mem>>
      tpu.enqueue_indirect_dma source(%dma_start3A_570 : memref<10000x128xf32, #tpu.memory_space<hbm>>) target(%dma_start3A_564 : memref<64x128xf32, #tpu.memory_space<vmem>>) offsets(%dma_start3A_567 : memref<64xi32, #tpu.memory_space<vmem>>) semaphore(%dma_start3A_572 : memref<!tpu.dma_semaphore, #tpu.memory_space<semaphore_mem>>)
      %dma_start3A_573 = arith.constant 1 : i32
      %dma_start3A_574 = arith.constant 1 : i32
      %dma_start3A_575 = arith.constant 1 : i32
      %dma_start3A_576 = arith.constant 64 : i32
      %dma_start3A_577 = arith.constant 0 : i32
      %dma_start3A_578 = tpu.memref_slice %arg9[%dma_start3A_573, %dma_start3A_576, %dma_start3A_577] : memref<2x128x128xf32, #tpu.memory_space<vmem>> -> memref<1x64x128xf32, #tpu.memory_space<vmem>>
      %dma_start3A_579 = tpu.memref_squeeze %dma_start3A_578 : memref<1x64x128xf32, #tpu.memory_space<vmem>> -> memref<64x128xf32, #tpu.memory_space<vmem>>
      %dma_start3A_580 = arith.constant 64 : i32
      %dma_start3A_581 = tpu.memref_slice %arg7[%add3A_557, %dma_start3A_580] : memref<40x128xi32, #tpu.memory_space<vmem>> -> memref<1x64xi32, #tpu.memory_space<vmem>>
      %dma_start3A_582 = tpu.memref_squeeze %dma_start3A_581 : memref<1x64xi32, #tpu.memory_space<vmem>> -> memref<64xi32, #tpu.memory_space<vmem>>
      %dma_start3A_583 = arith.constant 0 : i32
      %dma_start3A_584 = arith.constant 0 : i32
      %dma_start3A_585 = tpu.memref_slice %arg2[%dma_start3A_583, %dma_start3A_584] : memref<10000x128xf32, #tpu.memory_space<hbm>> -> memref<10000x128xf32, #tpu.memory_space<hbm>>
      %dma_start3A_586 = tpu.memref_slice %arg11[%dma_start3A_574, %dma_start3A_575] : memref<2x2x!tpu.dma_semaphore, #tpu.memory_space<semaphore_mem>> -> memref<1x1x!tpu.dma_semaphore, #tpu.memory_space<semaphore_mem>>
      %dma_start3A_587 = tpu.memref_squeeze %dma_start3A_586 : memref<1x1x!tpu.dma_semaphore, #tpu.memory_space<semaphore_mem>> -> memref<!tpu.dma_semaphore, #tpu.memory_space<semaphore_mem>>
      tpu.enqueue_indirect_dma source(%dma_start3A_585 : memref<10000x128xf32, #tpu.memory_space<hbm>>) target(%dma_start3A_579 : memref<64x128xf32, #tpu.memory_space<vmem>>) offsets(%dma_start3A_582 : memref<64xi32, #tpu.memory_space<vmem>>) semaphore(%dma_start3A_587 : memref<!tpu.dma_semaphore, #tpu.memory_space<semaphore_mem>>)
    }
    %scan3A_269 = arith.constant 19 : i32
    %dma_wait3A_270 = arith.constant 38 : i32
    %dma_wait3A_271 = arith.constant 0 : i32
    %dma_wait3A_272 = arith.constant 0 : i32
    %dma_wait3A_273 = arith.constant 0 : i32
    %dma_wait3A_274 = arith.constant 0 : i32
    %dma_wait3A_275 = arith.constant 0 : i32
    %dma_wait3A_276 = tpu.memref_slice %arg9[%dma_wait3A_271, %dma_wait3A_274, %dma_wait3A_275] : memref<2x128x128xf32, #tpu.memory_space<vmem>> -> memref<1x64x128xf32, #tpu.memory_space<vmem>>
    %dma_wait3A_277 = tpu.memref_squeeze %dma_wait3A_276 : memref<1x64x128xf32, #tpu.memory_space<vmem>> -> memref<64x128xf32, #tpu.memory_space<vmem>>
    %dma_wait3A_278 = arith.constant 0 : i32
    %dma_wait3A_279 = tpu.memref_slice %arg7[%dma_wait3A_270, %dma_wait3A_278] : memref<40x128xi32, #tpu.memory_space<vmem>> -> memref<1x64xi32, #tpu.memory_space<vmem>>
    %dma_wait3A_280 = tpu.memref_squeeze %dma_wait3A_279 : memref<1x64xi32, #tpu.memory_space<vmem>> -> memref<64xi32, #tpu.memory_space<vmem>>
    %dma_wait3A_281 = arith.constant 0 : i32
    %dma_wait3A_282 = arith.constant 0 : i32
    %dma_wait3A_283 = tpu.memref_slice %arg2[%dma_wait3A_281, %dma_wait3A_282] : memref<10000x128xf32, #tpu.memory_space<hbm>> -> memref<10000x128xf32, #tpu.memory_space<hbm>>
    %dma_wait3A_284 = tpu.memref_slice %arg11[%dma_wait3A_272, %dma_wait3A_273] : memref<2x2x!tpu.dma_semaphore, #tpu.memory_space<semaphore_mem>> -> memref<1x1x!tpu.dma_semaphore, #tpu.memory_space<semaphore_mem>>
    %dma_wait3A_285 = tpu.memref_squeeze %dma_wait3A_284 : memref<1x1x!tpu.dma_semaphore, #tpu.memory_space<semaphore_mem>> -> memref<!tpu.dma_semaphore, #tpu.memory_space<semaphore_mem>>
    tpu.wait_indirect_dma semaphore(%dma_wait3A_285 : memref<!tpu.dma_semaphore, #tpu.memory_space<semaphore_mem>>) src(%dma_wait3A_283 : memref<10000x128xf32, #tpu.memory_space<hbm>>) dst(%dma_wait3A_277 : memref<64x128xf32, #tpu.memory_space<vmem>>)
    %dma_wait3A_286 = arith.constant 38 : i32
    %dma_wait3A_287 = arith.constant 0 : i32
    %dma_wait3A_288 = arith.constant 0 : i32
    %dma_wait3A_289 = arith.constant 1 : i32
    %dma_wait3A_290 = arith.constant 64 : i32
    %dma_wait3A_291 = arith.constant 0 : i32
    %dma_wait3A_292 = tpu.memref_slice %arg9[%dma_wait3A_287, %dma_wait3A_290, %dma_wait3A_291] : memref<2x128x128xf32, #tpu.memory_space<vmem>> -> memref<1x64x128xf32, #tpu.memory_space<vmem>>
    %dma_wait3A_293 = tpu.memref_squeeze %dma_wait3A_292 : memref<1x64x128xf32, #tpu.memory_space<vmem>> -> memref<64x128xf32, #tpu.memory_space<vmem>>
    %dma_wait3A_294 = arith.constant 64 : i32
    %dma_wait3A_295 = tpu.memref_slice %arg7[%dma_wait3A_286, %dma_wait3A_294] : memref<40x128xi32, #tpu.memory_space<vmem>> -> memref<1x64xi32, #tpu.memory_space<vmem>>
    %dma_wait3A_296 = tpu.memref_squeeze %dma_wait3A_295 : memref<1x64xi32, #tpu.memory_space<vmem>> -> memref<64xi32, #tpu.memory_space<vmem>>
    %dma_wait3A_297 = arith.constant 0 : i32
    %dma_wait3A_298 = arith.constant 0 : i32
    %dma_wait3A_299 = tpu.memref_slice %arg2[%dma_wait3A_297, %dma_wait3A_298] : memref<10000x128xf32, #tpu.memory_space<hbm>> -> memref<10000x128xf32, #tpu.memory_space<hbm>>
    %dma_wait3A_300 = tpu.memref_slice %arg11[%dma_wait3A_288, %dma_wait3A_289] : memref<2x2x!tpu.dma_semaphore, #tpu.memory_space<semaphore_mem>> -> memref<1x1x!tpu.dma_semaphore, #tpu.memory_space<semaphore_mem>>
    %dma_wait3A_301 = tpu.memref_squeeze %dma_wait3A_300 : memref<1x1x!tpu.dma_semaphore, #tpu.memory_space<semaphore_mem>> -> memref<!tpu.dma_semaphore, #tpu.memory_space<semaphore_mem>>
    tpu.wait_indirect_dma semaphore(%dma_wait3A_301 : memref<!tpu.dma_semaphore, #tpu.memory_space<semaphore_mem>>) src(%dma_wait3A_299 : memref<10000x128xf32, #tpu.memory_space<hbm>>) dst(%dma_wait3A_293 : memref<64x128xf32, #tpu.memory_space<vmem>>)
    %dma_start3A_302 = arith.constant 0 : i32
    %dma_start3A_303 = arith.constant 38 : i32
    %dma_start3A_304 = arith.constant 0 : i32
    %dma_start3A_305 = arith.constant 0 : i32
    %dma_start3A_306 = arith.constant 0 : i32
    %dma_start3A_307 = tpu.memref_slice %arg9[%dma_start3A_302, %dma_start3A_305, %dma_start3A_306] : memref<2x128x128xf32, #tpu.memory_space<vmem>> -> memref<1x128x128xf32, #tpu.memory_space<vmem>>
    %dma_start3A_308 = tpu.memref_squeeze %dma_start3A_307 : memref<1x128x128xf32, #tpu.memory_space<vmem>> -> memref<128x128xf32, #tpu.memory_space<vmem>>
    %dma_start3A_309 = arith.constant 0 : i32
    %dma_start3A_310 = tpu.memref_slice %arg8[%dma_start3A_303, %dma_start3A_309] : memref<40x128xi32, #tpu.memory_space<vmem>> -> memref<1x128xi32, #tpu.memory_space<vmem>>
    %dma_start3A_311 = tpu.memref_squeeze %dma_start3A_310 : memref<1x128xi32, #tpu.memory_space<vmem>> -> memref<128xi32, #tpu.memory_space<vmem>>
    %dma_start3A_312 = arith.constant 0 : i32
    %dma_start3A_313 = arith.constant 0 : i32
    %dma_start3A_314 = tpu.memref_slice %arg10[%dma_start3A_312, %dma_start3A_313] : memref<10112x128xf32, #tpu.memory_space<vmem_shared>> -> memref<10112x128xf32, #tpu.memory_space<vmem_shared>>
    %dma_start3A_315 = tpu.memref_slice %arg12[%dma_start3A_304] : memref<2x!tpu.dma_semaphore, #tpu.memory_space<semaphore_mem>> -> memref<1x!tpu.dma_semaphore, #tpu.memory_space<semaphore_mem>>
    %dma_start3A_316 = tpu.memref_squeeze %dma_start3A_315 : memref<1x!tpu.dma_semaphore, #tpu.memory_space<semaphore_mem>> -> memref<!tpu.dma_semaphore, #tpu.memory_space<semaphore_mem>>
    tpu.enqueue_indirect_dma source(%dma_start3A_308 : memref<128x128xf32, #tpu.memory_space<vmem>>) target(%dma_start3A_314 : memref<10112x128xf32, #tpu.memory_space<vmem_shared>>) offsets(%dma_start3A_311 : memref<128xi32, #tpu.memory_space<vmem>>) semaphore(%dma_start3A_316 : memref<!tpu.dma_semaphore, #tpu.memory_space<semaphore_mem>>) {add = true}
    %dma_wait3A_317 = arith.constant 39 : i32
    %dma_wait3A_318 = arith.constant 1 : i32
    %dma_wait3A_319 = arith.constant 1 : i32
    %dma_wait3A_320 = arith.constant 0 : i32
    %dma_wait3A_321 = arith.constant 0 : i32
    %dma_wait3A_322 = arith.constant 0 : i32
    %dma_wait3A_323 = tpu.memref_slice %arg9[%dma_wait3A_318, %dma_wait3A_321, %dma_wait3A_322] : memref<2x128x128xf32, #tpu.memory_space<vmem>> -> memref<1x64x128xf32, #tpu.memory_space<vmem>>
    %dma_wait3A_324 = tpu.memref_squeeze %dma_wait3A_323 : memref<1x64x128xf32, #tpu.memory_space<vmem>> -> memref<64x128xf32, #tpu.memory_space<vmem>>
    %dma_wait3A_325 = arith.constant 0 : i32
    %dma_wait3A_326 = tpu.memref_slice %arg7[%dma_wait3A_317, %dma_wait3A_325] : memref<40x128xi32, #tpu.memory_space<vmem>> -> memref<1x64xi32, #tpu.memory_space<vmem>>
    %dma_wait3A_327 = tpu.memref_squeeze %dma_wait3A_326 : memref<1x64xi32, #tpu.memory_space<vmem>> -> memref<64xi32, #tpu.memory_space<vmem>>
    %dma_wait3A_328 = arith.constant 0 : i32
    %dma_wait3A_329 = arith.constant 0 : i32
    %dma_wait3A_330 = tpu.memref_slice %arg2[%dma_wait3A_328, %dma_wait3A_329] : memref<10000x128xf32, #tpu.memory_space<hbm>> -> memref<10000x128xf32, #tpu.memory_space<hbm>>
    %dma_wait3A_331 = tpu.memref_slice %arg11[%dma_wait3A_319, %dma_wait3A_320] : memref<2x2x!tpu.dma_semaphore, #tpu.memory_space<semaphore_mem>> -> memref<1x1x!tpu.dma_semaphore, #tpu.memory_space<semaphore_mem>>
    %dma_wait3A_332 = tpu.memref_squeeze %dma_wait3A_331 : memref<1x1x!tpu.dma_semaphore, #tpu.memory_space<semaphore_mem>> -> memref<!tpu.dma_semaphore, #tpu.memory_space<semaphore_mem>>
    tpu.wait_indirect_dma semaphore(%dma_wait3A_332 : memref<!tpu.dma_semaphore, #tpu.memory_space<semaphore_mem>>) src(%dma_wait3A_330 : memref<10000x128xf32, #tpu.memory_space<hbm>>) dst(%dma_wait3A_324 : memref<64x128xf32, #tpu.memory_space<vmem>>)
    %dma_wait3A_333 = arith.constant 39 : i32
    %dma_wait3A_334 = arith.constant 1 : i32
    %dma_wait3A_335 = arith.constant 1 : i32
    %dma_wait3A_336 = arith.constant 1 : i32
    %dma_wait3A_337 = arith.constant 64 : i32
    %dma_wait3A_338 = arith.constant 0 : i32
    %dma_wait3A_339 = tpu.memref_slice %arg9[%dma_wait3A_334, %dma_wait3A_337, %dma_wait3A_338] : memref<2x128x128xf32, #tpu.memory_space<vmem>> -> memref<1x64x128xf32, #tpu.memory_space<vmem>>
    %dma_wait3A_340 = tpu.memref_squeeze %dma_wait3A_339 : memref<1x64x128xf32, #tpu.memory_space<vmem>> -> memref<64x128xf32, #tpu.memory_space<vmem>>
    %dma_wait3A_341 = arith.constant 64 : i32
    %dma_wait3A_342 = tpu.memref_slice %arg7[%dma_wait3A_333, %dma_wait3A_341] : memref<40x128xi32, #tpu.memory_space<vmem>> -> memref<1x64xi32, #tpu.memory_space<vmem>>
    %dma_wait3A_343 = tpu.memref_squeeze %dma_wait3A_342 : memref<1x64xi32, #tpu.memory_space<vmem>> -> memref<64xi32, #tpu.memory_space<vmem>>
    %dma_wait3A_344 = arith.constant 0 : i32
    %dma_wait3A_345 = arith.constant 0 : i32
    %dma_wait3A_346 = tpu.memref_slice %arg2[%dma_wait3A_344, %dma_wait3A_345] : memref<10000x128xf32, #tpu.memory_space<hbm>> -> memref<10000x128xf32, #tpu.memory_space<hbm>>
    %dma_wait3A_347 = tpu.memref_slice %arg11[%dma_wait3A_335, %dma_wait3A_336] : memref<2x2x!tpu.dma_semaphore, #tpu.memory_space<semaphore_mem>> -> memref<1x1x!tpu.dma_semaphore, #tpu.memory_space<semaphore_mem>>
    %dma_wait3A_348 = tpu.memref_squeeze %dma_wait3A_347 : memref<1x1x!tpu.dma_semaphore, #tpu.memory_space<semaphore_mem>> -> memref<!tpu.dma_semaphore, #tpu.memory_space<semaphore_mem>>
    tpu.wait_indirect_dma semaphore(%dma_wait3A_348 : memref<!tpu.dma_semaphore, #tpu.memory_space<semaphore_mem>>) src(%dma_wait3A_346 : memref<10000x128xf32, #tpu.memory_space<hbm>>) dst(%dma_wait3A_340 : memref<64x128xf32, #tpu.memory_space<vmem>>)
    %dma_start3A_349 = arith.constant 1 : i32
    %dma_start3A_350 = arith.constant 39 : i32
    %dma_start3A_351 = arith.constant 1 : i32
    %dma_start3A_352 = arith.constant 0 : i32
    %dma_start3A_353 = arith.constant 0 : i32
    %dma_start3A_354 = tpu.memref_slice %arg9[%dma_start3A_349, %dma_start3A_352, %dma_start3A_353] : memref<2x128x128xf32, #tpu.memory_space<vmem>> -> memref<1x128x128xf32, #tpu.memory_space<vmem>>
    %dma_start3A_355 = tpu.memref_squeeze %dma_start3A_354 : memref<1x128x128xf32, #tpu.memory_space<vmem>> -> memref<128x128xf32, #tpu.memory_space<vmem>>
    %dma_start3A_356 = arith.constant 0 : i32
    %dma_start3A_357 = tpu.memref_slice %arg8[%dma_start3A_350, %dma_start3A_356] : memref<40x128xi32, #tpu.memory_space<vmem>> -> memref<1x128xi32, #tpu.memory_space<vmem>>
    %dma_start3A_358 = tpu.memref_squeeze %dma_start3A_357 : memref<1x128xi32, #tpu.memory_space<vmem>> -> memref<128xi32, #tpu.memory_space<vmem>>
    %dma_start3A_359 = arith.constant 0 : i32
    %dma_start3A_360 = arith.constant 0 : i32
    %dma_start3A_361 = tpu.memref_slice %arg10[%dma_start3A_359, %dma_start3A_360] : memref<10112x128xf32, #tpu.memory_space<vmem_shared>> -> memref<10112x128xf32, #tpu.memory_space<vmem_shared>>
    %dma_start3A_362 = tpu.memref_slice %arg12[%dma_start3A_351] : memref<2x!tpu.dma_semaphore, #tpu.memory_space<semaphore_mem>> -> memref<1x!tpu.dma_semaphore, #tpu.memory_space<semaphore_mem>>
    %dma_start3A_363 = tpu.memref_squeeze %dma_start3A_362 : memref<1x!tpu.dma_semaphore, #tpu.memory_space<semaphore_mem>> -> memref<!tpu.dma_semaphore, #tpu.memory_space<semaphore_mem>>
    tpu.enqueue_indirect_dma source(%dma_start3A_355 : memref<128x128xf32, #tpu.memory_space<vmem>>) target(%dma_start3A_361 : memref<10112x128xf32, #tpu.memory_space<vmem_shared>>) offsets(%dma_start3A_358 : memref<128xi32, #tpu.memory_space<vmem>>) semaphore(%dma_start3A_363 : memref<!tpu.dma_semaphore, #tpu.memory_space<semaphore_mem>>) {add = true}
    %dma_wait3A_364 = arith.constant 0 : i32
    %dma_wait3A_365 = arith.constant 38 : i32
    %dma_wait3A_366 = arith.constant 0 : i32
    %dma_wait3A_367 = arith.constant 0 : i32
    %dma_wait3A_368 = arith.constant 0 : i32
    %dma_wait3A_369 = tpu.memref_slice %arg9[%dma_wait3A_364, %dma_wait3A_367, %dma_wait3A_368] : memref<2x128x128xf32, #tpu.memory_space<vmem>> -> memref<1x128x128xf32, #tpu.memory_space<vmem>>
    %dma_wait3A_370 = tpu.memref_squeeze %dma_wait3A_369 : memref<1x128x128xf32, #tpu.memory_space<vmem>> -> memref<128x128xf32, #tpu.memory_space<vmem>>
    %dma_wait3A_371 = arith.constant 0 : i32
    %dma_wait3A_372 = tpu.memref_slice %arg8[%dma_wait3A_365, %dma_wait3A_371] : memref<40x128xi32, #tpu.memory_space<vmem>> -> memref<1x128xi32, #tpu.memory_space<vmem>>
    %dma_wait3A_373 = tpu.memref_squeeze %dma_wait3A_372 : memref<1x128xi32, #tpu.memory_space<vmem>> -> memref<128xi32, #tpu.memory_space<vmem>>
    %dma_wait3A_374 = arith.constant 0 : i32
    %dma_wait3A_375 = arith.constant 0 : i32
    %dma_wait3A_376 = tpu.memref_slice %arg10[%dma_wait3A_374, %dma_wait3A_375] : memref<10112x128xf32, #tpu.memory_space<vmem_shared>> -> memref<10112x128xf32, #tpu.memory_space<vmem_shared>>
    %dma_wait3A_377 = tpu.memref_slice %arg12[%dma_wait3A_366] : memref<2x!tpu.dma_semaphore, #tpu.memory_space<semaphore_mem>> -> memref<1x!tpu.dma_semaphore, #tpu.memory_space<semaphore_mem>>
    %dma_wait3A_378 = tpu.memref_squeeze %dma_wait3A_377 : memref<1x!tpu.dma_semaphore, #tpu.memory_space<semaphore_mem>> -> memref<!tpu.dma_semaphore, #tpu.memory_space<semaphore_mem>>
    tpu.wait_indirect_dma semaphore(%dma_wait3A_378 : memref<!tpu.dma_semaphore, #tpu.memory_space<semaphore_mem>>) src(%dma_wait3A_370 : memref<128x128xf32, #tpu.memory_space<vmem>>) dst(%dma_wait3A_376 : memref<10112x128xf32, #tpu.memory_space<vmem_shared>>)
    %dma_wait3A_379 = arith.constant 1 : i32
    %dma_wait3A_380 = arith.constant 39 : i32
    %dma_wait3A_381 = arith.constant 1 : i32
    %dma_wait3A_382 = arith.constant 0 : i32
    %dma_wait3A_383 = arith.constant 0 : i32
    %dma_wait3A_384 = tpu.memref_slice %arg9[%dma_wait3A_379, %dma_wait3A_382, %dma_wait3A_383] : memref<2x128x128xf32, #tpu.memory_space<vmem>> -> memref<1x128x128xf32, #tpu.memory_space<vmem>>
    %dma_wait3A_385 = tpu.memref_squeeze %dma_wait3A_384 : memref<1x128x128xf32, #tpu.memory_space<vmem>> -> memref<128x128xf32, #tpu.memory_space<vmem>>
    %dma_wait3A_386 = arith.constant 0 : i32
    %dma_wait3A_387 = tpu.memref_slice %arg8[%dma_wait3A_380, %dma_wait3A_386] : memref<40x128xi32, #tpu.memory_space<vmem>> -> memref<1x128xi32, #tpu.memory_space<vmem>>
    %dma_wait3A_388 = tpu.memref_squeeze %dma_wait3A_387 : memref<1x128xi32, #tpu.memory_space<vmem>> -> memref<128xi32, #tpu.memory_space<vmem>>
    %dma_wait3A_389 = arith.constant 0 : i32
    %dma_wait3A_390 = arith.constant 0 : i32
    %dma_wait3A_391 = tpu.memref_slice %arg10[%dma_wait3A_389, %dma_wait3A_390] : memref<10112x128xf32, #tpu.memory_space<vmem_shared>> -> memref<10112x128xf32, #tpu.memory_space<vmem_shared>>
    %dma_wait3A_392 = tpu.memref_slice %arg12[%dma_wait3A_381] : memref<2x!tpu.dma_semaphore, #tpu.memory_space<semaphore_mem>> -> memref<1x!tpu.dma_semaphore, #tpu.memory_space<semaphore_mem>>
    %dma_wait3A_393 = tpu.memref_squeeze %dma_wait3A_392 : memref<1x!tpu.dma_semaphore, #tpu.memory_space<semaphore_mem>> -> memref<!tpu.dma_semaphore, #tpu.memory_space<semaphore_mem>>
    tpu.wait_indirect_dma semaphore(%dma_wait3A_393 : memref<!tpu.dma_semaphore, #tpu.memory_space<semaphore_mem>>) src(%dma_wait3A_385 : memref<128x128xf32, #tpu.memory_space<vmem>>) dst(%dma_wait3A_391 : memref<10112x128xf32, #tpu.memory_space<vmem_shared>>)
    %barrier3A_394 = arith.constant 0 : index
    tpu.barrier barrier_id(%barrier3A_394)
    %mul3A_395 = arith.constant 632 : i32
    %mul3A_396 = arith.muli %arg1, %mul3A_395 : i32
    %mul3A_397 = arith.constant 632 : i32
    %mul3A_398 = arith.muli %arg1, %mul3A_397 : i32
    "tpu.region"() ({
      %run_scoped3A = tpu.sem_alloc : memref<!tpu.dma_semaphore, #tpu.memory_space<semaphore_mem>>
      %dma_start3A_399 = arith.constant 0 : i32
      %dma_start3A_400 = tpu.memref_slice %arg6[%arg0, %mul3A_398, %dma_start3A_399] : memref<2x10112x128xf32, #tpu.memory_space<hbm>> -> memref<1x632x128xf32, #tpu.memory_space<hbm>>
      %dma_start3A_401 = tpu.memref_squeeze %dma_start3A_400 : memref<1x632x128xf32, #tpu.memory_space<hbm>> -> memref<632x128xf32, #tpu.memory_space<hbm>>
      %dma_start3A_402 = arith.constant 0 : i32
      %dma_start3A_403 = tpu.memref_slice %arg10[%mul3A_396, %dma_start3A_402] : memref<10112x128xf32, #tpu.memory_space<vmem_shared>> -> memref<632x128xf32, #tpu.memory_space<vmem_shared>>
      tpu.enqueue_dma source(%dma_start3A_403 : memref<632x128xf32, #tpu.memory_space<vmem_shared>>) target(%dma_start3A_401 : memref<632x128xf32, #tpu.memory_space<hbm>>) target_semaphore(%run_scoped3A : memref<!tpu.dma_semaphore, #tpu.memory_space<semaphore_mem>>)
      %dma_wait3A_404 = arith.constant 0 : i32
      %dma_wait3A_405 = tpu.memref_slice %arg6[%arg0, %mul3A_398, %dma_wait3A_404] : memref<2x10112x128xf32, #tpu.memory_space<hbm>> -> memref<1x632x128xf32, #tpu.memory_space<hbm>>
      %dma_wait3A_406 = tpu.memref_squeeze %dma_wait3A_405 : memref<1x632x128xf32, #tpu.memory_space<hbm>> -> memref<632x128xf32, #tpu.memory_space<hbm>>
      %dma_wait3A_407 = arith.constant 0 : i32
      %dma_wait3A_408 = tpu.memref_slice %arg10[%mul3A_396, %dma_wait3A_407] : memref<10112x128xf32, #tpu.memory_space<vmem_shared>> -> memref<632x128xf32, #tpu.memory_space<vmem_shared>>
      tpu.wait_dma2 semaphore(%run_scoped3A : memref<!tpu.dma_semaphore, #tpu.memory_space<semaphore_mem>>) src(%dma_wait3A_408 : memref<632x128xf32, #tpu.memory_space<vmem_shared>>) dst(%dma_wait3A_406 : memref<632x128xf32, #tpu.memory_space<hbm>>)
      tpu.yield
    }) : () -> ()
    return
  }
}

#map = affine_map<(d0, d1) -> (0, 0)>
#map1 = affine_map<(d0, d1) -> (0, 0, 0)>
module attributes {stable_mosaic.version = 14 : i64} {
  func.func @_sc_degree_body(%arg0: i32, %arg1: i32, %arg2: memref<2560x128xi32, #tpu.memory_space<hbm>>, %arg3: memref<128x128xf32, #tpu.memory_space<hbm>>, %arg4: memref<632x128xf32, #tpu.memory_space<hbm>>, %arg5: memref<2x10112x128xf32, #tpu.memory_space<hbm>>, %arg6: memref<80x128xi32, #tpu.memory_space<vmem>>, %arg7: memref<128x128xf32, #tpu.memory_space<vmem>>, %arg8: memref<10112x128xf32, #tpu.memory_space<vmem_shared>>, %arg9: memref<8x!tpu.dma_semaphore, #tpu.memory_space<semaphore_mem>>) attributes {dimension_semantics = [#tpu.dimension_semantics<core_parallel>, #tpu.dimension_semantics<subcore_parallel>], iteration_bounds = array<i64: 2, 16>, scalar_prefetch = 0 : i64, scratch_operands = 4 : i64, tpu.core_type = #tpu.core_type<sc_vector_subcore>, window_params = [{transform_indices = #map}, {transform_indices = #map}, {transform_indices = #map}, {transform_indices = #map1}]} {
    %mul3A = arith.constant 16 : i32
    %mul3A_0 = arith.muli %arg0, %mul3A : i32
    %add3A = arith.addi %mul3A_0, %arg1 : i32
    %mul3A_1 = arith.constant 632 : i32
    %mul3A_2 = arith.muli %arg1, %mul3A_1 : i32
    "tpu.region"() ({
      %run_scoped3A = tpu.sem_alloc : memref<!tpu.dma_semaphore, #tpu.memory_space<semaphore_mem>>
      %dma_start3A_173 = arith.constant 0 : i32
      %dma_start3A_174 = tpu.memref_slice %arg8[%mul3A_2, %dma_start3A_173] : memref<10112x128xf32, #tpu.memory_space<vmem_shared>> -> memref<632x128xf32, #tpu.memory_space<vmem_shared>>
      tpu.enqueue_dma source(%arg4 : memref<632x128xf32, #tpu.memory_space<hbm>>) target(%dma_start3A_174 : memref<632x128xf32, #tpu.memory_space<vmem_shared>>) target_semaphore(%run_scoped3A : memref<!tpu.dma_semaphore, #tpu.memory_space<semaphore_mem>>)
      %dma_wait3A_175 = arith.constant 0 : i32
      %dma_wait3A_176 = tpu.memref_slice %arg8[%mul3A_2, %dma_wait3A_175] : memref<10112x128xf32, #tpu.memory_space<vmem_shared>> -> memref<632x128xf32, #tpu.memory_space<vmem_shared>>
      tpu.wait_dma2 semaphore(%run_scoped3A : memref<!tpu.dma_semaphore, #tpu.memory_space<semaphore_mem>>) src(%arg4 : memref<632x128xf32, #tpu.memory_space<hbm>>) dst(%dma_wait3A_176 : memref<632x128xf32, #tpu.memory_space<vmem_shared>>)
      tpu.yield
    }) : () -> ()
    "tpu.region"() ({
      %run_scoped3A = tpu.sem_alloc : memref<!tpu.dma_semaphore, #tpu.memory_space<semaphore_mem>>
      tpu.enqueue_dma source(%arg3 : memref<128x128xf32, #tpu.memory_space<hbm>>) target(%arg7 : memref<128x128xf32, #tpu.memory_space<vmem>>) target_semaphore(%run_scoped3A : memref<!tpu.dma_semaphore, #tpu.memory_space<semaphore_mem>>)
      tpu.wait_dma2 semaphore(%run_scoped3A : memref<!tpu.dma_semaphore, #tpu.memory_space<semaphore_mem>>) src(%arg3 : memref<128x128xf32, #tpu.memory_space<hbm>>) dst(%arg7 : memref<128x128xf32, #tpu.memory_space<vmem>>)
      tpu.yield
    }) : () -> ()
    %mul3A_3 = arith.constant 80 : i32
    %mul3A_4 = arith.muli %add3A, %mul3A_3 : i32
    "tpu.region"() ({
      %run_scoped3A = tpu.sem_alloc : memref<!tpu.dma_semaphore, #tpu.memory_space<semaphore_mem>>
      %dma_start3A_173 = arith.constant 0 : i32
      %dma_start3A_174 = tpu.memref_slice %arg2[%mul3A_4, %dma_start3A_173] : memref<2560x128xi32, #tpu.memory_space<hbm>> -> memref<80x128xi32, #tpu.memory_space<hbm>>
      %dma_start3A_175 = arith.constant 0 : i32
      %dma_start3A_176 = tpu.memref_slice %arg2[%mul3A_4, %dma_start3A_175] : memref<2560x128xi32, #tpu.memory_space<hbm>> -> memref<80x128xi32, #tpu.memory_space<hbm>>
      tpu.enqueue_dma source(%dma_start3A_176 : memref<80x128xi32, #tpu.memory_space<hbm>>) target(%arg6 : memref<80x128xi32, #tpu.memory_space<vmem>>) target_semaphore(%run_scoped3A : memref<!tpu.dma_semaphore, #tpu.memory_space<semaphore_mem>>)
      %dma_wait3A_177 = arith.constant 0 : i32
      %dma_wait3A_178 = tpu.memref_slice %arg2[%mul3A_4, %dma_wait3A_177] : memref<2560x128xi32, #tpu.memory_space<hbm>> -> memref<80x128xi32, #tpu.memory_space<hbm>>
      %dma_wait3A_179 = arith.constant 0 : i32
      %dma_wait3A_180 = tpu.memref_slice %arg2[%mul3A_4, %dma_wait3A_179] : memref<2560x128xi32, #tpu.memory_space<hbm>> -> memref<80x128xi32, #tpu.memory_space<hbm>>
      tpu.wait_dma2 semaphore(%run_scoped3A : memref<!tpu.dma_semaphore, #tpu.memory_space<semaphore_mem>>) src(%dma_wait3A_180 : memref<80x128xi32, #tpu.memory_space<hbm>>) dst(%arg6 : memref<80x128xi32, #tpu.memory_space<vmem>>)
      tpu.yield
    }) : () -> ()
    %barrier3A = arith.constant 0 : index
    tpu.barrier barrier_id(%barrier3A)
    %dma_start3A = arith.constant 0 : i32
    %dma_start3A_5 = arith.constant 0 : i32
    %dma_start3A_6 = arith.constant 0 : i32
    %dma_start3A_7 = tpu.memref_slice %arg6[%dma_start3A, %dma_start3A_6] : memref<80x128xi32, #tpu.memory_space<vmem>> -> memref<1x128xi32, #tpu.memory_space<vmem>>
    %dma_start3A_8 = tpu.memref_squeeze %dma_start3A_7 : memref<1x128xi32, #tpu.memory_space<vmem>> -> memref<128xi32, #tpu.memory_space<vmem>>
    %dma_start3A_9 = arith.constant 0 : i32
    %dma_start3A_10 = arith.constant 0 : i32
    %dma_start3A_11 = tpu.memref_slice %arg8[%dma_start3A_9, %dma_start3A_10] : memref<10112x128xf32, #tpu.memory_space<vmem_shared>> -> memref<10112x128xf32, #tpu.memory_space<vmem_shared>>
    %dma_start3A_12 = tpu.memref_slice %arg9[%dma_start3A_5] : memref<8x!tpu.dma_semaphore, #tpu.memory_space<semaphore_mem>> -> memref<1x!tpu.dma_semaphore, #tpu.memory_space<semaphore_mem>>
    %dma_start3A_13 = tpu.memref_squeeze %dma_start3A_12 : memref<1x!tpu.dma_semaphore, #tpu.memory_space<semaphore_mem>> -> memref<!tpu.dma_semaphore, #tpu.memory_space<semaphore_mem>>
    tpu.enqueue_indirect_dma source(%arg7 : memref<128x128xf32, #tpu.memory_space<vmem>>) target(%dma_start3A_11 : memref<10112x128xf32, #tpu.memory_space<vmem_shared>>) offsets(%dma_start3A_8 : memref<128xi32, #tpu.memory_space<vmem>>) semaphore(%dma_start3A_13 : memref<!tpu.dma_semaphore, #tpu.memory_space<semaphore_mem>>) {add = true}
    %dma_start3A_14 = arith.constant 1 : i32
    %dma_start3A_15 = arith.constant 1 : i32
    %dma_start3A_16 = arith.constant 0 : i32
    %dma_start3A_17 = tpu.memref_slice %arg6[%dma_start3A_14, %dma_start3A_16] : memref<80x128xi32, #tpu.memory_space<vmem>> -> memref<1x128xi32, #tpu.memory_space<vmem>>
    %dma_start3A_18 = tpu.memref_squeeze %dma_start3A_17 : memref<1x128xi32, #tpu.memory_space<vmem>> -> memref<128xi32, #tpu.memory_space<vmem>>
    %dma_start3A_19 = arith.constant 0 : i32
    %dma_start3A_20 = arith.constant 0 : i32
    %dma_start3A_21 = tpu.memref_slice %arg8[%dma_start3A_19, %dma_start3A_20] : memref<10112x128xf32, #tpu.memory_space<vmem_shared>> -> memref<10112x128xf32, #tpu.memory_space<vmem_shared>>
    %dma_start3A_22 = tpu.memref_slice %arg9[%dma_start3A_15] : memref<8x!tpu.dma_semaphore, #tpu.memory_space<semaphore_mem>> -> memref<1x!tpu.dma_semaphore, #tpu.memory_space<semaphore_mem>>
    %dma_start3A_23 = tpu.memref_squeeze %dma_start3A_22 : memref<1x!tpu.dma_semaphore, #tpu.memory_space<semaphore_mem>> -> memref<!tpu.dma_semaphore, #tpu.memory_space<semaphore_mem>>
    tpu.enqueue_indirect_dma source(%arg7 : memref<128x128xf32, #tpu.memory_space<vmem>>) target(%dma_start3A_21 : memref<10112x128xf32, #tpu.memory_space<vmem_shared>>) offsets(%dma_start3A_18 : memref<128xi32, #tpu.memory_space<vmem>>) semaphore(%dma_start3A_23 : memref<!tpu.dma_semaphore, #tpu.memory_space<semaphore_mem>>) {add = true}
    %dma_start3A_24 = arith.constant 2 : i32
    %dma_start3A_25 = arith.constant 2 : i32
    %dma_start3A_26 = arith.constant 0 : i32
    %dma_start3A_27 = tpu.memref_slice %arg6[%dma_start3A_24, %dma_start3A_26] : memref<80x128xi32, #tpu.memory_space<vmem>> -> memref<1x128xi32, #tpu.memory_space<vmem>>
    %dma_start3A_28 = tpu.memref_squeeze %dma_start3A_27 : memref<1x128xi32, #tpu.memory_space<vmem>> -> memref<128xi32, #tpu.memory_space<vmem>>
    %dma_start3A_29 = arith.constant 0 : i32
    %dma_start3A_30 = arith.constant 0 : i32
    %dma_start3A_31 = tpu.memref_slice %arg8[%dma_start3A_29, %dma_start3A_30] : memref<10112x128xf32, #tpu.memory_space<vmem_shared>> -> memref<10112x128xf32, #tpu.memory_space<vmem_shared>>
    %dma_start3A_32 = tpu.memref_slice %arg9[%dma_start3A_25] : memref<8x!tpu.dma_semaphore, #tpu.memory_space<semaphore_mem>> -> memref<1x!tpu.dma_semaphore, #tpu.memory_space<semaphore_mem>>
    %dma_start3A_33 = tpu.memref_squeeze %dma_start3A_32 : memref<1x!tpu.dma_semaphore, #tpu.memory_space<semaphore_mem>> -> memref<!tpu.dma_semaphore, #tpu.memory_space<semaphore_mem>>
    tpu.enqueue_indirect_dma source(%arg7 : memref<128x128xf32, #tpu.memory_space<vmem>>) target(%dma_start3A_31 : memref<10112x128xf32, #tpu.memory_space<vmem_shared>>) offsets(%dma_start3A_28 : memref<128xi32, #tpu.memory_space<vmem>>) semaphore(%dma_start3A_33 : memref<!tpu.dma_semaphore, #tpu.memory_space<semaphore_mem>>) {add = true}
    %dma_start3A_34 = arith.constant 3 : i32
    %dma_start3A_35 = arith.constant 3 : i32
    %dma_start3A_36 = arith.constant 0 : i32
    %dma_start3A_37 = tpu.memref_slice %arg6[%dma_start3A_34, %dma_start3A_36] : memref<80x128xi32, #tpu.memory_space<vmem>> -> memref<1x128xi32, #tpu.memory_space<vmem>>
    %dma_start3A_38 = tpu.memref_squeeze %dma_start3A_37 : memref<1x128xi32, #tpu.memory_space<vmem>> -> memref<128xi32, #tpu.memory_space<vmem>>
    %dma_start3A_39 = arith.constant 0 : i32
    %dma_start3A_40 = arith.constant 0 : i32
    %dma_start3A_41 = tpu.memref_slice %arg8[%dma_start3A_39, %dma_start3A_40] : memref<10112x128xf32, #tpu.memory_space<vmem_shared>> -> memref<10112x128xf32, #tpu.memory_space<vmem_shared>>
    %dma_start3A_42 = tpu.memref_slice %arg9[%dma_start3A_35] : memref<8x!tpu.dma_semaphore, #tpu.memory_space<semaphore_mem>> -> memref<1x!tpu.dma_semaphore, #tpu.memory_space<semaphore_mem>>
    %dma_start3A_43 = tpu.memref_squeeze %dma_start3A_42 : memref<1x!tpu.dma_semaphore, #tpu.memory_space<semaphore_mem>> -> memref<!tpu.dma_semaphore, #tpu.memory_space<semaphore_mem>>
    tpu.enqueue_indirect_dma source(%arg7 : memref<128x128xf32, #tpu.memory_space<vmem>>) target(%dma_start3A_41 : memref<10112x128xf32, #tpu.memory_space<vmem_shared>>) offsets(%dma_start3A_38 : memref<128xi32, #tpu.memory_space<vmem>>) semaphore(%dma_start3A_43 : memref<!tpu.dma_semaphore, #tpu.memory_space<semaphore_mem>>) {add = true}
    %dma_start3A_44 = arith.constant 4 : i32
    %dma_start3A_45 = arith.constant 4 : i32
    %dma_start3A_46 = arith.constant 0 : i32
    %dma_start3A_47 = tpu.memref_slice %arg6[%dma_start3A_44, %dma_start3A_46] : memref<80x128xi32, #tpu.memory_space<vmem>> -> memref<1x128xi32, #tpu.memory_space<vmem>>
    %dma_start3A_48 = tpu.memref_squeeze %dma_start3A_47 : memref<1x128xi32, #tpu.memory_space<vmem>> -> memref<128xi32, #tpu.memory_space<vmem>>
    %dma_start3A_49 = arith.constant 0 : i32
    %dma_start3A_50 = arith.constant 0 : i32
    %dma_start3A_51 = tpu.memref_slice %arg8[%dma_start3A_49, %dma_start3A_50] : memref<10112x128xf32, #tpu.memory_space<vmem_shared>> -> memref<10112x128xf32, #tpu.memory_space<vmem_shared>>
    %dma_start3A_52 = tpu.memref_slice %arg9[%dma_start3A_45] : memref<8x!tpu.dma_semaphore, #tpu.memory_space<semaphore_mem>> -> memref<1x!tpu.dma_semaphore, #tpu.memory_space<semaphore_mem>>
    %dma_start3A_53 = tpu.memref_squeeze %dma_start3A_52 : memref<1x!tpu.dma_semaphore, #tpu.memory_space<semaphore_mem>> -> memref<!tpu.dma_semaphore, #tpu.memory_space<semaphore_mem>>
    tpu.enqueue_indirect_dma source(%arg7 : memref<128x128xf32, #tpu.memory_space<vmem>>) target(%dma_start3A_51 : memref<10112x128xf32, #tpu.memory_space<vmem_shared>>) offsets(%dma_start3A_48 : memref<128xi32, #tpu.memory_space<vmem>>) semaphore(%dma_start3A_53 : memref<!tpu.dma_semaphore, #tpu.memory_space<semaphore_mem>>) {add = true}
    %dma_start3A_54 = arith.constant 5 : i32
    %dma_start3A_55 = arith.constant 5 : i32
    %dma_start3A_56 = arith.constant 0 : i32
    %dma_start3A_57 = tpu.memref_slice %arg6[%dma_start3A_54, %dma_start3A_56] : memref<80x128xi32, #tpu.memory_space<vmem>> -> memref<1x128xi32, #tpu.memory_space<vmem>>
    %dma_start3A_58 = tpu.memref_squeeze %dma_start3A_57 : memref<1x128xi32, #tpu.memory_space<vmem>> -> memref<128xi32, #tpu.memory_space<vmem>>
    %dma_start3A_59 = arith.constant 0 : i32
    %dma_start3A_60 = arith.constant 0 : i32
    %dma_start3A_61 = tpu.memref_slice %arg8[%dma_start3A_59, %dma_start3A_60] : memref<10112x128xf32, #tpu.memory_space<vmem_shared>> -> memref<10112x128xf32, #tpu.memory_space<vmem_shared>>
    %dma_start3A_62 = tpu.memref_slice %arg9[%dma_start3A_55] : memref<8x!tpu.dma_semaphore, #tpu.memory_space<semaphore_mem>> -> memref<1x!tpu.dma_semaphore, #tpu.memory_space<semaphore_mem>>
    %dma_start3A_63 = tpu.memref_squeeze %dma_start3A_62 : memref<1x!tpu.dma_semaphore, #tpu.memory_space<semaphore_mem>> -> memref<!tpu.dma_semaphore, #tpu.memory_space<semaphore_mem>>
    tpu.enqueue_indirect_dma source(%arg7 : memref<128x128xf32, #tpu.memory_space<vmem>>) target(%dma_start3A_61 : memref<10112x128xf32, #tpu.memory_space<vmem_shared>>) offsets(%dma_start3A_58 : memref<128xi32, #tpu.memory_space<vmem>>) semaphore(%dma_start3A_63 : memref<!tpu.dma_semaphore, #tpu.memory_space<semaphore_mem>>) {add = true}
    %dma_start3A_64 = arith.constant 6 : i32
    %dma_start3A_65 = arith.constant 6 : i32
    %dma_start3A_66 = arith.constant 0 : i32
    %dma_start3A_67 = tpu.memref_slice %arg6[%dma_start3A_64, %dma_start3A_66] : memref<80x128xi32, #tpu.memory_space<vmem>> -> memref<1x128xi32, #tpu.memory_space<vmem>>
    %dma_start3A_68 = tpu.memref_squeeze %dma_start3A_67 : memref<1x128xi32, #tpu.memory_space<vmem>> -> memref<128xi32, #tpu.memory_space<vmem>>
    %dma_start3A_69 = arith.constant 0 : i32
    %dma_start3A_70 = arith.constant 0 : i32
    %dma_start3A_71 = tpu.memref_slice %arg8[%dma_start3A_69, %dma_start3A_70] : memref<10112x128xf32, #tpu.memory_space<vmem_shared>> -> memref<10112x128xf32, #tpu.memory_space<vmem_shared>>
    %dma_start3A_72 = tpu.memref_slice %arg9[%dma_start3A_65] : memref<8x!tpu.dma_semaphore, #tpu.memory_space<semaphore_mem>> -> memref<1x!tpu.dma_semaphore, #tpu.memory_space<semaphore_mem>>
    %dma_start3A_73 = tpu.memref_squeeze %dma_start3A_72 : memref<1x!tpu.dma_semaphore, #tpu.memory_space<semaphore_mem>> -> memref<!tpu.dma_semaphore, #tpu.memory_space<semaphore_mem>>
    tpu.enqueue_indirect_dma source(%arg7 : memref<128x128xf32, #tpu.memory_space<vmem>>) target(%dma_start3A_71 : memref<10112x128xf32, #tpu.memory_space<vmem_shared>>) offsets(%dma_start3A_68 : memref<128xi32, #tpu.memory_space<vmem>>) semaphore(%dma_start3A_73 : memref<!tpu.dma_semaphore, #tpu.memory_space<semaphore_mem>>) {add = true}
    %dma_start3A_74 = arith.constant 7 : i32
    %dma_start3A_75 = arith.constant 7 : i32
    %dma_start3A_76 = arith.constant 0 : i32
    %dma_start3A_77 = tpu.memref_slice %arg6[%dma_start3A_74, %dma_start3A_76] : memref<80x128xi32, #tpu.memory_space<vmem>> -> memref<1x128xi32, #tpu.memory_space<vmem>>
    %dma_start3A_78 = tpu.memref_squeeze %dma_start3A_77 : memref<1x128xi32, #tpu.memory_space<vmem>> -> memref<128xi32, #tpu.memory_space<vmem>>
    %dma_start3A_79 = arith.constant 0 : i32
    %dma_start3A_80 = arith.constant 0 : i32
    %dma_start3A_81 = tpu.memref_slice %arg8[%dma_start3A_79, %dma_start3A_80] : memref<10112x128xf32, #tpu.memory_space<vmem_shared>> -> memref<10112x128xf32, #tpu.memory_space<vmem_shared>>
    %dma_start3A_82 = tpu.memref_slice %arg9[%dma_start3A_75] : memref<8x!tpu.dma_semaphore, #tpu.memory_space<semaphore_mem>> -> memref<1x!tpu.dma_semaphore, #tpu.memory_space<semaphore_mem>>
    %dma_start3A_83 = tpu.memref_squeeze %dma_start3A_82 : memref<1x!tpu.dma_semaphore, #tpu.memory_space<semaphore_mem>> -> memref<!tpu.dma_semaphore, #tpu.memory_space<semaphore_mem>>
    tpu.enqueue_indirect_dma source(%arg7 : memref<128x128xf32, #tpu.memory_space<vmem>>) target(%dma_start3A_81 : memref<10112x128xf32, #tpu.memory_space<vmem_shared>>) offsets(%dma_start3A_78 : memref<128xi32, #tpu.memory_space<vmem>>) semaphore(%dma_start3A_83 : memref<!tpu.dma_semaphore, #tpu.memory_space<semaphore_mem>>) {add = true}
    %scan3A = arith.constant 0 : i32
    %scan3A_84 = arith.constant 0 : i32
    %scan3A_85 = arith.constant 9 : i32
    %scan3A_86 = arith.addi %scan3A_84, %scan3A_85 : i32
    %scan3A_87 = arith.constant 1 : i32
    scf.for %scan3A_173 = %scan3A_84 to %scan3A_86 step %scan3A_87  : i32 {
      %mul3A_174 = arith.constant 8 : i32
      %mul3A_175 = arith.muli %scan3A_173, %mul3A_174 : i32
      %add3A_176 = arith.constant 0 : i32
      %add3A_177 = arith.addi %mul3A_175, %add3A_176 : i32
      %dma_wait3A_178 = arith.constant 0 : i32
      %dma_wait3A_179 = arith.constant 0 : i32
      %dma_wait3A_180 = tpu.memref_slice %arg6[%add3A_177, %dma_wait3A_179] : memref<80x128xi32, #tpu.memory_space<vmem>> -> memref<1x128xi32, #tpu.memory_space<vmem>>
      %dma_wait3A_181 = tpu.memref_squeeze %dma_wait3A_180 : memref<1x128xi32, #tpu.memory_space<vmem>> -> memref<128xi32, #tpu.memory_space<vmem>>
      %dma_wait3A_182 = arith.constant 0 : i32
      %dma_wait3A_183 = arith.constant 0 : i32
      %dma_wait3A_184 = tpu.memref_slice %arg8[%dma_wait3A_182, %dma_wait3A_183] : memref<10112x128xf32, #tpu.memory_space<vmem_shared>> -> memref<10112x128xf32, #tpu.memory_space<vmem_shared>>
      %dma_wait3A_185 = tpu.memref_slice %arg9[%dma_wait3A_178] : memref<8x!tpu.dma_semaphore, #tpu.memory_space<semaphore_mem>> -> memref<1x!tpu.dma_semaphore, #tpu.memory_space<semaphore_mem>>
      %dma_wait3A_186 = tpu.memref_squeeze %dma_wait3A_185 : memref<1x!tpu.dma_semaphore, #tpu.memory_space<semaphore_mem>> -> memref<!tpu.dma_semaphore, #tpu.memory_space<semaphore_mem>>
      tpu.wait_indirect_dma semaphore(%dma_wait3A_186 : memref<!tpu.dma_semaphore, #tpu.memory_space<semaphore_mem>>) src(%arg7 : memref<128x128xf32, #tpu.memory_space<vmem>>) dst(%dma_wait3A_184 : memref<10112x128xf32, #tpu.memory_space<vmem_shared>>)
      %add3A_187 = arith.constant 8 : i32
      %add3A_188 = arith.addi %add3A_177, %add3A_187 : i32
      %dma_start3A_189 = arith.constant 0 : i32
      %dma_start3A_190 = arith.constant 0 : i32
      %dma_start3A_191 = tpu.memref_slice %arg6[%add3A_188, %dma_start3A_190] : memref<80x128xi32, #tpu.memory_space<vmem>> -> memref<1x128xi32, #tpu.memory_space<vmem>>
      %dma_start3A_192 = tpu.memref_squeeze %dma_start3A_191 : memref<1x128xi32, #tpu.memory_space<vmem>> -> memref<128xi32, #tpu.memory_space<vmem>>
      %dma_start3A_193 = arith.constant 0 : i32
      %dma_start3A_194 = arith.constant 0 : i32
      %dma_start3A_195 = tpu.memref_slice %arg8[%dma_start3A_193, %dma_start3A_194] : memref<10112x128xf32, #tpu.memory_space<vmem_shared>> -> memref<10112x128xf32, #tpu.memory_space<vmem_shared>>
      %dma_start3A_196 = tpu.memref_slice %arg9[%dma_start3A_189] : memref<8x!tpu.dma_semaphore, #tpu.memory_space<semaphore_mem>> -> memref<1x!tpu.dma_semaphore, #tpu.memory_space<semaphore_mem>>
      %dma_start3A_197 = tpu.memref_squeeze %dma_start3A_196 : memref<1x!tpu.dma_semaphore, #tpu.memory_space<semaphore_mem>> -> memref<!tpu.dma_semaphore, #tpu.memory_space<semaphore_mem>>
      tpu.enqueue_indirect_dma source(%arg7 : memref<128x128xf32, #tpu.memory_space<vmem>>) target(%dma_start3A_195 : memref<10112x128xf32, #tpu.memory_space<vmem_shared>>) offsets(%dma_start3A_192 : memref<128xi32, #tpu.memory_space<vmem>>) semaphore(%dma_start3A_197 : memref<!tpu.dma_semaphore, #tpu.memory_space<semaphore_mem>>) {add = true}
      %mul3A_198 = arith.constant 8 : i32
      %mul3A_199 = arith.muli %scan3A_173, %mul3A_198 : i32
      %add3A_200 = arith.constant 1 : i32
      %add3A_201 = arith.addi %mul3A_199, %add3A_200 : i32
      %dma_wait3A_202 = arith.constant 1 : i32
      %dma_wait3A_203 = arith.constant 0 : i32
      %dma_wait3A_204 = tpu.memref_slice %arg6[%add3A_201, %dma_wait3A_203] : memref<80x128xi32, #tpu.memory_space<vmem>> -> memref<1x128xi32, #tpu.memory_space<vmem>>
      %dma_wait3A_205 = tpu.memref_squeeze %dma_wait3A_204 : memref<1x128xi32, #tpu.memory_space<vmem>> -> memref<128xi32, #tpu.memory_space<vmem>>
      %dma_wait3A_206 = arith.constant 0 : i32
      %dma_wait3A_207 = arith.constant 0 : i32
      %dma_wait3A_208 = tpu.memref_slice %arg8[%dma_wait3A_206, %dma_wait3A_207] : memref<10112x128xf32, #tpu.memory_space<vmem_shared>> -> memref<10112x128xf32, #tpu.memory_space<vmem_shared>>
      %dma_wait3A_209 = tpu.memref_slice %arg9[%dma_wait3A_202] : memref<8x!tpu.dma_semaphore, #tpu.memory_space<semaphore_mem>> -> memref<1x!tpu.dma_semaphore, #tpu.memory_space<semaphore_mem>>
      %dma_wait3A_210 = tpu.memref_squeeze %dma_wait3A_209 : memref<1x!tpu.dma_semaphore, #tpu.memory_space<semaphore_mem>> -> memref<!tpu.dma_semaphore, #tpu.memory_space<semaphore_mem>>
      tpu.wait_indirect_dma semaphore(%dma_wait3A_210 : memref<!tpu.dma_semaphore, #tpu.memory_space<semaphore_mem>>) src(%arg7 : memref<128x128xf32, #tpu.memory_space<vmem>>) dst(%dma_wait3A_208 : memref<10112x128xf32, #tpu.memory_space<vmem_shared>>)
      %add3A_211 = arith.constant 8 : i32
      %add3A_212 = arith.addi %add3A_201, %add3A_211 : i32
      %dma_start3A_213 = arith.constant 1 : i32
      %dma_start3A_214 = arith.constant 0 : i32
      %dma_start3A_215 = tpu.memref_slice %arg6[%add3A_212, %dma_start3A_214] : memref<80x128xi32, #tpu.memory_space<vmem>> -> memref<1x128xi32, #tpu.memory_space<vmem>>
      %dma_start3A_216 = tpu.memref_squeeze %dma_start3A_215 : memref<1x128xi32, #tpu.memory_space<vmem>> -> memref<128xi32, #tpu.memory_space<vmem>>
      %dma_start3A_217 = arith.constant 0 : i32
      %dma_start3A_218 = arith.constant 0 : i32
      %dma_start3A_219 = tpu.memref_slice %arg8[%dma_start3A_217, %dma_start3A_218] : memref<10112x128xf32, #tpu.memory_space<vmem_shared>> -> memref<10112x128xf32, #tpu.memory_space<vmem_shared>>
      %dma_start3A_220 = tpu.memref_slice %arg9[%dma_start3A_213] : memref<8x!tpu.dma_semaphore, #tpu.memory_space<semaphore_mem>> -> memref<1x!tpu.dma_semaphore, #tpu.memory_space<semaphore_mem>>
      %dma_start3A_221 = tpu.memref_squeeze %dma_start3A_220 : memref<1x!tpu.dma_semaphore, #tpu.memory_space<semaphore_mem>> -> memref<!tpu.dma_semaphore, #tpu.memory_space<semaphore_mem>>
      tpu.enqueue_indirect_dma source(%arg7 : memref<128x128xf32, #tpu.memory_space<vmem>>) target(%dma_start3A_219 : memref<10112x128xf32, #tpu.memory_space<vmem_shared>>) offsets(%dma_start3A_216 : memref<128xi32, #tpu.memory_space<vmem>>) semaphore(%dma_start3A_221 : memref<!tpu.dma_semaphore, #tpu.memory_space<semaphore_mem>>) {add = true}
      %mul3A_222 = arith.constant 8 : i32
      %mul3A_223 = arith.muli %scan3A_173, %mul3A_222 : i32
      %add3A_224 = arith.constant 2 : i32
      %add3A_225 = arith.addi %mul3A_223, %add3A_224 : i32
      %dma_wait3A_226 = arith.constant 2 : i32
      %dma_wait3A_227 = arith.constant 0 : i32
      %dma_wait3A_228 = tpu.memref_slice %arg6[%add3A_225, %dma_wait3A_227] : memref<80x128xi32, #tpu.memory_space<vmem>> -> memref<1x128xi32, #tpu.memory_space<vmem>>
      %dma_wait3A_229 = tpu.memref_squeeze %dma_wait3A_228 : memref<1x128xi32, #tpu.memory_space<vmem>> -> memref<128xi32, #tpu.memory_space<vmem>>
      %dma_wait3A_230 = arith.constant 0 : i32
      %dma_wait3A_231 = arith.constant 0 : i32
      %dma_wait3A_232 = tpu.memref_slice %arg8[%dma_wait3A_230, %dma_wait3A_231] : memref<10112x128xf32, #tpu.memory_space<vmem_shared>> -> memref<10112x128xf32, #tpu.memory_space<vmem_shared>>
      %dma_wait3A_233 = tpu.memref_slice %arg9[%dma_wait3A_226] : memref<8x!tpu.dma_semaphore, #tpu.memory_space<semaphore_mem>> -> memref<1x!tpu.dma_semaphore, #tpu.memory_space<semaphore_mem>>
      %dma_wait3A_234 = tpu.memref_squeeze %dma_wait3A_233 : memref<1x!tpu.dma_semaphore, #tpu.memory_space<semaphore_mem>> -> memref<!tpu.dma_semaphore, #tpu.memory_space<semaphore_mem>>
      tpu.wait_indirect_dma semaphore(%dma_wait3A_234 : memref<!tpu.dma_semaphore, #tpu.memory_space<semaphore_mem>>) src(%arg7 : memref<128x128xf32, #tpu.memory_space<vmem>>) dst(%dma_wait3A_232 : memref<10112x128xf32, #tpu.memory_space<vmem_shared>>)
      %add3A_235 = arith.constant 8 : i32
      %add3A_236 = arith.addi %add3A_225, %add3A_235 : i32
      %dma_start3A_237 = arith.constant 2 : i32
      %dma_start3A_238 = arith.constant 0 : i32
      %dma_start3A_239 = tpu.memref_slice %arg6[%add3A_236, %dma_start3A_238] : memref<80x128xi32, #tpu.memory_space<vmem>> -> memref<1x128xi32, #tpu.memory_space<vmem>>
      %dma_start3A_240 = tpu.memref_squeeze %dma_start3A_239 : memref<1x128xi32, #tpu.memory_space<vmem>> -> memref<128xi32, #tpu.memory_space<vmem>>
      %dma_start3A_241 = arith.constant 0 : i32
      %dma_start3A_242 = arith.constant 0 : i32
      %dma_start3A_243 = tpu.memref_slice %arg8[%dma_start3A_241, %dma_start3A_242] : memref<10112x128xf32, #tpu.memory_space<vmem_shared>> -> memref<10112x128xf32, #tpu.memory_space<vmem_shared>>
      %dma_start3A_244 = tpu.memref_slice %arg9[%dma_start3A_237] : memref<8x!tpu.dma_semaphore, #tpu.memory_space<semaphore_mem>> -> memref<1x!tpu.dma_semaphore, #tpu.memory_space<semaphore_mem>>
      %dma_start3A_245 = tpu.memref_squeeze %dma_start3A_244 : memref<1x!tpu.dma_semaphore, #tpu.memory_space<semaphore_mem>> -> memref<!tpu.dma_semaphore, #tpu.memory_space<semaphore_mem>>
      tpu.enqueue_indirect_dma source(%arg7 : memref<128x128xf32, #tpu.memory_space<vmem>>) target(%dma_start3A_243 : memref<10112x128xf32, #tpu.memory_space<vmem_shared>>) offsets(%dma_start3A_240 : memref<128xi32, #tpu.memory_space<vmem>>) semaphore(%dma_start3A_245 : memref<!tpu.dma_semaphore, #tpu.memory_space<semaphore_mem>>) {add = true}
      %mul3A_246 = arith.constant 8 : i32
      %mul3A_247 = arith.muli %scan3A_173, %mul3A_246 : i32
      %add3A_248 = arith.constant 3 : i32
      %add3A_249 = arith.addi %mul3A_247, %add3A_248 : i32
      %dma_wait3A_250 = arith.constant 3 : i32
      %dma_wait3A_251 = arith.constant 0 : i32
      %dma_wait3A_252 = tpu.memref_slice %arg6[%add3A_249, %dma_wait3A_251] : memref<80x128xi32, #tpu.memory_space<vmem>> -> memref<1x128xi32, #tpu.memory_space<vmem>>
      %dma_wait3A_253 = tpu.memref_squeeze %dma_wait3A_252 : memref<1x128xi32, #tpu.memory_space<vmem>> -> memref<128xi32, #tpu.memory_space<vmem>>
      %dma_wait3A_254 = arith.constant 0 : i32
      %dma_wait3A_255 = arith.constant 0 : i32
      %dma_wait3A_256 = tpu.memref_slice %arg8[%dma_wait3A_254, %dma_wait3A_255] : memref<10112x128xf32, #tpu.memory_space<vmem_shared>> -> memref<10112x128xf32, #tpu.memory_space<vmem_shared>>
      %dma_wait3A_257 = tpu.memref_slice %arg9[%dma_wait3A_250] : memref<8x!tpu.dma_semaphore, #tpu.memory_space<semaphore_mem>> -> memref<1x!tpu.dma_semaphore, #tpu.memory_space<semaphore_mem>>
      %dma_wait3A_258 = tpu.memref_squeeze %dma_wait3A_257 : memref<1x!tpu.dma_semaphore, #tpu.memory_space<semaphore_mem>> -> memref<!tpu.dma_semaphore, #tpu.memory_space<semaphore_mem>>
      tpu.wait_indirect_dma semaphore(%dma_wait3A_258 : memref<!tpu.dma_semaphore, #tpu.memory_space<semaphore_mem>>) src(%arg7 : memref<128x128xf32, #tpu.memory_space<vmem>>) dst(%dma_wait3A_256 : memref<10112x128xf32, #tpu.memory_space<vmem_shared>>)
      %add3A_259 = arith.constant 8 : i32
      %add3A_260 = arith.addi %add3A_249, %add3A_259 : i32
      %dma_start3A_261 = arith.constant 3 : i32
      %dma_start3A_262 = arith.constant 0 : i32
      %dma_start3A_263 = tpu.memref_slice %arg6[%add3A_260, %dma_start3A_262] : memref<80x128xi32, #tpu.memory_space<vmem>> -> memref<1x128xi32, #tpu.memory_space<vmem>>
      %dma_start3A_264 = tpu.memref_squeeze %dma_start3A_263 : memref<1x128xi32, #tpu.memory_space<vmem>> -> memref<128xi32, #tpu.memory_space<vmem>>
      %dma_start3A_265 = arith.constant 0 : i32
      %dma_start3A_266 = arith.constant 0 : i32
      %dma_start3A_267 = tpu.memref_slice %arg8[%dma_start3A_265, %dma_start3A_266] : memref<10112x128xf32, #tpu.memory_space<vmem_shared>> -> memref<10112x128xf32, #tpu.memory_space<vmem_shared>>
      %dma_start3A_268 = tpu.memref_slice %arg9[%dma_start3A_261] : memref<8x!tpu.dma_semaphore, #tpu.memory_space<semaphore_mem>> -> memref<1x!tpu.dma_semaphore, #tpu.memory_space<semaphore_mem>>
      %dma_start3A_269 = tpu.memref_squeeze %dma_start3A_268 : memref<1x!tpu.dma_semaphore, #tpu.memory_space<semaphore_mem>> -> memref<!tpu.dma_semaphore, #tpu.memory_space<semaphore_mem>>
      tpu.enqueue_indirect_dma source(%arg7 : memref<128x128xf32, #tpu.memory_space<vmem>>) target(%dma_start3A_267 : memref<10112x128xf32, #tpu.memory_space<vmem_shared>>) offsets(%dma_start3A_264 : memref<128xi32, #tpu.memory_space<vmem>>) semaphore(%dma_start3A_269 : memref<!tpu.dma_semaphore, #tpu.memory_space<semaphore_mem>>) {add = true}
      %mul3A_270 = arith.constant 8 : i32
      %mul3A_271 = arith.muli %scan3A_173, %mul3A_270 : i32
      %add3A_272 = arith.constant 4 : i32
      %add3A_273 = arith.addi %mul3A_271, %add3A_272 : i32
      %dma_wait3A_274 = arith.constant 4 : i32
      %dma_wait3A_275 = arith.constant 0 : i32
      %dma_wait3A_276 = tpu.memref_slice %arg6[%add3A_273, %dma_wait3A_275] : memref<80x128xi32, #tpu.memory_space<vmem>> -> memref<1x128xi32, #tpu.memory_space<vmem>>
      %dma_wait3A_277 = tpu.memref_squeeze %dma_wait3A_276 : memref<1x128xi32, #tpu.memory_space<vmem>> -> memref<128xi32, #tpu.memory_space<vmem>>
      %dma_wait3A_278 = arith.constant 0 : i32
      %dma_wait3A_279 = arith.constant 0 : i32
      %dma_wait3A_280 = tpu.memref_slice %arg8[%dma_wait3A_278, %dma_wait3A_279] : memref<10112x128xf32, #tpu.memory_space<vmem_shared>> -> memref<10112x128xf32, #tpu.memory_space<vmem_shared>>
      %dma_wait3A_281 = tpu.memref_slice %arg9[%dma_wait3A_274] : memref<8x!tpu.dma_semaphore, #tpu.memory_space<semaphore_mem>> -> memref<1x!tpu.dma_semaphore, #tpu.memory_space<semaphore_mem>>
      %dma_wait3A_282 = tpu.memref_squeeze %dma_wait3A_281 : memref<1x!tpu.dma_semaphore, #tpu.memory_space<semaphore_mem>> -> memref<!tpu.dma_semaphore, #tpu.memory_space<semaphore_mem>>
      tpu.wait_indirect_dma semaphore(%dma_wait3A_282 : memref<!tpu.dma_semaphore, #tpu.memory_space<semaphore_mem>>) src(%arg7 : memref<128x128xf32, #tpu.memory_space<vmem>>) dst(%dma_wait3A_280 : memref<10112x128xf32, #tpu.memory_space<vmem_shared>>)
      %add3A_283 = arith.constant 8 : i32
      %add3A_284 = arith.addi %add3A_273, %add3A_283 : i32
      %dma_start3A_285 = arith.constant 4 : i32
      %dma_start3A_286 = arith.constant 0 : i32
      %dma_start3A_287 = tpu.memref_slice %arg6[%add3A_284, %dma_start3A_286] : memref<80x128xi32, #tpu.memory_space<vmem>> -> memref<1x128xi32, #tpu.memory_space<vmem>>
      %dma_start3A_288 = tpu.memref_squeeze %dma_start3A_287 : memref<1x128xi32, #tpu.memory_space<vmem>> -> memref<128xi32, #tpu.memory_space<vmem>>
      %dma_start3A_289 = arith.constant 0 : i32
      %dma_start3A_290 = arith.constant 0 : i32
      %dma_start3A_291 = tpu.memref_slice %arg8[%dma_start3A_289, %dma_start3A_290] : memref<10112x128xf32, #tpu.memory_space<vmem_shared>> -> memref<10112x128xf32, #tpu.memory_space<vmem_shared>>
      %dma_start3A_292 = tpu.memref_slice %arg9[%dma_start3A_285] : memref<8x!tpu.dma_semaphore, #tpu.memory_space<semaphore_mem>> -> memref<1x!tpu.dma_semaphore, #tpu.memory_space<semaphore_mem>>
      %dma_start3A_293 = tpu.memref_squeeze %dma_start3A_292 : memref<1x!tpu.dma_semaphore, #tpu.memory_space<semaphore_mem>> -> memref<!tpu.dma_semaphore, #tpu.memory_space<semaphore_mem>>
      tpu.enqueue_indirect_dma source(%arg7 : memref<128x128xf32, #tpu.memory_space<vmem>>) target(%dma_start3A_291 : memref<10112x128xf32, #tpu.memory_space<vmem_shared>>) offsets(%dma_start3A_288 : memref<128xi32, #tpu.memory_space<vmem>>) semaphore(%dma_start3A_293 : memref<!tpu.dma_semaphore, #tpu.memory_space<semaphore_mem>>) {add = true}
      %mul3A_294 = arith.constant 8 : i32
      %mul3A_295 = arith.muli %scan3A_173, %mul3A_294 : i32
      %add3A_296 = arith.constant 5 : i32
      %add3A_297 = arith.addi %mul3A_295, %add3A_296 : i32
      %dma_wait3A_298 = arith.constant 5 : i32
      %dma_wait3A_299 = arith.constant 0 : i32
      %dma_wait3A_300 = tpu.memref_slice %arg6[%add3A_297, %dma_wait3A_299] : memref<80x128xi32, #tpu.memory_space<vmem>> -> memref<1x128xi32, #tpu.memory_space<vmem>>
      %dma_wait3A_301 = tpu.memref_squeeze %dma_wait3A_300 : memref<1x128xi32, #tpu.memory_space<vmem>> -> memref<128xi32, #tpu.memory_space<vmem>>
      %dma_wait3A_302 = arith.constant 0 : i32
      %dma_wait3A_303 = arith.constant 0 : i32
      %dma_wait3A_304 = tpu.memref_slice %arg8[%dma_wait3A_302, %dma_wait3A_303] : memref<10112x128xf32, #tpu.memory_space<vmem_shared>> -> memref<10112x128xf32, #tpu.memory_space<vmem_shared>>
      %dma_wait3A_305 = tpu.memref_slice %arg9[%dma_wait3A_298] : memref<8x!tpu.dma_semaphore, #tpu.memory_space<semaphore_mem>> -> memref<1x!tpu.dma_semaphore, #tpu.memory_space<semaphore_mem>>
      %dma_wait3A_306 = tpu.memref_squeeze %dma_wait3A_305 : memref<1x!tpu.dma_semaphore, #tpu.memory_space<semaphore_mem>> -> memref<!tpu.dma_semaphore, #tpu.memory_space<semaphore_mem>>
      tpu.wait_indirect_dma semaphore(%dma_wait3A_306 : memref<!tpu.dma_semaphore, #tpu.memory_space<semaphore_mem>>) src(%arg7 : memref<128x128xf32, #tpu.memory_space<vmem>>) dst(%dma_wait3A_304 : memref<10112x128xf32, #tpu.memory_space<vmem_shared>>)
      %add3A_307 = arith.constant 8 : i32
      %add3A_308 = arith.addi %add3A_297, %add3A_307 : i32
      %dma_start3A_309 = arith.constant 5 : i32
      %dma_start3A_310 = arith.constant 0 : i32
      %dma_start3A_311 = tpu.memref_slice %arg6[%add3A_308, %dma_start3A_310] : memref<80x128xi32, #tpu.memory_space<vmem>> -> memref<1x128xi32, #tpu.memory_space<vmem>>
      %dma_start3A_312 = tpu.memref_squeeze %dma_start3A_311 : memref<1x128xi32, #tpu.memory_space<vmem>> -> memref<128xi32, #tpu.memory_space<vmem>>
      %dma_start3A_313 = arith.constant 0 : i32
      %dma_start3A_314 = arith.constant 0 : i32
      %dma_start3A_315 = tpu.memref_slice %arg8[%dma_start3A_313, %dma_start3A_314] : memref<10112x128xf32, #tpu.memory_space<vmem_shared>> -> memref<10112x128xf32, #tpu.memory_space<vmem_shared>>
      %dma_start3A_316 = tpu.memref_slice %arg9[%dma_start3A_309] : memref<8x!tpu.dma_semaphore, #tpu.memory_space<semaphore_mem>> -> memref<1x!tpu.dma_semaphore, #tpu.memory_space<semaphore_mem>>
      %dma_start3A_317 = tpu.memref_squeeze %dma_start3A_316 : memref<1x!tpu.dma_semaphore, #tpu.memory_space<semaphore_mem>> -> memref<!tpu.dma_semaphore, #tpu.memory_space<semaphore_mem>>
      tpu.enqueue_indirect_dma source(%arg7 : memref<128x128xf32, #tpu.memory_space<vmem>>) target(%dma_start3A_315 : memref<10112x128xf32, #tpu.memory_space<vmem_shared>>) offsets(%dma_start3A_312 : memref<128xi32, #tpu.memory_space<vmem>>) semaphore(%dma_start3A_317 : memref<!tpu.dma_semaphore, #tpu.memory_space<semaphore_mem>>) {add = true}
      %mul3A_318 = arith.constant 8 : i32
      %mul3A_319 = arith.muli %scan3A_173, %mul3A_318 : i32
      %add3A_320 = arith.constant 6 : i32
      %add3A_321 = arith.addi %mul3A_319, %add3A_320 : i32
      %dma_wait3A_322 = arith.constant 6 : i32
      %dma_wait3A_323 = arith.constant 0 : i32
      %dma_wait3A_324 = tpu.memref_slice %arg6[%add3A_321, %dma_wait3A_323] : memref<80x128xi32, #tpu.memory_space<vmem>> -> memref<1x128xi32, #tpu.memory_space<vmem>>
      %dma_wait3A_325 = tpu.memref_squeeze %dma_wait3A_324 : memref<1x128xi32, #tpu.memory_space<vmem>> -> memref<128xi32, #tpu.memory_space<vmem>>
      %dma_wait3A_326 = arith.constant 0 : i32
      %dma_wait3A_327 = arith.constant 0 : i32
      %dma_wait3A_328 = tpu.memref_slice %arg8[%dma_wait3A_326, %dma_wait3A_327] : memref<10112x128xf32, #tpu.memory_space<vmem_shared>> -> memref<10112x128xf32, #tpu.memory_space<vmem_shared>>
      %dma_wait3A_329 = tpu.memref_slice %arg9[%dma_wait3A_322] : memref<8x!tpu.dma_semaphore, #tpu.memory_space<semaphore_mem>> -> memref<1x!tpu.dma_semaphore, #tpu.memory_space<semaphore_mem>>
      %dma_wait3A_330 = tpu.memref_squeeze %dma_wait3A_329 : memref<1x!tpu.dma_semaphore, #tpu.memory_space<semaphore_mem>> -> memref<!tpu.dma_semaphore, #tpu.memory_space<semaphore_mem>>
      tpu.wait_indirect_dma semaphore(%dma_wait3A_330 : memref<!tpu.dma_semaphore, #tpu.memory_space<semaphore_mem>>) src(%arg7 : memref<128x128xf32, #tpu.memory_space<vmem>>) dst(%dma_wait3A_328 : memref<10112x128xf32, #tpu.memory_space<vmem_shared>>)
      %add3A_331 = arith.constant 8 : i32
      %add3A_332 = arith.addi %add3A_321, %add3A_331 : i32
      %dma_start3A_333 = arith.constant 6 : i32
      %dma_start3A_334 = arith.constant 0 : i32
      %dma_start3A_335 = tpu.memref_slice %arg6[%add3A_332, %dma_start3A_334] : memref<80x128xi32, #tpu.memory_space<vmem>> -> memref<1x128xi32, #tpu.memory_space<vmem>>
      %dma_start3A_336 = tpu.memref_squeeze %dma_start3A_335 : memref<1x128xi32, #tpu.memory_space<vmem>> -> memref<128xi32, #tpu.memory_space<vmem>>
      %dma_start3A_337 = arith.constant 0 : i32
      %dma_start3A_338 = arith.constant 0 : i32
      %dma_start3A_339 = tpu.memref_slice %arg8[%dma_start3A_337, %dma_start3A_338] : memref<10112x128xf32, #tpu.memory_space<vmem_shared>> -> memref<10112x128xf32, #tpu.memory_space<vmem_shared>>
      %dma_start3A_340 = tpu.memref_slice %arg9[%dma_start3A_333] : memref<8x!tpu.dma_semaphore, #tpu.memory_space<semaphore_mem>> -> memref<1x!tpu.dma_semaphore, #tpu.memory_space<semaphore_mem>>
      %dma_start3A_341 = tpu.memref_squeeze %dma_start3A_340 : memref<1x!tpu.dma_semaphore, #tpu.memory_space<semaphore_mem>> -> memref<!tpu.dma_semaphore, #tpu.memory_space<semaphore_mem>>
      tpu.enqueue_indirect_dma source(%arg7 : memref<128x128xf32, #tpu.memory_space<vmem>>) target(%dma_start3A_339 : memref<10112x128xf32, #tpu.memory_space<vmem_shared>>) offsets(%dma_start3A_336 : memref<128xi32, #tpu.memory_space<vmem>>) semaphore(%dma_start3A_341 : memref<!tpu.dma_semaphore, #tpu.memory_space<semaphore_mem>>) {add = true}
      %mul3A_342 = arith.constant 8 : i32
      %mul3A_343 = arith.muli %scan3A_173, %mul3A_342 : i32
      %add3A_344 = arith.constant 7 : i32
      %add3A_345 = arith.addi %mul3A_343, %add3A_344 : i32
      %dma_wait3A_346 = arith.constant 7 : i32
      %dma_wait3A_347 = arith.constant 0 : i32
      %dma_wait3A_348 = tpu.memref_slice %arg6[%add3A_345, %dma_wait3A_347] : memref<80x128xi32, #tpu.memory_space<vmem>> -> memref<1x128xi32, #tpu.memory_space<vmem>>
      %dma_wait3A_349 = tpu.memref_squeeze %dma_wait3A_348 : memref<1x128xi32, #tpu.memory_space<vmem>> -> memref<128xi32, #tpu.memory_space<vmem>>
      %dma_wait3A_350 = arith.constant 0 : i32
      %dma_wait3A_351 = arith.constant 0 : i32
      %dma_wait3A_352 = tpu.memref_slice %arg8[%dma_wait3A_350, %dma_wait3A_351] : memref<10112x128xf32, #tpu.memory_space<vmem_shared>> -> memref<10112x128xf32, #tpu.memory_space<vmem_shared>>
      %dma_wait3A_353 = tpu.memref_slice %arg9[%dma_wait3A_346] : memref<8x!tpu.dma_semaphore, #tpu.memory_space<semaphore_mem>> -> memref<1x!tpu.dma_semaphore, #tpu.memory_space<semaphore_mem>>
      %dma_wait3A_354 = tpu.memref_squeeze %dma_wait3A_353 : memref<1x!tpu.dma_semaphore, #tpu.memory_space<semaphore_mem>> -> memref<!tpu.dma_semaphore, #tpu.memory_space<semaphore_mem>>
      tpu.wait_indirect_dma semaphore(%dma_wait3A_354 : memref<!tpu.dma_semaphore, #tpu.memory_space<semaphore_mem>>) src(%arg7 : memref<128x128xf32, #tpu.memory_space<vmem>>) dst(%dma_wait3A_352 : memref<10112x128xf32, #tpu.memory_space<vmem_shared>>)
      %add3A_355 = arith.constant 8 : i32
      %add3A_356 = arith.addi %add3A_345, %add3A_355 : i32
      %dma_start3A_357 = arith.constant 7 : i32
      %dma_start3A_358 = arith.constant 0 : i32
      %dma_start3A_359 = tpu.memref_slice %arg6[%add3A_356, %dma_start3A_358] : memref<80x128xi32, #tpu.memory_space<vmem>> -> memref<1x128xi32, #tpu.memory_space<vmem>>
      %dma_start3A_360 = tpu.memref_squeeze %dma_start3A_359 : memref<1x128xi32, #tpu.memory_space<vmem>> -> memref<128xi32, #tpu.memory_space<vmem>>
      %dma_start3A_361 = arith.constant 0 : i32
      %dma_start3A_362 = arith.constant 0 : i32
      %dma_start3A_363 = tpu.memref_slice %arg8[%dma_start3A_361, %dma_start3A_362] : memref<10112x128xf32, #tpu.memory_space<vmem_shared>> -> memref<10112x128xf32, #tpu.memory_space<vmem_shared>>
      %dma_start3A_364 = tpu.memref_slice %arg9[%dma_start3A_357] : memref<8x!tpu.dma_semaphore, #tpu.memory_space<semaphore_mem>> -> memref<1x!tpu.dma_semaphore, #tpu.memory_space<semaphore_mem>>
      %dma_start3A_365 = tpu.memref_squeeze %dma_start3A_364 : memref<1x!tpu.dma_semaphore, #tpu.memory_space<semaphore_mem>> -> memref<!tpu.dma_semaphore, #tpu.memory_space<semaphore_mem>>
      tpu.enqueue_indirect_dma source(%arg7 : memref<128x128xf32, #tpu.memory_space<vmem>>) target(%dma_start3A_363 : memref<10112x128xf32, #tpu.memory_space<vmem_shared>>) offsets(%dma_start3A_360 : memref<128xi32, #tpu.memory_space<vmem>>) semaphore(%dma_start3A_365 : memref<!tpu.dma_semaphore, #tpu.memory_space<semaphore_mem>>) {add = true}
    }
    %scan3A_88 = arith.constant 9 : i32
    %dma_wait3A = arith.constant 72 : i32
    %dma_wait3A_89 = arith.constant 0 : i32
    %dma_wait3A_90 = arith.constant 0 : i32
    %dma_wait3A_91 = tpu.memref_slice %arg6[%dma_wait3A, %dma_wait3A_90] : memref<80x128xi32, #tpu.memory_space<vmem>> -> memref<1x128xi32, #tpu.memory_space<vmem>>
    %dma_wait3A_92 = tpu.memref_squeeze %dma_wait3A_91 : memref<1x128xi32, #tpu.memory_space<vmem>> -> memref<128xi32, #tpu.memory_space<vmem>>
    %dma_wait3A_93 = arith.constant 0 : i32
    %dma_wait3A_94 = arith.constant 0 : i32
    %dma_wait3A_95 = tpu.memref_slice %arg8[%dma_wait3A_93, %dma_wait3A_94] : memref<10112x128xf32, #tpu.memory_space<vmem_shared>> -> memref<10112x128xf32, #tpu.memory_space<vmem_shared>>
    %dma_wait3A_96 = tpu.memref_slice %arg9[%dma_wait3A_89] : memref<8x!tpu.dma_semaphore, #tpu.memory_space<semaphore_mem>> -> memref<1x!tpu.dma_semaphore, #tpu.memory_space<semaphore_mem>>
    %dma_wait3A_97 = tpu.memref_squeeze %dma_wait3A_96 : memref<1x!tpu.dma_semaphore, #tpu.memory_space<semaphore_mem>> -> memref<!tpu.dma_semaphore, #tpu.memory_space<semaphore_mem>>
    tpu.wait_indirect_dma semaphore(%dma_wait3A_97 : memref<!tpu.dma_semaphore, #tpu.memory_space<semaphore_mem>>) src(%arg7 : memref<128x128xf32, #tpu.memory_space<vmem>>) dst(%dma_wait3A_95 : memref<10112x128xf32, #tpu.memory_space<vmem_shared>>)
    %dma_wait3A_98 = arith.constant 73 : i32
    %dma_wait3A_99 = arith.constant 1 : i32
    %dma_wait3A_100 = arith.constant 0 : i32
    %dma_wait3A_101 = tpu.memref_slice %arg6[%dma_wait3A_98, %dma_wait3A_100] : memref<80x128xi32, #tpu.memory_space<vmem>> -> memref<1x128xi32, #tpu.memory_space<vmem>>
    %dma_wait3A_102 = tpu.memref_squeeze %dma_wait3A_101 : memref<1x128xi32, #tpu.memory_space<vmem>> -> memref<128xi32, #tpu.memory_space<vmem>>
    %dma_wait3A_103 = arith.constant 0 : i32
    %dma_wait3A_104 = arith.constant 0 : i32
    %dma_wait3A_105 = tpu.memref_slice %arg8[%dma_wait3A_103, %dma_wait3A_104] : memref<10112x128xf32, #tpu.memory_space<vmem_shared>> -> memref<10112x128xf32, #tpu.memory_space<vmem_shared>>
    %dma_wait3A_106 = tpu.memref_slice %arg9[%dma_wait3A_99] : memref<8x!tpu.dma_semaphore, #tpu.memory_space<semaphore_mem>> -> memref<1x!tpu.dma_semaphore, #tpu.memory_space<semaphore_mem>>
    %dma_wait3A_107 = tpu.memref_squeeze %dma_wait3A_106 : memref<1x!tpu.dma_semaphore, #tpu.memory_space<semaphore_mem>> -> memref<!tpu.dma_semaphore, #tpu.memory_space<semaphore_mem>>
    tpu.wait_indirect_dma semaphore(%dma_wait3A_107 : memref<!tpu.dma_semaphore, #tpu.memory_space<semaphore_mem>>) src(%arg7 : memref<128x128xf32, #tpu.memory_space<vmem>>) dst(%dma_wait3A_105 : memref<10112x128xf32, #tpu.memory_space<vmem_shared>>)
    %dma_wait3A_108 = arith.constant 74 : i32
    %dma_wait3A_109 = arith.constant 2 : i32
    %dma_wait3A_110 = arith.constant 0 : i32
    %dma_wait3A_111 = tpu.memref_slice %arg6[%dma_wait3A_108, %dma_wait3A_110] : memref<80x128xi32, #tpu.memory_space<vmem>> -> memref<1x128xi32, #tpu.memory_space<vmem>>
    %dma_wait3A_112 = tpu.memref_squeeze %dma_wait3A_111 : memref<1x128xi32, #tpu.memory_space<vmem>> -> memref<128xi32, #tpu.memory_space<vmem>>
    %dma_wait3A_113 = arith.constant 0 : i32
    %dma_wait3A_114 = arith.constant 0 : i32
    %dma_wait3A_115 = tpu.memref_slice %arg8[%dma_wait3A_113, %dma_wait3A_114] : memref<10112x128xf32, #tpu.memory_space<vmem_shared>> -> memref<10112x128xf32, #tpu.memory_space<vmem_shared>>
    %dma_wait3A_116 = tpu.memref_slice %arg9[%dma_wait3A_109] : memref<8x!tpu.dma_semaphore, #tpu.memory_space<semaphore_mem>> -> memref<1x!tpu.dma_semaphore, #tpu.memory_space<semaphore_mem>>
    %dma_wait3A_117 = tpu.memref_squeeze %dma_wait3A_116 : memref<1x!tpu.dma_semaphore, #tpu.memory_space<semaphore_mem>> -> memref<!tpu.dma_semaphore, #tpu.memory_space<semaphore_mem>>
    tpu.wait_indirect_dma semaphore(%dma_wait3A_117 : memref<!tpu.dma_semaphore, #tpu.memory_space<semaphore_mem>>) src(%arg7 : memref<128x128xf32, #tpu.memory_space<vmem>>) dst(%dma_wait3A_115 : memref<10112x128xf32, #tpu.memory_space<vmem_shared>>)
    %dma_wait3A_118 = arith.constant 75 : i32
    %dma_wait3A_119 = arith.constant 3 : i32
    %dma_wait3A_120 = arith.constant 0 : i32
    %dma_wait3A_121 = tpu.memref_slice %arg6[%dma_wait3A_118, %dma_wait3A_120] : memref<80x128xi32, #tpu.memory_space<vmem>> -> memref<1x128xi32, #tpu.memory_space<vmem>>
    %dma_wait3A_122 = tpu.memref_squeeze %dma_wait3A_121 : memref<1x128xi32, #tpu.memory_space<vmem>> -> memref<128xi32, #tpu.memory_space<vmem>>
    %dma_wait3A_123 = arith.constant 0 : i32
    %dma_wait3A_124 = arith.constant 0 : i32
    %dma_wait3A_125 = tpu.memref_slice %arg8[%dma_wait3A_123, %dma_wait3A_124] : memref<10112x128xf32, #tpu.memory_space<vmem_shared>> -> memref<10112x128xf32, #tpu.memory_space<vmem_shared>>
    %dma_wait3A_126 = tpu.memref_slice %arg9[%dma_wait3A_119] : memref<8x!tpu.dma_semaphore, #tpu.memory_space<semaphore_mem>> -> memref<1x!tpu.dma_semaphore, #tpu.memory_space<semaphore_mem>>
    %dma_wait3A_127 = tpu.memref_squeeze %dma_wait3A_126 : memref<1x!tpu.dma_semaphore, #tpu.memory_space<semaphore_mem>> -> memref<!tpu.dma_semaphore, #tpu.memory_space<semaphore_mem>>
    tpu.wait_indirect_dma semaphore(%dma_wait3A_127 : memref<!tpu.dma_semaphore, #tpu.memory_space<semaphore_mem>>) src(%arg7 : memref<128x128xf32, #tpu.memory_space<vmem>>) dst(%dma_wait3A_125 : memref<10112x128xf32, #tpu.memory_space<vmem_shared>>)
    %dma_wait3A_128 = arith.constant 76 : i32
    %dma_wait3A_129 = arith.constant 4 : i32
    %dma_wait3A_130 = arith.constant 0 : i32
    %dma_wait3A_131 = tpu.memref_slice %arg6[%dma_wait3A_128, %dma_wait3A_130] : memref<80x128xi32, #tpu.memory_space<vmem>> -> memref<1x128xi32, #tpu.memory_space<vmem>>
    %dma_wait3A_132 = tpu.memref_squeeze %dma_wait3A_131 : memref<1x128xi32, #tpu.memory_space<vmem>> -> memref<128xi32, #tpu.memory_space<vmem>>
    %dma_wait3A_133 = arith.constant 0 : i32
    %dma_wait3A_134 = arith.constant 0 : i32
    %dma_wait3A_135 = tpu.memref_slice %arg8[%dma_wait3A_133, %dma_wait3A_134] : memref<10112x128xf32, #tpu.memory_space<vmem_shared>> -> memref<10112x128xf32, #tpu.memory_space<vmem_shared>>
    %dma_wait3A_136 = tpu.memref_slice %arg9[%dma_wait3A_129] : memref<8x!tpu.dma_semaphore, #tpu.memory_space<semaphore_mem>> -> memref<1x!tpu.dma_semaphore, #tpu.memory_space<semaphore_mem>>
    %dma_wait3A_137 = tpu.memref_squeeze %dma_wait3A_136 : memref<1x!tpu.dma_semaphore, #tpu.memory_space<semaphore_mem>> -> memref<!tpu.dma_semaphore, #tpu.memory_space<semaphore_mem>>
    tpu.wait_indirect_dma semaphore(%dma_wait3A_137 : memref<!tpu.dma_semaphore, #tpu.memory_space<semaphore_mem>>) src(%arg7 : memref<128x128xf32, #tpu.memory_space<vmem>>) dst(%dma_wait3A_135 : memref<10112x128xf32, #tpu.memory_space<vmem_shared>>)
    %dma_wait3A_138 = arith.constant 77 : i32
    %dma_wait3A_139 = arith.constant 5 : i32
    %dma_wait3A_140 = arith.constant 0 : i32
    %dma_wait3A_141 = tpu.memref_slice %arg6[%dma_wait3A_138, %dma_wait3A_140] : memref<80x128xi32, #tpu.memory_space<vmem>> -> memref<1x128xi32, #tpu.memory_space<vmem>>
    %dma_wait3A_142 = tpu.memref_squeeze %dma_wait3A_141 : memref<1x128xi32, #tpu.memory_space<vmem>> -> memref<128xi32, #tpu.memory_space<vmem>>
    %dma_wait3A_143 = arith.constant 0 : i32
    %dma_wait3A_144 = arith.constant 0 : i32
    %dma_wait3A_145 = tpu.memref_slice %arg8[%dma_wait3A_143, %dma_wait3A_144] : memref<10112x128xf32, #tpu.memory_space<vmem_shared>> -> memref<10112x128xf32, #tpu.memory_space<vmem_shared>>
    %dma_wait3A_146 = tpu.memref_slice %arg9[%dma_wait3A_139] : memref<8x!tpu.dma_semaphore, #tpu.memory_space<semaphore_mem>> -> memref<1x!tpu.dma_semaphore, #tpu.memory_space<semaphore_mem>>
    %dma_wait3A_147 = tpu.memref_squeeze %dma_wait3A_146 : memref<1x!tpu.dma_semaphore, #tpu.memory_space<semaphore_mem>> -> memref<!tpu.dma_semaphore, #tpu.memory_space<semaphore_mem>>
    tpu.wait_indirect_dma semaphore(%dma_wait3A_147 : memref<!tpu.dma_semaphore, #tpu.memory_space<semaphore_mem>>) src(%arg7 : memref<128x128xf32, #tpu.memory_space<vmem>>) dst(%dma_wait3A_145 : memref<10112x128xf32, #tpu.memory_space<vmem_shared>>)
    %dma_wait3A_148 = arith.constant 78 : i32
    %dma_wait3A_149 = arith.constant 6 : i32
    %dma_wait3A_150 = arith.constant 0 : i32
    %dma_wait3A_151 = tpu.memref_slice %arg6[%dma_wait3A_148, %dma_wait3A_150] : memref<80x128xi32, #tpu.memory_space<vmem>> -> memref<1x128xi32, #tpu.memory_space<vmem>>
    %dma_wait3A_152 = tpu.memref_squeeze %dma_wait3A_151 : memref<1x128xi32, #tpu.memory_space<vmem>> -> memref<128xi32, #tpu.memory_space<vmem>>
    %dma_wait3A_153 = arith.constant 0 : i32
    %dma_wait3A_154 = arith.constant 0 : i32
    %dma_wait3A_155 = tpu.memref_slice %arg8[%dma_wait3A_153, %dma_wait3A_154] : memref<10112x128xf32, #tpu.memory_space<vmem_shared>> -> memref<10112x128xf32, #tpu.memory_space<vmem_shared>>
    %dma_wait3A_156 = tpu.memref_slice %arg9[%dma_wait3A_149] : memref<8x!tpu.dma_semaphore, #tpu.memory_space<semaphore_mem>> -> memref<1x!tpu.dma_semaphore, #tpu.memory_space<semaphore_mem>>
    %dma_wait3A_157 = tpu.memref_squeeze %dma_wait3A_156 : memref<1x!tpu.dma_semaphore, #tpu.memory_space<semaphore_mem>> -> memref<!tpu.dma_semaphore, #tpu.memory_space<semaphore_mem>>
    tpu.wait_indirect_dma semaphore(%dma_wait3A_157 : memref<!tpu.dma_semaphore, #tpu.memory_space<semaphore_mem>>) src(%arg7 : memref<128x128xf32, #tpu.memory_space<vmem>>) dst(%dma_wait3A_155 : memref<10112x128xf32, #tpu.memory_space<vmem_shared>>)
    %dma_wait3A_158 = arith.constant 79 : i32
    %dma_wait3A_159 = arith.constant 7 : i32
    %dma_wait3A_160 = arith.constant 0 : i32
    %dma_wait3A_161 = tpu.memref_slice %arg6[%dma_wait3A_158, %dma_wait3A_160] : memref<80x128xi32, #tpu.memory_space<vmem>> -> memref<1x128xi32, #tpu.memory_space<vmem>>
    %dma_wait3A_162 = tpu.memref_squeeze %dma_wait3A_161 : memref<1x128xi32, #tpu.memory_space<vmem>> -> memref<128xi32, #tpu.memory_space<vmem>>
    %dma_wait3A_163 = arith.constant 0 : i32
    %dma_wait3A_164 = arith.constant 0 : i32
    %dma_wait3A_165 = tpu.memref_slice %arg8[%dma_wait3A_163, %dma_wait3A_164] : memref<10112x128xf32, #tpu.memory_space<vmem_shared>> -> memref<10112x128xf32, #tpu.memory_space<vmem_shared>>
    %dma_wait3A_166 = tpu.memref_slice %arg9[%dma_wait3A_159] : memref<8x!tpu.dma_semaphore, #tpu.memory_space<semaphore_mem>> -> memref<1x!tpu.dma_semaphore, #tpu.memory_space<semaphore_mem>>
    %dma_wait3A_167 = tpu.memref_squeeze %dma_wait3A_166 : memref<1x!tpu.dma_semaphore, #tpu.memory_space<semaphore_mem>> -> memref<!tpu.dma_semaphore, #tpu.memory_space<semaphore_mem>>
    tpu.wait_indirect_dma semaphore(%dma_wait3A_167 : memref<!tpu.dma_semaphore, #tpu.memory_space<semaphore_mem>>) src(%arg7 : memref<128x128xf32, #tpu.memory_space<vmem>>) dst(%dma_wait3A_165 : memref<10112x128xf32, #tpu.memory_space<vmem_shared>>)
    %barrier3A_168 = arith.constant 0 : index
    tpu.barrier barrier_id(%barrier3A_168)
    %mul3A_169 = arith.constant 632 : i32
    %mul3A_170 = arith.muli %arg1, %mul3A_169 : i32
    %mul3A_171 = arith.constant 632 : i32
    %mul3A_172 = arith.muli %arg1, %mul3A_171 : i32
    "tpu.region"() ({
      %run_scoped3A = tpu.sem_alloc : memref<!tpu.dma_semaphore, #tpu.memory_space<semaphore_mem>>
      %dma_start3A_173 = arith.constant 0 : i32
      %dma_start3A_174 = tpu.memref_slice %arg5[%arg0, %mul3A_172, %dma_start3A_173] : memref<2x10112x128xf32, #tpu.memory_space<hbm>> -> memref<1x632x128xf32, #tpu.memory_space<hbm>>
      %dma_start3A_175 = tpu.memref_squeeze %dma_start3A_174 : memref<1x632x128xf32, #tpu.memory_space<hbm>> -> memref<632x128xf32, #tpu.memory_space<hbm>>
      %dma_start3A_176 = arith.constant 0 : i32
      %dma_start3A_177 = tpu.memref_slice %arg8[%mul3A_170, %dma_start3A_176] : memref<10112x128xf32, #tpu.memory_space<vmem_shared>> -> memref<632x128xf32, #tpu.memory_space<vmem_shared>>
      tpu.enqueue_dma source(%dma_start3A_177 : memref<632x128xf32, #tpu.memory_space<vmem_shared>>) target(%dma_start3A_175 : memref<632x128xf32, #tpu.memory_space<hbm>>) target_semaphore(%run_scoped3A : memref<!tpu.dma_semaphore, #tpu.memory_space<semaphore_mem>>)
      %dma_wait3A_178 = arith.constant 0 : i32
      %dma_wait3A_179 = tpu.memref_slice %arg5[%arg0, %mul3A_172, %dma_wait3A_178] : memref<2x10112x128xf32, #tpu.memory_space<hbm>> -> memref<1x632x128xf32, #tpu.memory_space<hbm>>
      %dma_wait3A_180 = tpu.memref_squeeze %dma_wait3A_179 : memref<1x632x128xf32, #tpu.memory_space<hbm>> -> memref<632x128xf32, #tpu.memory_space<hbm>>
      %dma_wait3A_181 = arith.constant 0 : i32
      %dma_wait3A_182 = tpu.memref_slice %arg8[%mul3A_170, %dma_wait3A_181] : memref<10112x128xf32, #tpu.memory_space<vmem_shared>> -> memref<632x128xf32, #tpu.memory_space<vmem_shared>>
      tpu.wait_dma2 semaphore(%run_scoped3A : memref<!tpu.dma_semaphore, #tpu.memory_space<semaphore_mem>>) src(%dma_wait3A_182 : memref<632x128xf32, #tpu.memory_space<vmem_shared>>) dst(%dma_wait3A_180 : memref<632x128xf32, #tpu.memory_space<hbm>>)
      tpu.yield
    }) : () -> ()
    return
  }
}

module attributes {stable_mosaic.version = 14 : i64} {
  func.func @_tc1_body(%arg0: i32, %arg1: memref<2x2000x128xf32, #tpu.memory_space<vmem>>, %arg2: memref<2000x128xf32, #tpu.memory_space<vmem>>, %arg3: memref<128x128xf32, #tpu.memory_space<vmem>>, %arg4: memref<2000x128xf32, #tpu.memory_space<vmem>>, %arg5: memref<2000x1xf32, #tpu.memory_space<vmem>>) attributes {dimension_semantics = [#tpu.dimension_semantics<arbitrary>], iteration_bounds = array<i64: 5>, scalar_prefetch = 0 : i64, scratch_operands = 0 : i64, tpu.core_type = #tpu.core_type<tc>, window_params = [{transform_indices = @transform_0, window_bounds = array<i64: 2, 2000, 128>}, {transform_indices = @transform_1, window_bounds = array<i64: 2000, 128>}, {pipeline_mode = #tpu.pipeline_mode<synchronous>, transform_indices = @transform_2, window_bounds = array<i64: 128, 128>}, {transform_indices = @transform_3, window_bounds = array<i64: 2000, 128>}, {transform_indices = @transform_4, window_bounds = array<i64: 2000, 1>}]} {
    %get3A = arith.constant 0 : index
    %get3A_0 = arith.constant 0 : index
    %get3A_1 = arith.constant 0 : index
    %get3A_2 = vector.load %arg1[%get3A, %get3A_0, %get3A_1] : memref<2x2000x128xf32, #tpu.memory_space<vmem>>, vector<1x2000x1xf32>
    %get3A_3 = vector.shape_cast %get3A_2 : vector<1x2000x1xf32> to vector<2000x1xf32>
    %get3A_4 = arith.constant 1 : index
    %get3A_5 = arith.constant 0 : index
    %get3A_6 = arith.constant 0 : index
    %get3A_7 = vector.load %arg1[%get3A_4, %get3A_5, %get3A_6] : memref<2x2000x128xf32, #tpu.memory_space<vmem>>, vector<1x2000x1xf32>
    %get3A_8 = vector.shape_cast %get3A_7 : vector<1x2000x1xf32> to vector<2000x1xf32>
    %add3A = arith.addf %get3A_3, %get3A_8 : vector<2000x1xf32>
    %add3A_9 = arith.constant 1.000000e+00 : f32
    %add3A_10 = vector.broadcast %add3A_9 : f32 to vector<2000x1xf32>
    %add3A_11 = arith.addf %add3A, %add3A_10 : vector<2000x1xf32>
    %rsqrt3A = math.rsqrt %add3A_11 : vector<2000x1xf32>
    %get3A_12 = arith.constant 0 : index
    %get3A_13 = arith.constant 0 : index
    %get3A_14 = vector.load %arg2[%get3A_12, %get3A_13] : memref<2000x128xf32, #tpu.memory_space<vmem>>, vector<2000x128xf32>
    %get3A_15 = arith.constant 0 : index
    %get3A_16 = arith.constant 0 : index
    %get3A_17 = vector.load %arg3[%get3A_15, %get3A_16] : memref<128x128xf32, #tpu.memory_space<vmem>>, vector<128x128xf32>
    %dot_general3A = arith.constant dense<0.000000e+00> : vector<2000x128xf32>
    %dot_general3A_18 = tpu.matmul %get3A_14, %get3A_17, %dot_general3A {dimension_numbers = #tpu.dot_dimension_numbers<[1], [0], [0], [1], [0, 0, 1, 1], [], []>, transpose_lhs_hint = false} : vector<2000x128xf32>, vector<128x128xf32>, vector<2000x128xf32> -> vector<2000x128xf32>
    %mul3A = vector.broadcast %rsqrt3A : vector<2000x1xf32> to vector<2000x128xf32>
    %mul3A_19 = arith.mulf %mul3A, %dot_general3A_18 : vector<2000x128xf32>
    %swap3A = arith.constant 0 : index
    %swap3A_20 = arith.constant 0 : index
    %swap3A_21 = vector.load %arg4[%swap3A, %swap3A_20] : memref<2000x128xf32, #tpu.memory_space<vmem>>, vector<2000x128xf32>
    tpu.vector_store %arg4[%swap3A, %swap3A_20], %mul3A_19 {strides = array<i32>} : memref<2000x128xf32, #tpu.memory_space<vmem>>, vector<2000x128xf32>,
    %swap3A_22 = arith.constant 0 : index
    %swap3A_23 = arith.constant 0 : index
    %swap3A_24 = vector.load %arg5[%swap3A_22, %swap3A_23] : memref<2000x1xf32, #tpu.memory_space<vmem>>, vector<2000x1xf32>
    tpu.vector_store %arg5[%swap3A_22, %swap3A_23], %rsqrt3A {strides = array<i32>} : memref<2000x1xf32, #tpu.memory_space<vmem>>, vector<2000x1xf32>,
    return
  }
  func.func @transform_0(%arg0: i32) -> (i32, i32, i32) {
    %c0_i32 = arith.constant 0 : i32
    %c0_i32_0 = arith.constant 0 : i32
    %c0_i32_1 = arith.constant 0 : i32
    return %c0_i32, %arg0, %c0_i32_0 : i32, i32, i32
  }
  func.func @transform_1(%arg0: i32) -> (i32, i32) {
    %c0_i32 = arith.constant 0 : i32
    %c0_i32_0 = arith.constant 0 : i32
    return %arg0, %c0_i32 : i32, i32
  }
  func.func @transform_2(%arg0: i32) -> (i32, i32) {
    %c0_i32 = arith.constant 0 : i32
    %c0_i32_0 = arith.constant 0 : i32
    %c0_i32_1 = arith.constant 0 : i32
    return %c0_i32, %c0_i32_0 : i32, i32
  }
  func.func @transform_3(%arg0: i32) -> (i32, i32) {
    %c0_i32 = arith.constant 0 : i32
    %c0_i32_0 = arith.constant 0 : i32
    return %arg0, %c0_i32 : i32, i32
  }
  func.func @transform_4(%arg0: i32) -> (i32, i32) {
    %c0_i32 = arith.constant 0 : i32
    %c0_i32_0 = arith.constant 0 : i32
    return %arg0, %c0_i32 : i32, i32
  }
}

module attributes {stable_mosaic.version = 14 : i64} {
  func.func @_tc2_body(%arg0: i32, %arg1: memref<2x2000x128xf32, #tpu.memory_space<vmem>>, %arg2: memref<2000x128xf32, #tpu.memory_space<vmem>>, %arg3: memref<2000x1xf32, #tpu.memory_space<vmem>>, %arg4: memref<1x128xf32, #tpu.memory_space<vmem>>, %arg5: memref<128x128xf32, #tpu.memory_space<vmem>>, %arg6: memref<2000x128xf32, #tpu.memory_space<vmem>>) attributes {dimension_semantics = [#tpu.dimension_semantics<arbitrary>], iteration_bounds = array<i64: 5>, scalar_prefetch = 0 : i64, scratch_operands = 0 : i64, tpu.core_type = #tpu.core_type<tc>, window_params = [{transform_indices = @transform_0, window_bounds = array<i64: 2, 2000, 128>}, {transform_indices = @transform_1, window_bounds = array<i64: 2000, 128>}, {transform_indices = @transform_2, window_bounds = array<i64: 2000, 1>}, {pipeline_mode = #tpu.pipeline_mode<synchronous>, transform_indices = @transform_3, window_bounds = array<i64: 1, 128>}, {pipeline_mode = #tpu.pipeline_mode<synchronous>, transform_indices = @transform_4, window_bounds = array<i64: 128, 128>}, {transform_indices = @transform_5, window_bounds = array<i64: 2000, 128>}]} {
    %get3A = arith.constant 0 : index
    %get3A_0 = arith.constant 0 : index
    %get3A_1 = arith.constant 0 : index
    %get3A_2 = vector.load %arg1[%get3A, %get3A_0, %get3A_1] : memref<2x2000x128xf32, #tpu.memory_space<vmem>>, vector<1x2000x128xf32>
    %get3A_3 = vector.shape_cast %get3A_2 : vector<1x2000x128xf32> to vector<2000x128xf32>
    %get3A_4 = arith.constant 1 : index
    %get3A_5 = arith.constant 0 : index
    %get3A_6 = arith.constant 0 : index
    %get3A_7 = vector.load %arg1[%get3A_4, %get3A_5, %get3A_6] : memref<2x2000x128xf32, #tpu.memory_space<vmem>>, vector<1x2000x128xf32>
    %get3A_8 = vector.shape_cast %get3A_7 : vector<1x2000x128xf32> to vector<2000x128xf32>
    %add3A = arith.addf %get3A_3, %get3A_8 : vector<2000x128xf32>
    %get3A_9 = arith.constant 0 : index
    %get3A_10 = arith.constant 0 : index
    %get3A_11 = vector.load %arg2[%get3A_9, %get3A_10] : memref<2000x128xf32, #tpu.memory_space<vmem>>, vector<2000x128xf32>
    %add3A_12 = arith.addf %add3A, %get3A_11 : vector<2000x128xf32>
    %get3A_13 = arith.constant 0 : index
    %get3A_14 = arith.constant 0 : index
    %get3A_15 = vector.load %arg3[%get3A_13, %get3A_14] : memref<2000x1xf32, #tpu.memory_space<vmem>>, vector<2000x1xf32>
    %mul3A = vector.broadcast %get3A_15 : vector<2000x1xf32> to vector<2000x128xf32>
    %mul3A_16 = arith.mulf %mul3A, %add3A_12 : vector<2000x128xf32>
    %get3A_17 = arith.constant 0 : index
    %get3A_18 = arith.constant 0 : index
    %get3A_19 = vector.load %arg4[%get3A_17, %get3A_18] : memref<1x128xf32, #tpu.memory_space<vmem>>, vector<1x128xf32>
    %add3A_20 = vector.broadcast %get3A_19 : vector<1x128xf32> to vector<2000x128xf32>
    %add3A_21 = arith.addf %mul3A_16, %add3A_20 : vector<2000x128xf32>
    %max3A = arith.constant 0.000000e+00 : f32
    %max3A_22 = vector.broadcast %max3A : f32 to vector<2000x128xf32>
    %max3A_23 = arith.maximumf %add3A_21, %max3A_22 : vector<2000x128xf32>
    %get3A_24 = arith.constant 0 : index
    %get3A_25 = arith.constant 0 : index
    %get3A_26 = vector.load %arg3[%get3A_24, %get3A_25] : memref<2000x1xf32, #tpu.memory_space<vmem>>, vector<2000x1xf32>
    %get3A_27 = arith.constant 0 : index
    %get3A_28 = arith.constant 0 : index
    %get3A_29 = vector.load %arg5[%get3A_27, %get3A_28] : memref<128x128xf32, #tpu.memory_space<vmem>>, vector<128x128xf32>
    %dot_general3A = arith.constant dense<0.000000e+00> : vector<2000x128xf32>
    %dot_general3A_30 = tpu.matmul %max3A_23, %get3A_29, %dot_general3A {dimension_numbers = #tpu.dot_dimension_numbers<[1], [0], [0], [1], [0, 0, 1, 1], [], []>, transpose_lhs_hint = false} : vector<2000x128xf32>, vector<128x128xf32>, vector<2000x128xf32> -> vector<2000x128xf32>
    %mul3A_31 = vector.broadcast %get3A_26 : vector<2000x1xf32> to vector<2000x128xf32>
    %mul3A_32 = arith.mulf %mul3A_31, %dot_general3A_30 : vector<2000x128xf32>
    %swap3A = arith.constant 0 : index
    %swap3A_33 = arith.constant 0 : index
    %swap3A_34 = vector.load %arg6[%swap3A, %swap3A_33] : memref<2000x128xf32, #tpu.memory_space<vmem>>, vector<2000x128xf32>
    tpu.vector_store %arg6[%swap3A, %swap3A_33], %mul3A_32 {strides = array<i32>} : memref<2000x128xf32, #tpu.memory_space<vmem>>, vector<2000x128xf32>,
    return
  }
  func.func @transform_0(%arg0: i32) -> (i32, i32, i32) {
    %c0_i32 = arith.constant 0 : i32
    %c0_i32_0 = arith.constant 0 : i32
    %c0_i32_1 = arith.constant 0 : i32
    return %c0_i32, %arg0, %c0_i32_0 : i32, i32, i32
  }
  func.func @transform_1(%arg0: i32) -> (i32, i32) {
    %c0_i32 = arith.constant 0 : i32
    %c0_i32_0 = arith.constant 0 : i32
    return %arg0, %c0_i32 : i32, i32
  }
  func.func @transform_2(%arg0: i32) -> (i32, i32) {
    %c0_i32 = arith.constant 0 : i32
    %c0_i32_0 = arith.constant 0 : i32
    return %arg0, %c0_i32 : i32, i32
  }
  func.func @transform_3(%arg0: i32) -> (i32, i32) {
    %c0_i32 = arith.constant 0 : i32
    %c0_i32_0 = arith.constant 0 : i32
    %c0_i32_1 = arith.constant 0 : i32
    return %c0_i32, %c0_i32_0 : i32, i32
  }
  func.func @transform_4(%arg0: i32) -> (i32, i32) {
    %c0_i32 = arith.constant 0 : i32
    %c0_i32_0 = arith.constant 0 : i32
    %c0_i32_1 = arith.constant 0 : i32
    return %c0_i32, %c0_i32_0 : i32, i32
  }
  func.func @transform_5(%arg0: i32) -> (i32, i32) {
    %c0_i32 = arith.constant 0 : i32
    %c0_i32_0 = arith.constant 0 : i32
    return %arg0, %c0_i32 : i32, i32
  }
}

module attributes {stable_mosaic.version = 14 : i64} {
  func.func @_tc3_body(%arg0: i32, %arg1: memref<2x2000x128xf32, #tpu.memory_space<vmem>>, %arg2: memref<2000x128xf32, #tpu.memory_space<vmem>>, %arg3: memref<2000x1xf32, #tpu.memory_space<vmem>>, %arg4: memref<1x128xf32, #tpu.memory_space<vmem>>, %arg5: memref<2000x128xf32, #tpu.memory_space<vmem>>) attributes {dimension_semantics = [#tpu.dimension_semantics<arbitrary>], iteration_bounds = array<i64: 5>, scalar_prefetch = 0 : i64, scratch_operands = 0 : i64, tpu.core_type = #tpu.core_type<tc>, window_params = [{transform_indices = @transform_0, window_bounds = array<i64: 2, 2000, 128>}, {transform_indices = @transform_1, window_bounds = array<i64: 2000, 128>}, {transform_indices = @transform_2, window_bounds = array<i64: 2000, 1>}, {pipeline_mode = #tpu.pipeline_mode<synchronous>, transform_indices = @transform_3, window_bounds = array<i64: 1, 128>}, {transform_indices = @transform_4, window_bounds = array<i64: 2000, 128>}]} {
    %get3A = arith.constant 0 : index
    %get3A_0 = arith.constant 0 : index
    %get3A_1 = arith.constant 0 : index
    %get3A_2 = vector.load %arg1[%get3A, %get3A_0, %get3A_1] : memref<2x2000x128xf32, #tpu.memory_space<vmem>>, vector<1x2000x128xf32>
    %get3A_3 = vector.shape_cast %get3A_2 : vector<1x2000x128xf32> to vector<2000x128xf32>
    %get3A_4 = arith.constant 1 : index
    %get3A_5 = arith.constant 0 : index
    %get3A_6 = arith.constant 0 : index
    %get3A_7 = vector.load %arg1[%get3A_4, %get3A_5, %get3A_6] : memref<2x2000x128xf32, #tpu.memory_space<vmem>>, vector<1x2000x128xf32>
    %get3A_8 = vector.shape_cast %get3A_7 : vector<1x2000x128xf32> to vector<2000x128xf32>
    %add3A = arith.addf %get3A_3, %get3A_8 : vector<2000x128xf32>
    %get3A_9 = arith.constant 0 : index
    %get3A_10 = arith.constant 0 : index
    %get3A_11 = vector.load %arg2[%get3A_9, %get3A_10] : memref<2000x128xf32, #tpu.memory_space<vmem>>, vector<2000x128xf32>
    %add3A_12 = arith.addf %add3A, %get3A_11 : vector<2000x128xf32>
    %get3A_13 = arith.constant 0 : index
    %get3A_14 = arith.constant 0 : index
    %get3A_15 = vector.load %arg3[%get3A_13, %get3A_14] : memref<2000x1xf32, #tpu.memory_space<vmem>>, vector<2000x1xf32>
    %mul3A = vector.broadcast %get3A_15 : vector<2000x1xf32> to vector<2000x128xf32>
    %mul3A_16 = arith.mulf %mul3A, %add3A_12 : vector<2000x128xf32>
    %get3A_17 = arith.constant 0 : index
    %get3A_18 = arith.constant 0 : index
    %get3A_19 = vector.load %arg4[%get3A_17, %get3A_18] : memref<1x128xf32, #tpu.memory_space<vmem>>, vector<1x128xf32>
    %add3A_20 = vector.broadcast %get3A_19 : vector<1x128xf32> to vector<2000x128xf32>
    %add3A_21 = arith.addf %mul3A_16, %add3A_20 : vector<2000x128xf32>
    %max3A = arith.constant 0.000000e+00 : f32
    %max3A_22 = vector.broadcast %max3A : f32 to vector<2000x128xf32>
    %max3A_23 = arith.maximumf %add3A_21, %max3A_22 : vector<2000x128xf32>
    %swap3A = arith.constant 0 : index
    %swap3A_24 = arith.constant 0 : index
    %swap3A_25 = vector.load %arg5[%swap3A, %swap3A_24] : memref<2000x128xf32, #tpu.memory_space<vmem>>, vector<2000x128xf32>
    tpu.vector_store %arg5[%swap3A, %swap3A_24], %max3A_23 {strides = array<i32>} : memref<2000x128xf32, #tpu.memory_space<vmem>>, vector<2000x128xf32>,
    return
  }
  func.func @transform_0(%arg0: i32) -> (i32, i32, i32) {
    %c0_i32 = arith.constant 0 : i32
    %c0_i32_0 = arith.constant 0 : i32
    %c0_i32_1 = arith.constant 0 : i32
    return %c0_i32, %arg0, %c0_i32_0 : i32, i32, i32
  }
  func.func @transform_1(%arg0: i32) -> (i32, i32) {
    %c0_i32 = arith.constant 0 : i32
    %c0_i32_0 = arith.constant 0 : i32
    return %arg0, %c0_i32 : i32, i32
  }
  func.func @transform_2(%arg0: i32) -> (i32, i32) {
    %c0_i32 = arith.constant 0 : i32
    %c0_i32_0 = arith.constant 0 : i32
    return %arg0, %c0_i32 : i32, i32
  }
  func.func @transform_3(%arg0: i32) -> (i32, i32) {
    %c0_i32 = arith.constant 0 : i32
    %c0_i32_0 = arith.constant 0 : i32
    %c0_i32_1 = arith.constant 0 : i32
    return %c0_i32, %c0_i32_0 : i32, i32
  }
  func.func @transform_4(%arg0: i32) -> (i32, i32) {
    %c0_i32 = arith.constant 0 : i32
    %c0_i32_0 = arith.constant 0 : i32
    return %arg0, %c0_i32 : i32, i32
  }
}

</mosaic_0001>

<sc_bundles>
// kernel: kernel.11.cloned.1.call-start
scs
__scs_entry_jumppad:
0x0: {  	(pc) =	sbr.rel $0x88, $3  }
0x1: {  	(tag) =	ssettag $0x0;
	lr =	simm.s32 $0x1  }
0x2: {  	[smem:$0x3F9B] =	sst lr;
	_ =	strace $0xD0000000  }
0x3: {  	_ = 	snop  }
0x4: {  	_ = 	snop  }
0x5: {  	_ = 	snop  }
0x6: {  	_ = 	snop  }
0x7: {  	_ = 	snop  }
__scs_overlays_trampoline_lowered:
0x8: {  	[smem:$0x3FAA] =	sst s0  }
0x9: {  	[smem:$0x3FAB] =	sst s1  }
0xa: {  	[smem:$0x3FAC] =	sst s2  }
0xb: {  	[smem:$0x3FAD] =	sst s3  }
0xc: {  	[smem:$0x3FAE] =	sst s4  }
0xd: {  	[smem:$0x3FAF] =	sst s5  }
0xe: {  	[smem:$0x3FB0] =	sst s6  }
0xf: {  	[smem:$0x3FB1] =	sst s7  }
0x10: {  	[smem:$0x3FB2] =	sst s8  }
0x11: {  	[smem:$0x3FB3] =	sst s9;
	s0 =	simm.s32 @!p0 $0x0  }
0x12: {  	s1 =	sld [smem:$0x3F99];
	s0 =	simm.s32 @p0 $0x1  }
0x13: {  	[smem:$0x3FB4] =	sst s0;
	s0 =	simm.s32 @!p1 $0x0  }
0x14: {  	s2 =	sld [smem:$0x3F98];
	s0 =	simm.s32 @p1 $0x1  }
0x15: {  	[smem:$0x3FB5] =	sst s0;
	s0 =	simm.s32 @!p2 $0x0  }
0x16: {  	s3 =	sld [smem:$0x3FDB];
	s0 =	simm.s32 @p2 $0x1  }
0x17: {  	s4 =	simm.s32 $0x1BF5;
	[smem:$0x3FB7] =	sst s0  }
0x18: {  	s0 =	sld [smem:$0x3F9A];
	_ =	swait.ge [sflag:s4], $0x0  }
0x19: {  	s7 =	sld [smem:$0x3F9B]  }
0x1a: {  	s8 =	sadd.s32 $0xFFFFE003, lr  }
0x1b: {  	s9 =	sadd.s32 $0xFFFFFEF7, lr;
	s5 =	simm.s32 $0xFFFFFFFF;
	p2 =	slt.u32 s8, $0xFFFFF086  }
0x1c: {  	p1 =	slt.u32 s9, $0xF7A;
	s5 =	simm.s32 @!p2 $0x0  }
0x1d: {  	s5 =	simm.s32 @p1 $0x1;
	p0 =	seq.s32 s7, s2  }
0x1e: {  	s7 =	smul.u32 @!p0 $0xF7A, s2;
	p2 =	seq.s32 @!p0 s5, $0x0  }
0x1f: {  	s9 =	smul.u32 $0xF7A, s1;
	s8 =	simm.s32 @!p0 $0x1BF5;
	p2 =	por !p2, p0  }
0x20: {  	[sflag:s8] =	ssyncset.s32 @!p0 $0xFFFFF086;
	s6 =	sadd.s32 @!p0 s3, s7;
	s7 =	simm.s32 @!p0 $0x108  }
0x21: {  	s3 =	sadd.s32 s3, s9;
	s6 =	sadd.s32 @!p0 $0x88, s6;
	s7 =	simm.s32 @p2 $0x1082  }
0x22: {  	[simem:s7], [sflag:s8] =	dma.local @!p0 [hbm:s6], $0xF7A  }
0x23: {  	s9 =	sor.u32 $0xD0000000, s2;
	s6 =	simm.s32 $0x108;
	_ =	swait.ge @!p0 [sflag:s8], $0x0  }
0x24: {  	s3 =	sadd.s32 $0x88, s3;
	s6 =	simm.s32 @!p1 $0x1082;
	[sflag:s4] =	ssyncset.s32 $0xFFFFF086  }
0x25: {  	[simem:s6], [sflag:s4] =	dma.local [hbm:s3], $0xF7A  }
0x26: {  	[smem:$0x3F9B] =	sst s1;
	(tag) =	ssettag s2;
	_ =	strace s9  }
0x27: {  	s1 =	sld [smem:$0x3FAB]  }
0x28: {  	s2 =	sld [smem:$0x3FAC]  }
0x29: {  	s4 =	sld [smem:$0x3FAE]  }
0x2a: {  	p0 =	seq.s32 s5, $0x0;
	s5 =	sld [smem:$0x3FAF]  }
0x2b: {  	s6 =	sld [smem:$0x3FB0]  }
0x2c: {  	s7 =	sld [smem:$0x3FB1]  }
0x2d: {  	s3 =	simm.s32 $0x108;
	s8 =	sld [smem:$0x3FB2]  }
0x2e: {  	s3 =	simm.s32 @!p0 $0x1082;
	s9 =	sld [smem:$0x3FB3]  }
0x2f: {  	lr =	sadd.s32 s0, s3;
	s0 =	sld [smem:$0x3FAA]  }
0x30: {  	s3 =	sld [smem:$0x3FAD]  }
0x31: {  	[smem:$0x3FB6] =	sst s10  }
0x32: {  	s10 =	sld [smem:$0x3FB4];
	_ =	sdelay $0x3  }
0x33: {  	p0 =	seq.s32 s10, $0x1;
	s10 =	sld [smem:$0x3FB6];
	_ =	sdelay $0x3  }
0x34: {  	[smem:$0x3FB6] =	sst s10  }
0x35: {  	s10 =	sld [smem:$0x3FB5];
	_ =	sdelay $0x3  }
0x36: {  	p1 =	seq.s32 s10, $0x1;
	s10 =	sld [smem:$0x3FB6];
	_ =	sdelay $0x3  }
0x37: {  	[smem:$0x3FB6] =	sst s10  }
0x38: {  	s10 =	sld [smem:$0x3FB7]  }
0x39: {  	_ = 	snop;
	(pc) =	sbr.ind lr, $3  }
0x3a: {  	_ = 	snop  }
0x3b: {  	_ = 	snop  }
0x3c: {  	p2 =	seq.s32 s10, $0x1;
	s10 =	sld [smem:$0x3FB6]  }
0x3d: {  	_ =	shalt  }
0x3e: {  	_ =	shalt  }
0x3f: {  	_ =	shalt  }
0x40: {  	_ =	shalt  }
0x41: {  	_ =	shalt  }
0x42: {  	_ =	shalt  }
0x43: {  	_ =	shalt  }
0x44: {  	_ =	shalt  }
0x45: {  	_ =	shalt  }
0x46: {  	_ =	shalt  }
0x47: {  	_ =	shalt  }
0x48: {  	_ =	shalt  }
0x49: {  	_ =	shalt  }
0x4a: {  	_ =	shalt  }
0x4b: {  	_ =	shalt  }
0x4c: {  	_ =	shalt  }
0x4d: {  	_ =	shalt  }
0x4e: {  	_ =	shalt  }
0x4f: {  	_ =	shalt  }
0x50: {  	_ =	shalt  }
0x51: {  	_ =	shalt  }
0x52: {  	_ =	shalt  }
0x53: {  	_ =	shalt  }
0x54: {  	_ =	shalt  }
0x55: {  	_ =	shalt  }
0x56: {  	_ =	shalt  }
0x57: {  	_ =	shalt  }
0x58: {  	_ =	shalt  }
0x59: {  	_ =	shalt  }
0x5a: {  	_ =	shalt  }
0x5b: {  	_ =	shalt  }
0x5c: {  	_ =	shalt  }
0x5d: {  	_ =	shalt  }
0x5e: {  	_ =	shalt  }
0x5f: {  	_ =	shalt  }
0x60: {  	_ =	shalt  }
0x61: {  	_ =	shalt  }
0x62: {  	_ =	shalt  }
0x63: {  	_ =	shalt  }
0x64: {  	_ =	shalt  }
0x65: {  	_ =	shalt  }
0x66: {  	_ =	shalt  }
0x67: {  	_ =	shalt  }
0x68: {  	_ =	shalt  }
0x69: {  	_ =	shalt  }
0x6a: {  	_ =	shalt  }
0x6b: {  	_ =	shalt  }
0x6c: {  	_ =	shalt  }
0x6d: {  	_ =	shalt  }
0x6e: {  	_ =	shalt  }
0x6f: {  	_ =	shalt  }
0x70: {  	_ =	shalt  }
0x71: {  	_ =	shalt  }
0x72: {  	_ =	shalt  }
0x73: {  	_ =	shalt  }
0x74: {  	_ =	shalt  }
0x75: {  	_ =	shalt  }
0x76: {  	_ =	shalt  }
0x77: {  	_ =	shalt  }
0x78: {  	_ =	shalt  }
0x79: {  	_ =	shalt  }
0x7a: {  	_ =	shalt  }
0x7b: {  	_ =	shalt  }
0x7c: {  	_ =	shalt  }
0x7d: {  	_ =	shalt  }
0x7e: {  	_ =	shalt  }
0x7f: {  	_ =	shalt  }
0x80: {  	_ =	shalt  }
0x81: {  	_ =	shalt  }
0x82: {  	_ =	shalt  }
0x83: {  	_ =	shalt  }
0x84: {  	_ =	shalt  }
0x85: {  	_ =	shalt  }
0x86: {  	_ =	shalt  }
0x87: {  	_ =	shalt  }
.Lfunc_end0:
.L_simem_size_0:
called_computation.1_lowered:
.L_overlay_start_0:
0x88: {  	s2 =	sld [smem:$0x3FD9]  }
0x89: {  	s3 =	sld [smem:$0x3FFE];
	_ =	sdelay $0x1  }
0x8a: {  	s1 =	srdreg.scid  }
0x8b: {  	s0 =	sand.u32 $0x1, s1  }
0x8c: {  	s17 =	sshll.u32 s0, $0xA;
	s2 =	sadd.s32 s3, s2  }
0x8d: {  	s2 =	sadd.s32 s2, s17  }
0x8e: {  	[smem:$0x3FC2] =	sst s2  }
0x8f: {  	_ = 	snop  }
0x90: {  	s2 =	sld [smem:$0x3FD0];
	(tm) =	ssettm $0x1  }
0x91: {  	s18 =	sld [smem:$0x3FFB];
	_ =	sdelay $0x3  }
0x92: {  	_ =	strace s18  }
0x93: {  	s3 =	sld [smem:$0x3FFC];
	_ =	sdelay $0x3  }
0x94: {  	_ =	strace s3  }
0x95: {  	s3 =	sld [smem:$0x3FFD];
	_ =	sdelay $0x3  }
0x96: {  	_ =	strace s3  }
0x97: {  	_ =	strace $0x8FFFFFFF  }
0x98: {  	s19 =	sld [smem:$0x3FDB];
	_ =	sdelay $0x1  }
0x99: {  	s4 =	simm.s32 $_scs_section_size  }
0x9a: {  	s5 =	simm.s32 $_size__tile_overlayer_lowered;
	s6 =	simm.s32 $_tile_overlayer_lowered  }
0x9b: {  	s22 =	simm.s32 $0x1BFF;
	s21 =	sshll.u32 s6, $0x1;
	s3 =	sadd.s32 s4, s19  }
0x9c: {  	s7 =	simm.s32 $0x0;
	s20 =	sshll.u32 s5, $0x1;
	s5 =	sadd.s32 s21, s3  }
0x9d: {  	[timem:s7], [sflag:s22] =	dma.local [hbm:s5], s20  }
0x9e: {  	_ =	swait.ge [sflag:s22], s20  }
0x9f: {  	s4 =	ssub.s32 $0x0, s20;
	[sflag:s22] =	ssyncset.done $0x0  }
0xa0: {  	[sflag:s22] =	ssyncadd.s32 s4;
	_ =	sdelay $0x1  }
0xa1: {  	s23 =	simm.s32 $0x1B8B  }
0xa2: {  	_ =	swait.ge [sflag:s23], $0x1  }
0xa3: {  	[sflag:s23] =	ssyncset.done $0x0  }
0xa4: {  	s25 =	simm.s32 $0x1B8E;
	s24 =	sld [smem:$0x3FFE];
	[sflag:s23] =	ssyncadd.s32 $0xFFFFFFFF  }
0xa5: {  	s26 =	simm.s32 $execute0_lowered;
	[smem:$0x3FD2] =	sst s25  }
0xa6: {  	s5 =	sshll.u32 s26, $0x1;
	_ =	strace $0x80000049;
	[dreg:$0x1] =	wrdreg $0xFFFFFFFF  }
0xa7: {  	s28 =	simm.s32 $_size_execute0_lowered;
	s3 =	sadd.s32 s3, s5;
	[dreg:$0x0] =	wrdreg $0x0  }
0xa8: {  	s5 =	sshll.u32 s28, $0x1;
	[dreg:$0x2] =	wrdreg s3  }
0xa9: {  	[dreg:$0x3] =	wrdreg s5  }
0xaa: {  	[dreg:$0x4] =	wrdreg $0xC0  }
0xab: {  	_ =	task [dreg:s7], $0x5FFFF  }
0xac: {  	[dreg:$0x1] =	wrdreg $0xFFFFFFFF  }
0xad: {  	[dreg:$0x0] =	wrdreg $0x60  }
0xae: {  	[dreg:$0x2] =	wrdreg s2  }
0xaf: {  	[dreg:$0x3] =	wrdreg s24  }
0xb0: {  	[dreg:$0x4] =	wrdreg $0xA8000  }
0xb1: {  	[dreg:$0x5] =	wrdreg $0x9  }
0xb2: {  	_ =	task.clear_ibuf [dreg:s7], $0x6FFFF;
	_ =	strace $0x90000049  }
0xb3: {  	s29 =	simm.s32 $0x9;
	_ =	strace $0x8000004B  }
0xb4: {  	_ =	swait.ge [sflag:s29], $0x1  }
0xb5: {  	[sflag:s29] =	ssyncadd.s32 $0xFFFFFFFF  }
0xb6: {  	_ =	strace $0x9000004B  }
0xb7: {  	_ =	sfence  }
0xb8: {  	s30 =	sld [smem:$0x0];
	_ =	sdelay $0x2  }
0xb9: {  	s31 =	sshll.u32 s1, $0xD;
	s1 =	sshrl.u32 s1, $0x2  }
0xba: {  	s3 =	sand.u32 $0x4000, s31;
	s1 =	sadd.s32 s1, s30  }
0xbb: {  	s0 =	sor.u32 s3, s0;
	s1 =	sshll.u32 s1, $0x11  }
0xbc: {  	s0 =	sor.u32 s1, s0  }
0xbd: {  	s0 =	sadd.s32 $0x8F2B, s0  }
0xbe: {  	[sflag:s0] =	ssyncadd.remote.s32 $0x1  }
0xbf: {  	_ =	sfence.sel $0xFFFF  }
0xc0: {  	[dreg:$0x0] =	wrdreg $0xFFFFFFFF;
	(pc) =	sbr.abs _section_cstart, $3  }
0xc1: {  	[dreg:$0x1] =	wrdreg $0xFFFFFFFF  }
0xc2: {  	_ =	task.clear_ibuf [dreg:s7], $0x2FFFF;
	_ =	strace $0x9FFFFFFF  }
0xc3: {  	(tm) =	ssettm $0x7FFFFFFF  }
tec
execute0_lowered:
.L_overlay_start_1:
0x0: {  	(tag) =	ssettag $0x1  }
0x1: {  	s1 =	rddreg [dreg:$0x0]  }
0x2: {  	s0 =	rddreg [dreg:$0x1]  }
0x3: {  	s2 =	rddreg [dreg:$0x2];
	s3 =	srdreg.scid  }
0x4: {  	s4 =	simm.s32 $0x0;
	s12 =	stileid.u32;
	s14 =	simm.s32 $0x7  }
0x5: {  	s15 =	simm.s32 $0x1400;
	s16 =	simm.s32 $0x40;
	s17 =	simm.s32 $0x2800  }
0x6: {  	s18 =	simm.s32 $0x4800;
	s19 =	simm.s32 $0x80;
	s28 =	simm.s32 $0x4  }
0x7: {  	s29 =	simm.s32 $0x6;
	s30 =	simm.s32 $0x2700;
	s31 =	simm.s32 $0x2780  }
0x8: {  	s3 =	sand.u32 $0x1, s3;
	[smem:$0x7FF] =	sst s4;
	s6 =	smul.u32 $0x13C00, s12  }
0x9: {  	s9 =	sadd.s32 $0xC800, s0;
	s10 =	sadd.s32 $0x2800, s0;
	s7 =	smul.u32 $0x4F000, s12  }
0xa: {  	s20 =	sadd.s32 $0x16800, s0;
	s24 =	sshll.u32 s12, $0x6;
	s5 =	smul.u32 $0x13C000, s3  }
0xb: {  	_ =	strace $0x8000004A;
	s21 =	sshll.u32 s3, $0x4;
	s3 =	ssub.s32 $0x2, s3  }
0xc: {  	[dreg:$0x4] =	wrdreg s20;
	s20 =	simm.s32 $0x6800;
	s22 =	sshrl.u32 s3, $0x1  }
0xd: {  	s23 =	sshrl.u32 s7, $0x2;
	s5 =	sadd.s32 s6, s5;
	s6 =	sor.u32 s12, s21  }
0xe: {  	s3 =	ssub.s32 s3, s22;
	s21 =	simm.s32 $0xC0;
	s8 =	smul.u32 $0x2800, s6  }
0xf: {  	s22 =	simm.s32 $0x8800;
	s5 =	sshrl.u32 s5, $0x3;
	s11 =	smul.u32 $0x500, s6  }
0x10: {  	s6 =	sor.u32 $0x1C07, s24;
	s12 =	smax.u32 s3, $0x1;
	s24 =	simm.s32 $0x2  }
0x11: {  	s0 =	sadd.s32 s5, s0;
	s5 =	sadd.s32 s23, s2;
	s23 =	simm.s32 $0x1  }
0x12: {  	s8 =	sshrl.u32 s8, $0x3;
	s25 =	sadd.s32 s9, s11;
	s13 =	sshrl.u32 s5, $0x3  }
0x13: {  	[dreg:$0x5] =	wrdreg s25;
	s26 =	sadd.s32 $0x280, s8;
	s8 =	sadd.s32 s10, s11  }
0x14: {  	s11 =	sadd.s32 $0x19000, s0;
	s25 =	simm.s32 $0x5;
	s0 =	simm.s32 $0x0  }
0x15: {  	s9 =	sadd.s32 s9, s26;
	s10 =	sadd.s32 s10, s26;
	s26 =	simm.s32 $0x3  }
.LBB2_1:
0x16: {  	s3 =	rddreg [dreg:$0x4]  }
0x17: {  	[spmem:s13], [sflag:s6] =	dma.local [hbm:s3], $0x2780  }
0x18: {  	_ =	swait.ge [sflag:s14], $0x2780  }
0x19: {  	[sflag:s14] =	ssyncset.done $0x0  }
0x1a: {  	s5 =	rddreg [dreg:$0x5];
	[sflag:s14] =	ssyncadd.s32 $0xFFFFD880  }
0x1b: {  	[tilespmem:s4], [sflag:$0x7] =	stream.linear.gather [hbm4b:s5+s4], $0x1400, $0x38;
	[tilespmem:$0x1E400] =	vst v63  }
0x1c: {  	_ =	swait.ge [sflag:s14], $0x1400  }
0x1d: {  	[sflag:s14] =	ssyncset.done $0x0  }
0x1e: {  	[sflag:s14] =	ssyncadd.s32 $0xFFFFEC00  }
0x1f: {  	[tilespmem:s15], [sflag:$0x7] =	stream.linear.gather [hbm4b:s8+s4], $0x1400, $0x38;
	[tilespmem:$0x1E400] =	vst v63  }
0x20: {  	_ =	swait.ge [sflag:s14], $0x1400  }
0x21: {  	[sflag:s14] =	ssyncset.done $0x0  }
0x22: {  	[sflag:s14] =	ssyncadd.s32 $0xFFFFEC00  }
0x23: {  	[bflag:$0x0] =	sbarrier.arrive $0xFFFF  }
0x24: {  	[tilespmem:s17], [sflag:$0x1] =	stream.indirect.gather [hbm4b:s1+s16], $0x80, s4, s16, $0xb8;
	[tilespmem:$0x1E400] =	vst v63  }
0x25: {  	_ = 	snop  }
0x26: {  	[tilespmem:s18], [sflag:$0x2] =	stream.indirect.gather [hbm4b:s1+s16], $0x80, s16, s16, $0xb8;
	[tilespmem:$0x1E400] =	vst v63  }
0x27: {  	_ = 	snop  }
0x28: {  	[tilespmem:s20], [sflag:$0x3] =	stream.indirect.gather [hbm4b:s1+s16], $0x80, s19, s16, $0xb8;
	[tilespmem:$0x1E400] =	vst v63  }
0x29: {  	_ = 	snop  }
0x2a: {  	[tilespmem:s22], [sflag:$0x4] =	stream.indirect.gather [hbm4b:s1+s16], $0x80, s21, s16, $0xb8;
	[tilespmem:$0x1E400] =	vst v63  }
0x2b: {  	_ =	swait.ge [sflag:s23], $0x2000  }
0x2c: {  	[sflag:s23] =	ssyncset.done $0x0  }
0x2d: {  	[sflag:s23] =	ssyncadd.s32 $0xFFFFE000  }
0x2e: {  	_ =	swait.ge [sflag:s24], $0x2000  }
0x2f: {  	[sflag:s24] =	ssyncset.done $0x0  }
0x30: {  	s7 =	simm.s32 $0x1400;
	[sflag:s24] =	ssyncadd.s32 $0xFFFFE000  }
0x31: {  	[spmem:s2] =	stream.indirect.scatter.add.f32 [tilespmem:s17], [sflag:$0x5], $0x80, s7, s19, $0xb8;
	[tilespmem:$0x1E400] =	vst v63  }
0x32: {  	_ =	swait.ge [sflag:s25], $0x4000  }
0x33: {  	[sflag:s25] =	ssyncset.done $0x0  }
0x34: {  	s5 =	simm.s32 $0x100;
	[sflag:s25] =	ssyncadd.s32 $0xFFFFC000  }
0x35: {  	[tilespmem:s17], [sflag:$0x1] =	stream.indirect.gather [hbm4b:s1+s16], $0x80, s5, s16, $0xb8;
	[tilespmem:$0x1E400] =	vst v63  }
0x36: {  	s7 =	simm.s32 $0x140  }
0x37: {  	[tilespmem:s18], [sflag:$0x2] =	stream.indirect.gather [hbm4b:s1+s16], $0x80, s7, s16, $0xb8;
	[tilespmem:$0x1E400] =	vst v63  }
0x38: {  	_ =	swait.ge [sflag:s26], $0x2000  }
0x39: {  	[sflag:s26] =	ssyncset.done $0x0  }
0x3a: {  	[sflag:s26] =	ssyncadd.s32 $0xFFFFE000  }
0x3b: {  	_ =	swait.ge [sflag:s28], $0x2000  }
0x3c: {  	[sflag:s28] =	ssyncset.done $0x0  }
0x3d: {  	s5 =	simm.s32 $0x1480;
	[sflag:s28] =	ssyncadd.s32 $0xFFFFE000  }
0x3e: {  	[spmem:s2] =	stream.indirect.scatter.add.f32 [tilespmem:s20], [sflag:$0x6], $0x80, s5, s19, $0xb8;
	[tilespmem:$0x1E400] =	vst v63  }
0x3f: {  	_ =	swait.ge [sflag:s29], $0x4000  }
0x40: {  	s3 =	simm.s32 $0x400;
	[sflag:s29] =	ssyncset.done $0x0  }
0x41: {  	s7 =	simm.s32 $0x180;
	s5 =	simm.s32 $0x1C0;
	[sflag:s29] =	ssyncadd.s32 $0xFFFFC000  }
0x42: {  	[tilespmem:s20], [sflag:$0x3] =	stream.indirect.gather [hbm4b:s1+s16], $0x80, s7, s16, $0xb8;
	[tilespmem:$0x1E400] =	vst v63  }
.LBB2_2:
0x43: {  	[tilespmem:s22], [sflag:$0x4] =	stream.indirect.gather [hbm4b:s1+s16], $0x80, s5, s16, $0xb8;
	[tilespmem:$0x1E400] =	vst v63  }
0x44: {  	s5 =	smov.u32 s3  }
0x45: {  	p0 =	sne.s32 s3, $0x4800;
	s3 =	sadd.s32 $0x400, s3;
	_ =	swait.ge [sflag:s23], $0x2000  }
0x46: {  	[sflag:s23] =	ssyncset.done $0x0  }
0x47: {  	[sflag:s23] =	ssyncadd.s32 $0xFFFFE000  }
0x48: {  	_ =	swait.ge [sflag:s24], $0x2000  }
0x49: {  	s5 =	sshra.s32 s5, $0x2;
	[sflag:s24] =	ssyncset.done $0x0  }
0x4a: {  	s7 =	sadd.s32 $0x1400, s5;
	[sflag:s24] =	ssyncadd.s32 $0xFFFFE000  }
0x4b: {  	[spmem:s2] =	stream.indirect.scatter.add.f32 [tilespmem:s17], [sflag:$0x5], $0x80, s7, s19, $0xb8;
	[tilespmem:$0x1E400] =	vst v63  }
0x4c: {  	_ =	swait.ge [sflag:s25], $0x4000  }
0x4d: {  	[sflag:s25] =	ssyncset.done $0x0  }
0x4e: {  	s7 =	sadd.s32 $0x100, s5;
	[sflag:s25] =	ssyncadd.s32 $0xFFFFC000  }
0x4f: {  	[tilespmem:s17], [sflag:$0x1] =	stream.indirect.gather [hbm4b:s1+s16], $0x80, s7, s16, $0xb8;
	[tilespmem:$0x1E400] =	vst v63  }
0x50: {  	s7 =	sadd.s32 $0x140, s5  }
0x51: {  	[tilespmem:s18], [sflag:$0x2] =	stream.indirect.gather [hbm4b:s1+s16], $0x80, s7, s16, $0xb8;
	[tilespmem:$0x1E400] =	vst v63  }
0x52: {  	_ =	swait.ge [sflag:s26], $0x2000  }
0x53: {  	[sflag:s26] =	ssyncset.done $0x0  }
0x54: {  	[sflag:s26] =	ssyncadd.s32 $0xFFFFE000  }
0x55: {  	_ =	swait.ge [sflag:s28], $0x2000  }
0x56: {  	[sflag:s28] =	ssyncset.done $0x0  }
0x57: {  	s7 =	sadd.s32 $0x1480, s5;
	[sflag:s28] =	ssyncadd.s32 $0xFFFFE000  }
0x58: {  	[spmem:s2] =	stream.indirect.scatter.add.f32 [tilespmem:s20], [sflag:$0x6], $0x80, s7, s19, $0xb8;
	[tilespmem:$0x1E400] =	vst v63  }
.Ltmp0:
0x59: {  	_ =	swait.ge [sflag:s29], $0x4000;
	(pc) =	sbr.rel @p0 .LBB2_2-.Ltmp0, $4  }
0x5a: {  	[sflag:s29] =	ssyncset.done $0x0  }
0x5b: {  	s7 =	sadd.s32 $0x180, s5;
	[sflag:s29] =	ssyncadd.s32 $0xFFFFC000  }
0x5c: {  	[tilespmem:s20], [sflag:$0x3] =	stream.indirect.gather [hbm4b:s1+s16], $0x80, s7, s16, $0xb8;
	[tilespmem:$0x1E400] =	vst v63  }
0x5d: {  	s5 =	sadd.s32 $0x1C0, s5  }
0x5e: {  	[tilespmem:s22], [sflag:$0x4] =	stream.indirect.gather [hbm4b:s1+s16], $0x80, s5, s16, $0xb8;
	[tilespmem:$0x1E400] =	vst v63  }
0x5f: {  	_ =	swait.ge [sflag:s23], $0x2000  }
0x60: {  	[sflag:s23] =	ssyncset.done $0x0  }
0x61: {  	[sflag:s23] =	ssyncadd.s32 $0xFFFFE000  }
0x62: {  	_ =	swait.ge [sflag:s24], $0x2000  }
0x63: {  	[sflag:s24] =	ssyncset.done $0x0  }
0x64: {  	[sflag:s24] =	ssyncadd.s32 $0xFFFFE000  }
0x65: {  	[spmem:s2] =	stream.indirect.scatter.add.f32 [tilespmem:s17], [sflag:$0x5], $0x80, s30, s19, $0xb8;
	[tilespmem:$0x1E400] =	vst v63  }
0x66: {  	_ =	swait.ge [sflag:s26], $0x2000  }
0x67: {  	[sflag:s26] =	ssyncset.done $0x0  }
0x68: {  	[sflag:s26] =	ssyncadd.s32 $0xFFFFE000  }
0x69: {  	_ =	swait.ge [sflag:s28], $0x2000  }
0x6a: {  	[sflag:s28] =	ssyncset.done $0x0  }
0x6b: {  	[sflag:s28] =	ssyncadd.s32 $0xFFFFE000  }
0x6c: {  	[spmem:s2] =	stream.indirect.scatter.add.f32 [tilespmem:s20], [sflag:$0x6], $0x80, s31, s19, $0xb8;
	[tilespmem:$0x1E400] =	vst v63  }
0x6d: {  	_ =	swait.ge [sflag:s25], $0x4000  }
0x6e: {  	[sflag:s25] =	ssyncset.done $0x0  }
0x6f: {  	[sflag:s25] =	ssyncadd.s32 $0xFFFFC000  }
0x70: {  	_ =	swait.ge [sflag:s29], $0x4000  }
0x71: {  	[sflag:s29] =	ssyncset.done $0x0  }
0x72: {  	s3 =	simm.s32 $0x0;
	[sflag:s29] =	ssyncadd.s32 $0xFFFFC000  }
0x73: {  	[tilespmem:s3], [sflag:$0x7] =	stream.linear.gather [hbm4b:s9+s3], $0x1400, $0x38;
	[tilespmem:$0x1E400] =	vst v63  }
0x74: {  	_ =	swait.ge [sflag:s14], $0x1400  }
0x75: {  	[sflag:s14] =	ssyncset.done $0x0  }
0x76: {  	[sflag:s14] =	ssyncadd.s32 $0xFFFFEC00  }
0x77: {  	[tilespmem:s15], [sflag:$0x7] =	stream.linear.gather [hbm4b:s10+s3], $0x1400, $0x38;
	[tilespmem:$0x1E400] =	vst v63  }
0x78: {  	_ =	swait.ge [sflag:s14], $0x1400  }
0x79: {  	[sflag:s14] =	ssyncset.done $0x0  }
0x7a: {  	[sflag:s14] =	ssyncadd.s32 $0xFFFFEC00  }
0x7b: {  	[tilespmem:s17], [sflag:$0x1] =	stream.indirect.gather [hbm4b:s1+s16], $0x80, s3, s16, $0xb8;
	[tilespmem:$0x1E400] =	vst v63  }
0x7c: {  	_ = 	snop  }
0x7d: {  	[tilespmem:s18], [sflag:$0x2] =	stream.indirect.gather [hbm4b:s1+s16], $0x80, s16, s16, $0xb8;
	[tilespmem:$0x1E400] =	vst v63  }
0x7e: {  	_ = 	snop  }
0x7f: {  	[tilespmem:s20], [sflag:$0x3] =	stream.indirect.gather [hbm4b:s1+s16], $0x80, s19, s16, $0xb8;
	[tilespmem:$0x1E400] =	vst v63  }
0x80: {  	_ = 	snop  }
0x81: {  	[tilespmem:s22], [sflag:$0x4] =	stream.indirect.gather [hbm4b:s1+s16], $0x80, s21, s16, $0xb8;
	[tilespmem:$0x1E400] =	vst v63  }
0x82: {  	_ =	swait.ge [sflag:s23], $0x2000  }
0x83: {  	[sflag:s23] =	ssyncset.done $0x0  }
0x84: {  	[sflag:s23] =	ssyncadd.s32 $0xFFFFE000  }
0x85: {  	_ =	swait.ge [sflag:s24], $0x2000  }
0x86: {  	[sflag:s24] =	ssyncset.done $0x0  }
0x87: {  	s7 =	simm.s32 $0x1400;
	[sflag:s24] =	ssyncadd.s32 $0xFFFFE000  }
0x88: {  	[spmem:s2] =	stream.indirect.scatter.add.f32 [tilespmem:s17], [sflag:$0x5], $0x80, s7, s19, $0xb8;
	[tilespmem:$0x1E400] =	vst v63  }
0x89: {  	_ =	swait.ge [sflag:s25], $0x4000  }
0x8a: {  	[sflag:s25] =	ssyncset.done $0x0  }
0x8b: {  	s5 =	simm.s32 $0x100;
	[sflag:s25] =	ssyncadd.s32 $0xFFFFC000  }
0x8c: {  	[tilespmem:s17], [sflag:$0x1] =	stream.indirect.gather [hbm4b:s1+s16], $0x80, s5, s16, $0xb8;
	[tilespmem:$0x1E400] =	vst v63  }
0x8d: {  	s7 =	simm.s32 $0x140  }
0x8e: {  	[tilespmem:s18], [sflag:$0x2] =	stream.indirect.gather [hbm4b:s1+s16], $0x80, s7, s16, $0xb8;
	[tilespmem:$0x1E400] =	vst v63  }
0x8f: {  	_ =	swait.ge [sflag:s26], $0x2000  }
0x90: {  	[sflag:s26] =	ssyncset.done $0x0  }
0x91: {  	[sflag:s26] =	ssyncadd.s32 $0xFFFFE000  }
0x92: {  	_ =	swait.ge [sflag:s28], $0x2000  }
0x93: {  	[sflag:s28] =	ssyncset.done $0x0  }
0x94: {  	s5 =	simm.s32 $0x1480;
	[sflag:s28] =	ssyncadd.s32 $0xFFFFE000  }
0x95: {  	[spmem:s2] =	stream.indirect.scatter.add.f32 [tilespmem:s20], [sflag:$0x6], $0x80, s5, s19, $0xb8;
	[tilespmem:$0x1E400] =	vst v63  }
0x96: {  	_ =	swait.ge [sflag:s29], $0x4000  }
0x97: {  	s3 =	simm.s32 $0x400;
	[sflag:s29] =	ssyncset.done $0x0  }
0x98: {  	s7 =	simm.s32 $0x180;
	s5 =	simm.s32 $0x1C0;
	[sflag:s29] =	ssyncadd.s32 $0xFFFFC000  }
0x99: {  	[tilespmem:s20], [sflag:$0x3] =	stream.indirect.gather [hbm4b:s1+s16], $0x80, s7, s16, $0xb8;
	[tilespmem:$0x1E400] =	vst v63  }
.LBB2_4:
0x9a: {  	[tilespmem:s22], [sflag:$0x4] =	stream.indirect.gather [hbm4b:s1+s16], $0x80, s5, s16, $0xb8;
	[tilespmem:$0x1E400] =	vst v63  }
0x9b: {  	s5 =	smov.u32 s3  }
0x9c: {  	p0 =	sne.s32 s3, $0x4800;
	s3 =	sadd.s32 $0x400, s3;
	_ =	swait.ge [sflag:s23], $0x2000  }
0x9d: {  	[sflag:s23] =	ssyncset.done $0x0  }
0x9e: {  	[sflag:s23] =	ssyncadd.s32 $0xFFFFE000  }
0x9f: {  	_ =	swait.ge [sflag:s24], $0x2000  }
0xa0: {  	s5 =	sshra.s32 s5, $0x2;
	[sflag:s24] =	ssyncset.done $0x0  }
0xa1: {  	s7 =	sadd.s32 $0x1400, s5;
	[sflag:s24] =	ssyncadd.s32 $0xFFFFE000  }
0xa2: {  	[spmem:s2] =	stream.indirect.scatter.add.f32 [tilespmem:s17], [sflag:$0x5], $0x80, s7, s19, $0xb8;
	[tilespmem:$0x1E400] =	vst v63  }
0xa3: {  	_ =	swait.ge [sflag:s25], $0x4000  }
0xa4: {  	[sflag:s25] =	ssyncset.done $0x0  }
0xa5: {  	s7 =	sadd.s32 $0x100, s5;
	[sflag:s25] =	ssyncadd.s32 $0xFFFFC000  }
0xa6: {  	[tilespmem:s17], [sflag:$0x1] =	stream.indirect.gather [hbm4b:s1+s16], $0x80, s7, s16, $0xb8;
	[tilespmem:$0x1E400] =	vst v63  }
0xa7: {  	s7 =	sadd.s32 $0x140, s5  }
0xa8: {  	[tilespmem:s18], [sflag:$0x2] =	stream.indirect.gather [hbm4b:s1+s16], $0x80, s7, s16, $0xb8;
	[tilespmem:$0x1E400] =	vst v63  }
0xa9: {  	_ =	swait.ge [sflag:s26], $0x2000  }
0xaa: {  	[sflag:s26] =	ssyncset.done $0x0  }
0xab: {  	[sflag:s26] =	ssyncadd.s32 $0xFFFFE000  }
0xac: {  	_ =	swait.ge [sflag:s28], $0x2000  }
0xad: {  	[sflag:s28] =	ssyncset.done $0x0  }
0xae: {  	s7 =	sadd.s32 $0x1480, s5;
	[sflag:s28] =	ssyncadd.s32 $0xFFFFE000  }
0xaf: {  	[spmem:s2] =	stream.indirect.scatter.add.f32 [tilespmem:s20], [sflag:$0x6], $0x80, s7, s19, $0xb8;
	[tilespmem:$0x1E400] =	vst v63  }
.Ltmp1:
0xb0: {  	_ =	swait.ge [sflag:s29], $0x4000;
	(pc) =	sbr.rel @p0 .LBB2_4-.Ltmp1, $4  }
0xb1: {  	[sflag:s29] =	ssyncset.done $0x0  }
0xb2: {  	s7 =	sadd.s32 $0x180, s5;
	[sflag:s29] =	ssyncadd.s32 $0xFFFFC000  }
0xb3: {  	[tilespmem:s20], [sflag:$0x3] =	stream.indirect.gather [hbm4b:s1+s16], $0x80, s7, s16, $0xb8;
	[tilespmem:$0x1E400] =	vst v63  }
0xb4: {  	s5 =	sadd.s32 $0x1C0, s5  }
0xb5: {  	[tilespmem:s22], [sflag:$0x4] =	stream.indirect.gather [hbm4b:s1+s16], $0x80, s5, s16, $0xb8;
	[tilespmem:$0x1E400] =	vst v63  }
0xb6: {  	_ =	swait.ge [sflag:s23], $0x2000  }
0xb7: {  	[sflag:s23] =	ssyncset.done $0x0  }
0xb8: {  	[sflag:s23] =	ssyncadd.s32 $0xFFFFE000  }
0xb9: {  	_ =	swait.ge [sflag:s24], $0x2000  }
0xba: {  	[sflag:s24] =	ssyncset.done $0x0  }
0xbb: {  	[sflag:s24] =	ssyncadd.s32 $0xFFFFE000  }
0xbc: {  	[spmem:s2] =	stream.indirect.scatter.add.f32 [tilespmem:s17], [sflag:$0x5], $0x80, s30, s19, $0xb8;
	[tilespmem:$0x1E400] =	vst v63  }
0xbd: {  	_ =	swait.ge [sflag:s26], $0x2000  }
0xbe: {  	[sflag:s26] =	ssyncset.done $0x0  }
0xbf: {  	[sflag:s26] =	ssyncadd.s32 $0xFFFFE000  }
0xc0: {  	_ =	swait.ge [sflag:s28], $0x2000  }
0xc1: {  	[sflag:s28] =	ssyncset.done $0x0  }
0xc2: {  	[sflag:s28] =	ssyncadd.s32 $0xFFFFE000  }
0xc3: {  	[spmem:s2] =	stream.indirect.scatter.add.f32 [tilespmem:s20], [sflag:$0x6], $0x80, s31, s19, $0xb8;
	[tilespmem:$0x1E400] =	vst v63  }
0xc4: {  	_ =	swait.ge [sflag:s25], $0x4000  }
0xc5: {  	[sflag:s25] =	ssyncset.done $0x0  }
0xc6: {  	[sflag:s25] =	ssyncadd.s32 $0xFFFFC000  }
0xc7: {  	_ =	swait.ge [sflag:s29], $0x4000  }
0xc8: {  	s0 =	sadd.s32 $0x1, s0;
	[sflag:s29] =	ssyncset.done $0x0  }
0xc9: {  	p0 =	sne.s32 s0, s12;
	[sflag:s29] =	ssyncadd.s32 $0xFFFFC000  }
.Ltmp2:
0xca: {  	[bflag:$0x0] =	sbarrier.arrive $0xFFFF;
	(pc) =	sbr.rel @p0 .LBB2_1-.Ltmp2, $4  }
0xcb: {  	[hbm:s11], [sflag:s6] =	dma.local [spmem:s13], $0x2780  }
0xcc: {  	_ =	swait.ge [sflag:s14], $0x2780  }
0xcd: {  	[sflag:s14] =	ssyncset.done $0x0  }
0xce: {  	[sflag:s14] =	ssyncadd.s32 $0xFFFFD880  }
0xcf: {  	_ =	sfence.sel $0x180000  }
0xd0: {  	[bflag:$0x0] =	sbarrier.arrive $0xFFFF  }
0xd1: {  	_ =	strace $0x9000004A  }
0xd2: {  	s0 =	stileid.u32;
	[bflag:$0x2] =	sbarrier.arrive $0xFFFF  }
0xd3: {  	p0 =	sne.s32 s0, $0x0;
	s0 =	rddreg [dreg:$0x3]  }
0xd4: {  	s0 =	sadd.s32 @!p0 $0x100000, s0  }
0xd5: {  	[sflag:s0] =	ssyncadd.tile.s32 @!p0 $0x1;
	_ =	shalt  }
.Lfunc_end2:
_tile_overlayer_lowered:
.L_overlay_start_2:
0xd6: {  	(tag) =	ssettag $0x2  }
0xd7: {  	s0 =	rddreg [dreg:$0x0];
	s2 =	stileid.u32  }
0xd8: {  	s1 =	rddreg [dreg:$0x1];
	p0 =	sne.s32 s2, $0x0  }
0xd9: {  	s3 =	rddreg [dreg:$0x2];
	[bflag:$0x3] =	sbarrier.arrive $0xFFFF;
	s2 =	simm.s32 @!p0 $0x1C07  }
0xda: {  	[timem:s3], [sflag:s2] =	dma.local @!p0 [hbm:s0], s1  }
0xdb: {  	s0 =	simm.s32 @!p0 $0x7  }
0xdc: {  	_ =	swait.ge @!p0 [sflag:s0], s1  }
0xdd: {  	s1 =	ssub.s32 @!p0 $0x0, s1;
	[sflag:s0] =	ssyncset.done @!p0 $0x0  }
0xde: {  	[sflag:s0] =	ssyncadd.s32 @!p0 s1  }
0xdf: {  	[bflag:$0x3] =	sbarrier.arrive $0xFFFF  }
0xe0: {  	_ =	shalt  }

// kernel: kernel.14.cloned.1.call-start
scs
__scs_entry_jumppad:
0x0: {  	(pc) =	sbr.rel $0x88, $3  }
0x1: {  	(tag) =	ssettag $0x0;
	lr =	simm.s32 $0x1  }
0x2: {  	[smem:$0x3F9B] =	sst lr;
	_ =	strace $0xD0000000  }
0x3: {  	_ = 	snop  }
0x4: {  	_ = 	snop  }
0x5: {  	_ = 	snop  }
0x6: {  	_ = 	snop  }
0x7: {  	_ = 	snop  }
__scs_overlays_trampoline_lowered:
0x8: {  	[smem:$0x3FAA] =	sst s0  }
0x9: {  	[smem:$0x3FAB] =	sst s1  }
0xa: {  	[smem:$0x3FAC] =	sst s2  }
0xb: {  	[smem:$0x3FAD] =	sst s3  }
0xc: {  	[smem:$0x3FAE] =	sst s4  }
0xd: {  	[smem:$0x3FAF] =	sst s5  }
0xe: {  	[smem:$0x3FB0] =	sst s6  }
0xf: {  	[smem:$0x3FB1] =	sst s7  }
0x10: {  	[smem:$0x3FB2] =	sst s8  }
0x11: {  	[smem:$0x3FB3] =	sst s9;
	s0 =	simm.s32 @!p0 $0x0  }
0x12: {  	s1 =	sld [smem:$0x3F99];
	s0 =	simm.s32 @p0 $0x1  }
0x13: {  	[smem:$0x3FB4] =	sst s0;
	s0 =	simm.s32 @!p1 $0x0  }
0x14: {  	s2 =	sld [smem:$0x3F98];
	s0 =	simm.s32 @p1 $0x1  }
0x15: {  	[smem:$0x3FB5] =	sst s0;
	s0 =	simm.s32 @!p2 $0x0  }
0x16: {  	s3 =	sld [smem:$0x3FDB];
	s0 =	simm.s32 @p2 $0x1  }
0x17: {  	s4 =	simm.s32 $0x1BF5;
	[smem:$0x3FB7] =	sst s0  }
0x18: {  	s0 =	sld [smem:$0x3F9A];
	_ =	swait.ge [sflag:s4], $0x0  }
0x19: {  	s7 =	sld [smem:$0x3F9B]  }
0x1a: {  	s8 =	sadd.s32 $0xFFFFE003, lr  }
0x1b: {  	s9 =	sadd.s32 $0xFFFFFEF7, lr;
	s5 =	simm.s32 $0xFFFFFFFF;
	p2 =	slt.u32 s8, $0xFFFFF086  }
0x1c: {  	p1 =	slt.u32 s9, $0xF7A;
	s5 =	simm.s32 @!p2 $0x0  }
0x1d: {  	s5 =	simm.s32 @p1 $0x1;
	p0 =	seq.s32 s7, s2  }
0x1e: {  	s7 =	smul.u32 @!p0 $0xF7A, s2;
	p2 =	seq.s32 @!p0 s5, $0x0  }
0x1f: {  	s9 =	smul.u32 $0xF7A, s1;
	s8 =	simm.s32 @!p0 $0x1BF5;
	p2 =	por !p2, p0  }
0x20: {  	[sflag:s8] =	ssyncset.s32 @!p0 $0xFFFFF086;
	s6 =	sadd.s32 @!p0 s3, s7;
	s7 =	simm.s32 @!p0 $0x108  }
0x21: {  	s3 =	sadd.s32 s3, s9;
	s6 =	sadd.s32 @!p0 $0x88, s6;
	s7 =	simm.s32 @p2 $0x1082  }
0x22: {  	[simem:s7], [sflag:s8] =	dma.local @!p0 [hbm:s6], $0xF7A  }
0x23: {  	s9 =	sor.u32 $0xD0000000, s2;
	s6 =	simm.s32 $0x108;
	_ =	swait.ge @!p0 [sflag:s8], $0x0  }
0x24: {  	s3 =	sadd.s32 $0x88, s3;
	s6 =	simm.s32 @!p1 $0x1082;
	[sflag:s4] =	ssyncset.s32 $0xFFFFF086  }
0x25: {  	[simem:s6], [sflag:s4] =	dma.local [hbm:s3], $0xF7A  }
0x26: {  	[smem:$0x3F9B] =	sst s1;
	(tag) =	ssettag s2;
	_ =	strace s9  }
0x27: {  	s1 =	sld [smem:$0x3FAB]  }
0x28: {  	s2 =	sld [smem:$0x3FAC]  }
0x29: {  	s4 =	sld [smem:$0x3FAE]  }
0x2a: {  	p0 =	seq.s32 s5, $0x0;
	s5 =	sld [smem:$0x3FAF]  }
0x2b: {  	s6 =	sld [smem:$0x3FB0]  }
0x2c: {  	s7 =	sld [smem:$0x3FB1]  }
0x2d: {  	s3 =	simm.s32 $0x108;
	s8 =	sld [smem:$0x3FB2]  }
0x2e: {  	s3 =	simm.s32 @!p0 $0x1082;
	s9 =	sld [smem:$0x3FB3]  }
0x2f: {  	lr =	sadd.s32 s0, s3;
	s0 =	sld [smem:$0x3FAA]  }
0x30: {  	s3 =	sld [smem:$0x3FAD]  }
0x31: {  	[smem:$0x3FB6] =	sst s10  }
0x32: {  	s10 =	sld [smem:$0x3FB4];
	_ =	sdelay $0x3  }
0x33: {  	p0 =	seq.s32 s10, $0x1;
	s10 =	sld [smem:$0x3FB6];
	_ =	sdelay $0x3  }
0x34: {  	[smem:$0x3FB6] =	sst s10  }
0x35: {  	s10 =	sld [smem:$0x3FB5];
	_ =	sdelay $0x3  }
0x36: {  	p1 =	seq.s32 s10, $0x1;
	s10 =	sld [smem:$0x3FB6];
	_ =	sdelay $0x3  }
0x37: {  	[smem:$0x3FB6] =	sst s10  }
0x38: {  	s10 =	sld [smem:$0x3FB7]  }
0x39: {  	_ = 	snop;
	(pc) =	sbr.ind lr, $3  }
0x3a: {  	_ = 	snop  }
0x3b: {  	_ = 	snop  }
0x3c: {  	p2 =	seq.s32 s10, $0x1;
	s10 =	sld [smem:$0x3FB6]  }
0x3d: {  	_ =	shalt  }
0x3e: {  	_ =	shalt  }
0x3f: {  	_ =	shalt  }
0x40: {  	_ =	shalt  }
0x41: {  	_ =	shalt  }
0x42: {  	_ =	shalt  }
0x43: {  	_ =	shalt  }
0x44: {  	_ =	shalt  }
0x45: {  	_ =	shalt  }
0x46: {  	_ =	shalt  }
0x47: {  	_ =	shalt  }
0x48: {  	_ =	shalt  }
0x49: {  	_ =	shalt  }
0x4a: {  	_ =	shalt  }
0x4b: {  	_ =	shalt  }
0x4c: {  	_ =	shalt  }
0x4d: {  	_ =	shalt  }
0x4e: {  	_ =	shalt  }
0x4f: {  	_ =	shalt  }
0x50: {  	_ =	shalt  }
0x51: {  	_ =	shalt  }
0x52: {  	_ =	shalt  }
0x53: {  	_ =	shalt  }
0x54: {  	_ =	shalt  }
0x55: {  	_ =	shalt  }
0x56: {  	_ =	shalt  }
0x57: {  	_ =	shalt  }
0x58: {  	_ =	shalt  }
0x59: {  	_ =	shalt  }
0x5a: {  	_ =	shalt  }
0x5b: {  	_ =	shalt  }
0x5c: {  	_ =	shalt  }
0x5d: {  	_ =	shalt  }
0x5e: {  	_ =	shalt  }
0x5f: {  	_ =	shalt  }
0x60: {  	_ =	shalt  }
0x61: {  	_ =	shalt  }
0x62: {  	_ =	shalt  }
0x63: {  	_ =	shalt  }
0x64: {  	_ =	shalt  }
0x65: {  	_ =	shalt  }
0x66: {  	_ =	shalt  }
0x67: {  	_ =	shalt  }
0x68: {  	_ =	shalt  }
0x69: {  	_ =	shalt  }
0x6a: {  	_ =	shalt  }
0x6b: {  	_ =	shalt  }
0x6c: {  	_ =	shalt  }
0x6d: {  	_ =	shalt  }
0x6e: {  	_ =	shalt  }
0x6f: {  	_ =	shalt  }
0x70: {  	_ =	shalt  }
0x71: {  	_ =	shalt  }
0x72: {  	_ =	shalt  }
0x73: {  	_ =	shalt  }
0x74: {  	_ =	shalt  }
0x75: {  	_ =	shalt  }
0x76: {  	_ =	shalt  }
0x77: {  	_ =	shalt  }
0x78: {  	_ =	shalt  }
0x79: {  	_ =	shalt  }
0x7a: {  	_ =	shalt  }
0x7b: {  	_ =	shalt  }
0x7c: {  	_ =	shalt  }
0x7d: {  	_ =	shalt  }
0x7e: {  	_ =	shalt  }
0x7f: {  	_ =	shalt  }
0x80: {  	_ =	shalt  }
0x81: {  	_ =	shalt  }
0x82: {  	_ =	shalt  }
0x83: {  	_ =	shalt  }
0x84: {  	_ =	shalt  }
0x85: {  	_ =	shalt  }
0x86: {  	_ =	shalt  }
0x87: {  	_ =	shalt  }
.Lfunc_end0:
.L_simem_size_0:
called_computation.2_lowered:
.L_overlay_start_0:
0x88: {  	s2 =	sld [smem:$0x3FD9]  }
0x89: {  	s3 =	sld [smem:$0x3FFE];
	_ =	sdelay $0x1  }
0x8a: {  	s1 =	srdreg.scid  }
0x8b: {  	s0 =	sand.u32 $0x1, s1  }
0x8c: {  	s17 =	sshll.u32 s0, $0xA;
	s2 =	sadd.s32 s3, s2  }
0x8d: {  	s2 =	sadd.s32 s2, s17  }
0x8e: {  	[smem:$0x3FC2] =	sst s2  }
0x8f: {  	_ = 	snop  }
0x90: {  	s2 =	sld [smem:$0x3FD0];
	(tm) =	ssettm $0x1  }
0x91: {  	s18 =	sld [smem:$0x3FFB];
	_ =	sdelay $0x3  }
0x92: {  	_ =	strace s18  }
0x93: {  	s3 =	sld [smem:$0x3FFC];
	_ =	sdelay $0x3  }
0x94: {  	_ =	strace s3  }
0x95: {  	s3 =	sld [smem:$0x3FFD];
	_ =	sdelay $0x3  }
0x96: {  	_ =	strace s3  }
0x97: {  	_ =	strace $0x8FFFFFFF  }
0x98: {  	s19 =	sld [smem:$0x3FDB];
	_ =	sdelay $0x1  }
0x99: {  	s4 =	simm.s32 $_scs_section_size  }
0x9a: {  	s5 =	simm.s32 $_size__tile_overlayer_lowered;
	s6 =	simm.s32 $_tile_overlayer_lowered  }
0x9b: {  	s22 =	simm.s32 $0x1BFF;
	s21 =	sshll.u32 s6, $0x1;
	s3 =	sadd.s32 s4, s19  }
0x9c: {  	s7 =	simm.s32 $0x0;
	s20 =	sshll.u32 s5, $0x1;
	s5 =	sadd.s32 s21, s3  }
0x9d: {  	[timem:s7], [sflag:s22] =	dma.local [hbm:s5], s20  }
0x9e: {  	_ =	swait.ge [sflag:s22], s20  }
0x9f: {  	s4 =	ssub.s32 $0x0, s20;
	[sflag:s22] =	ssyncset.done $0x0  }
0xa0: {  	[sflag:s22] =	ssyncadd.s32 s4;
	_ =	sdelay $0x1  }
0xa1: {  	s23 =	simm.s32 $0x1B8B  }
0xa2: {  	_ =	swait.ge [sflag:s23], $0x1  }
0xa3: {  	[sflag:s23] =	ssyncset.done $0x0  }
0xa4: {  	s25 =	simm.s32 $0x1B8E;
	s24 =	sld [smem:$0x3FFE];
	[sflag:s23] =	ssyncadd.s32 $0xFFFFFFFF  }
0xa5: {  	s26 =	simm.s32 $execute0_lowered;
	[smem:$0x3FD2] =	sst s25  }
0xa6: {  	s5 =	sshll.u32 s26, $0x1;
	_ =	strace $0x8000004C;
	[dreg:$0x1] =	wrdreg $0xFFFFFFFF  }
0xa7: {  	s28 =	simm.s32 $_size_execute0_lowered;
	s3 =	sadd.s32 s3, s5;
	[dreg:$0x0] =	wrdreg $0x0  }
0xa8: {  	s5 =	sshll.u32 s28, $0x1;
	[dreg:$0x2] =	wrdreg s3  }
0xa9: {  	[dreg:$0x3] =	wrdreg s5  }
0xaa: {  	[dreg:$0x4] =	wrdreg $0xC0  }
0xab: {  	_ =	task [dreg:s7], $0x5FFFF  }
0xac: {  	[dreg:$0x1] =	wrdreg $0xFFFFFFFF  }
0xad: {  	[dreg:$0x0] =	wrdreg $0x60  }
0xae: {  	[dreg:$0x2] =	wrdreg s2  }
0xaf: {  	[dreg:$0x3] =	wrdreg s24  }
0xb0: {  	[dreg:$0x4] =	wrdreg $0xA8000  }
0xb1: {  	[dreg:$0x5] =	wrdreg $0x9  }
0xb2: {  	_ =	task.clear_ibuf [dreg:s7], $0x6FFFF;
	_ =	strace $0x9000004C  }
0xb3: {  	s29 =	simm.s32 $0x9;
	_ =	strace $0x8000004E  }
0xb4: {  	_ =	swait.ge [sflag:s29], $0x1  }
0xb5: {  	[sflag:s29] =	ssyncadd.s32 $0xFFFFFFFF  }
0xb6: {  	_ =	strace $0x9000004E  }
0xb7: {  	_ =	sfence  }
0xb8: {  	s30 =	sld [smem:$0x0];
	_ =	sdelay $0x2  }
0xb9: {  	s31 =	sshll.u32 s1, $0xD;
	s1 =	sshrl.u32 s1, $0x2  }
0xba: {  	s3 =	sand.u32 $0x4000, s31;
	s1 =	sadd.s32 s1, s30  }
0xbb: {  	s0 =	sor.u32 s3, s0;
	s1 =	sshll.u32 s1, $0x11  }
0xbc: {  	s0 =	sor.u32 s1, s0  }
0xbd: {  	s0 =	sadd.s32 $0x8F2B, s0  }
0xbe: {  	[sflag:s0] =	ssyncadd.remote.s32 $0x1  }
0xbf: {  	_ =	sfence.sel $0xFFFF  }
0xc0: {  	[dreg:$0x0] =	wrdreg $0xFFFFFFFF;
	(pc) =	sbr.abs _section_cstart, $3  }
0xc1: {  	[dreg:$0x1] =	wrdreg $0xFFFFFFFF  }
0xc2: {  	_ =	task.clear_ibuf [dreg:s7], $0x2FFFF;
	_ =	strace $0x9FFFFFFF  }
0xc3: {  	(tm) =	ssettm $0x7FFFFFFF  }
tec
execute0_lowered:
.L_overlay_start_1:
0x0: {  	(tag) =	ssettag $0x1  }
0x1: {  	s1 =	rddreg [dreg:$0x0]  }
0x2: {  	s0 =	rddreg [dreg:$0x1]  }
0x3: {  	s2 =	rddreg [dreg:$0x2];
	s3 =	srdreg.scid  }
0x4: {  	s4 =	simm.s32 $0x0;
	s12 =	stileid.u32;
	s14 =	simm.s32 $0x7  }
0x5: {  	s15 =	simm.s32 $0x1400;
	s16 =	simm.s32 $0x40;
	s17 =	simm.s32 $0x2800  }
0x6: {  	s18 =	simm.s32 $0x4800;
	s19 =	simm.s32 $0x80;
	s28 =	simm.s32 $0x4  }
0x7: {  	s29 =	simm.s32 $0x6;
	s30 =	simm.s32 $0x2700;
	s31 =	simm.s32 $0x2780  }
0x8: {  	s3 =	sand.u32 $0x1, s3;
	[smem:$0x7FF] =	sst s4;
	s6 =	smul.u32 $0x13C00, s12  }
0x9: {  	s9 =	sadd.s32 $0xC800, s0;
	s10 =	sadd.s32 $0x2800, s0;
	s7 =	smul.u32 $0x4F000, s12  }
0xa: {  	s20 =	sadd.s32 $0x16800, s0;
	s24 =	sshll.u32 s12, $0x6;
	s5 =	smul.u32 $0x13C000, s3  }
0xb: {  	_ =	strace $0x8000004D;
	s21 =	sshll.u32 s3, $0x4;
	s3 =	ssub.s32 $0x2, s3  }
0xc: {  	[dreg:$0x4] =	wrdreg s20;
	s20 =	simm.s32 $0x6800;
	s22 =	sshrl.u32 s3, $0x1  }
0xd: {  	s23 =	sshrl.u32 s7, $0x2;
	s5 =	sadd.s32 s6, s5;
	s6 =	sor.u32 s12, s21  }
0xe: {  	s3 =	ssub.s32 s3, s22;
	s21 =	simm.s32 $0xC0;
	s8 =	smul.u32 $0x2800, s6  }
0xf: {  	s22 =	simm.s32 $0x8800;
	s5 =	sshrl.u32 s5, $0x3;
	s11 =	smul.u32 $0x500, s6  }
0x10: {  	s6 =	sor.u32 $0x1C07, s24;
	s12 =	smax.u32 s3, $0x1;
	s24 =	simm.s32 $0x2  }
0x11: {  	s0 =	sadd.s32 s5, s0;
	s5 =	sadd.s32 s23, s2;
	s23 =	simm.s32 $0x1  }
0x12: {  	s8 =	sshrl.u32 s8, $0x3;
	s25 =	sadd.s32 s9, s11;
	s13 =	sshrl.u32 s5, $0x3  }
0x13: {  	[dreg:$0x5] =	wrdreg s25;
	s26 =	sadd.s32 $0x280, s8;
	s8 =	sadd.s32 s10, s11  }
0x14: {  	s11 =	sadd.s32 $0x19000, s0;
	s25 =	simm.s32 $0x5;
	s0 =	simm.s32 $0x0  }
0x15: {  	s9 =	sadd.s32 s9, s26;
	s10 =	sadd.s32 s10, s26;
	s26 =	simm.s32 $0x3  }
.LBB2_1:
0x16: {  	s3 =	rddreg [dreg:$0x4]  }
0x17: {  	[spmem:s13], [sflag:s6] =	dma.local [hbm:s3], $0x2780  }
0x18: {  	_ =	swait.ge [sflag:s14], $0x2780  }
0x19: {  	[sflag:s14] =	ssyncset.done $0x0  }
0x1a: {  	s5 =	rddreg [dreg:$0x5];
	[sflag:s14] =	ssyncadd.s32 $0xFFFFD880  }
0x1b: {  	[tilespmem:s4], [sflag:$0x7] =	stream.linear.gather [hbm4b:s5+s4], $0x1400, $0x38;
	[tilespmem:$0x1E400] =	vst v63  }
0x1c: {  	_ =	swait.ge [sflag:s14], $0x1400  }
0x1d: {  	[sflag:s14] =	ssyncset.done $0x0  }
0x1e: {  	[sflag:s14] =	ssyncadd.s32 $0xFFFFEC00  }
0x1f: {  	[tilespmem:s15], [sflag:$0x7] =	stream.linear.gather [hbm4b:s8+s4], $0x1400, $0x38;
	[tilespmem:$0x1E400] =	vst v63  }
0x20: {  	_ =	swait.ge [sflag:s14], $0x1400  }
0x21: {  	[sflag:s14] =	ssyncset.done $0x0  }
0x22: {  	[sflag:s14] =	ssyncadd.s32 $0xFFFFEC00  }
0x23: {  	[bflag:$0x0] =	sbarrier.arrive $0xFFFF  }
0x24: {  	[tilespmem:s17], [sflag:$0x1] =	stream.indirect.gather [hbm4b:s1+s16], $0x80, s4, s16, $0xb8;
	[tilespmem:$0x1E400] =	vst v63  }
0x25: {  	_ = 	snop  }
0x26: {  	[tilespmem:s18], [sflag:$0x2] =	stream.indirect.gather [hbm4b:s1+s16], $0x80, s16, s16, $0xb8;
	[tilespmem:$0x1E400] =	vst v63  }
0x27: {  	_ = 	snop  }
0x28: {  	[tilespmem:s20], [sflag:$0x3] =	stream.indirect.gather [hbm4b:s1+s16], $0x80, s19, s16, $0xb8;
	[tilespmem:$0x1E400] =	vst v63  }
0x29: {  	_ = 	snop  }
0x2a: {  	[tilespmem:s22], [sflag:$0x4] =	stream.indirect.gather [hbm4b:s1+s16], $0x80, s21, s16, $0xb8;
	[tilespmem:$0x1E400] =	vst v63  }
0x2b: {  	_ =	swait.ge [sflag:s23], $0x2000  }
0x2c: {  	[sflag:s23] =	ssyncset.done $0x0  }
0x2d: {  	[sflag:s23] =	ssyncadd.s32 $0xFFFFE000  }
0x2e: {  	_ =	swait.ge [sflag:s24], $0x2000  }
0x2f: {  	[sflag:s24] =	ssyncset.done $0x0  }
0x30: {  	s7 =	simm.s32 $0x1400;
	[sflag:s24] =	ssyncadd.s32 $0xFFFFE000  }
0x31: {  	[spmem:s2] =	stream.indirect.scatter.add.f32 [tilespmem:s17], [sflag:$0x5], $0x80, s7, s19, $0xb8;
	[tilespmem:$0x1E400] =	vst v63  }
0x32: {  	_ =	swait.ge [sflag:s25], $0x4000  }
0x33: {  	[sflag:s25] =	ssyncset.done $0x0  }
0x34: {  	s5 =	simm.s32 $0x100;
	[sflag:s25] =	ssyncadd.s32 $0xFFFFC000  }
0x35: {  	[tilespmem:s17], [sflag:$0x1] =	stream.indirect.gather [hbm4b:s1+s16], $0x80, s5, s16, $0xb8;
	[tilespmem:$0x1E400] =	vst v63  }
0x36: {  	s7 =	simm.s32 $0x140  }
0x37: {  	[tilespmem:s18], [sflag:$0x2] =	stream.indirect.gather [hbm4b:s1+s16], $0x80, s7, s16, $0xb8;
	[tilespmem:$0x1E400] =	vst v63  }
0x38: {  	_ =	swait.ge [sflag:s26], $0x2000  }
0x39: {  	[sflag:s26] =	ssyncset.done $0x0  }
0x3a: {  	[sflag:s26] =	ssyncadd.s32 $0xFFFFE000  }
0x3b: {  	_ =	swait.ge [sflag:s28], $0x2000  }
0x3c: {  	[sflag:s28] =	ssyncset.done $0x0  }
0x3d: {  	s5 =	simm.s32 $0x1480;
	[sflag:s28] =	ssyncadd.s32 $0xFFFFE000  }
0x3e: {  	[spmem:s2] =	stream.indirect.scatter.add.f32 [tilespmem:s20], [sflag:$0x6], $0x80, s5, s19, $0xb8;
	[tilespmem:$0x1E400] =	vst v63  }
0x3f: {  	_ =	swait.ge [sflag:s29], $0x4000  }
0x40: {  	s3 =	simm.s32 $0x400;
	[sflag:s29] =	ssyncset.done $0x0  }
0x41: {  	s7 =	simm.s32 $0x180;
	s5 =	simm.s32 $0x1C0;
	[sflag:s29] =	ssyncadd.s32 $0xFFFFC000  }
0x42: {  	[tilespmem:s20], [sflag:$0x3] =	stream.indirect.gather [hbm4b:s1+s16], $0x80, s7, s16, $0xb8;
	[tilespmem:$0x1E400] =	vst v63  }
.LBB2_2:
0x43: {  	[tilespmem:s22], [sflag:$0x4] =	stream.indirect.gather [hbm4b:s1+s16], $0x80, s5, s16, $0xb8;
	[tilespmem:$0x1E400] =	vst v63  }
0x44: {  	s5 =	smov.u32 s3  }
0x45: {  	p0 =	sne.s32 s3, $0x4800;
	s3 =	sadd.s32 $0x400, s3;
	_ =	swait.ge [sflag:s23], $0x2000  }
0x46: {  	[sflag:s23] =	ssyncset.done $0x0  }
0x47: {  	[sflag:s23] =	ssyncadd.s32 $0xFFFFE000  }
0x48: {  	_ =	swait.ge [sflag:s24], $0x2000  }
0x49: {  	s5 =	sshra.s32 s5, $0x2;
	[sflag:s24] =	ssyncset.done $0x0  }
0x4a: {  	s7 =	sadd.s32 $0x1400, s5;
	[sflag:s24] =	ssyncadd.s32 $0xFFFFE000  }
0x4b: {  	[spmem:s2] =	stream.indirect.scatter.add.f32 [tilespmem:s17], [sflag:$0x5], $0x80, s7, s19, $0xb8;
	[tilespmem:$0x1E400] =	vst v63  }
0x4c: {  	_ =	swait.ge [sflag:s25], $0x4000  }
0x4d: {  	[sflag:s25] =	ssyncset.done $0x0  }
0x4e: {  	s7 =	sadd.s32 $0x100, s5;
	[sflag:s25] =	ssyncadd.s32 $0xFFFFC000  }
0x4f: {  	[tilespmem:s17], [sflag:$0x1] =	stream.indirect.gather [hbm4b:s1+s16], $0x80, s7, s16, $0xb8;
	[tilespmem:$0x1E400] =	vst v63  }
0x50: {  	s7 =	sadd.s32 $0x140, s5  }
0x51: {  	[tilespmem:s18], [sflag:$0x2] =	stream.indirect.gather [hbm4b:s1+s16], $0x80, s7, s16, $0xb8;
	[tilespmem:$0x1E400] =	vst v63  }
0x52: {  	_ =	swait.ge [sflag:s26], $0x2000  }
0x53: {  	[sflag:s26] =	ssyncset.done $0x0  }
0x54: {  	[sflag:s26] =	ssyncadd.s32 $0xFFFFE000  }
0x55: {  	_ =	swait.ge [sflag:s28], $0x2000  }
0x56: {  	[sflag:s28] =	ssyncset.done $0x0  }
0x57: {  	s7 =	sadd.s32 $0x1480, s5;
	[sflag:s28] =	ssyncadd.s32 $0xFFFFE000  }
0x58: {  	[spmem:s2] =	stream.indirect.scatter.add.f32 [tilespmem:s20], [sflag:$0x6], $0x80, s7, s19, $0xb8;
	[tilespmem:$0x1E400] =	vst v63  }
.Ltmp0:
0x59: {  	_ =	swait.ge [sflag:s29], $0x4000;
	(pc) =	sbr.rel @p0 .LBB2_2-.Ltmp0, $4  }
0x5a: {  	[sflag:s29] =	ssyncset.done $0x0  }
0x5b: {  	s7 =	sadd.s32 $0x180, s5;
	[sflag:s29] =	ssyncadd.s32 $0xFFFFC000  }
0x5c: {  	[tilespmem:s20], [sflag:$0x3] =	stream.indirect.gather [hbm4b:s1+s16], $0x80, s7, s16, $0xb8;
	[tilespmem:$0x1E400] =	vst v63  }
0x5d: {  	s5 =	sadd.s32 $0x1C0, s5  }
0x5e: {  	[tilespmem:s22], [sflag:$0x4] =	stream.indirect.gather [hbm4b:s1+s16], $0x80, s5, s16, $0xb8;
	[tilespmem:$0x1E400] =	vst v63  }
0x5f: {  	_ =	swait.ge [sflag:s23], $0x2000  }
0x60: {  	[sflag:s23] =	ssyncset.done $0x0  }
0x61: {  	[sflag:s23] =	ssyncadd.s32 $0xFFFFE000  }
0x62: {  	_ =	swait.ge [sflag:s24], $0x2000  }
0x63: {  	[sflag:s24] =	ssyncset.done $0x0  }
0x64: {  	[sflag:s24] =	ssyncadd.s32 $0xFFFFE000  }
0x65: {  	[spmem:s2] =	stream.indirect.scatter.add.f32 [tilespmem:s17], [sflag:$0x5], $0x80, s30, s19, $0xb8;
	[tilespmem:$0x1E400] =	vst v63  }
0x66: {  	_ =	swait.ge [sflag:s26], $0x2000  }
0x67: {  	[sflag:s26] =	ssyncset.done $0x0  }
0x68: {  	[sflag:s26] =	ssyncadd.s32 $0xFFFFE000  }
0x69: {  	_ =	swait.ge [sflag:s28], $0x2000  }
0x6a: {  	[sflag:s28] =	ssyncset.done $0x0  }
0x6b: {  	[sflag:s28] =	ssyncadd.s32 $0xFFFFE000  }
0x6c: {  	[spmem:s2] =	stream.indirect.scatter.add.f32 [tilespmem:s20], [sflag:$0x6], $0x80, s31, s19, $0xb8;
	[tilespmem:$0x1E400] =	vst v63  }
0x6d: {  	_ =	swait.ge [sflag:s25], $0x4000  }
0x6e: {  	[sflag:s25] =	ssyncset.done $0x0  }
0x6f: {  	[sflag:s25] =	ssyncadd.s32 $0xFFFFC000  }
0x70: {  	_ =	swait.ge [sflag:s29], $0x4000  }
0x71: {  	[sflag:s29] =	ssyncset.done $0x0  }
0x72: {  	s3 =	simm.s32 $0x0;
	[sflag:s29] =	ssyncadd.s32 $0xFFFFC000  }
0x73: {  	[tilespmem:s3], [sflag:$0x7] =	stream.linear.gather [hbm4b:s9+s3], $0x1400, $0x38;
	[tilespmem:$0x1E400] =	vst v63  }
0x74: {  	_ =	swait.ge [sflag:s14], $0x1400  }
0x75: {  	[sflag:s14] =	ssyncset.done $0x0  }
0x76: {  	[sflag:s14] =	ssyncadd.s32 $0xFFFFEC00  }
0x77: {  	[tilespmem:s15], [sflag:$0x7] =	stream.linear.gather [hbm4b:s10+s3], $0x1400, $0x38;
	[tilespmem:$0x1E400] =	vst v63  }
0x78: {  	_ =	swait.ge [sflag:s14], $0x1400  }
0x79: {  	[sflag:s14] =	ssyncset.done $0x0  }
0x7a: {  	[sflag:s14] =	ssyncadd.s32 $0xFFFFEC00  }
0x7b: {  	[tilespmem:s17], [sflag:$0x1] =	stream.indirect.gather [hbm4b:s1+s16], $0x80, s3, s16, $0xb8;
	[tilespmem:$0x1E400] =	vst v63  }
0x7c: {  	_ = 	snop  }
0x7d: {  	[tilespmem:s18], [sflag:$0x2] =	stream.indirect.gather [hbm4b:s1+s16], $0x80, s16, s16, $0xb8;
	[tilespmem:$0x1E400] =	vst v63  }
0x7e: {  	_ = 	snop  }
0x7f: {  	[tilespmem:s20], [sflag:$0x3] =	stream.indirect.gather [hbm4b:s1+s16], $0x80, s19, s16, $0xb8;
	[tilespmem:$0x1E400] =	vst v63  }
0x80: {  	_ = 	snop  }
0x81: {  	[tilespmem:s22], [sflag:$0x4] =	stream.indirect.gather [hbm4b:s1+s16], $0x80, s21, s16, $0xb8;
	[tilespmem:$0x1E400] =	vst v63  }
0x82: {  	_ =	swait.ge [sflag:s23], $0x2000  }
0x83: {  	[sflag:s23] =	ssyncset.done $0x0  }
0x84: {  	[sflag:s23] =	ssyncadd.s32 $0xFFFFE000  }
0x85: {  	_ =	swait.ge [sflag:s24], $0x2000  }
0x86: {  	[sflag:s24] =	ssyncset.done $0x0  }
0x87: {  	s7 =	simm.s32 $0x1400;
	[sflag:s24] =	ssyncadd.s32 $0xFFFFE000  }
0x88: {  	[spmem:s2] =	stream.indirect.scatter.add.f32 [tilespmem:s17], [sflag:$0x5], $0x80, s7, s19, $0xb8;
	[tilespmem:$0x1E400] =	vst v63  }
0x89: {  	_ =	swait.ge [sflag:s25], $0x4000  }
0x8a: {  	[sflag:s25] =	ssyncset.done $0x0  }
0x8b: {  	s5 =	simm.s32 $0x100;
	[sflag:s25] =	ssyncadd.s32 $0xFFFFC000  }
0x8c: {  	[tilespmem:s17], [sflag:$0x1] =	stream.indirect.gather [hbm4b:s1+s16], $0x80, s5, s16, $0xb8;
	[tilespmem:$0x1E400] =	vst v63  }
0x8d: {  	s7 =	simm.s32 $0x140  }
0x8e: {  	[tilespmem:s18], [sflag:$0x2] =	stream.indirect.gather [hbm4b:s1+s16], $0x80, s7, s16, $0xb8;
	[tilespmem:$0x1E400] =	vst v63  }
0x8f: {  	_ =	swait.ge [sflag:s26], $0x2000  }
0x90: {  	[sflag:s26] =	ssyncset.done $0x0  }
0x91: {  	[sflag:s26] =	ssyncadd.s32 $0xFFFFE000  }
0x92: {  	_ =	swait.ge [sflag:s28], $0x2000  }
0x93: {  	[sflag:s28] =	ssyncset.done $0x0  }
0x94: {  	s5 =	simm.s32 $0x1480;
	[sflag:s28] =	ssyncadd.s32 $0xFFFFE000  }
0x95: {  	[spmem:s2] =	stream.indirect.scatter.add.f32 [tilespmem:s20], [sflag:$0x6], $0x80, s5, s19, $0xb8;
	[tilespmem:$0x1E400] =	vst v63  }
0x96: {  	_ =	swait.ge [sflag:s29], $0x4000  }
0x97: {  	s3 =	simm.s32 $0x400;
	[sflag:s29] =	ssyncset.done $0x0  }
0x98: {  	s7 =	simm.s32 $0x180;
	s5 =	simm.s32 $0x1C0;
	[sflag:s29] =	ssyncadd.s32 $0xFFFFC000  }
0x99: {  	[tilespmem:s20], [sflag:$0x3] =	stream.indirect.gather [hbm4b:s1+s16], $0x80, s7, s16, $0xb8;
	[tilespmem:$0x1E400] =	vst v63  }
.LBB2_4:
0x9a: {  	[tilespmem:s22], [sflag:$0x4] =	stream.indirect.gather [hbm4b:s1+s16], $0x80, s5, s16, $0xb8;
	[tilespmem:$0x1E400] =	vst v63  }
0x9b: {  	s5 =	smov.u32 s3  }
0x9c: {  	p0 =	sne.s32 s3, $0x4800;
	s3 =	sadd.s32 $0x400, s3;
	_ =	swait.ge [sflag:s23], $0x2000  }
0x9d: {  	[sflag:s23] =	ssyncset.done $0x0  }
0x9e: {  	[sflag:s23] =	ssyncadd.s32 $0xFFFFE000  }
0x9f: {  	_ =	swait.ge [sflag:s24], $0x2000  }
0xa0: {  	s5 =	sshra.s32 s5, $0x2;
	[sflag:s24] =	ssyncset.done $0x0  }
0xa1: {  	s7 =	sadd.s32 $0x1400, s5;
	[sflag:s24] =	ssyncadd.s32 $0xFFFFE000  }
0xa2: {  	[spmem:s2] =	stream.indirect.scatter.add.f32 [tilespmem:s17], [sflag:$0x5], $0x80, s7, s19, $0xb8;
	[tilespmem:$0x1E400] =	vst v63  }
0xa3: {  	_ =	swait.ge [sflag:s25], $0x4000  }
0xa4: {  	[sflag:s25] =	ssyncset.done $0x0  }
0xa5: {  	s7 =	sadd.s32 $0x100, s5;
	[sflag:s25] =	ssyncadd.s32 $0xFFFFC000  }
0xa6: {  	[tilespmem:s17], [sflag:$0x1] =	stream.indirect.gather [hbm4b:s1+s16], $0x80, s7, s16, $0xb8;
	[tilespmem:$0x1E400] =	vst v63  }
0xa7: {  	s7 =	sadd.s32 $0x140, s5  }
0xa8: {  	[tilespmem:s18], [sflag:$0x2] =	stream.indirect.gather [hbm4b:s1+s16], $0x80, s7, s16, $0xb8;
	[tilespmem:$0x1E400] =	vst v63  }
0xa9: {  	_ =	swait.ge [sflag:s26], $0x2000  }
0xaa: {  	[sflag:s26] =	ssyncset.done $0x0  }
0xab: {  	[sflag:s26] =	ssyncadd.s32 $0xFFFFE000  }
0xac: {  	_ =	swait.ge [sflag:s28], $0x2000  }
0xad: {  	[sflag:s28] =	ssyncset.done $0x0  }
0xae: {  	s7 =	sadd.s32 $0x1480, s5;
	[sflag:s28] =	ssyncadd.s32 $0xFFFFE000  }
0xaf: {  	[spmem:s2] =	stream.indirect.scatter.add.f32 [tilespmem:s20], [sflag:$0x6], $0x80, s7, s19, $0xb8;
	[tilespmem:$0x1E400] =	vst v63  }
.Ltmp1:
0xb0: {  	_ =	swait.ge [sflag:s29], $0x4000;
	(pc) =	sbr.rel @p0 .LBB2_4-.Ltmp1, $4  }
0xb1: {  	[sflag:s29] =	ssyncset.done $0x0  }
0xb2: {  	s7 =	sadd.s32 $0x180, s5;
	[sflag:s29] =	ssyncadd.s32 $0xFFFFC000  }
0xb3: {  	[tilespmem:s20], [sflag:$0x3] =	stream.indirect.gather [hbm4b:s1+s16], $0x80, s7, s16, $0xb8;
	[tilespmem:$0x1E400] =	vst v63  }
0xb4: {  	s5 =	sadd.s32 $0x1C0, s5  }
0xb5: {  	[tilespmem:s22], [sflag:$0x4] =	stream.indirect.gather [hbm4b:s1+s16], $0x80, s5, s16, $0xb8;
	[tilespmem:$0x1E400] =	vst v63  }
0xb6: {  	_ =	swait.ge [sflag:s23], $0x2000  }
0xb7: {  	[sflag:s23] =	ssyncset.done $0x0  }
0xb8: {  	[sflag:s23] =	ssyncadd.s32 $0xFFFFE000  }
0xb9: {  	_ =	swait.ge [sflag:s24], $0x2000  }
0xba: {  	[sflag:s24] =	ssyncset.done $0x0  }
0xbb: {  	[sflag:s24] =	ssyncadd.s32 $0xFFFFE000  }
0xbc: {  	[spmem:s2] =	stream.indirect.scatter.add.f32 [tilespmem:s17], [sflag:$0x5], $0x80, s30, s19, $0xb8;
	[tilespmem:$0x1E400] =	vst v63  }
0xbd: {  	_ =	swait.ge [sflag:s26], $0x2000  }
0xbe: {  	[sflag:s26] =	ssyncset.done $0x0  }
0xbf: {  	[sflag:s26] =	ssyncadd.s32 $0xFFFFE000  }
0xc0: {  	_ =	swait.ge [sflag:s28], $0x2000  }
0xc1: {  	[sflag:s28] =	ssyncset.done $0x0  }
0xc2: {  	[sflag:s28] =	ssyncadd.s32 $0xFFFFE000  }
0xc3: {  	[spmem:s2] =	stream.indirect.scatter.add.f32 [tilespmem:s20], [sflag:$0x6], $0x80, s31, s19, $0xb8;
	[tilespmem:$0x1E400] =	vst v63  }
0xc4: {  	_ =	swait.ge [sflag:s25], $0x4000  }
0xc5: {  	[sflag:s25] =	ssyncset.done $0x0  }
0xc6: {  	[sflag:s25] =	ssyncadd.s32 $0xFFFFC000  }
0xc7: {  	_ =	swait.ge [sflag:s29], $0x4000  }
0xc8: {  	s0 =	sadd.s32 $0x1, s0;
	[sflag:s29] =	ssyncset.done $0x0  }
0xc9: {  	p0 =	sne.s32 s0, s12;
	[sflag:s29] =	ssyncadd.s32 $0xFFFFC000  }
.Ltmp2:
0xca: {  	[bflag:$0x0] =	sbarrier.arrive $0xFFFF;
	(pc) =	sbr.rel @p0 .LBB2_1-.Ltmp2, $4  }
0xcb: {  	[hbm:s11], [sflag:s6] =	dma.local [spmem:s13], $0x2780  }
0xcc: {  	_ =	swait.ge [sflag:s14], $0x2780  }
0xcd: {  	[sflag:s14] =	ssyncset.done $0x0  }
0xce: {  	[sflag:s14] =	ssyncadd.s32 $0xFFFFD880  }
0xcf: {  	_ =	sfence.sel $0x180000  }
0xd0: {  	[bflag:$0x0] =	sbarrier.arrive $0xFFFF  }
0xd1: {  	_ =	strace $0x9000004D  }
0xd2: {  	s0 =	stileid.u32;
	[bflag:$0x2] =	sbarrier.arrive $0xFFFF  }
0xd3: {  	p0 =	sne.s32 s0, $0x0;
	s0 =	rddreg [dreg:$0x3]  }
0xd4: {  	s0 =	sadd.s32 @!p0 $0x100000, s0  }
0xd5: {  	[sflag:s0] =	ssyncadd.tile.s32 @!p0 $0x1;
	_ =	shalt  }
.Lfunc_end2:
_tile_overlayer_lowered:
.L_overlay_start_2:
0xd6: {  	(tag) =	ssettag $0x2  }
0xd7: {  	s0 =	rddreg [dreg:$0x0];
	s2 =	stileid.u32  }
0xd8: {  	s1 =	rddreg [dreg:$0x1];
	p0 =	sne.s32 s2, $0x0  }
0xd9: {  	s3 =	rddreg [dreg:$0x2];
	[bflag:$0x3] =	sbarrier.arrive $0xFFFF;
	s2 =	simm.s32 @!p0 $0x1C07  }
0xda: {  	[timem:s3], [sflag:s2] =	dma.local @!p0 [hbm:s0], s1  }
0xdb: {  	s0 =	simm.s32 @!p0 $0x7  }
0xdc: {  	_ =	swait.ge @!p0 [sflag:s0], s1  }
0xdd: {  	s1 =	ssub.s32 @!p0 $0x0, s1;
	[sflag:s0] =	ssyncset.done @!p0 $0x0  }
0xde: {  	[sflag:s0] =	ssyncadd.s32 @!p0 s1  }
0xdf: {  	[bflag:$0x3] =	sbarrier.arrive $0xFFFF  }
0xe0: {  	_ =	shalt  }

// kernel: kernel.8.cloned.1.call-start
scs
__scs_entry_jumppad:
0x0: {  	(pc) =	sbr.rel $0x88, $3  }
0x1: {  	(tag) =	ssettag $0x0;
	lr =	simm.s32 $0x1  }
0x2: {  	[smem:$0x3F9B] =	sst lr;
	_ =	strace $0xD0000000  }
0x3: {  	_ = 	snop  }
0x4: {  	_ = 	snop  }
0x5: {  	_ = 	snop  }
0x6: {  	_ = 	snop  }
0x7: {  	_ = 	snop  }
__scs_overlays_trampoline_lowered:
0x8: {  	[smem:$0x3FAA] =	sst s0  }
0x9: {  	[smem:$0x3FAB] =	sst s1  }
0xa: {  	[smem:$0x3FAC] =	sst s2  }
0xb: {  	[smem:$0x3FAD] =	sst s3  }
0xc: {  	[smem:$0x3FAE] =	sst s4  }
0xd: {  	[smem:$0x3FAF] =	sst s5  }
0xe: {  	[smem:$0x3FB0] =	sst s6  }
0xf: {  	[smem:$0x3FB1] =	sst s7  }
0x10: {  	[smem:$0x3FB2] =	sst s8  }
0x11: {  	[smem:$0x3FB3] =	sst s9;
	s0 =	simm.s32 @!p0 $0x0  }
0x12: {  	s1 =	sld [smem:$0x3F99];
	s0 =	simm.s32 @p0 $0x1  }
0x13: {  	[smem:$0x3FB4] =	sst s0;
	s0 =	simm.s32 @!p1 $0x0  }
0x14: {  	s2 =	sld [smem:$0x3F98];
	s0 =	simm.s32 @p1 $0x1  }
0x15: {  	[smem:$0x3FB5] =	sst s0;
	s0 =	simm.s32 @!p2 $0x0  }
0x16: {  	s3 =	sld [smem:$0x3FDB];
	s0 =	simm.s32 @p2 $0x1  }
0x17: {  	s4 =	simm.s32 $0x1BF5;
	[smem:$0x3FB7] =	sst s0  }
0x18: {  	s0 =	sld [smem:$0x3F9A];
	_ =	swait.ge [sflag:s4], $0x0  }
0x19: {  	s7 =	sld [smem:$0x3F9B]  }
0x1a: {  	s8 =	sadd.s32 $0xFFFFE003, lr  }
0x1b: {  	s9 =	sadd.s32 $0xFFFFFEF7, lr;
	s5 =	simm.s32 $0xFFFFFFFF;
	p2 =	slt.u32 s8, $0xFFFFF086  }
0x1c: {  	p1 =	slt.u32 s9, $0xF7A;
	s5 =	simm.s32 @!p2 $0x0  }
0x1d: {  	s5 =	simm.s32 @p1 $0x1;
	p0 =	seq.s32 s7, s2  }
0x1e: {  	s7 =	smul.u32 @!p0 $0xF7A, s2;
	p2 =	seq.s32 @!p0 s5, $0x0  }
0x1f: {  	s9 =	smul.u32 $0xF7A, s1;
	s8 =	simm.s32 @!p0 $0x1BF5;
	p2 =	por !p2, p0  }
0x20: {  	[sflag:s8] =	ssyncset.s32 @!p0 $0xFFFFF086;
	s6 =	sadd.s32 @!p0 s3, s7;
	s7 =	simm.s32 @!p0 $0x108  }
0x21: {  	s3 =	sadd.s32 s3, s9;
	s6 =	sadd.s32 @!p0 $0x88, s6;
	s7 =	simm.s32 @p2 $0x1082  }
0x22: {  	[simem:s7], [sflag:s8] =	dma.local @!p0 [hbm:s6], $0xF7A  }
0x23: {  	s9 =	sor.u32 $0xD0000000, s2;
	s6 =	simm.s32 $0x108;
	_ =	swait.ge @!p0 [sflag:s8], $0x0  }
0x24: {  	s3 =	sadd.s32 $0x88, s3;
	s6 =	simm.s32 @!p1 $0x1082;
	[sflag:s4] =	ssyncset.s32 $0xFFFFF086  }
0x25: {  	[simem:s6], [sflag:s4] =	dma.local [hbm:s3], $0xF7A  }
0x26: {  	[smem:$0x3F9B] =	sst s1;
	(tag) =	ssettag s2;
	_ =	strace s9  }
0x27: {  	s1 =	sld [smem:$0x3FAB]  }
0x28: {  	s2 =	sld [smem:$0x3FAC]  }
0x29: {  	s4 =	sld [smem:$0x3FAE]  }
0x2a: {  	p0 =	seq.s32 s5, $0x0;
	s5 =	sld [smem:$0x3FAF]  }
0x2b: {  	s6 =	sld [smem:$0x3FB0]  }
0x2c: {  	s7 =	sld [smem:$0x3FB1]  }
0x2d: {  	s3 =	simm.s32 $0x108;
	s8 =	sld [smem:$0x3FB2]  }
0x2e: {  	s3 =	simm.s32 @!p0 $0x1082;
	s9 =	sld [smem:$0x3FB3]  }
0x2f: {  	lr =	sadd.s32 s0, s3;
	s0 =	sld [smem:$0x3FAA]  }
0x30: {  	s3 =	sld [smem:$0x3FAD]  }
0x31: {  	[smem:$0x3FB6] =	sst s10  }
0x32: {  	s10 =	sld [smem:$0x3FB4];
	_ =	sdelay $0x3  }
0x33: {  	p0 =	seq.s32 s10, $0x1;
	s10 =	sld [smem:$0x3FB6];
	_ =	sdelay $0x3  }
0x34: {  	[smem:$0x3FB6] =	sst s10  }
0x35: {  	s10 =	sld [smem:$0x3FB5];
	_ =	sdelay $0x3  }
0x36: {  	p1 =	seq.s32 s10, $0x1;
	s10 =	sld [smem:$0x3FB6];
	_ =	sdelay $0x3  }
0x37: {  	[smem:$0x3FB6] =	sst s10  }
0x38: {  	s10 =	sld [smem:$0x3FB7]  }
0x39: {  	_ = 	snop;
	(pc) =	sbr.ind lr, $3  }
0x3a: {  	_ = 	snop  }
0x3b: {  	_ = 	snop  }
0x3c: {  	p2 =	seq.s32 s10, $0x1;
	s10 =	sld [smem:$0x3FB6]  }
0x3d: {  	_ =	shalt  }
0x3e: {  	_ =	shalt  }
0x3f: {  	_ =	shalt  }
0x40: {  	_ =	shalt  }
0x41: {  	_ =	shalt  }
0x42: {  	_ =	shalt  }
0x43: {  	_ =	shalt  }
0x44: {  	_ =	shalt  }
0x45: {  	_ =	shalt  }
0x46: {  	_ =	shalt  }
0x47: {  	_ =	shalt  }
0x48: {  	_ =	shalt  }
0x49: {  	_ =	shalt  }
0x4a: {  	_ =	shalt  }
0x4b: {  	_ =	shalt  }
0x4c: {  	_ =	shalt  }
0x4d: {  	_ =	shalt  }
0x4e: {  	_ =	shalt  }
0x4f: {  	_ =	shalt  }
0x50: {  	_ =	shalt  }
0x51: {  	_ =	shalt  }
0x52: {  	_ =	shalt  }
0x53: {  	_ =	shalt  }
0x54: {  	_ =	shalt  }
0x55: {  	_ =	shalt  }
0x56: {  	_ =	shalt  }
0x57: {  	_ =	shalt  }
0x58: {  	_ =	shalt  }
0x59: {  	_ =	shalt  }
0x5a: {  	_ =	shalt  }
0x5b: {  	_ =	shalt  }
0x5c: {  	_ =	shalt  }
0x5d: {  	_ =	shalt  }
0x5e: {  	_ =	shalt  }
0x5f: {  	_ =	shalt  }
0x60: {  	_ =	shalt  }
0x61: {  	_ =	shalt  }
0x62: {  	_ =	shalt  }
0x63: {  	_ =	shalt  }
0x64: {  	_ =	shalt  }
0x65: {  	_ =	shalt  }
0x66: {  	_ =	shalt  }
0x67: {  	_ =	shalt  }
0x68: {  	_ =	shalt  }
0x69: {  	_ =	shalt  }
0x6a: {  	_ =	shalt  }
0x6b: {  	_ =	shalt  }
0x6c: {  	_ =	shalt  }
0x6d: {  	_ =	shalt  }
0x6e: {  	_ =	shalt  }
0x6f: {  	_ =	shalt  }
0x70: {  	_ =	shalt  }
0x71: {  	_ =	shalt  }
0x72: {  	_ =	shalt  }
0x73: {  	_ =	shalt  }
0x74: {  	_ =	shalt  }
0x75: {  	_ =	shalt  }
0x76: {  	_ =	shalt  }
0x77: {  	_ =	shalt  }
0x78: {  	_ =	shalt  }
0x79: {  	_ =	shalt  }
0x7a: {  	_ =	shalt  }
0x7b: {  	_ =	shalt  }
0x7c: {  	_ =	shalt  }
0x7d: {  	_ =	shalt  }
0x7e: {  	_ =	shalt  }
0x7f: {  	_ =	shalt  }
0x80: {  	_ =	shalt  }
0x81: {  	_ =	shalt  }
0x82: {  	_ =	shalt  }
0x83: {  	_ =	shalt  }
0x84: {  	_ =	shalt  }
0x85: {  	_ =	shalt  }
0x86: {  	_ =	shalt  }
0x87: {  	_ =	shalt  }
.Lfunc_end0:
.L_simem_size_0:
called_computation_lowered:
.L_overlay_start_0:
0x88: {  	s2 =	sld [smem:$0x3FD9]  }
0x89: {  	s3 =	sld [smem:$0x3FFE];
	_ =	sdelay $0x1  }
0x8a: {  	s1 =	srdreg.scid  }
0x8b: {  	s0 =	sand.u32 $0x1, s1  }
0x8c: {  	s17 =	sshll.u32 s0, $0xA;
	s2 =	sadd.s32 s3, s2  }
0x8d: {  	s2 =	sadd.s32 s2, s17  }
0x8e: {  	[smem:$0x3FC2] =	sst s2  }
0x8f: {  	_ = 	snop  }
0x90: {  	s2 =	sld [smem:$0x3FD0];
	(tm) =	ssettm $0x1  }
0x91: {  	s18 =	sld [smem:$0x3FFB];
	_ =	sdelay $0x3  }
0x92: {  	_ =	strace s18  }
0x93: {  	s3 =	sld [smem:$0x3FFC];
	_ =	sdelay $0x3  }
0x94: {  	_ =	strace s3  }
0x95: {  	s3 =	sld [smem:$0x3FFD];
	_ =	sdelay $0x3  }
0x96: {  	_ =	strace s3  }
0x97: {  	_ =	strace $0x8FFFFFFF  }
0x98: {  	s19 =	sld [smem:$0x3FDB];
	_ =	sdelay $0x1  }
0x99: {  	s4 =	simm.s32 $_scs_section_size  }
0x9a: {  	s5 =	simm.s32 $_size__tile_overlayer_lowered;
	s6 =	simm.s32 $_tile_overlayer_lowered  }
0x9b: {  	s22 =	simm.s32 $0x1BFF;
	s21 =	sshll.u32 s6, $0x1;
	s3 =	sadd.s32 s4, s19  }
0x9c: {  	s7 =	simm.s32 $0x0;
	s20 =	sshll.u32 s5, $0x1;
	s5 =	sadd.s32 s21, s3  }
0x9d: {  	[timem:s7], [sflag:s22] =	dma.local [hbm:s5], s20  }
0x9e: {  	_ =	swait.ge [sflag:s22], s20  }
0x9f: {  	s4 =	ssub.s32 $0x0, s20;
	[sflag:s22] =	ssyncset.done $0x0  }
0xa0: {  	[sflag:s22] =	ssyncadd.s32 s4;
	_ =	sdelay $0x1  }
0xa1: {  	s23 =	simm.s32 $0x1B8B  }
0xa2: {  	_ =	swait.ge [sflag:s23], $0x1  }
0xa3: {  	[sflag:s23] =	ssyncset.done $0x0  }
0xa4: {  	s25 =	simm.s32 $0x1B8E;
	s24 =	sld [smem:$0x3FFE];
	[sflag:s23] =	ssyncadd.s32 $0xFFFFFFFF  }
0xa5: {  	s26 =	simm.s32 $execute0_lowered;
	[smem:$0x3FD2] =	sst s25  }
0xa6: {  	s5 =	sshll.u32 s26, $0x1;
	_ =	strace $0x80000046;
	[dreg:$0x1] =	wrdreg $0xFFFFFFFF  }
0xa7: {  	s28 =	simm.s32 $_size_execute0_lowered;
	s3 =	sadd.s32 s3, s5;
	[dreg:$0x0] =	wrdreg $0x0  }
0xa8: {  	s5 =	sshll.u32 s28, $0x1;
	[dreg:$0x2] =	wrdreg s3  }
0xa9: {  	[dreg:$0x3] =	wrdreg s5  }
0xaa: {  	[dreg:$0x4] =	wrdreg $0xC0  }
0xab: {  	_ =	task [dreg:s7], $0x5FFFF  }
0xac: {  	[dreg:$0x1] =	wrdreg $0xFFFFFFFF  }
0xad: {  	[dreg:$0x0] =	wrdreg $0x60  }
0xae: {  	[dreg:$0x2] =	wrdreg s24  }
0xaf: {  	[dreg:$0x3] =	wrdreg s2  }
0xb0: {  	[dreg:$0x4] =	wrdreg $0x68000  }
0xb1: {  	[dreg:$0x5] =	wrdreg $0x9  }
0xb2: {  	_ =	task.clear_ibuf [dreg:s7], $0x6FFFF;
	_ =	strace $0x90000046  }
0xb3: {  	s29 =	simm.s32 $0x9;
	_ =	strace $0x80000048  }
0xb4: {  	_ =	swait.ge [sflag:s29], $0x1  }
0xb5: {  	[sflag:s29] =	ssyncadd.s32 $0xFFFFFFFF  }
0xb6: {  	_ =	strace $0x90000048  }
0xb7: {  	_ =	sfence  }
0xb8: {  	s30 =	sld [smem:$0x0];
	_ =	sdelay $0x2  }
0xb9: {  	s31 =	sshll.u32 s1, $0xD;
	s1 =	sshrl.u32 s1, $0x2  }
0xba: {  	s3 =	sand.u32 $0x4000, s31;
	s1 =	sadd.s32 s1, s30  }
0xbb: {  	s0 =	sor.u32 s3, s0;
	s1 =	sshll.u32 s1, $0x11  }
0xbc: {  	s0 =	sor.u32 s1, s0  }
0xbd: {  	s0 =	sadd.s32 $0x8F2B, s0  }
0xbe: {  	[sflag:s0] =	ssyncadd.remote.s32 $0x1  }
0xbf: {  	_ =	sfence.sel $0xFFFF  }
0xc0: {  	[dreg:$0x0] =	wrdreg $0xFFFFFFFF;
	(pc) =	sbr.abs _section_cstart, $3  }
0xc1: {  	[dreg:$0x1] =	wrdreg $0xFFFFFFFF  }
0xc2: {  	_ =	task.clear_ibuf [dreg:s7], $0x2FFFF;
	_ =	strace $0x9FFFFFFF  }
0xc3: {  	(tm) =	ssettm $0x7FFFFFFF  }
tec
execute0_lowered:
.L_overlay_start_1:
0x0: {  	(tag) =	ssettag $0x1  }
0x1: {  	s6 =	rddreg [dreg:$0x0]  }
0x2: {  	s2 =	rddreg [dreg:$0x1]  }
0x3: {  	s0 =	srdreg.scid;
	s3 =	rddreg [dreg:$0x2]  }
0x4: {  	s4 =	simm.s32 $0x0;
	s12 =	simm.s32 $0x2800;
	s13 =	simm.s32 $0x80  }
0x5: {  	s14 =	simm.s32 $0x100;
	s15 =	simm.s32 $0x180;
	s16 =	simm.s32 $0x200  }
0x6: {  	s17 =	simm.s32 $0x280;
	s18 =	simm.s32 $0x300;
	s19 =	simm.s32 $0x380  }
0x7: {  	s20 =	simm.s32 $0x1;
	s21 =	simm.s32 $0x2;
	s22 =	simm.s32 $0x3  }
0x8: {  	s23 =	simm.s32 $0x4;
	s24 =	simm.s32 $0x5;
	s28 =	simm.s32 $0x8  }
0x9: {  	s29 =	simm.s32 $0x0;
	s5 =	sand.u32 $0x1, s0;
	s0 =	stileid.u32  }
0xa: {  	[smem:$0x7FF] =	sst s4;
	s1 =	sshll.u32 s5, $0x4;
	s8 =	smul.u32 $0x13C000, s5  }
0xb: {  	s9 =	smul.u32 $0x13C00, s0;
	_ =	strace $0x80000047;
	s25 =	ssub.s32 $0x2, s5  }
0xc: {  	s10 =	smul.u32 $0x4F000, s0;
	s5 =	sadd.s32 $0x16800, s6;
	s1 =	sor.u32 s0, s1  }
0xd: {  	s31 =	sshll.u32 s0, $0x6;
	s26 =	sshrl.u32 s25, $0x1;
	s7 =	smul.u32 $0x500, s1  }
0xe: {  	s8 =	sadd.s32 s9, s8;
	s9 =	ssub.s32 s25, s26;
	s30 =	sshrl.u32 s10, $0x2  }
0xf: {  	s25 =	simm.s32 $0x6;
	s26 =	simm.s32 $0x7;
	s8 =	sshrl.u32 s8, $0x3  }
0x10: {  	s11 =	sadd.s32 s30, s3;
	s9 =	smax.u32 s9, $0x1;
	s7 =	sadd.s32 s7, s6  }
0x11: {  	s8 =	sadd.s32 s8, s6;
	s6 =	sor.u32 $0x1C09, s31;
	s10 =	sshrl.u32 s11, $0x3  }
0x12: {  	s11 =	simm.s32 $0x9;
	s7 =	sadd.s32 $0x2800, s7;
	s8 =	sadd.s32 $0x19000, s8  }
.LBB2_1:
0x13: {  	[spmem:s10], [sflag:s6] =	dma.local [hbm:s5], $0x2780  }
0x14: {  	_ =	swait.ge [sflag:s11], $0x2780  }
0x15: {  	[sflag:s11] =	ssyncset.done $0x0  }
0x16: {  	[sflag:s11] =	ssyncadd.s32 $0xFFFFD880  }
0x17: {  	[tilespmem:s12], [sflag:$0x9] =	stream.linear.gather [hbm4b:s2+s4], $0x4000, $0x38;
	[tilespmem:$0x1A400] =	vst v63  }
0x18: {  	_ =	swait.ge [sflag:s11], $0x4000  }
0x19: {  	[sflag:s11] =	ssyncset.done $0x0  }
0x1a: {  	[sflag:s11] =	ssyncadd.s32 $0xFFFFC000  }
0x1b: {  	[tilespmem:s4], [sflag:$0x9] =	stream.linear.gather [hbm4b:s7+s4], $0x2800, $0x38;
	[tilespmem:$0x1A400] =	vst v63  }
0x1c: {  	_ =	swait.ge [sflag:s11], $0x2800  }
0x1d: {  	[sflag:s11] =	ssyncset.done $0x0  }
0x1e: {  	[sflag:s11] =	ssyncadd.s32 $0xFFFFD800  }
0x1f: {  	[bflag:$0x0] =	sbarrier.arrive $0xFFFF  }
0x20: {  	[spmem:s3] =	stream.indirect.scatter.add.f32 [tilespmem:s12], [sflag:$0x1], $0x80, s4, s13, $0xb8;
	[tilespmem:$0x1A400] =	vst v63  }
0x21: {  	_ = 	snop  }
0x22: {  	[spmem:s3] =	stream.indirect.scatter.add.f32 [tilespmem:s12], [sflag:$0x2], $0x80, s13, s13, $0xb8;
	[tilespmem:$0x1A400] =	vst v63  }
0x23: {  	_ = 	snop  }
0x24: {  	[spmem:s3] =	stream.indirect.scatter.add.f32 [tilespmem:s12], [sflag:$0x3], $0x80, s14, s13, $0xb8;
	[tilespmem:$0x1A400] =	vst v63  }
0x25: {  	_ = 	snop  }
0x26: {  	[spmem:s3] =	stream.indirect.scatter.add.f32 [tilespmem:s12], [sflag:$0x4], $0x80, s15, s13, $0xb8;
	[tilespmem:$0x1A400] =	vst v63  }
0x27: {  	_ = 	snop  }
0x28: {  	[spmem:s3] =	stream.indirect.scatter.add.f32 [tilespmem:s12], [sflag:$0x5], $0x80, s16, s13, $0xb8;
	[tilespmem:$0x1A400] =	vst v63  }
0x29: {  	_ = 	snop  }
0x2a: {  	[spmem:s3] =	stream.indirect.scatter.add.f32 [tilespmem:s12], [sflag:$0x6], $0x80, s17, s13, $0xb8;
	[tilespmem:$0x1A400] =	vst v63  }
0x2b: {  	_ = 	snop  }
0x2c: {  	[spmem:s3] =	stream.indirect.scatter.add.f32 [tilespmem:s12], [sflag:$0x7], $0x80, s18, s13, $0xb8;
	[tilespmem:$0x1A400] =	vst v63  }
0x2d: {  	_ = 	snop  }
0x2e: {  	[spmem:s3] =	stream.indirect.scatter.add.f32 [tilespmem:s12], [sflag:$0x8], $0x80, s19, s13, $0xb8;
	[tilespmem:$0x1A400] =	vst v63  }
0x2f: {  	_ =	swait.ge [sflag:s20], $0x4000  }
0x30: {  	[sflag:s20] =	ssyncset.done $0x0  }
0x31: {  	s30 =	simm.s32 $0x400;
	[sflag:s20] =	ssyncadd.s32 $0xFFFFC000  }
0x32: {  	[spmem:s3] =	stream.indirect.scatter.add.f32 [tilespmem:s12], [sflag:$0x1], $0x80, s30, s13, $0xb8;
	[tilespmem:$0x1A400] =	vst v63  }
0x33: {  	_ =	swait.ge [sflag:s21], $0x4000  }
0x34: {  	[sflag:s21] =	ssyncset.done $0x0  }
0x35: {  	s30 =	simm.s32 $0x480;
	[sflag:s21] =	ssyncadd.s32 $0xFFFFC000  }
0x36: {  	[spmem:s3] =	stream.indirect.scatter.add.f32 [tilespmem:s12], [sflag:$0x2], $0x80, s30, s13, $0xb8;
	[tilespmem:$0x1A400] =	vst v63  }
0x37: {  	_ =	swait.ge [sflag:s22], $0x4000  }
0x38: {  	[sflag:s22] =	ssyncset.done $0x0  }
0x39: {  	s30 =	simm.s32 $0x500;
	[sflag:s22] =	ssyncadd.s32 $0xFFFFC000  }
0x3a: {  	[spmem:s3] =	stream.indirect.scatter.add.f32 [tilespmem:s12], [sflag:$0x3], $0x80, s30, s13, $0xb8;
	[tilespmem:$0x1A400] =	vst v63  }
0x3b: {  	_ =	swait.ge [sflag:s23], $0x4000  }
0x3c: {  	[sflag:s23] =	ssyncset.done $0x0  }
0x3d: {  	s30 =	simm.s32 $0x580;
	[sflag:s23] =	ssyncadd.s32 $0xFFFFC000  }
0x3e: {  	[spmem:s3] =	stream.indirect.scatter.add.f32 [tilespmem:s12], [sflag:$0x4], $0x80, s30, s13, $0xb8;
	[tilespmem:$0x1A400] =	vst v63  }
0x3f: {  	_ =	swait.ge [sflag:s24], $0x4000  }
0x40: {  	[sflag:s24] =	ssyncset.done $0x0  }
0x41: {  	s30 =	simm.s32 $0x600;
	[sflag:s24] =	ssyncadd.s32 $0xFFFFC000  }
0x42: {  	[spmem:s3] =	stream.indirect.scatter.add.f32 [tilespmem:s12], [sflag:$0x5], $0x80, s30, s13, $0xb8;
	[tilespmem:$0x1A400] =	vst v63  }
0x43: {  	_ =	swait.ge [sflag:s25], $0x4000  }
0x44: {  	[sflag:s25] =	ssyncset.done $0x0  }
0x45: {  	s30 =	simm.s32 $0x680;
	[sflag:s25] =	ssyncadd.s32 $0xFFFFC000  }
0x46: {  	[spmem:s3] =	stream.indirect.scatter.add.f32 [tilespmem:s12], [sflag:$0x6], $0x80, s30, s13, $0xb8;
	[tilespmem:$0x1A400] =	vst v63  }
0x47: {  	_ =	swait.ge [sflag:s26], $0x4000  }
0x48: {  	[sflag:s26] =	ssyncset.done $0x0  }
0x49: {  	s30 =	simm.s32 $0x700;
	[sflag:s26] =	ssyncadd.s32 $0xFFFFC000  }
0x4a: {  	[spmem:s3] =	stream.indirect.scatter.add.f32 [tilespmem:s12], [sflag:$0x7], $0x80, s30, s13, $0xb8;
	[tilespmem:$0x1A400] =	vst v63  }
0x4b: {  	_ =	swait.ge [sflag:s28], $0x4000  }
0x4c: {  	[sflag:s28] =	ssyncset.done $0x0  }
0x4d: {  	s31 =	simm.s32 $0x780;
	s30 =	simm.s32 $0x1000;
	[sflag:s28] =	ssyncadd.s32 $0xFFFFC000  }
.LBB2_2:
0x4e: {  	[spmem:s3] =	stream.indirect.scatter.add.f32 [tilespmem:s12], [sflag:$0x8], $0x80, s31, s13, $0xb8;
	[tilespmem:$0x1A400] =	vst v63  }
0x4f: {  	s31 =	smov.u32 s30  }
0x50: {  	p0 =	sne.s32 s30, $0x8000;
	s30 =	sadd.s32 $0x1000, s30;
	_ =	swait.ge [sflag:s20], $0x4000  }
0x51: {  	s31 =	sshra.s32 s31, $0x2;
	[sflag:s20] =	ssyncset.done $0x0  }
0x52: {  	s1 =	sadd.s32 $0x400, s31;
	[sflag:s20] =	ssyncadd.s32 $0xFFFFC000  }
0x53: {  	[spmem:s3] =	stream.indirect.scatter.add.f32 [tilespmem:s12], [sflag:$0x1], $0x80, s1, s13, $0xb8;
	[tilespmem:$0x1A400] =	vst v63  }
0x54: {  	_ =	swait.ge [sflag:s21], $0x4000  }
0x55: {  	[sflag:s21] =	ssyncset.done $0x0  }
0x56: {  	s1 =	sadd.s32 $0x480, s31;
	[sflag:s21] =	ssyncadd.s32 $0xFFFFC000  }
0x57: {  	[spmem:s3] =	stream.indirect.scatter.add.f32 [tilespmem:s12], [sflag:$0x2], $0x80, s1, s13, $0xb8;
	[tilespmem:$0x1A400] =	vst v63  }
0x58: {  	_ =	swait.ge [sflag:s22], $0x4000  }
0x59: {  	[sflag:s22] =	ssyncset.done $0x0  }
0x5a: {  	s1 =	sadd.s32 $0x500, s31;
	[sflag:s22] =	ssyncadd.s32 $0xFFFFC000  }
0x5b: {  	[spmem:s3] =	stream.indirect.scatter.add.f32 [tilespmem:s12], [sflag:$0x3], $0x80, s1, s13, $0xb8;
	[tilespmem:$0x1A400] =	vst v63  }
0x5c: {  	_ =	swait.ge [sflag:s23], $0x4000  }
0x5d: {  	[sflag:s23] =	ssyncset.done $0x0  }
0x5e: {  	s1 =	sadd.s32 $0x580, s31;
	[sflag:s23] =	ssyncadd.s32 $0xFFFFC000  }
0x5f: {  	[spmem:s3] =	stream.indirect.scatter.add.f32 [tilespmem:s12], [sflag:$0x4], $0x80, s1, s13, $0xb8;
	[tilespmem:$0x1A400] =	vst v63  }
0x60: {  	_ =	swait.ge [sflag:s24], $0x4000  }
0x61: {  	[sflag:s24] =	ssyncset.done $0x0  }
0x62: {  	s1 =	sadd.s32 $0x600, s31;
	[sflag:s24] =	ssyncadd.s32 $0xFFFFC000  }
0x63: {  	[spmem:s3] =	stream.indirect.scatter.add.f32 [tilespmem:s12], [sflag:$0x5], $0x80, s1, s13, $0xb8;
	[tilespmem:$0x1A400] =	vst v63  }
0x64: {  	_ =	swait.ge [sflag:s25], $0x4000  }
0x65: {  	[sflag:s25] =	ssyncset.done $0x0  }
0x66: {  	s1 =	sadd.s32 $0x680, s31;
	[sflag:s25] =	ssyncadd.s32 $0xFFFFC000  }
0x67: {  	[spmem:s3] =	stream.indirect.scatter.add.f32 [tilespmem:s12], [sflag:$0x6], $0x80, s1, s13, $0xb8;
	[tilespmem:$0x1A400] =	vst v63  }
0x68: {  	_ =	swait.ge [sflag:s26], $0x4000  }
0x69: {  	[sflag:s26] =	ssyncset.done $0x0  }
.Ltmp0:
0x6a: {  	s1 =	sadd.s32 $0x700, s31;
	[sflag:s26] =	ssyncadd.s32 $0xFFFFC000;
	(pc) =	sbr.rel @p0 .LBB2_2-.Ltmp0, $4  }
0x6b: {  	[spmem:s3] =	stream.indirect.scatter.add.f32 [tilespmem:s12], [sflag:$0x7], $0x80, s1, s13, $0xb8;
	[tilespmem:$0x1A400] =	vst v63  }
0x6c: {  	_ =	swait.ge [sflag:s28], $0x4000  }
0x6d: {  	[sflag:s28] =	ssyncset.done $0x0  }
0x6e: {  	s31 =	sadd.s32 $0x780, s31;
	[sflag:s28] =	ssyncadd.s32 $0xFFFFC000  }
0x6f: {  	[spmem:s3] =	stream.indirect.scatter.add.f32 [tilespmem:s12], [sflag:$0x8], $0x80, s31, s13, $0xb8;
	[tilespmem:$0x1A400] =	vst v63  }
0x70: {  	_ =	swait.ge [sflag:s20], $0x4000  }
0x71: {  	[sflag:s20] =	ssyncset.done $0x0  }
0x72: {  	[sflag:s20] =	ssyncadd.s32 $0xFFFFC000  }
0x73: {  	_ =	swait.ge [sflag:s21], $0x4000  }
0x74: {  	[sflag:s21] =	ssyncset.done $0x0  }
0x75: {  	[sflag:s21] =	ssyncadd.s32 $0xFFFFC000  }
0x76: {  	_ =	swait.ge [sflag:s22], $0x4000  }
0x77: {  	[sflag:s22] =	ssyncset.done $0x0  }
0x78: {  	[sflag:s22] =	ssyncadd.s32 $0xFFFFC000  }
0x79: {  	_ =	swait.ge [sflag:s23], $0x4000  }
0x7a: {  	[sflag:s23] =	ssyncset.done $0x0  }
0x7b: {  	[sflag:s23] =	ssyncadd.s32 $0xFFFFC000  }
0x7c: {  	_ =	swait.ge [sflag:s24], $0x4000  }
0x7d: {  	[sflag:s24] =	ssyncset.done $0x0  }
0x7e: {  	[sflag:s24] =	ssyncadd.s32 $0xFFFFC000  }
0x7f: {  	_ =	swait.ge [sflag:s25], $0x4000  }
0x80: {  	[sflag:s25] =	ssyncset.done $0x0  }
0x81: {  	[sflag:s25] =	ssyncadd.s32 $0xFFFFC000  }
0x82: {  	_ =	swait.ge [sflag:s26], $0x4000  }
0x83: {  	[sflag:s26] =	ssyncset.done $0x0  }
0x84: {  	[sflag:s26] =	ssyncadd.s32 $0xFFFFC000  }
0x85: {  	_ =	swait.ge [sflag:s28], $0x4000  }
0x86: {  	s29 =	sadd.s32 $0x1, s29;
	[sflag:s28] =	ssyncset.done $0x0  }
0x87: {  	p0 =	sne.s32 s29, s9;
	[sflag:s28] =	ssyncadd.s32 $0xFFFFC000  }
.Ltmp1:
0x88: {  	[bflag:$0x0] =	sbarrier.arrive $0xFFFF;
	(pc) =	sbr.rel @p0 .LBB2_1-.Ltmp1, $4  }
0x89: {  	[hbm:s8], [sflag:s6] =	dma.local [spmem:s10], $0x2780  }
0x8a: {  	_ =	swait.ge [sflag:s11], $0x2780  }
0x8b: {  	[sflag:s11] =	ssyncset.done $0x0  }
0x8c: {  	[sflag:s11] =	ssyncadd.s32 $0xFFFFD880  }
0x8d: {  	_ =	sfence.sel $0x180000  }
0x8e: {  	[bflag:$0x0] =	sbarrier.arrive $0xFFFF  }
0x8f: {  	_ =	strace $0x90000047  }
0x90: {  	[bflag:$0x2] =	sbarrier.arrive $0xFFFF  }
0x91: {  	p0 =	sne.s32 s0, $0x0;
	s0 =	rddreg [dreg:$0x3]  }
0x92: {  	s0 =	sadd.s32 @!p0 $0x100000, s0  }
0x93: {  	[sflag:s0] =	ssyncadd.tile.s32 @!p0 $0x1;
	_ =	shalt  }
.Lfunc_end2:
_tile_overlayer_lowered:
.L_overlay_start_2:
0x94: {  	(tag) =	ssettag $0x2  }
0x95: {  	s0 =	rddreg [dreg:$0x0];
	s2 =	stileid.u32  }
0x96: {  	s1 =	rddreg [dreg:$0x1];
	p0 =	sne.s32 s2, $0x0  }
0x97: {  	s3 =	rddreg [dreg:$0x2];
	[bflag:$0x3] =	sbarrier.arrive $0xFFFF;
	s2 =	simm.s32 @!p0 $0x1C09  }
0x98: {  	[timem:s3], [sflag:s2] =	dma.local @!p0 [hbm:s0], s1  }
0x99: {  	s0 =	simm.s32 @!p0 $0x9  }
0x9a: {  	_ =	swait.ge @!p0 [sflag:s0], s1  }
0x9b: {  	s1 =	ssub.s32 @!p0 $0x0, s1;
	[sflag:s0] =	ssyncset.done @!p0 $0x0  }
0x9c: {  	[sflag:s0] =	ssyncadd.s32 @!p0 s1  }
0x9d: {  	[bflag:$0x3] =	sbarrier.arrive $0xFFFF  }
0x9e: {  	_ =	shalt  }

</sc_bundles>
